<compile_context>
chip_gen: v7x
topology: tpu7x:2x2x1
jax: 0.10.2.dev20260603
libtpu: 0.0.44.dev20260713+nightly
codegen_flags: <defaults>
</compile_context>

<pallas_src>
import functools

import numpy as np
import jax
import jax.numpy as jnp
from jax import lax
from jax.experimental import pallas as pl
from jax.experimental.pallas import tpu as pltpu
from jax.experimental.pallas import tpu_sc as plsc

_SMOOTH = 0.001
_KAPPA = float(np.sqrt(3.0) / 8.0)

_NW = 32
_ROWS_PER_W = 8
_NR = 10
_W = 288
_NT = 17
_NEG = -1.0e30


def _edge_sum(buf, p, rr, off0):
    a00 = buf[p, rr, pl.ds(off0, 16)]
    a01 = buf[p, rr, pl.ds(off0 + 1, 16)]
    a10 = buf[p, rr + 1, pl.ds(off0, 16)]
    a11 = buf[p, rr + 1, pl.ds(off0 + 1, 16)]
    b00 = buf[p + 1, rr, pl.ds(off0, 16)]
    b01 = buf[p + 1, rr, pl.ds(off0 + 1, 16)]
    b10 = buf[p + 1, rr + 1, pl.ds(off0, 16)]
    b11 = buf[p + 1, rr + 1, pl.ds(off0 + 1, 16)]
    return (
        jnp.abs(a00 - a01) + jnp.abs(a10 - a11)
        + jnp.abs(b00 - b01) + jnp.abs(b10 - b11)
        + jnp.abs(a00 - a10) + jnp.abs(a01 - a11)
        + jnp.abs(b00 - b10) + jnp.abs(b01 - b11)
        + jnp.abs(a00 - b00) + jnp.abs(a01 - b01)
        + jnp.abs(a10 - b10) + jnp.abs(a11 - b11)
    )


def _sc_body(pred_hbm, lab_hbm, out_hbm, sig, lbuf, accv,
             pred_sem, lab_sem):
    wid = lax.axis_index("s") * 2 + lax.axis_index("c")
    row0 = wid * _ROWS_PER_W

    pred_copies = [
        pltpu.async_copy(pred_hbm.at[z, pl.ds(row0, _NR)], sig.at[z],
                         pred_sem)
        for z in range(4)
    ]
    lab_copies = [
        pltpu.async_copy(lab_hbm.at[z, pl.ds(row0, _NR)], lbuf.at[z],
                         lab_sem)
        for z in range(4)
    ]
    for c in pred_copies:
        c.wait()

    def _sig_pass(u, carry):
        z = u // _NR
        r = u % _NR
        for k in range(_W // 16):
            v = sig[z, r, pl.ds(16 * k, 16)]
            sig[z, r, pl.ds(16 * k, 16)] = 1.0 / (1.0 + jnp.exp(-v))
        return carry

    lax.fori_loop(0, 4 * _NR, _sig_pass, 0)
    for c in lab_copies:
        c.wait()

    def _row_pair(q, carry):
        acc_n, acc_d = carry
        rr = q // 3
        p = q % 3
        valid = jnp.logical_or(rr < _ROWS_PER_W, wid == _NW - 1)
        s = jnp.where(valid, jnp.float32(1.0), jnp.float32(0.0))
        for t in range(_NT):
            pa = _edge_sum(sig, p, rr, 16 * t)
            la = _edge_sum(lbuf, p, rr, 16 * t)
            tot = pa + la
            both = jnp.logical_and(pa > 0.0, la > 0.0)
            acc_n = acc_n + s * jnp.where(both, tot, 0.0)
            acc_d = acc_d + s * tot
        return acc_n, acc_d

    zeros = jnp.zeros((16,), jnp.float32)
    acc_n, acc_d = lax.fori_loop(0, 27, _row_pair, (zeros, zeros))
    accv[0] = acc_n * _KAPPA
    accv[1] = acc_d * _KAPPA
    pltpu.sync_copy(accv, out_hbm.at[wid])


_sc_dice = functools.partial(
    pl.kernel,
    out_type=jax.ShapeDtypeStruct((_NW, 2, 16), jnp.float32),
    mesh=plsc.VectorSubcoreMesh(core_axis_name="c", subcore_axis_name="s"),
    scratch_types=[
        pltpu.VMEM((4, _NR, _W), jnp.float32),
        pltpu.VMEM((4, _NR, _W), jnp.float32),
        pltpu.VMEM((2, 16), jnp.float32),
        pltpu.SemaphoreType.DMA,
        pltpu.SemaphoreType.DMA,
    ],
    compiler_params=pltpu.CompilerParams(use_tc_tiling_on_sc=False),
)(_sc_body)


def _combine_body(parts_ref, out_ref):
    parts = parts_ref[...]
    n = jnp.sum(parts[:, 0, :])
    d = jnp.sum(parts[:, 1, :])
    dice = 1.0 - (n + _SMOOTH) / (d + _SMOOTH)
    out_ref[...] = jnp.full((1, 1), dice, jnp.float32)


def kernel(pred, labels):
    B = pred.shape[0]
    dices = []
    for b in range(B):
        pred_p = jnp.pad(pred[b], ((0, 0), (1, 1), (1, _W - 257)),
                         constant_values=_NEG)
        lab_p = jnp.pad(labels[b].astype(jnp.float32),
                        ((0, 0), (1, 1), (1, _W - 257)))
        parts = _sc_dice(pred_p, lab_p)
        out = pl.pallas_call(
            _combine_body,
            out_shape=jax.ShapeDtypeStruct((1, 1), jnp.float32),
        )(parts)
        dices.append(out[0, 0])
    return jnp.mean(jnp.stack(dices))

# --- scband reference (transcript-rebuilt; emitter-appended) ---
"""Pipeline reference for scband-surface-dice-loss-13546326851822 (READ-ONLY COPY).

The authoritative reference and input builder live on the scoring server;
editing this copy changes nothing except your own understanding.
"""

import jax, jax.numpy as jnp
import numpy as np

SMOOTH = 0.001

def _create_area_table():
    # Deterministic stand-in for create_table_neighbour_code_to_surface_area((1,1,1)):
    # surface area per 8-bit neighbour code, proportional to the number of cube edges
    # crossing the inside/outside boundary (0 for codes 0 and 255, as in the original
    # marching-cubes table). Same shape/dtype/usage pattern as the original table.
    edges = []
    for k in range(8):
        for d in (1, 2, 4):
            if k < (k ^ d):
                edges.append((k, k ^ d))
    area = np.zeros(256, dtype=np.float32)
    for code in range(256):
        bits = [(code >> k) & 1 for k in range(8)]
        n = 0
        for a, b in edges:
            if bits[a] != bits[b]:
                n += 1
        area[code] = n * (np.sqrt(3.0) / 8.0)
    return area

AREA = jnp.asarray(_create_area_table())
BASES = jnp.asarray(((np.arange(256)[:, None] >> np.arange(8)[None, :]) & 1).astype(np.float32))

def _unfold_2x2_pad1(x):
    # torch.nn.Unfold(kernel_size=(2,2), padding=1) on [B, C, H, W] -> [B, C*4, (H+1)*(W+1)]
    B, C, H, W = x.shape
    xp = jnp.pad(x, ((0, 0), (0, 0), (1, 1), (1, 1)))
    patches = []
    for c in range(C):
        for ki in range(2):
            for kj in range(2):
                patches.append(xp[:, c, ki:ki + H + 1, kj:kj + W + 1])
    out = jnp.stack(patches, axis=1)
    return out.reshape(B, C * 4, (H + 1) * (W + 1))

def _forward_z_pair(pred, labels_f):
    up = _unfold_2x2_pad1(pred)
    ul = _unfold_2x2_pad1(labels_f)
    B, n_corners, P = up.shape
    weights = jnp.zeros((B, 256, P), dtype=jnp.float32)
    cp = up
    b_idx = jnp.broadcast_to(jnp.arange(B)[:, None], (B, P))
    p_idx = jnp.broadcast_to(jnp.arange(P)[None, :], (B, P))
    # Greedy decomposition: each step zeroes at least one positive corner per point,
    # so 8 steps always suffice (equivalent to the original early-exit loop over 256 bases;
    # extra steps are exact no-ops since sw becomes 0 once cp has no positive entries).
    for _ in range(8):
        nz = cp > 0
        codes = nz[:, 0, :].astype(jnp.int32)
        for k in range(1, 8):
            codes = codes + (nz[:, k, :].astype(jnp.int32) << k)
        cube_bases = jnp.transpose(BASES[codes], (0, 2, 1))
        sw = jnp.min(jnp.where(cp > 0, cp, jnp.inf), axis=1)
        sw = jnp.where(jnp.isinf(sw), 0.0, sw)
        weights = weights.at[b_idx, codes, p_idx].add(sw)
        cp = cp - sw[:, None, :] * cube_bases
    label_codes = ul[:, 0, :].astype(jnp.int32)
    for k in range(1, 8):
        label_codes = label_codes + (ul[:, k, :].astype(jnp.int32) << k)
    label_areas = AREA[label_codes]
    pred_areas = jnp.einsum('bkp,k->bp', weights, AREA)
    idx = jnp.logical_and(pred_areas > 0, label_areas > 0)
    numerator = jnp.sum(jnp.where(idx, label_areas + pred_areas, 0.0), axis=1)
    denominator = jnp.sum(label_areas, axis=1) + jnp.sum(pred_areas, axis=1)
    return numerator, denominator

def _surface_dice(pred, labels):
    pred_sigmoid = jax.nn.sigmoid(pred)
    labels_f = labels.astype(jnp.float32)
    B, zs, ys, xs = pred.shape
    num = jnp.zeros((B,), dtype=jnp.float32)
    denom = jnp.zeros((B,), dtype=jnp.float32)
    for z_start in range(zs - 1):
        n, d = _forward_z_pair(pred_sigmoid[:, z_start:z_start + 2], labels_f[:, z_start:z_start + 2])
        num = num + n
        denom = denom + d
    dice = 1.0 - (num + SMOOTH) / (denom + SMOOTH)
    return jnp.mean(dice)

def setup_inputs(seed: int = 0):
    key = jax.random.key(seed)
    k1, k2 = jax.random.split(key)
    pred = jax.random.normal(k1, (1, 4, 256, 256), dtype=jnp.float32)
    labels = jax.random.randint(k2, (1, 4, 256, 256), 0, 2).astype(jnp.int32)
    return {"pred": pred, "labels": labels}

def reference(pred, labels):
    return _surface_dice(pred, labels)

if __name__ == "__main__":
    import jax
    _d = setup_inputs()
    print(jax.jit(kernel)(*tuple(_d.values())))

</pallas_src>

<mosaic_0001>
#map = affine_map<(d0, d1) -> (0, 0, 0)>
module attributes {stable_mosaic.version = 14 : i64} {
  func.func @_sc_body(%arg0: i32, %arg1: i32, %arg2: memref<4x258x288xf32, #tpu.memory_space<hbm>>, %arg3: memref<4x258x288xf32, #tpu.memory_space<hbm>>, %arg4: memref<32x2x16xf32, #tpu.memory_space<hbm>>, %arg5: memref<4x10x288xf32, #tpu.memory_space<vmem>>, %arg6: memref<4x10x288xf32, #tpu.memory_space<vmem>>, %arg7: memref<2x16xf32, #tpu.memory_space<vmem>>, %arg8: memref<!tpu.dma_semaphore, #tpu.memory_space<semaphore_mem>>, %arg9: memref<!tpu.dma_semaphore, #tpu.memory_space<semaphore_mem>>) attributes {dimension_semantics = [#tpu.dimension_semantics<core_parallel>, #tpu.dimension_semantics<subcore_parallel>], iteration_bounds = array<i64: 2, 16>, scalar_prefetch = 0 : i64, scratch_operands = 5 : i64, tpu.core_type = #tpu.core_type<sc_vector_subcore>, window_params = [{transform_indices = #map}, {transform_indices = #map}, {transform_indices = #map}]} {
    %mul3A = arith.constant 2 : i32
    %mul3A_0 = arith.muli %arg1, %mul3A : i32
    %add3A = arith.addi %mul3A_0, %arg0 : i32
    %mul3A_1 = arith.constant 8 : i32
    %mul3A_2 = arith.muli %add3A, %mul3A_1 : i32
    %dma_start3A = arith.constant 0 : i32
    %dma_start3A_3 = arith.constant 0 : i32
    %dma_start3A_4 = arith.constant 0 : i32
    %dma_start3A_5 = arith.constant 0 : i32
    %dma_start3A_6 = tpu.memref_slice %arg5[%dma_start3A_3, %dma_start3A_4, %dma_start3A_5] : memref<4x10x288xf32, #tpu.memory_space<vmem>> -> memref<1x10x288xf32, #tpu.memory_space<vmem>>
    %dma_start3A_7 = tpu.memref_squeeze %dma_start3A_6 : memref<1x10x288xf32, #tpu.memory_space<vmem>> -> memref<10x288xf32, #tpu.memory_space<vmem>>
    %dma_start3A_8 = arith.constant 0 : i32
    %dma_start3A_9 = tpu.memref_slice %arg2[%dma_start3A, %mul3A_2, %dma_start3A_8] : memref<4x258x288xf32, #tpu.memory_space<hbm>> -> memref<1x10x288xf32, #tpu.memory_space<hbm>>
    %dma_start3A_10 = tpu.memref_squeeze %dma_start3A_9 : memref<1x10x288xf32, #tpu.memory_space<hbm>> -> memref<10x288xf32, #tpu.memory_space<hbm>>
    %dma_start3A_11 = arith.constant 0 : i32
    %dma_start3A_12 = arith.constant 0 : i32
    %dma_start3A_13 = tpu.memref_slice %arg5[%dma_start3A_3, %dma_start3A_11, %dma_start3A_12] : memref<4x10x288xf32, #tpu.memory_space<vmem>> -> memref<1x10x288xf32, #tpu.memory_space<vmem>>
    %dma_start3A_14 = tpu.memref_squeeze %dma_start3A_13 : memref<1x10x288xf32, #tpu.memory_space<vmem>> -> memref<10x288xf32, #tpu.memory_space<vmem>>
    %dma_start3A_15 = arith.constant 0 : i32
    %dma_start3A_16 = tpu.memref_slice %arg2[%dma_start3A, %mul3A_2, %dma_start3A_15] : memref<4x258x288xf32, #tpu.memory_space<hbm>> -> memref<1x10x288xf32, #tpu.memory_space<hbm>>
    %dma_start3A_17 = tpu.memref_squeeze %dma_start3A_16 : memref<1x10x288xf32, #tpu.memory_space<hbm>> -> memref<10x288xf32, #tpu.memory_space<hbm>>
    tpu.enqueue_dma source(%dma_start3A_17 : memref<10x288xf32, #tpu.memory_space<hbm>>) target(%dma_start3A_14 : memref<10x288xf32, #tpu.memory_space<vmem>>) target_semaphore(%arg8 : memref<!tpu.dma_semaphore, #tpu.memory_space<semaphore_mem>>)
    %dma_start3A_18 = arith.constant 1 : i32
    %dma_start3A_19 = arith.constant 1 : i32
    %dma_start3A_20 = arith.constant 0 : i32
    %dma_start3A_21 = arith.constant 0 : i32
    %dma_start3A_22 = tpu.memref_slice %arg5[%dma_start3A_19, %dma_start3A_20, %dma_start3A_21] : memref<4x10x288xf32, #tpu.memory_space<vmem>> -> memref<1x10x288xf32, #tpu.memory_space<vmem>>
    %dma_start3A_23 = tpu.memref_squeeze %dma_start3A_22 : memref<1x10x288xf32, #tpu.memory_space<vmem>> -> memref<10x288xf32, #tpu.memory_space<vmem>>
    %dma_start3A_24 = arith.constant 0 : i32
    %dma_start3A_25 = tpu.memref_slice %arg2[%dma_start3A_18, %mul3A_2, %dma_start3A_24] : memref<4x258x288xf32, #tpu.memory_space<hbm>> -> memref<1x10x288xf32, #tpu.memory_space<hbm>>
    %dma_start3A_26 = tpu.memref_squeeze %dma_start3A_25 : memref<1x10x288xf32, #tpu.memory_space<hbm>> -> memref<10x288xf32, #tpu.memory_space<hbm>>
    %dma_start3A_27 = arith.constant 0 : i32
    %dma_start3A_28 = arith.constant 0 : i32
    %dma_start3A_29 = tpu.memref_slice %arg5[%dma_start3A_19, %dma_start3A_27, %dma_start3A_28] : memref<4x10x288xf32, #tpu.memory_space<vmem>> -> memref<1x10x288xf32, #tpu.memory_space<vmem>>
    %dma_start3A_30 = tpu.memref_squeeze %dma_start3A_29 : memref<1x10x288xf32, #tpu.memory_space<vmem>> -> memref<10x288xf32, #tpu.memory_space<vmem>>
    %dma_start3A_31 = arith.constant 0 : i32
    %dma_start3A_32 = tpu.memref_slice %arg2[%dma_start3A_18, %mul3A_2, %dma_start3A_31] : memref<4x258x288xf32, #tpu.memory_space<hbm>> -> memref<1x10x288xf32, #tpu.memory_space<hbm>>
    %dma_start3A_33 = tpu.memref_squeeze %dma_start3A_32 : memref<1x10x288xf32, #tpu.memory_space<hbm>> -> memref<10x288xf32, #tpu.memory_space<hbm>>
    tpu.enqueue_dma source(%dma_start3A_33 : memref<10x288xf32, #tpu.memory_space<hbm>>) target(%dma_start3A_30 : memref<10x288xf32, #tpu.memory_space<vmem>>) target_semaphore(%arg8 : memref<!tpu.dma_semaphore, #tpu.memory_space<semaphore_mem>>)
    %dma_start3A_34 = arith.constant 2 : i32
    %dma_start3A_35 = arith.constant 2 : i32
    %dma_start3A_36 = arith.constant 0 : i32
    %dma_start3A_37 = arith.constant 0 : i32
    %dma_start3A_38 = tpu.memref_slice %arg5[%dma_start3A_35, %dma_start3A_36, %dma_start3A_37] : memref<4x10x288xf32, #tpu.memory_space<vmem>> -> memref<1x10x288xf32, #tpu.memory_space<vmem>>
    %dma_start3A_39 = tpu.memref_squeeze %dma_start3A_38 : memref<1x10x288xf32, #tpu.memory_space<vmem>> -> memref<10x288xf32, #tpu.memory_space<vmem>>
    %dma_start3A_40 = arith.constant 0 : i32
    %dma_start3A_41 = tpu.memref_slice %arg2[%dma_start3A_34, %mul3A_2, %dma_start3A_40] : memref<4x258x288xf32, #tpu.memory_space<hbm>> -> memref<1x10x288xf32, #tpu.memory_space<hbm>>
    %dma_start3A_42 = tpu.memref_squeeze %dma_start3A_41 : memref<1x10x288xf32, #tpu.memory_space<hbm>> -> memref<10x288xf32, #tpu.memory_space<hbm>>
    %dma_start3A_43 = arith.constant 0 : i32
    %dma_start3A_44 = arith.constant 0 : i32
    %dma_start3A_45 = tpu.memref_slice %arg5[%dma_start3A_35, %dma_start3A_43, %dma_start3A_44] : memref<4x10x288xf32, #tpu.memory_space<vmem>> -> memref<1x10x288xf32, #tpu.memory_space<vmem>>
    %dma_start3A_46 = tpu.memref_squeeze %dma_start3A_45 : memref<1x10x288xf32, #tpu.memory_space<vmem>> -> memref<10x288xf32, #tpu.memory_space<vmem>>
    %dma_start3A_47 = arith.constant 0 : i32
    %dma_start3A_48 = tpu.memref_slice %arg2[%dma_start3A_34, %mul3A_2, %dma_start3A_47] : memref<4x258x288xf32, #tpu.memory_space<hbm>> -> memref<1x10x288xf32, #tpu.memory_space<hbm>>
    %dma_start3A_49 = tpu.memref_squeeze %dma_start3A_48 : memref<1x10x288xf32, #tpu.memory_space<hbm>> -> memref<10x288xf32, #tpu.memory_space<hbm>>
    tpu.enqueue_dma source(%dma_start3A_49 : memref<10x288xf32, #tpu.memory_space<hbm>>) target(%dma_start3A_46 : memref<10x288xf32, #tpu.memory_space<vmem>>) target_semaphore(%arg8 : memref<!tpu.dma_semaphore, #tpu.memory_space<semaphore_mem>>)
    %dma_start3A_50 = arith.constant 3 : i32
    %dma_start3A_51 = arith.constant 3 : i32
    %dma_start3A_52 = arith.constant 0 : i32
    %dma_start3A_53 = arith.constant 0 : i32
    %dma_start3A_54 = tpu.memref_slice %arg5[%dma_start3A_51, %dma_start3A_52, %dma_start3A_53] : memref<4x10x288xf32, #tpu.memory_space<vmem>> -> memref<1x10x288xf32, #tpu.memory_space<vmem>>
    %dma_start3A_55 = tpu.memref_squeeze %dma_start3A_54 : memref<1x10x288xf32, #tpu.memory_space<vmem>> -> memref<10x288xf32, #tpu.memory_space<vmem>>
    %dma_start3A_56 = arith.constant 0 : i32
    %dma_start3A_57 = tpu.memref_slice %arg2[%dma_start3A_50, %mul3A_2, %dma_start3A_56] : memref<4x258x288xf32, #tpu.memory_space<hbm>> -> memref<1x10x288xf32, #tpu.memory_space<hbm>>
    %dma_start3A_58 = tpu.memref_squeeze %dma_start3A_57 : memref<1x10x288xf32, #tpu.memory_space<hbm>> -> memref<10x288xf32, #tpu.memory_space<hbm>>
    %dma_start3A_59 = arith.constant 0 : i32
    %dma_start3A_60 = arith.constant 0 : i32
    %dma_start3A_61 = tpu.memref_slice %arg5[%dma_start3A_51, %dma_start3A_59, %dma_start3A_60] : memref<4x10x288xf32, #tpu.memory_space<vmem>> -> memref<1x10x288xf32, #tpu.memory_space<vmem>>
    %dma_start3A_62 = tpu.memref_squeeze %dma_start3A_61 : memref<1x10x288xf32, #tpu.memory_space<vmem>> -> memref<10x288xf32, #tpu.memory_space<vmem>>
    %dma_start3A_63 = arith.constant 0 : i32
    %dma_start3A_64 = tpu.memref_slice %arg2[%dma_start3A_50, %mul3A_2, %dma_start3A_63] : memref<4x258x288xf32, #tpu.memory_space<hbm>> -> memref<1x10x288xf32, #tpu.memory_space<hbm>>
    %dma_start3A_65 = tpu.memref_squeeze %dma_start3A_64 : memref<1x10x288xf32, #tpu.memory_space<hbm>> -> memref<10x288xf32, #tpu.memory_space<hbm>>
    tpu.enqueue_dma source(%dma_start3A_65 : memref<10x288xf32, #tpu.memory_space<hbm>>) target(%dma_start3A_62 : memref<10x288xf32, #tpu.memory_space<vmem>>) target_semaphore(%arg8 : memref<!tpu.dma_semaphore, #tpu.memory_space<semaphore_mem>>)
    %dma_start3A_66 = arith.constant 0 : i32
    %dma_start3A_67 = arith.constant 0 : i32
    %dma_start3A_68 = arith.constant 0 : i32
    %dma_start3A_69 = arith.constant 0 : i32
    %dma_start3A_70 = tpu.memref_slice %arg6[%dma_start3A_67, %dma_start3A_68, %dma_start3A_69] : memref<4x10x288xf32, #tpu.memory_space<vmem>> -> memref<1x10x288xf32, #tpu.memory_space<vmem>>
    %dma_start3A_71 = tpu.memref_squeeze %dma_start3A_70 : memref<1x10x288xf32, #tpu.memory_space<vmem>> -> memref<10x288xf32, #tpu.memory_space<vmem>>
    %dma_start3A_72 = arith.constant 0 : i32
    %dma_start3A_73 = tpu.memref_slice %arg3[%dma_start3A_66, %mul3A_2, %dma_start3A_72] : memref<4x258x288xf32, #tpu.memory_space<hbm>> -> memref<1x10x288xf32, #tpu.memory_space<hbm>>
    %dma_start3A_74 = tpu.memref_squeeze %dma_start3A_73 : memref<1x10x288xf32, #tpu.memory_space<hbm>> -> memref<10x288xf32, #tpu.memory_space<hbm>>
    %dma_start3A_75 = arith.constant 0 : i32
    %dma_start3A_76 = arith.constant 0 : i32
    %dma_start3A_77 = tpu.memref_slice %arg6[%dma_start3A_67, %dma_start3A_75, %dma_start3A_76] : memref<4x10x288xf32, #tpu.memory_space<vmem>> -> memref<1x10x288xf32, #tpu.memory_space<vmem>>
    %dma_start3A_78 = tpu.memref_squeeze %dma_start3A_77 : memref<1x10x288xf32, #tpu.memory_space<vmem>> -> memref<10x288xf32, #tpu.memory_space<vmem>>
    %dma_start3A_79 = arith.constant 0 : i32
    %dma_start3A_80 = tpu.memref_slice %arg3[%dma_start3A_66, %mul3A_2, %dma_start3A_79] : memref<4x258x288xf32, #tpu.memory_space<hbm>> -> memref<1x10x288xf32, #tpu.memory_space<hbm>>
    %dma_start3A_81 = tpu.memref_squeeze %dma_start3A_80 : memref<1x10x288xf32, #tpu.memory_space<hbm>> -> memref<10x288xf32, #tpu.memory_space<hbm>>
    tpu.enqueue_dma source(%dma_start3A_81 : memref<10x288xf32, #tpu.memory_space<hbm>>) target(%dma_start3A_78 : memref<10x288xf32, #tpu.memory_space<vmem>>) target_semaphore(%arg9 : memref<!tpu.dma_semaphore, #tpu.memory_space<semaphore_mem>>)
    %dma_start3A_82 = arith.constant 1 : i32
    %dma_start3A_83 = arith.constant 1 : i32
    %dma_start3A_84 = arith.constant 0 : i32
    %dma_start3A_85 = arith.constant 0 : i32
    %dma_start3A_86 = tpu.memref_slice %arg6[%dma_start3A_83, %dma_start3A_84, %dma_start3A_85] : memref<4x10x288xf32, #tpu.memory_space<vmem>> -> memref<1x10x288xf32, #tpu.memory_space<vmem>>
    %dma_start3A_87 = tpu.memref_squeeze %dma_start3A_86 : memref<1x10x288xf32, #tpu.memory_space<vmem>> -> memref<10x288xf32, #tpu.memory_space<vmem>>
    %dma_start3A_88 = arith.constant 0 : i32
    %dma_start3A_89 = tpu.memref_slice %arg3[%dma_start3A_82, %mul3A_2, %dma_start3A_88] : memref<4x258x288xf32, #tpu.memory_space<hbm>> -> memref<1x10x288xf32, #tpu.memory_space<hbm>>
    %dma_start3A_90 = tpu.memref_squeeze %dma_start3A_89 : memref<1x10x288xf32, #tpu.memory_space<hbm>> -> memref<10x288xf32, #tpu.memory_space<hbm>>
    %dma_start3A_91 = arith.constant 0 : i32
    %dma_start3A_92 = arith.constant 0 : i32
    %dma_start3A_93 = tpu.memref_slice %arg6[%dma_start3A_83, %dma_start3A_91, %dma_start3A_92] : memref<4x10x288xf32, #tpu.memory_space<vmem>> -> memref<1x10x288xf32, #tpu.memory_space<vmem>>
    %dma_start3A_94 = tpu.memref_squeeze %dma_start3A_93 : memref<1x10x288xf32, #tpu.memory_space<vmem>> -> memref<10x288xf32, #tpu.memory_space<vmem>>
    %dma_start3A_95 = arith.constant 0 : i32
    %dma_start3A_96 = tpu.memref_slice %arg3[%dma_start3A_82, %mul3A_2, %dma_start3A_95] : memref<4x258x288xf32, #tpu.memory_space<hbm>> -> memref<1x10x288xf32, #tpu.memory_space<hbm>>
    %dma_start3A_97 = tpu.memref_squeeze %dma_start3A_96 : memref<1x10x288xf32, #tpu.memory_space<hbm>> -> memref<10x288xf32, #tpu.memory_space<hbm>>
    tpu.enqueue_dma source(%dma_start3A_97 : memref<10x288xf32, #tpu.memory_space<hbm>>) target(%dma_start3A_94 : memref<10x288xf32, #tpu.memory_space<vmem>>) target_semaphore(%arg9 : memref<!tpu.dma_semaphore, #tpu.memory_space<semaphore_mem>>)
    %dma_start3A_98 = arith.constant 2 : i32
    %dma_start3A_99 = arith.constant 2 : i32
    %dma_start3A_100 = arith.constant 0 : i32
    %dma_start3A_101 = arith.constant 0 : i32
    %dma_start3A_102 = tpu.memref_slice %arg6[%dma_start3A_99, %dma_start3A_100, %dma_start3A_101] : memref<4x10x288xf32, #tpu.memory_space<vmem>> -> memref<1x10x288xf32, #tpu.memory_space<vmem>>
    %dma_start3A_103 = tpu.memref_squeeze %dma_start3A_102 : memref<1x10x288xf32, #tpu.memory_space<vmem>> -> memref<10x288xf32, #tpu.memory_space<vmem>>
    %dma_start3A_104 = arith.constant 0 : i32
    %dma_start3A_105 = tpu.memref_slice %arg3[%dma_start3A_98, %mul3A_2, %dma_start3A_104] : memref<4x258x288xf32, #tpu.memory_space<hbm>> -> memref<1x10x288xf32, #tpu.memory_space<hbm>>
    %dma_start3A_106 = tpu.memref_squeeze %dma_start3A_105 : memref<1x10x288xf32, #tpu.memory_space<hbm>> -> memref<10x288xf32, #tpu.memory_space<hbm>>
    %dma_start3A_107 = arith.constant 0 : i32
    %dma_start3A_108 = arith.constant 0 : i32
    %dma_start3A_109 = tpu.memref_slice %arg6[%dma_start3A_99, %dma_start3A_107, %dma_start3A_108] : memref<4x10x288xf32, #tpu.memory_space<vmem>> -> memref<1x10x288xf32, #tpu.memory_space<vmem>>
    %dma_start3A_110 = tpu.memref_squeeze %dma_start3A_109 : memref<1x10x288xf32, #tpu.memory_space<vmem>> -> memref<10x288xf32, #tpu.memory_space<vmem>>
    %dma_start3A_111 = arith.constant 0 : i32
    %dma_start3A_112 = tpu.memref_slice %arg3[%dma_start3A_98, %mul3A_2, %dma_start3A_111] : memref<4x258x288xf32, #tpu.memory_space<hbm>> -> memref<1x10x288xf32, #tpu.memory_space<hbm>>
    %dma_start3A_113 = tpu.memref_squeeze %dma_start3A_112 : memref<1x10x288xf32, #tpu.memory_space<hbm>> -> memref<10x288xf32, #tpu.memory_space<hbm>>
    tpu.enqueue_dma source(%dma_start3A_113 : memref<10x288xf32, #tpu.memory_space<hbm>>) target(%dma_start3A_110 : memref<10x288xf32, #tpu.memory_space<vmem>>) target_semaphore(%arg9 : memref<!tpu.dma_semaphore, #tpu.memory_space<semaphore_mem>>)
    %dma_start3A_114 = arith.constant 3 : i32
    %dma_start3A_115 = arith.constant 3 : i32
    %dma_start3A_116 = arith.constant 0 : i32
    %dma_start3A_117 = arith.constant 0 : i32
    %dma_start3A_118 = tpu.memref_slice %arg6[%dma_start3A_115, %dma_start3A_116, %dma_start3A_117] : memref<4x10x288xf32, #tpu.memory_space<vmem>> -> memref<1x10x288xf32, #tpu.memory_space<vmem>>
    %dma_start3A_119 = tpu.memref_squeeze %dma_start3A_118 : memref<1x10x288xf32, #tpu.memory_space<vmem>> -> memref<10x288xf32, #tpu.memory_space<vmem>>
    %dma_start3A_120 = arith.constant 0 : i32
    %dma_start3A_121 = tpu.memref_slice %arg3[%dma_start3A_114, %mul3A_2, %dma_start3A_120] : memref<4x258x288xf32, #tpu.memory_space<hbm>> -> memref<1x10x288xf32, #tpu.memory_space<hbm>>
    %dma_start3A_122 = tpu.memref_squeeze %dma_start3A_121 : memref<1x10x288xf32, #tpu.memory_space<hbm>> -> memref<10x288xf32, #tpu.memory_space<hbm>>
    %dma_start3A_123 = arith.constant 0 : i32
    %dma_start3A_124 = arith.constant 0 : i32
    %dma_start3A_125 = tpu.memref_slice %arg6[%dma_start3A_115, %dma_start3A_123, %dma_start3A_124] : memref<4x10x288xf32, #tpu.memory_space<vmem>> -> memref<1x10x288xf32, #tpu.memory_space<vmem>>
    %dma_start3A_126 = tpu.memref_squeeze %dma_start3A_125 : memref<1x10x288xf32, #tpu.memory_space<vmem>> -> memref<10x288xf32, #tpu.memory_space<vmem>>
    %dma_start3A_127 = arith.constant 0 : i32
    %dma_start3A_128 = tpu.memref_slice %arg3[%dma_start3A_114, %mul3A_2, %dma_start3A_127] : memref<4x258x288xf32, #tpu.memory_space<hbm>> -> memref<1x10x288xf32, #tpu.memory_space<hbm>>
    %dma_start3A_129 = tpu.memref_squeeze %dma_start3A_128 : memref<1x10x288xf32, #tpu.memory_space<hbm>> -> memref<10x288xf32, #tpu.memory_space<hbm>>
    tpu.enqueue_dma source(%dma_start3A_129 : memref<10x288xf32, #tpu.memory_space<hbm>>) target(%dma_start3A_126 : memref<10x288xf32, #tpu.memory_space<vmem>>) target_semaphore(%arg9 : memref<!tpu.dma_semaphore, #tpu.memory_space<semaphore_mem>>)
    %dma_wait3A = arith.constant 0 : i32
    %dma_wait3A_130 = arith.constant 0 : i32
    %dma_wait3A_131 = arith.constant 0 : i32
    %dma_wait3A_132 = arith.constant 0 : i32
    %dma_wait3A_133 = tpu.memref_slice %arg5[%dma_wait3A_130, %dma_wait3A_131, %dma_wait3A_132] : memref<4x10x288xf32, #tpu.memory_space<vmem>> -> memref<1x10x288xf32, #tpu.memory_space<vmem>>
    %dma_wait3A_134 = tpu.memref_squeeze %dma_wait3A_133 : memref<1x10x288xf32, #tpu.memory_space<vmem>> -> memref<10x288xf32, #tpu.memory_space<vmem>>
    %dma_wait3A_135 = arith.constant 0 : i32
    %dma_wait3A_136 = tpu.memref_slice %arg2[%dma_wait3A, %mul3A_2, %dma_wait3A_135] : memref<4x258x288xf32, #tpu.memory_space<hbm>> -> memref<1x10x288xf32, #tpu.memory_space<hbm>>
    %dma_wait3A_137 = tpu.memref_squeeze %dma_wait3A_136 : memref<1x10x288xf32, #tpu.memory_space<hbm>> -> memref<10x288xf32, #tpu.memory_space<hbm>>
    %dma_wait3A_138 = arith.constant 0 : i32
    %dma_wait3A_139 = arith.constant 0 : i32
    %dma_wait3A_140 = tpu.memref_slice %arg5[%dma_wait3A_130, %dma_wait3A_138, %dma_wait3A_139] : memref<4x10x288xf32, #tpu.memory_space<vmem>> -> memref<1x10x288xf32, #tpu.memory_space<vmem>>
    %dma_wait3A_141 = tpu.memref_squeeze %dma_wait3A_140 : memref<1x10x288xf32, #tpu.memory_space<vmem>> -> memref<10x288xf32, #tpu.memory_space<vmem>>
    %dma_wait3A_142 = arith.constant 0 : i32
    %dma_wait3A_143 = tpu.memref_slice %arg2[%dma_wait3A, %mul3A_2, %dma_wait3A_142] : memref<4x258x288xf32, #tpu.memory_space<hbm>> -> memref<1x10x288xf32, #tpu.memory_space<hbm>>
    %dma_wait3A_144 = tpu.memref_squeeze %dma_wait3A_143 : memref<1x10x288xf32, #tpu.memory_space<hbm>> -> memref<10x288xf32, #tpu.memory_space<hbm>>
    tpu.wait_dma2 semaphore(%arg8 : memref<!tpu.dma_semaphore, #tpu.memory_space<semaphore_mem>>) src(%dma_wait3A_144 : memref<10x288xf32, #tpu.memory_space<hbm>>) dst(%dma_wait3A_141 : memref<10x288xf32, #tpu.memory_space<vmem>>)
    %dma_wait3A_145 = arith.constant 1 : i32
    %dma_wait3A_146 = arith.constant 1 : i32
    %dma_wait3A_147 = arith.constant 0 : i32
    %dma_wait3A_148 = arith.constant 0 : i32
    %dma_wait3A_149 = tpu.memref_slice %arg5[%dma_wait3A_146, %dma_wait3A_147, %dma_wait3A_148] : memref<4x10x288xf32, #tpu.memory_space<vmem>> -> memref<1x10x288xf32, #tpu.memory_space<vmem>>
    %dma_wait3A_150 = tpu.memref_squeeze %dma_wait3A_149 : memref<1x10x288xf32, #tpu.memory_space<vmem>> -> memref<10x288xf32, #tpu.memory_space<vmem>>
    %dma_wait3A_151 = arith.constant 0 : i32
    %dma_wait3A_152 = tpu.memref_slice %arg2[%dma_wait3A_145, %mul3A_2, %dma_wait3A_151] : memref<4x258x288xf32, #tpu.memory_space<hbm>> -> memref<1x10x288xf32, #tpu.memory_space<hbm>>
    %dma_wait3A_153 = tpu.memref_squeeze %dma_wait3A_152 : memref<1x10x288xf32, #tpu.memory_space<hbm>> -> memref<10x288xf32, #tpu.memory_space<hbm>>
    %dma_wait3A_154 = arith.constant 0 : i32
    %dma_wait3A_155 = arith.constant 0 : i32
    %dma_wait3A_156 = tpu.memref_slice %arg5[%dma_wait3A_146, %dma_wait3A_154, %dma_wait3A_155] : memref<4x10x288xf32, #tpu.memory_space<vmem>> -> memref<1x10x288xf32, #tpu.memory_space<vmem>>
    %dma_wait3A_157 = tpu.memref_squeeze %dma_wait3A_156 : memref<1x10x288xf32, #tpu.memory_space<vmem>> -> memref<10x288xf32, #tpu.memory_space<vmem>>
    %dma_wait3A_158 = arith.constant 0 : i32
    %dma_wait3A_159 = tpu.memref_slice %arg2[%dma_wait3A_145, %mul3A_2, %dma_wait3A_158] : memref<4x258x288xf32, #tpu.memory_space<hbm>> -> memref<1x10x288xf32, #tpu.memory_space<hbm>>
    %dma_wait3A_160 = tpu.memref_squeeze %dma_wait3A_159 : memref<1x10x288xf32, #tpu.memory_space<hbm>> -> memref<10x288xf32, #tpu.memory_space<hbm>>
    tpu.wait_dma2 semaphore(%arg8 : memref<!tpu.dma_semaphore, #tpu.memory_space<semaphore_mem>>) src(%dma_wait3A_160 : memref<10x288xf32, #tpu.memory_space<hbm>>) dst(%dma_wait3A_157 : memref<10x288xf32, #tpu.memory_space<vmem>>)
    %dma_wait3A_161 = arith.constant 2 : i32
    %dma_wait3A_162 = arith.constant 2 : i32
    %dma_wait3A_163 = arith.constant 0 : i32
    %dma_wait3A_164 = arith.constant 0 : i32
    %dma_wait3A_165 = tpu.memref_slice %arg5[%dma_wait3A_162, %dma_wait3A_163, %dma_wait3A_164] : memref<4x10x288xf32, #tpu.memory_space<vmem>> -> memref<1x10x288xf32, #tpu.memory_space<vmem>>
    %dma_wait3A_166 = tpu.memref_squeeze %dma_wait3A_165 : memref<1x10x288xf32, #tpu.memory_space<vmem>> -> memref<10x288xf32, #tpu.memory_space<vmem>>
    %dma_wait3A_167 = arith.constant 0 : i32
    %dma_wait3A_168 = tpu.memref_slice %arg2[%dma_wait3A_161, %mul3A_2, %dma_wait3A_167] : memref<4x258x288xf32, #tpu.memory_space<hbm>> -> memref<1x10x288xf32, #tpu.memory_space<hbm>>
    %dma_wait3A_169 = tpu.memref_squeeze %dma_wait3A_168 : memref<1x10x288xf32, #tpu.memory_space<hbm>> -> memref<10x288xf32, #tpu.memory_space<hbm>>
    %dma_wait3A_170 = arith.constant 0 : i32
    %dma_wait3A_171 = arith.constant 0 : i32
    %dma_wait3A_172 = tpu.memref_slice %arg5[%dma_wait3A_162, %dma_wait3A_170, %dma_wait3A_171] : memref<4x10x288xf32, #tpu.memory_space<vmem>> -> memref<1x10x288xf32, #tpu.memory_space<vmem>>
    %dma_wait3A_173 = tpu.memref_squeeze %dma_wait3A_172 : memref<1x10x288xf32, #tpu.memory_space<vmem>> -> memref<10x288xf32, #tpu.memory_space<vmem>>
    %dma_wait3A_174 = arith.constant 0 : i32
    %dma_wait3A_175 = tpu.memref_slice %arg2[%dma_wait3A_161, %mul3A_2, %dma_wait3A_174] : memref<4x258x288xf32, #tpu.memory_space<hbm>> -> memref<1x10x288xf32, #tpu.memory_space<hbm>>
    %dma_wait3A_176 = tpu.memref_squeeze %dma_wait3A_175 : memref<1x10x288xf32, #tpu.memory_space<hbm>> -> memref<10x288xf32, #tpu.memory_space<hbm>>
    tpu.wait_dma2 semaphore(%arg8 : memref<!tpu.dma_semaphore, #tpu.memory_space<semaphore_mem>>) src(%dma_wait3A_176 : memref<10x288xf32, #tpu.memory_space<hbm>>) dst(%dma_wait3A_173 : memref<10x288xf32, #tpu.memory_space<vmem>>)
    %dma_wait3A_177 = arith.constant 3 : i32
    %dma_wait3A_178 = arith.constant 3 : i32
    %dma_wait3A_179 = arith.constant 0 : i32
    %dma_wait3A_180 = arith.constant 0 : i32
    %dma_wait3A_181 = tpu.memref_slice %arg5[%dma_wait3A_178, %dma_wait3A_179, %dma_wait3A_180] : memref<4x10x288xf32, #tpu.memory_space<vmem>> -> memref<1x10x288xf32, #tpu.memory_space<vmem>>
    %dma_wait3A_182 = tpu.memref_squeeze %dma_wait3A_181 : memref<1x10x288xf32, #tpu.memory_space<vmem>> -> memref<10x288xf32, #tpu.memory_space<vmem>>
    %dma_wait3A_183 = arith.constant 0 : i32
    %dma_wait3A_184 = tpu.memref_slice %arg2[%dma_wait3A_177, %mul3A_2, %dma_wait3A_183] : memref<4x258x288xf32, #tpu.memory_space<hbm>> -> memref<1x10x288xf32, #tpu.memory_space<hbm>>
    %dma_wait3A_185 = tpu.memref_squeeze %dma_wait3A_184 : memref<1x10x288xf32, #tpu.memory_space<hbm>> -> memref<10x288xf32, #tpu.memory_space<hbm>>
    %dma_wait3A_186 = arith.constant 0 : i32
    %dma_wait3A_187 = arith.constant 0 : i32
    %dma_wait3A_188 = tpu.memref_slice %arg5[%dma_wait3A_178, %dma_wait3A_186, %dma_wait3A_187] : memref<4x10x288xf32, #tpu.memory_space<vmem>> -> memref<1x10x288xf32, #tpu.memory_space<vmem>>
    %dma_wait3A_189 = tpu.memref_squeeze %dma_wait3A_188 : memref<1x10x288xf32, #tpu.memory_space<vmem>> -> memref<10x288xf32, #tpu.memory_space<vmem>>
    %dma_wait3A_190 = arith.constant 0 : i32
    %dma_wait3A_191 = tpu.memref_slice %arg2[%dma_wait3A_177, %mul3A_2, %dma_wait3A_190] : memref<4x258x288xf32, #tpu.memory_space<hbm>> -> memref<1x10x288xf32, #tpu.memory_space<hbm>>
    %dma_wait3A_192 = tpu.memref_squeeze %dma_wait3A_191 : memref<1x10x288xf32, #tpu.memory_space<hbm>> -> memref<10x288xf32, #tpu.memory_space<hbm>>
    tpu.wait_dma2 semaphore(%arg8 : memref<!tpu.dma_semaphore, #tpu.memory_space<semaphore_mem>>) src(%dma_wait3A_192 : memref<10x288xf32, #tpu.memory_space<hbm>>) dst(%dma_wait3A_189 : memref<10x288xf32, #tpu.memory_space<vmem>>)
    %scan3A = arith.constant 0 : i32
    %scan3A_193 = arith.constant 0 : i32
    %scan3A_194 = arith.constant 40 : i32
    %scan3A_195 = arith.addi %scan3A_193, %scan3A_194 : i32
    %scan3A_196 = arith.constant 1 : i32
    scf.for %scan3A_286 = %scan3A_193 to %scan3A_195 step %scan3A_196  : i32 {
      %jit3A = arith.constant 10 : i32
      %div3A = arith.divsi %scan3A_286, %jit3A : i32
      %sign3A = arith.constant 0 : i32
      %sign3A_287 = arith.cmpi sgt, %scan3A_286, %sign3A : i32
      %sign3A_288 = arith.extui %sign3A_287 : i1 to i32
      %sign3A_289 = arith.constant 0 : i32
      %sign3A_290 = arith.cmpi slt, %scan3A_286, %sign3A_289 : i32
      %sign3A_291 = arith.extui %sign3A_290 : i1 to i32
      %sign3A_292 = arith.subi %sign3A_288, %sign3A_291 : i32
      %sign3A_293 = arith.constant 0 : i32
      %sign3A_294 = arith.cmpi sgt, %jit3A, %sign3A_293 : i32
      %sign3A_295 = arith.extui %sign3A_294 : i1 to i32
      %sign3A_296 = arith.constant 0 : i32
      %sign3A_297 = arith.cmpi slt, %jit3A, %sign3A_296 : i32
      %sign3A_298 = arith.extui %sign3A_297 : i1 to i32
      %sign3A_299 = arith.subi %sign3A_295, %sign3A_298 : i32
      %ne3A = arith.cmpi ne, %sign3A_292, %sign3A_299 : i32
      %rem3A = arith.remsi %scan3A_286, %jit3A : i32
      %ne3A_300 = arith.constant 0 : i32
      %ne3A_301 = arith.cmpi ne, %rem3A, %ne3A_300 : i32
      %and3A = arith.andi %ne3A, %ne3A_301 : i1
      %sub3A = arith.constant 1 : i32
      %sub3A_302 = arith.subi %div3A, %sub3A : i32
      %select_n3A = arith.select %and3A, %sub3A_302, %div3A : i32
      %jit3A_303 = arith.constant 10 : i32
      %eq3A = arith.constant 0 : i32
      %eq3A_304 = arith.cmpi eq, %jit3A_303, %eq3A : i32
      %jit3A_305 = arith.constant 1 : i32
      %select_n3A_306 = arith.select %eq3A_304, %jit3A_305, %jit3A_303 : i32
      %rem3A_307 = arith.remsi %scan3A_286, %select_n3A_306 : i32
      %ne3A_308 = arith.constant 0 : i32
      %ne3A_309 = arith.cmpi ne, %rem3A_307, %ne3A_308 : i32
      %lt3A = arith.constant 0 : i32
      %lt3A_310 = arith.cmpi slt, %rem3A_307, %lt3A : i32
      %lt3A_311 = arith.constant 0 : i32
      %lt3A_312 = arith.cmpi slt, %select_n3A_306, %lt3A_311 : i32
      %ne3A_313 = arith.xori %lt3A_310, %lt3A_312 : i1
      %and3A_314 = arith.andi %ne3A_313, %ne3A_309 : i1
      %add3A_315 = arith.addi %rem3A_307, %select_n3A_306 : i32
      %select_n3A_316 = arith.select %and3A_314, %add3A_315, %rem3A_307 : i32
      %get3A = arith.index_cast %select_n3A : i32 to index
      %get3A_317 = arith.index_cast %select_n3A_316 : i32 to index
      %get3A_318 = arith.constant 0 : index
      %get3A_319 = tpu.vector_load %arg5[%get3A, %get3A_317, %get3A_318] {strides = array<i32>} : memref<4x10x288xf32, #tpu.memory_space<vmem>>, vector<1x1x16xf32>,
      %get3A_320 = vector.shape_cast %get3A_319 : vector<1x1x16xf32> to vector<16xf32>
      %neg3A = arith.constant 0.000000e+00 : f32
      %neg3A_321 = vector.broadcast %neg3A : f32 to vector<16xf32>
      %neg3A_322 = arith.subf %neg3A_321, %get3A_320 : vector<16xf32>
      %exp3A = math.exp %neg3A_322 : vector<16xf32>
      %add3A_323 = arith.constant 1.000000e+00 : f32
      %add3A_324 = vector.broadcast %add3A_323 : f32 to vector<16xf32>
      %add3A_325 = arith.addf %add3A_324, %exp3A : vector<16xf32>
      %div3A_326 = arith.constant 1.000000e+00 : f32
      %div3A_327 = vector.broadcast %div3A_326 : f32 to vector<16xf32>
      %div3A_328 = arith.divf %div3A_327, %add3A_325 : vector<16xf32>
      %swap3A_329 = arith.index_cast %select_n3A : i32 to index
      %swap3A_330 = arith.index_cast %select_n3A_316 : i32 to index
      %swap3A_331 = arith.constant 0 : index
      %swap3A_332 = tpu.vector_load %arg5[%swap3A_329, %swap3A_330, %swap3A_331] {strides = array<i32>} : memref<4x10x288xf32, #tpu.memory_space<vmem>>, vector<1x1x16xf32>,
      %swap3A_333 = vector.shape_cast %swap3A_332 : vector<1x1x16xf32> to vector<16xf32>
      %swap3A_334 = vector.shape_cast %div3A_328 : vector<16xf32> to vector<1x1x16xf32>
      tpu.vector_store %arg5[%swap3A_329, %swap3A_330, %swap3A_331], %swap3A_334 {strides = array<i32>} : memref<4x10x288xf32, #tpu.memory_space<vmem>>, vector<1x1x16xf32>,
      %get3A_335 = arith.index_cast %select_n3A : i32 to index
      %get3A_336 = arith.index_cast %select_n3A_316 : i32 to index
      %get3A_337 = arith.constant 16 : index
      %get3A_338 = tpu.vector_load %arg5[%get3A_335, %get3A_336, %get3A_337] {strides = array<i32>} : memref<4x10x288xf32, #tpu.memory_space<vmem>>, vector<1x1x16xf32>,
      %get3A_339 = vector.shape_cast %get3A_338 : vector<1x1x16xf32> to vector<16xf32>
      %neg3A_340 = arith.constant 0.000000e+00 : f32
      %neg3A_341 = vector.broadcast %neg3A_340 : f32 to vector<16xf32>
      %neg3A_342 = arith.subf %neg3A_341, %get3A_339 : vector<16xf32>
      %exp3A_343 = math.exp %neg3A_342 : vector<16xf32>
      %add3A_344 = arith.constant 1.000000e+00 : f32
      %add3A_345 = vector.broadcast %add3A_344 : f32 to vector<16xf32>
      %add3A_346 = arith.addf %add3A_345, %exp3A_343 : vector<16xf32>
      %div3A_347 = arith.constant 1.000000e+00 : f32
      %div3A_348 = vector.broadcast %div3A_347 : f32 to vector<16xf32>
      %div3A_349 = arith.divf %div3A_348, %add3A_346 : vector<16xf32>
      %swap3A_350 = arith.index_cast %select_n3A : i32 to index
      %swap3A_351 = arith.index_cast %select_n3A_316 : i32 to index
      %swap3A_352 = arith.constant 16 : index
      %swap3A_353 = tpu.vector_load %arg5[%swap3A_350, %swap3A_351, %swap3A_352] {strides = array<i32>} : memref<4x10x288xf32, #tpu.memory_space<vmem>>, vector<1x1x16xf32>,
      %swap3A_354 = vector.shape_cast %swap3A_353 : vector<1x1x16xf32> to vector<16xf32>
      %swap3A_355 = vector.shape_cast %div3A_349 : vector<16xf32> to vector<1x1x16xf32>
      tpu.vector_store %arg5[%swap3A_350, %swap3A_351, %swap3A_352], %swap3A_355 {strides = array<i32>} : memref<4x10x288xf32, #tpu.memory_space<vmem>>, vector<1x1x16xf32>,
      %get3A_356 = arith.index_cast %select_n3A : i32 to index
      %get3A_357 = arith.index_cast %select_n3A_316 : i32 to index
      %get3A_358 = arith.constant 32 : index
      %get3A_359 = tpu.vector_load %arg5[%get3A_356, %get3A_357, %get3A_358] {strides = array<i32>} : memref<4x10x288xf32, #tpu.memory_space<vmem>>, vector<1x1x16xf32>,
      %get3A_360 = vector.shape_cast %get3A_359 : vector<1x1x16xf32> to vector<16xf32>
      %neg3A_361 = arith.constant 0.000000e+00 : f32
      %neg3A_362 = vector.broadcast %neg3A_361 : f32 to vector<16xf32>
      %neg3A_363 = arith.subf %neg3A_362, %get3A_360 : vector<16xf32>
      %exp3A_364 = math.exp %neg3A_363 : vector<16xf32>
      %add3A_365 = arith.constant 1.000000e+00 : f32
      %add3A_366 = vector.broadcast %add3A_365 : f32 to vector<16xf32>
      %add3A_367 = arith.addf %add3A_366, %exp3A_364 : vector<16xf32>
      %div3A_368 = arith.constant 1.000000e+00 : f32
      %div3A_369 = vector.broadcast %div3A_368 : f32 to vector<16xf32>
      %div3A_370 = arith.divf %div3A_369, %add3A_367 : vector<16xf32>
      %swap3A_371 = arith.index_cast %select_n3A : i32 to index
      %swap3A_372 = arith.index_cast %select_n3A_316 : i32 to index
      %swap3A_373 = arith.constant 32 : index
      %swap3A_374 = tpu.vector_load %arg5[%swap3A_371, %swap3A_372, %swap3A_373] {strides = array<i32>} : memref<4x10x288xf32, #tpu.memory_space<vmem>>, vector<1x1x16xf32>,
      %swap3A_375 = vector.shape_cast %swap3A_374 : vector<1x1x16xf32> to vector<16xf32>
      %swap3A_376 = vector.shape_cast %div3A_370 : vector<16xf32> to vector<1x1x16xf32>
      tpu.vector_store %arg5[%swap3A_371, %swap3A_372, %swap3A_373], %swap3A_376 {strides = array<i32>} : memref<4x10x288xf32, #tpu.memory_space<vmem>>, vector<1x1x16xf32>,
      %get3A_377 = arith.index_cast %select_n3A : i32 to index
      %get3A_378 = arith.index_cast %select_n3A_316 : i32 to index
      %get3A_379 = arith.constant 48 : index
      %get3A_380 = tpu.vector_load %arg5[%get3A_377, %get3A_378, %get3A_379] {strides = array<i32>} : memref<4x10x288xf32, #tpu.memory_space<vmem>>, vector<1x1x16xf32>,
      %get3A_381 = vector.shape_cast %get3A_380 : vector<1x1x16xf32> to vector<16xf32>
      %neg3A_382 = arith.constant 0.000000e+00 : f32
      %neg3A_383 = vector.broadcast %neg3A_382 : f32 to vector<16xf32>
      %neg3A_384 = arith.subf %neg3A_383, %get3A_381 : vector<16xf32>
      %exp3A_385 = math.exp %neg3A_384 : vector<16xf32>
      %add3A_386 = arith.constant 1.000000e+00 : f32
      %add3A_387 = vector.broadcast %add3A_386 : f32 to vector<16xf32>
      %add3A_388 = arith.addf %add3A_387, %exp3A_385 : vector<16xf32>
      %div3A_389 = arith.constant 1.000000e+00 : f32
      %div3A_390 = vector.broadcast %div3A_389 : f32 to vector<16xf32>
      %div3A_391 = arith.divf %div3A_390, %add3A_388 : vector<16xf32>
      %swap3A_392 = arith.index_cast %select_n3A : i32 to index
      %swap3A_393 = arith.index_cast %select_n3A_316 : i32 to index
      %swap3A_394 = arith.constant 48 : index
      %swap3A_395 = tpu.vector_load %arg5[%swap3A_392, %swap3A_393, %swap3A_394] {strides = array<i32>} : memref<4x10x288xf32, #tpu.memory_space<vmem>>, vector<1x1x16xf32>,
      %swap3A_396 = vector.shape_cast %swap3A_395 : vector<1x1x16xf32> to vector<16xf32>
      %swap3A_397 = vector.shape_cast %div3A_391 : vector<16xf32> to vector<1x1x16xf32>
      tpu.vector_store %arg5[%swap3A_392, %swap3A_393, %swap3A_394], %swap3A_397 {strides = array<i32>} : memref<4x10x288xf32, #tpu.memory_space<vmem>>, vector<1x1x16xf32>,
      %get3A_398 = arith.index_cast %select_n3A : i32 to index
      %get3A_399 = arith.index_cast %select_n3A_316 : i32 to index
      %get3A_400 = arith.constant 64 : index
      %get3A_401 = tpu.vector_load %arg5[%get3A_398, %get3A_399, %get3A_400] {strides = array<i32>} : memref<4x10x288xf32, #tpu.memory_space<vmem>>, vector<1x1x16xf32>,
      %get3A_402 = vector.shape_cast %get3A_401 : vector<1x1x16xf32> to vector<16xf32>
      %neg3A_403 = arith.constant 0.000000e+00 : f32
      %neg3A_404 = vector.broadcast %neg3A_403 : f32 to vector<16xf32>
      %neg3A_405 = arith.subf %neg3A_404, %get3A_402 : vector<16xf32>
      %exp3A_406 = math.exp %neg3A_405 : vector<16xf32>
      %add3A_407 = arith.constant 1.000000e+00 : f32
      %add3A_408 = vector.broadcast %add3A_407 : f32 to vector<16xf32>
      %add3A_409 = arith.addf %add3A_408, %exp3A_406 : vector<16xf32>
      %div3A_410 = arith.constant 1.000000e+00 : f32
      %div3A_411 = vector.broadcast %div3A_410 : f32 to vector<16xf32>
      %div3A_412 = arith.divf %div3A_411, %add3A_409 : vector<16xf32>
      %swap3A_413 = arith.index_cast %select_n3A : i32 to index
      %swap3A_414 = arith.index_cast %select_n3A_316 : i32 to index
      %swap3A_415 = arith.constant 64 : index
      %swap3A_416 = tpu.vector_load %arg5[%swap3A_413, %swap3A_414, %swap3A_415] {strides = array<i32>} : memref<4x10x288xf32, #tpu.memory_space<vmem>>, vector<1x1x16xf32>,
      %swap3A_417 = vector.shape_cast %swap3A_416 : vector<1x1x16xf32> to vector<16xf32>
      %swap3A_418 = vector.shape_cast %div3A_412 : vector<16xf32> to vector<1x1x16xf32>
      tpu.vector_store %arg5[%swap3A_413, %swap3A_414, %swap3A_415], %swap3A_418 {strides = array<i32>} : memref<4x10x288xf32, #tpu.memory_space<vmem>>, vector<1x1x16xf32>,
      %get3A_419 = arith.index_cast %select_n3A : i32 to index
      %get3A_420 = arith.index_cast %select_n3A_316 : i32 to index
      %get3A_421 = arith.constant 80 : index
      %get3A_422 = tpu.vector_load %arg5[%get3A_419, %get3A_420, %get3A_421] {strides = array<i32>} : memref<4x10x288xf32, #tpu.memory_space<vmem>>, vector<1x1x16xf32>,
      %get3A_423 = vector.shape_cast %get3A_422 : vector<1x1x16xf32> to vector<16xf32>
      %neg3A_424 = arith.constant 0.000000e+00 : f32
      %neg3A_425 = vector.broadcast %neg3A_424 : f32 to vector<16xf32>
      %neg3A_426 = arith.subf %neg3A_425, %get3A_423 : vector<16xf32>
      %exp3A_427 = math.exp %neg3A_426 : vector<16xf32>
      %add3A_428 = arith.constant 1.000000e+00 : f32
      %add3A_429 = vector.broadcast %add3A_428 : f32 to vector<16xf32>
      %add3A_430 = arith.addf %add3A_429, %exp3A_427 : vector<16xf32>
      %div3A_431 = arith.constant 1.000000e+00 : f32
      %div3A_432 = vector.broadcast %div3A_431 : f32 to vector<16xf32>
      %div3A_433 = arith.divf %div3A_432, %add3A_430 : vector<16xf32>
      %swap3A_434 = arith.index_cast %select_n3A : i32 to index
      %swap3A_435 = arith.index_cast %select_n3A_316 : i32 to index
      %swap3A_436 = arith.constant 80 : index
      %swap3A_437 = tpu.vector_load %arg5[%swap3A_434, %swap3A_435, %swap3A_436] {strides = array<i32>} : memref<4x10x288xf32, #tpu.memory_space<vmem>>, vector<1x1x16xf32>,
      %swap3A_438 = vector.shape_cast %swap3A_437 : vector<1x1x16xf32> to vector<16xf32>
      %swap3A_439 = vector.shape_cast %div3A_433 : vector<16xf32> to vector<1x1x16xf32>
      tpu.vector_store %arg5[%swap3A_434, %swap3A_435, %swap3A_436], %swap3A_439 {strides = array<i32>} : memref<4x10x288xf32, #tpu.memory_space<vmem>>, vector<1x1x16xf32>,
      %get3A_440 = arith.index_cast %select_n3A : i32 to index
      %get3A_441 = arith.index_cast %select_n3A_316 : i32 to index
      %get3A_442 = arith.constant 96 : index
      %get3A_443 = tpu.vector_load %arg5[%get3A_440, %get3A_441, %get3A_442] {strides = array<i32>} : memref<4x10x288xf32, #tpu.memory_space<vmem>>, vector<1x1x16xf32>,
      %get3A_444 = vector.shape_cast %get3A_443 : vector<1x1x16xf32> to vector<16xf32>
      %neg3A_445 = arith.constant 0.000000e+00 : f32
      %neg3A_446 = vector.broadcast %neg3A_445 : f32 to vector<16xf32>
      %neg3A_447 = arith.subf %neg3A_446, %get3A_444 : vector<16xf32>
      %exp3A_448 = math.exp %neg3A_447 : vector<16xf32>
      %add3A_449 = arith.constant 1.000000e+00 : f32
      %add3A_450 = vector.broadcast %add3A_449 : f32 to vector<16xf32>
      %add3A_451 = arith.addf %add3A_450, %exp3A_448 : vector<16xf32>
      %div3A_452 = arith.constant 1.000000e+00 : f32
      %div3A_453 = vector.broadcast %div3A_452 : f32 to vector<16xf32>
      %div3A_454 = arith.divf %div3A_453, %add3A_451 : vector<16xf32>
      %swap3A_455 = arith.index_cast %select_n3A : i32 to index
      %swap3A_456 = arith.index_cast %select_n3A_316 : i32 to index
      %swap3A_457 = arith.constant 96 : index
      %swap3A_458 = tpu.vector_load %arg5[%swap3A_455, %swap3A_456, %swap3A_457] {strides = array<i32>} : memref<4x10x288xf32, #tpu.memory_space<vmem>>, vector<1x1x16xf32>,
      %swap3A_459 = vector.shape_cast %swap3A_458 : vector<1x1x16xf32> to vector<16xf32>
      %swap3A_460 = vector.shape_cast %div3A_454 : vector<16xf32> to vector<1x1x16xf32>
      tpu.vector_store %arg5[%swap3A_455, %swap3A_456, %swap3A_457], %swap3A_460 {strides = array<i32>} : memref<4x10x288xf32, #tpu.memory_space<vmem>>, vector<1x1x16xf32>,
      %get3A_461 = arith.index_cast %select_n3A : i32 to index
      %get3A_462 = arith.index_cast %select_n3A_316 : i32 to index
      %get3A_463 = arith.constant 112 : index
      %get3A_464 = tpu.vector_load %arg5[%get3A_461, %get3A_462, %get3A_463] {strides = array<i32>} : memref<4x10x288xf32, #tpu.memory_space<vmem>>, vector<1x1x16xf32>,
      %get3A_465 = vector.shape_cast %get3A_464 : vector<1x1x16xf32> to vector<16xf32>
      %neg3A_466 = arith.constant 0.000000e+00 : f32
      %neg3A_467 = vector.broadcast %neg3A_466 : f32 to vector<16xf32>
      %neg3A_468 = arith.subf %neg3A_467, %get3A_465 : vector<16xf32>
      %exp3A_469 = math.exp %neg3A_468 : vector<16xf32>
      %add3A_470 = arith.constant 1.000000e+00 : f32
      %add3A_471 = vector.broadcast %add3A_470 : f32 to vector<16xf32>
      %add3A_472 = arith.addf %add3A_471, %exp3A_469 : vector<16xf32>
      %div3A_473 = arith.constant 1.000000e+00 : f32
      %div3A_474 = vector.broadcast %div3A_473 : f32 to vector<16xf32>
      %div3A_475 = arith.divf %div3A_474, %add3A_472 : vector<16xf32>
      %swap3A_476 = arith.index_cast %select_n3A : i32 to index
      %swap3A_477 = arith.index_cast %select_n3A_316 : i32 to index
      %swap3A_478 = arith.constant 112 : index
      %swap3A_479 = tpu.vector_load %arg5[%swap3A_476, %swap3A_477, %swap3A_478] {strides = array<i32>} : memref<4x10x288xf32, #tpu.memory_space<vmem>>, vector<1x1x16xf32>,
      %swap3A_480 = vector.shape_cast %swap3A_479 : vector<1x1x16xf32> to vector<16xf32>
      %swap3A_481 = vector.shape_cast %div3A_475 : vector<16xf32> to vector<1x1x16xf32>
      tpu.vector_store %arg5[%swap3A_476, %swap3A_477, %swap3A_478], %swap3A_481 {strides = array<i32>} : memref<4x10x288xf32, #tpu.memory_space<vmem>>, vector<1x1x16xf32>,
      %get3A_482 = arith.index_cast %select_n3A : i32 to index
      %get3A_483 = arith.index_cast %select_n3A_316 : i32 to index
      %get3A_484 = arith.constant 128 : index
      %get3A_485 = tpu.vector_load %arg5[%get3A_482, %get3A_483, %get3A_484] {strides = array<i32>} : memref<4x10x288xf32, #tpu.memory_space<vmem>>, vector<1x1x16xf32>,
      %get3A_486 = vector.shape_cast %get3A_485 : vector<1x1x16xf32> to vector<16xf32>
      %neg3A_487 = arith.constant 0.000000e+00 : f32
      %neg3A_488 = vector.broadcast %neg3A_487 : f32 to vector<16xf32>
      %neg3A_489 = arith.subf %neg3A_488, %get3A_486 : vector<16xf32>
      %exp3A_490 = math.exp %neg3A_489 : vector<16xf32>
      %add3A_491 = arith.constant 1.000000e+00 : f32
      %add3A_492 = vector.broadcast %add3A_491 : f32 to vector<16xf32>
      %add3A_493 = arith.addf %add3A_492, %exp3A_490 : vector<16xf32>
      %div3A_494 = arith.constant 1.000000e+00 : f32
      %div3A_495 = vector.broadcast %div3A_494 : f32 to vector<16xf32>
      %div3A_496 = arith.divf %div3A_495, %add3A_493 : vector<16xf32>
      %swap3A_497 = arith.index_cast %select_n3A : i32 to index
      %swap3A_498 = arith.index_cast %select_n3A_316 : i32 to index
      %swap3A_499 = arith.constant 128 : index
      %swap3A_500 = tpu.vector_load %arg5[%swap3A_497, %swap3A_498, %swap3A_499] {strides = array<i32>} : memref<4x10x288xf32, #tpu.memory_space<vmem>>, vector<1x1x16xf32>,
      %swap3A_501 = vector.shape_cast %swap3A_500 : vector<1x1x16xf32> to vector<16xf32>
      %swap3A_502 = vector.shape_cast %div3A_496 : vector<16xf32> to vector<1x1x16xf32>
      tpu.vector_store %arg5[%swap3A_497, %swap3A_498, %swap3A_499], %swap3A_502 {strides = array<i32>} : memref<4x10x288xf32, #tpu.memory_space<vmem>>, vector<1x1x16xf32>,
      %get3A_503 = arith.index_cast %select_n3A : i32 to index
      %get3A_504 = arith.index_cast %select_n3A_316 : i32 to index
      %get3A_505 = arith.constant 144 : index
      %get3A_506 = tpu.vector_load %arg5[%get3A_503, %get3A_504, %get3A_505] {strides = array<i32>} : memref<4x10x288xf32, #tpu.memory_space<vmem>>, vector<1x1x16xf32>,
      %get3A_507 = vector.shape_cast %get3A_506 : vector<1x1x16xf32> to vector<16xf32>
      %neg3A_508 = arith.constant 0.000000e+00 : f32
      %neg3A_509 = vector.broadcast %neg3A_508 : f32 to vector<16xf32>
      %neg3A_510 = arith.subf %neg3A_509, %get3A_507 : vector<16xf32>
      %exp3A_511 = math.exp %neg3A_510 : vector<16xf32>
      %add3A_512 = arith.constant 1.000000e+00 : f32
      %add3A_513 = vector.broadcast %add3A_512 : f32 to vector<16xf32>
      %add3A_514 = arith.addf %add3A_513, %exp3A_511 : vector<16xf32>
      %div3A_515 = arith.constant 1.000000e+00 : f32
      %div3A_516 = vector.broadcast %div3A_515 : f32 to vector<16xf32>
      %div3A_517 = arith.divf %div3A_516, %add3A_514 : vector<16xf32>
      %swap3A_518 = arith.index_cast %select_n3A : i32 to index
      %swap3A_519 = arith.index_cast %select_n3A_316 : i32 to index
      %swap3A_520 = arith.constant 144 : index
      %swap3A_521 = tpu.vector_load %arg5[%swap3A_518, %swap3A_519, %swap3A_520] {strides = array<i32>} : memref<4x10x288xf32, #tpu.memory_space<vmem>>, vector<1x1x16xf32>,
      %swap3A_522 = vector.shape_cast %swap3A_521 : vector<1x1x16xf32> to vector<16xf32>
      %swap3A_523 = vector.shape_cast %div3A_517 : vector<16xf32> to vector<1x1x16xf32>
      tpu.vector_store %arg5[%swap3A_518, %swap3A_519, %swap3A_520], %swap3A_523 {strides = array<i32>} : memref<4x10x288xf32, #tpu.memory_space<vmem>>, vector<1x1x16xf32>,
      %get3A_524 = arith.index_cast %select_n3A : i32 to index
      %get3A_525 = arith.index_cast %select_n3A_316 : i32 to index
      %get3A_526 = arith.constant 160 : index
      %get3A_527 = tpu.vector_load %arg5[%get3A_524, %get3A_525, %get3A_526] {strides = array<i32>} : memref<4x10x288xf32, #tpu.memory_space<vmem>>, vector<1x1x16xf32>,
      %get3A_528 = vector.shape_cast %get3A_527 : vector<1x1x16xf32> to vector<16xf32>
      %neg3A_529 = arith.constant 0.000000e+00 : f32
      %neg3A_530 = vector.broadcast %neg3A_529 : f32 to vector<16xf32>
      %neg3A_531 = arith.subf %neg3A_530, %get3A_528 : vector<16xf32>
      %exp3A_532 = math.exp %neg3A_531 : vector<16xf32>
      %add3A_533 = arith.constant 1.000000e+00 : f32
      %add3A_534 = vector.broadcast %add3A_533 : f32 to vector<16xf32>
      %add3A_535 = arith.addf %add3A_534, %exp3A_532 : vector<16xf32>
      %div3A_536 = arith.constant 1.000000e+00 : f32
      %div3A_537 = vector.broadcast %div3A_536 : f32 to vector<16xf32>
      %div3A_538 = arith.divf %div3A_537, %add3A_535 : vector<16xf32>
      %swap3A_539 = arith.index_cast %select_n3A : i32 to index
      %swap3A_540 = arith.index_cast %select_n3A_316 : i32 to index
      %swap3A_541 = arith.constant 160 : index
      %swap3A_542 = tpu.vector_load %arg5[%swap3A_539, %swap3A_540, %swap3A_541] {strides = array<i32>} : memref<4x10x288xf32, #tpu.memory_space<vmem>>, vector<1x1x16xf32>,
      %swap3A_543 = vector.shape_cast %swap3A_542 : vector<1x1x16xf32> to vector<16xf32>
      %swap3A_544 = vector.shape_cast %div3A_538 : vector<16xf32> to vector<1x1x16xf32>
      tpu.vector_store %arg5[%swap3A_539, %swap3A_540, %swap3A_541], %swap3A_544 {strides = array<i32>} : memref<4x10x288xf32, #tpu.memory_space<vmem>>, vector<1x1x16xf32>,
      %get3A_545 = arith.index_cast %select_n3A : i32 to index
      %get3A_546 = arith.index_cast %select_n3A_316 : i32 to index
      %get3A_547 = arith.constant 176 : index
      %get3A_548 = tpu.vector_load %arg5[%get3A_545, %get3A_546, %get3A_547] {strides = array<i32>} : memref<4x10x288xf32, #tpu.memory_space<vmem>>, vector<1x1x16xf32>,
      %get3A_549 = vector.shape_cast %get3A_548 : vector<1x1x16xf32> to vector<16xf32>
      %neg3A_550 = arith.constant 0.000000e+00 : f32
      %neg3A_551 = vector.broadcast %neg3A_550 : f32 to vector<16xf32>
      %neg3A_552 = arith.subf %neg3A_551, %get3A_549 : vector<16xf32>
      %exp3A_553 = math.exp %neg3A_552 : vector<16xf32>
      %add3A_554 = arith.constant 1.000000e+00 : f32
      %add3A_555 = vector.broadcast %add3A_554 : f32 to vector<16xf32>
      %add3A_556 = arith.addf %add3A_555, %exp3A_553 : vector<16xf32>
      %div3A_557 = arith.constant 1.000000e+00 : f32
      %div3A_558 = vector.broadcast %div3A_557 : f32 to vector<16xf32>
      %div3A_559 = arith.divf %div3A_558, %add3A_556 : vector<16xf32>
      %swap3A_560 = arith.index_cast %select_n3A : i32 to index
      %swap3A_561 = arith.index_cast %select_n3A_316 : i32 to index
      %swap3A_562 = arith.constant 176 : index
      %swap3A_563 = tpu.vector_load %arg5[%swap3A_560, %swap3A_561, %swap3A_562] {strides = array<i32>} : memref<4x10x288xf32, #tpu.memory_space<vmem>>, vector<1x1x16xf32>,
      %swap3A_564 = vector.shape_cast %swap3A_563 : vector<1x1x16xf32> to vector<16xf32>
      %swap3A_565 = vector.shape_cast %div3A_559 : vector<16xf32> to vector<1x1x16xf32>
      tpu.vector_store %arg5[%swap3A_560, %swap3A_561, %swap3A_562], %swap3A_565 {strides = array<i32>} : memref<4x10x288xf32, #tpu.memory_space<vmem>>, vector<1x1x16xf32>,
      %get3A_566 = arith.index_cast %select_n3A : i32 to index
      %get3A_567 = arith.index_cast %select_n3A_316 : i32 to index
      %get3A_568 = arith.constant 192 : index
      %get3A_569 = tpu.vector_load %arg5[%get3A_566, %get3A_567, %get3A_568] {strides = array<i32>} : memref<4x10x288xf32, #tpu.memory_space<vmem>>, vector<1x1x16xf32>,
      %get3A_570 = vector.shape_cast %get3A_569 : vector<1x1x16xf32> to vector<16xf32>
      %neg3A_571 = arith.constant 0.000000e+00 : f32
      %neg3A_572 = vector.broadcast %neg3A_571 : f32 to vector<16xf32>
      %neg3A_573 = arith.subf %neg3A_572, %get3A_570 : vector<16xf32>
      %exp3A_574 = math.exp %neg3A_573 : vector<16xf32>
      %add3A_575 = arith.constant 1.000000e+00 : f32
      %add3A_576 = vector.broadcast %add3A_575 : f32 to vector<16xf32>
      %add3A_577 = arith.addf %add3A_576, %exp3A_574 : vector<16xf32>
      %div3A_578 = arith.constant 1.000000e+00 : f32
      %div3A_579 = vector.broadcast %div3A_578 : f32 to vector<16xf32>
      %div3A_580 = arith.divf %div3A_579, %add3A_577 : vector<16xf32>
      %swap3A_581 = arith.index_cast %select_n3A : i32 to index
      %swap3A_582 = arith.index_cast %select_n3A_316 : i32 to index
      %swap3A_583 = arith.constant 192 : index
      %swap3A_584 = tpu.vector_load %arg5[%swap3A_581, %swap3A_582, %swap3A_583] {strides = array<i32>} : memref<4x10x288xf32, #tpu.memory_space<vmem>>, vector<1x1x16xf32>,
      %swap3A_585 = vector.shape_cast %swap3A_584 : vector<1x1x16xf32> to vector<16xf32>
      %swap3A_586 = vector.shape_cast %div3A_580 : vector<16xf32> to vector<1x1x16xf32>
      tpu.vector_store %arg5[%swap3A_581, %swap3A_582, %swap3A_583], %swap3A_586 {strides = array<i32>} : memref<4x10x288xf32, #tpu.memory_space<vmem>>, vector<1x1x16xf32>,
      %get3A_587 = arith.index_cast %select_n3A : i32 to index
      %get3A_588 = arith.index_cast %select_n3A_316 : i32 to index
      %get3A_589 = arith.constant 208 : index
      %get3A_590 = tpu.vector_load %arg5[%get3A_587, %get3A_588, %get3A_589] {strides = array<i32>} : memref<4x10x288xf32, #tpu.memory_space<vmem>>, vector<1x1x16xf32>,
      %get3A_591 = vector.shape_cast %get3A_590 : vector<1x1x16xf32> to vector<16xf32>
      %neg3A_592 = arith.constant 0.000000e+00 : f32
      %neg3A_593 = vector.broadcast %neg3A_592 : f32 to vector<16xf32>
      %neg3A_594 = arith.subf %neg3A_593, %get3A_591 : vector<16xf32>
      %exp3A_595 = math.exp %neg3A_594 : vector<16xf32>
      %add3A_596 = arith.constant 1.000000e+00 : f32
      %add3A_597 = vector.broadcast %add3A_596 : f32 to vector<16xf32>
      %add3A_598 = arith.addf %add3A_597, %exp3A_595 : vector<16xf32>
      %div3A_599 = arith.constant 1.000000e+00 : f32
      %div3A_600 = vector.broadcast %div3A_599 : f32 to vector<16xf32>
      %div3A_601 = arith.divf %div3A_600, %add3A_598 : vector<16xf32>
      %swap3A_602 = arith.index_cast %select_n3A : i32 to index
      %swap3A_603 = arith.index_cast %select_n3A_316 : i32 to index
      %swap3A_604 = arith.constant 208 : index
      %swap3A_605 = tpu.vector_load %arg5[%swap3A_602, %swap3A_603, %swap3A_604] {strides = array<i32>} : memref<4x10x288xf32, #tpu.memory_space<vmem>>, vector<1x1x16xf32>,
      %swap3A_606 = vector.shape_cast %swap3A_605 : vector<1x1x16xf32> to vector<16xf32>
      %swap3A_607 = vector.shape_cast %div3A_601 : vector<16xf32> to vector<1x1x16xf32>
      tpu.vector_store %arg5[%swap3A_602, %swap3A_603, %swap3A_604], %swap3A_607 {strides = array<i32>} : memref<4x10x288xf32, #tpu.memory_space<vmem>>, vector<1x1x16xf32>,
      %get3A_608 = arith.index_cast %select_n3A : i32 to index
      %get3A_609 = arith.index_cast %select_n3A_316 : i32 to index
      %get3A_610 = arith.constant 224 : index
      %get3A_611 = tpu.vector_load %arg5[%get3A_608, %get3A_609, %get3A_610] {strides = array<i32>} : memref<4x10x288xf32, #tpu.memory_space<vmem>>, vector<1x1x16xf32>,
      %get3A_612 = vector.shape_cast %get3A_611 : vector<1x1x16xf32> to vector<16xf32>
      %neg3A_613 = arith.constant 0.000000e+00 : f32
      %neg3A_614 = vector.broadcast %neg3A_613 : f32 to vector<16xf32>
      %neg3A_615 = arith.subf %neg3A_614, %get3A_612 : vector<16xf32>
      %exp3A_616 = math.exp %neg3A_615 : vector<16xf32>
      %add3A_617 = arith.constant 1.000000e+00 : f32
      %add3A_618 = vector.broadcast %add3A_617 : f32 to vector<16xf32>
      %add3A_619 = arith.addf %add3A_618, %exp3A_616 : vector<16xf32>
      %div3A_620 = arith.constant 1.000000e+00 : f32
      %div3A_621 = vector.broadcast %div3A_620 : f32 to vector<16xf32>
      %div3A_622 = arith.divf %div3A_621, %add3A_619 : vector<16xf32>
      %swap3A_623 = arith.index_cast %select_n3A : i32 to index
      %swap3A_624 = arith.index_cast %select_n3A_316 : i32 to index
      %swap3A_625 = arith.constant 224 : index
      %swap3A_626 = tpu.vector_load %arg5[%swap3A_623, %swap3A_624, %swap3A_625] {strides = array<i32>} : memref<4x10x288xf32, #tpu.memory_space<vmem>>, vector<1x1x16xf32>,
      %swap3A_627 = vector.shape_cast %swap3A_626 : vector<1x1x16xf32> to vector<16xf32>
      %swap3A_628 = vector.shape_cast %div3A_622 : vector<16xf32> to vector<1x1x16xf32>
      tpu.vector_store %arg5[%swap3A_623, %swap3A_624, %swap3A_625], %swap3A_628 {strides = array<i32>} : memref<4x10x288xf32, #tpu.memory_space<vmem>>, vector<1x1x16xf32>,
      %get3A_629 = arith.index_cast %select_n3A : i32 to index
      %get3A_630 = arith.index_cast %select_n3A_316 : i32 to index
      %get3A_631 = arith.constant 240 : index
      %get3A_632 = tpu.vector_load %arg5[%get3A_629, %get3A_630, %get3A_631] {strides = array<i32>} : memref<4x10x288xf32, #tpu.memory_space<vmem>>, vector<1x1x16xf32>,
      %get3A_633 = vector.shape_cast %get3A_632 : vector<1x1x16xf32> to vector<16xf32>
      %neg3A_634 = arith.constant 0.000000e+00 : f32
      %neg3A_635 = vector.broadcast %neg3A_634 : f32 to vector<16xf32>
      %neg3A_636 = arith.subf %neg3A_635, %get3A_633 : vector<16xf32>
      %exp3A_637 = math.exp %neg3A_636 : vector<16xf32>
      %add3A_638 = arith.constant 1.000000e+00 : f32
      %add3A_639 = vector.broadcast %add3A_638 : f32 to vector<16xf32>
      %add3A_640 = arith.addf %add3A_639, %exp3A_637 : vector<16xf32>
      %div3A_641 = arith.constant 1.000000e+00 : f32
      %div3A_642 = vector.broadcast %div3A_641 : f32 to vector<16xf32>
      %div3A_643 = arith.divf %div3A_642, %add3A_640 : vector<16xf32>
      %swap3A_644 = arith.index_cast %select_n3A : i32 to index
      %swap3A_645 = arith.index_cast %select_n3A_316 : i32 to index
      %swap3A_646 = arith.constant 240 : index
      %swap3A_647 = tpu.vector_load %arg5[%swap3A_644, %swap3A_645, %swap3A_646] {strides = array<i32>} : memref<4x10x288xf32, #tpu.memory_space<vmem>>, vector<1x1x16xf32>,
      %swap3A_648 = vector.shape_cast %swap3A_647 : vector<1x1x16xf32> to vector<16xf32>
      %swap3A_649 = vector.shape_cast %div3A_643 : vector<16xf32> to vector<1x1x16xf32>
      tpu.vector_store %arg5[%swap3A_644, %swap3A_645, %swap3A_646], %swap3A_649 {strides = array<i32>} : memref<4x10x288xf32, #tpu.memory_space<vmem>>, vector<1x1x16xf32>,
      %get3A_650 = arith.index_cast %select_n3A : i32 to index
      %get3A_651 = arith.index_cast %select_n3A_316 : i32 to index
      %get3A_652 = arith.constant 256 : index
      %get3A_653 = tpu.vector_load %arg5[%get3A_650, %get3A_651, %get3A_652] {strides = array<i32>} : memref<4x10x288xf32, #tpu.memory_space<vmem>>, vector<1x1x16xf32>,
      %get3A_654 = vector.shape_cast %get3A_653 : vector<1x1x16xf32> to vector<16xf32>
      %neg3A_655 = arith.constant 0.000000e+00 : f32
      %neg3A_656 = vector.broadcast %neg3A_655 : f32 to vector<16xf32>
      %neg3A_657 = arith.subf %neg3A_656, %get3A_654 : vector<16xf32>
      %exp3A_658 = math.exp %neg3A_657 : vector<16xf32>
      %add3A_659 = arith.constant 1.000000e+00 : f32
      %add3A_660 = vector.broadcast %add3A_659 : f32 to vector<16xf32>
      %add3A_661 = arith.addf %add3A_660, %exp3A_658 : vector<16xf32>
      %div3A_662 = arith.constant 1.000000e+00 : f32
      %div3A_663 = vector.broadcast %div3A_662 : f32 to vector<16xf32>
      %div3A_664 = arith.divf %div3A_663, %add3A_661 : vector<16xf32>
      %swap3A_665 = arith.index_cast %select_n3A : i32 to index
      %swap3A_666 = arith.index_cast %select_n3A_316 : i32 to index
      %swap3A_667 = arith.constant 256 : index
      %swap3A_668 = tpu.vector_load %arg5[%swap3A_665, %swap3A_666, %swap3A_667] {strides = array<i32>} : memref<4x10x288xf32, #tpu.memory_space<vmem>>, vector<1x1x16xf32>,
      %swap3A_669 = vector.shape_cast %swap3A_668 : vector<1x1x16xf32> to vector<16xf32>
      %swap3A_670 = vector.shape_cast %div3A_664 : vector<16xf32> to vector<1x1x16xf32>
      tpu.vector_store %arg5[%swap3A_665, %swap3A_666, %swap3A_667], %swap3A_670 {strides = array<i32>} : memref<4x10x288xf32, #tpu.memory_space<vmem>>, vector<1x1x16xf32>,
      %get3A_671 = arith.index_cast %select_n3A : i32 to index
      %get3A_672 = arith.index_cast %select_n3A_316 : i32 to index
      %get3A_673 = arith.constant 272 : index
      %get3A_674 = tpu.vector_load %arg5[%get3A_671, %get3A_672, %get3A_673] {strides = array<i32>} : memref<4x10x288xf32, #tpu.memory_space<vmem>>, vector<1x1x16xf32>,
      %get3A_675 = vector.shape_cast %get3A_674 : vector<1x1x16xf32> to vector<16xf32>
      %neg3A_676 = arith.constant 0.000000e+00 : f32
      %neg3A_677 = vector.broadcast %neg3A_676 : f32 to vector<16xf32>
      %neg3A_678 = arith.subf %neg3A_677, %get3A_675 : vector<16xf32>
      %exp3A_679 = math.exp %neg3A_678 : vector<16xf32>
      %add3A_680 = arith.constant 1.000000e+00 : f32
      %add3A_681 = vector.broadcast %add3A_680 : f32 to vector<16xf32>
      %add3A_682 = arith.addf %add3A_681, %exp3A_679 : vector<16xf32>
      %div3A_683 = arith.constant 1.000000e+00 : f32
      %div3A_684 = vector.broadcast %div3A_683 : f32 to vector<16xf32>
      %div3A_685 = arith.divf %div3A_684, %add3A_682 : vector<16xf32>
      %swap3A_686 = arith.index_cast %select_n3A : i32 to index
      %swap3A_687 = arith.index_cast %select_n3A_316 : i32 to index
      %swap3A_688 = arith.constant 272 : index
      %swap3A_689 = tpu.vector_load %arg5[%swap3A_686, %swap3A_687, %swap3A_688] {strides = array<i32>} : memref<4x10x288xf32, #tpu.memory_space<vmem>>, vector<1x1x16xf32>,
      %swap3A_690 = vector.shape_cast %swap3A_689 : vector<1x1x16xf32> to vector<16xf32>
      %swap3A_691 = vector.shape_cast %div3A_685 : vector<16xf32> to vector<1x1x16xf32>
      tpu.vector_store %arg5[%swap3A_686, %swap3A_687, %swap3A_688], %swap3A_691 {strides = array<i32>} : memref<4x10x288xf32, #tpu.memory_space<vmem>>, vector<1x1x16xf32>,
    }
    %scan3A_197 = arith.constant 40 : i32
    %dma_wait3A_198 = arith.constant 0 : i32
    %dma_wait3A_199 = arith.constant 0 : i32
    %dma_wait3A_200 = arith.constant 0 : i32
    %dma_wait3A_201 = arith.constant 0 : i32
    %dma_wait3A_202 = tpu.memref_slice %arg6[%dma_wait3A_199, %dma_wait3A_200, %dma_wait3A_201] : memref<4x10x288xf32, #tpu.memory_space<vmem>> -> memref<1x10x288xf32, #tpu.memory_space<vmem>>
    %dma_wait3A_203 = tpu.memref_squeeze %dma_wait3A_202 : memref<1x10x288xf32, #tpu.memory_space<vmem>> -> memref<10x288xf32, #tpu.memory_space<vmem>>
    %dma_wait3A_204 = arith.constant 0 : i32
    %dma_wait3A_205 = tpu.memref_slice %arg3[%dma_wait3A_198, %mul3A_2, %dma_wait3A_204] : memref<4x258x288xf32, #tpu.memory_space<hbm>> -> memref<1x10x288xf32, #tpu.memory_space<hbm>>
    %dma_wait3A_206 = tpu.memref_squeeze %dma_wait3A_205 : memref<1x10x288xf32, #tpu.memory_space<hbm>> -> memref<10x288xf32, #tpu.memory_space<hbm>>
    %dma_wait3A_207 = arith.constant 0 : i32
    %dma_wait3A_208 = arith.constant 0 : i32
    %dma_wait3A_209 = tpu.memref_slice %arg6[%dma_wait3A_199, %dma_wait3A_207, %dma_wait3A_208] : memref<4x10x288xf32, #tpu.memory_space<vmem>> -> memref<1x10x288xf32, #tpu.memory_space<vmem>>
    %dma_wait3A_210 = tpu.memref_squeeze %dma_wait3A_209 : memref<1x10x288xf32, #tpu.memory_space<vmem>> -> memref<10x288xf32, #tpu.memory_space<vmem>>
    %dma_wait3A_211 = arith.constant 0 : i32
    %dma_wait3A_212 = tpu.memref_slice %arg3[%dma_wait3A_198, %mul3A_2, %dma_wait3A_211] : memref<4x258x288xf32, #tpu.memory_space<hbm>> -> memref<1x10x288xf32, #tpu.memory_space<hbm>>
    %dma_wait3A_213 = tpu.memref_squeeze %dma_wait3A_212 : memref<1x10x288xf32, #tpu.memory_space<hbm>> -> memref<10x288xf32, #tpu.memory_space<hbm>>
    tpu.wait_dma2 semaphore(%arg9 : memref<!tpu.dma_semaphore, #tpu.memory_space<semaphore_mem>>) src(%dma_wait3A_213 : memref<10x288xf32, #tpu.memory_space<hbm>>) dst(%dma_wait3A_210 : memref<10x288xf32, #tpu.memory_space<vmem>>)
    %dma_wait3A_214 = arith.constant 1 : i32
    %dma_wait3A_215 = arith.constant 1 : i32
    %dma_wait3A_216 = arith.constant 0 : i32
    %dma_wait3A_217 = arith.constant 0 : i32
    %dma_wait3A_218 = tpu.memref_slice %arg6[%dma_wait3A_215, %dma_wait3A_216, %dma_wait3A_217] : memref<4x10x288xf32, #tpu.memory_space<vmem>> -> memref<1x10x288xf32, #tpu.memory_space<vmem>>
    %dma_wait3A_219 = tpu.memref_squeeze %dma_wait3A_218 : memref<1x10x288xf32, #tpu.memory_space<vmem>> -> memref<10x288xf32, #tpu.memory_space<vmem>>
    %dma_wait3A_220 = arith.constant 0 : i32
    %dma_wait3A_221 = tpu.memref_slice %arg3[%dma_wait3A_214, %mul3A_2, %dma_wait3A_220] : memref<4x258x288xf32, #tpu.memory_space<hbm>> -> memref<1x10x288xf32, #tpu.memory_space<hbm>>
    %dma_wait3A_222 = tpu.memref_squeeze %dma_wait3A_221 : memref<1x10x288xf32, #tpu.memory_space<hbm>> -> memref<10x288xf32, #tpu.memory_space<hbm>>
    %dma_wait3A_223 = arith.constant 0 : i32
    %dma_wait3A_224 = arith.constant 0 : i32
    %dma_wait3A_225 = tpu.memref_slice %arg6[%dma_wait3A_215, %dma_wait3A_223, %dma_wait3A_224] : memref<4x10x288xf32, #tpu.memory_space<vmem>> -> memref<1x10x288xf32, #tpu.memory_space<vmem>>
    %dma_wait3A_226 = tpu.memref_squeeze %dma_wait3A_225 : memref<1x10x288xf32, #tpu.memory_space<vmem>> -> memref<10x288xf32, #tpu.memory_space<vmem>>
    %dma_wait3A_227 = arith.constant 0 : i32
    %dma_wait3A_228 = tpu.memref_slice %arg3[%dma_wait3A_214, %mul3A_2, %dma_wait3A_227] : memref<4x258x288xf32, #tpu.memory_space<hbm>> -> memref<1x10x288xf32, #tpu.memory_space<hbm>>
    %dma_wait3A_229 = tpu.memref_squeeze %dma_wait3A_228 : memref<1x10x288xf32, #tpu.memory_space<hbm>> -> memref<10x288xf32, #tpu.memory_space<hbm>>
    tpu.wait_dma2 semaphore(%arg9 : memref<!tpu.dma_semaphore, #tpu.memory_space<semaphore_mem>>) src(%dma_wait3A_229 : memref<10x288xf32, #tpu.memory_space<hbm>>) dst(%dma_wait3A_226 : memref<10x288xf32, #tpu.memory_space<vmem>>)
    %dma_wait3A_230 = arith.constant 2 : i32
    %dma_wait3A_231 = arith.constant 2 : i32
    %dma_wait3A_232 = arith.constant 0 : i32
    %dma_wait3A_233 = arith.constant 0 : i32
    %dma_wait3A_234 = tpu.memref_slice %arg6[%dma_wait3A_231, %dma_wait3A_232, %dma_wait3A_233] : memref<4x10x288xf32, #tpu.memory_space<vmem>> -> memref<1x10x288xf32, #tpu.memory_space<vmem>>
    %dma_wait3A_235 = tpu.memref_squeeze %dma_wait3A_234 : memref<1x10x288xf32, #tpu.memory_space<vmem>> -> memref<10x288xf32, #tpu.memory_space<vmem>>
    %dma_wait3A_236 = arith.constant 0 : i32
    %dma_wait3A_237 = tpu.memref_slice %arg3[%dma_wait3A_230, %mul3A_2, %dma_wait3A_236] : memref<4x258x288xf32, #tpu.memory_space<hbm>> -> memref<1x10x288xf32, #tpu.memory_space<hbm>>
    %dma_wait3A_238 = tpu.memref_squeeze %dma_wait3A_237 : memref<1x10x288xf32, #tpu.memory_space<hbm>> -> memref<10x288xf32, #tpu.memory_space<hbm>>
    %dma_wait3A_239 = arith.constant 0 : i32
    %dma_wait3A_240 = arith.constant 0 : i32
    %dma_wait3A_241 = tpu.memref_slice %arg6[%dma_wait3A_231, %dma_wait3A_239, %dma_wait3A_240] : memref<4x10x288xf32, #tpu.memory_space<vmem>> -> memref<1x10x288xf32, #tpu.memory_space<vmem>>
    %dma_wait3A_242 = tpu.memref_squeeze %dma_wait3A_241 : memref<1x10x288xf32, #tpu.memory_space<vmem>> -> memref<10x288xf32, #tpu.memory_space<vmem>>
    %dma_wait3A_243 = arith.constant 0 : i32
    %dma_wait3A_244 = tpu.memref_slice %arg3[%dma_wait3A_230, %mul3A_2, %dma_wait3A_243] : memref<4x258x288xf32, #tpu.memory_space<hbm>> -> memref<1x10x288xf32, #tpu.memory_space<hbm>>
    %dma_wait3A_245 = tpu.memref_squeeze %dma_wait3A_244 : memref<1x10x288xf32, #tpu.memory_space<hbm>> -> memref<10x288xf32, #tpu.memory_space<hbm>>
    tpu.wait_dma2 semaphore(%arg9 : memref<!tpu.dma_semaphore, #tpu.memory_space<semaphore_mem>>) src(%dma_wait3A_245 : memref<10x288xf32, #tpu.memory_space<hbm>>) dst(%dma_wait3A_242 : memref<10x288xf32, #tpu.memory_space<vmem>>)
    %dma_wait3A_246 = arith.constant 3 : i32
    %dma_wait3A_247 = arith.constant 3 : i32
    %dma_wait3A_248 = arith.constant 0 : i32
    %dma_wait3A_249 = arith.constant 0 : i32
    %dma_wait3A_250 = tpu.memref_slice %arg6[%dma_wait3A_247, %dma_wait3A_248, %dma_wait3A_249] : memref<4x10x288xf32, #tpu.memory_space<vmem>> -> memref<1x10x288xf32, #tpu.memory_space<vmem>>
    %dma_wait3A_251 = tpu.memref_squeeze %dma_wait3A_250 : memref<1x10x288xf32, #tpu.memory_space<vmem>> -> memref<10x288xf32, #tpu.memory_space<vmem>>
    %dma_wait3A_252 = arith.constant 0 : i32
    %dma_wait3A_253 = tpu.memref_slice %arg3[%dma_wait3A_246, %mul3A_2, %dma_wait3A_252] : memref<4x258x288xf32, #tpu.memory_space<hbm>> -> memref<1x10x288xf32, #tpu.memory_space<hbm>>
    %dma_wait3A_254 = tpu.memref_squeeze %dma_wait3A_253 : memref<1x10x288xf32, #tpu.memory_space<hbm>> -> memref<10x288xf32, #tpu.memory_space<hbm>>
    %dma_wait3A_255 = arith.constant 0 : i32
    %dma_wait3A_256 = arith.constant 0 : i32
    %dma_wait3A_257 = tpu.memref_slice %arg6[%dma_wait3A_247, %dma_wait3A_255, %dma_wait3A_256] : memref<4x10x288xf32, #tpu.memory_space<vmem>> -> memref<1x10x288xf32, #tpu.memory_space<vmem>>
    %dma_wait3A_258 = tpu.memref_squeeze %dma_wait3A_257 : memref<1x10x288xf32, #tpu.memory_space<vmem>> -> memref<10x288xf32, #tpu.memory_space<vmem>>
    %dma_wait3A_259 = arith.constant 0 : i32
    %dma_wait3A_260 = tpu.memref_slice %arg3[%dma_wait3A_246, %mul3A_2, %dma_wait3A_259] : memref<4x258x288xf32, #tpu.memory_space<hbm>> -> memref<1x10x288xf32, #tpu.memory_space<hbm>>
    %dma_wait3A_261 = tpu.memref_squeeze %dma_wait3A_260 : memref<1x10x288xf32, #tpu.memory_space<hbm>> -> memref<10x288xf32, #tpu.memory_space<hbm>>
    tpu.wait_dma2 semaphore(%arg9 : memref<!tpu.dma_semaphore, #tpu.memory_space<semaphore_mem>>) src(%dma_wait3A_261 : memref<10x288xf32, #tpu.memory_space<hbm>>) dst(%dma_wait3A_258 : memref<10x288xf32, #tpu.memory_space<vmem>>)
    %broadcast_in_dim3A = arith.constant 0.000000e+00 : f32
    %broadcast_in_dim3A_262 = vector.broadcast %broadcast_in_dim3A : f32 to vector<16xf32>
    %scan3A_263 = arith.constant 0 : i32
    %scan3A_264 = arith.constant 27 : i32
    %scan3A_265 = arith.addi %scan3A_263, %scan3A_264 : i32
    %scan3A_266 = arith.constant 1 : i32
    %scan3A_267:2 = scf.for %scan3A_286 = %scan3A_263 to %scan3A_265 step %scan3A_266 iter_args(%scan3A_287 = %broadcast_in_dim3A_262, %scan3A_288 = %broadcast_in_dim3A_262) -> (vector<16xf32>, vector<16xf32>)  : i32 {
      %jit3A = arith.constant 3 : i32
      %div3A = arith.divsi %scan3A_286, %jit3A : i32
      %sign3A = arith.constant 0 : i32
      %sign3A_289 = arith.cmpi sgt, %scan3A_286, %sign3A : i32
      %sign3A_290 = arith.extui %sign3A_289 : i1 to i32
      %sign3A_291 = arith.constant 0 : i32
      %sign3A_292 = arith.cmpi slt, %scan3A_286, %sign3A_291 : i32
      %sign3A_293 = arith.extui %sign3A_292 : i1 to i32
      %sign3A_294 = arith.subi %sign3A_290, %sign3A_293 : i32
      %sign3A_295 = arith.constant 0 : i32
      %sign3A_296 = arith.cmpi sgt, %jit3A, %sign3A_295 : i32
      %sign3A_297 = arith.extui %sign3A_296 : i1 to i32
      %sign3A_298 = arith.constant 0 : i32
      %sign3A_299 = arith.cmpi slt, %jit3A, %sign3A_298 : i32
      %sign3A_300 = arith.extui %sign3A_299 : i1 to i32
      %sign3A_301 = arith.subi %sign3A_297, %sign3A_300 : i32
      %ne3A = arith.cmpi ne, %sign3A_294, %sign3A_301 : i32
      %rem3A = arith.remsi %scan3A_286, %jit3A : i32
      %ne3A_302 = arith.constant 0 : i32
      %ne3A_303 = arith.cmpi ne, %rem3A, %ne3A_302 : i32
      %and3A = arith.andi %ne3A, %ne3A_303 : i1
      %sub3A = arith.constant 1 : i32
      %sub3A_304 = arith.subi %div3A, %sub3A : i32
      %select_n3A = arith.select %and3A, %sub3A_304, %div3A : i32
      %jit3A_305 = arith.constant 3 : i32
      %eq3A = arith.constant 0 : i32
      %eq3A_306 = arith.cmpi eq, %jit3A_305, %eq3A : i32
      %jit3A_307 = arith.constant 1 : i32
      %select_n3A_308 = arith.select %eq3A_306, %jit3A_307, %jit3A_305 : i32
      %rem3A_309 = arith.remsi %scan3A_286, %select_n3A_308 : i32
      %ne3A_310 = arith.constant 0 : i32
      %ne3A_311 = arith.cmpi ne, %rem3A_309, %ne3A_310 : i32
      %lt3A = arith.constant 0 : i32
      %lt3A_312 = arith.cmpi slt, %rem3A_309, %lt3A : i32
      %lt3A_313 = arith.constant 0 : i32
      %lt3A_314 = arith.cmpi slt, %select_n3A_308, %lt3A_313 : i32
      %ne3A_315 = arith.xori %lt3A_312, %lt3A_314 : i1
      %and3A_316 = arith.andi %ne3A_315, %ne3A_311 : i1
      %add3A_317 = arith.addi %rem3A_309, %select_n3A_308 : i32
      %select_n3A_318 = arith.select %and3A_316, %add3A_317, %rem3A_309 : i32
      %lt3A_319 = arith.constant 8 : i32
      %lt3A_320 = arith.cmpi slt, %select_n3A, %lt3A_319 : i32
      %eq3A_321 = arith.constant 31 : i32
      %eq3A_322 = arith.cmpi eq, %add3A, %eq3A_321 : i32
      %or3A = arith.ori %lt3A_320, %eq3A_322 : i1
      %jit3A_323 = arith.constant 1.000000e+00 : f32
      %jit3A_324 = arith.constant 0.000000e+00 : f32
      %select_n3A_325 = arith.select %or3A, %jit3A_323, %jit3A_324 : f32
      %get3A = arith.index_cast %select_n3A_318 : i32 to index
      %get3A_326 = arith.index_cast %select_n3A : i32 to index
      %get3A_327 = arith.constant 0 : index
      %get3A_328 = tpu.vector_load %arg5[%get3A, %get3A_326, %get3A_327] {strides = array<i32>} : memref<4x10x288xf32, #tpu.memory_space<vmem>>, vector<1x1x16xf32>,
      %get3A_329 = vector.shape_cast %get3A_328 : vector<1x1x16xf32> to vector<16xf32>
      %get3A_330 = arith.index_cast %select_n3A_318 : i32 to index
      %get3A_331 = arith.index_cast %select_n3A : i32 to index
      %get3A_332 = arith.constant 1 : index
      %get3A_333 = tpu.vector_load %arg5[%get3A_330, %get3A_331, %get3A_332] {strides = array<i32>} : memref<4x10x288xf32, #tpu.memory_space<vmem>>, vector<1x1x16xf32>,
      %get3A_334 = vector.shape_cast %get3A_333 : vector<1x1x16xf32> to vector<16xf32>
      %add3A_335 = arith.constant 1 : i32
      %add3A_336 = arith.addi %select_n3A, %add3A_335 : i32
      %get3A_337 = arith.index_cast %select_n3A_318 : i32 to index
      %get3A_338 = arith.index_cast %add3A_336 : i32 to index
      %get3A_339 = arith.constant 0 : index
      %get3A_340 = tpu.vector_load %arg5[%get3A_337, %get3A_338, %get3A_339] {strides = array<i32>} : memref<4x10x288xf32, #tpu.memory_space<vmem>>, vector<1x1x16xf32>,
      %get3A_341 = vector.shape_cast %get3A_340 : vector<1x1x16xf32> to vector<16xf32>
      %add3A_342 = arith.constant 1 : i32
      %add3A_343 = arith.addi %select_n3A, %add3A_342 : i32
      %get3A_344 = arith.index_cast %select_n3A_318 : i32 to index
      %get3A_345 = arith.index_cast %add3A_343 : i32 to index
      %get3A_346 = arith.constant 1 : index
      %get3A_347 = tpu.vector_load %arg5[%get3A_344, %get3A_345, %get3A_346] {strides = array<i32>} : memref<4x10x288xf32, #tpu.memory_space<vmem>>, vector<1x1x16xf32>,
      %get3A_348 = vector.shape_cast %get3A_347 : vector<1x1x16xf32> to vector<16xf32>
      %add3A_349 = arith.constant 1 : i32
      %add3A_350 = arith.addi %select_n3A_318, %add3A_349 : i32
      %get3A_351 = arith.index_cast %add3A_350 : i32 to index
      %get3A_352 = arith.index_cast %select_n3A : i32 to index
      %get3A_353 = arith.constant 0 : index
      %get3A_354 = tpu.vector_load %arg5[%get3A_351, %get3A_352, %get3A_353] {strides = array<i32>} : memref<4x10x288xf32, #tpu.memory_space<vmem>>, vector<1x1x16xf32>,
      %get3A_355 = vector.shape_cast %get3A_354 : vector<1x1x16xf32> to vector<16xf32>
      %add3A_356 = arith.constant 1 : i32
      %add3A_357 = arith.addi %select_n3A_318, %add3A_356 : i32
      %get3A_358 = arith.index_cast %add3A_357 : i32 to index
      %get3A_359 = arith.index_cast %select_n3A : i32 to index
      %get3A_360 = arith.constant 1 : index
      %get3A_361 = tpu.vector_load %arg5[%get3A_358, %get3A_359, %get3A_360] {strides = array<i32>} : memref<4x10x288xf32, #tpu.memory_space<vmem>>, vector<1x1x16xf32>,
      %get3A_362 = vector.shape_cast %get3A_361 : vector<1x1x16xf32> to vector<16xf32>
      %add3A_363 = arith.constant 1 : i32
      %add3A_364 = arith.addi %select_n3A_318, %add3A_363 : i32
      %add3A_365 = arith.constant 1 : i32
      %add3A_366 = arith.addi %select_n3A, %add3A_365 : i32
      %get3A_367 = arith.index_cast %add3A_364 : i32 to index
      %get3A_368 = arith.index_cast %add3A_366 : i32 to index
      %get3A_369 = arith.constant 0 : index
      %get3A_370 = tpu.vector_load %arg5[%get3A_367, %get3A_368, %get3A_369] {strides = array<i32>} : memref<4x10x288xf32, #tpu.memory_space<vmem>>, vector<1x1x16xf32>,
      %get3A_371 = vector.shape_cast %get3A_370 : vector<1x1x16xf32> to vector<16xf32>
      %add3A_372 = arith.constant 1 : i32
      %add3A_373 = arith.addi %select_n3A_318, %add3A_372 : i32
      %add3A_374 = arith.constant 1 : i32
      %add3A_375 = arith.addi %select_n3A, %add3A_374 : i32
      %get3A_376 = arith.index_cast %add3A_373 : i32 to index
      %get3A_377 = arith.index_cast %add3A_375 : i32 to index
      %get3A_378 = arith.constant 1 : index
      %get3A_379 = tpu.vector_load %arg5[%get3A_376, %get3A_377, %get3A_378] {strides = array<i32>} : memref<4x10x288xf32, #tpu.memory_space<vmem>>, vector<1x1x16xf32>,
      %get3A_380 = vector.shape_cast %get3A_379 : vector<1x1x16xf32> to vector<16xf32>
      %sub3A_381 = arith.subf %get3A_329, %get3A_334 : vector<16xf32>
      %abs3A = math.absf %sub3A_381 : vector<16xf32>
      %sub3A_382 = arith.subf %get3A_341, %get3A_348 : vector<16xf32>
      %abs3A_383 = math.absf %sub3A_382 : vector<16xf32>
      %add3A_384 = arith.addf %abs3A, %abs3A_383 : vector<16xf32>
      %sub3A_385 = arith.subf %get3A_355, %get3A_362 : vector<16xf32>
      %abs3A_386 = math.absf %sub3A_385 : vector<16xf32>
      %add3A_387 = arith.addf %add3A_384, %abs3A_386 : vector<16xf32>
      %sub3A_388 = arith.subf %get3A_371, %get3A_380 : vector<16xf32>
      %abs3A_389 = math.absf %sub3A_388 : vector<16xf32>
      %add3A_390 = arith.addf %add3A_387, %abs3A_389 : vector<16xf32>
      %sub3A_391 = arith.subf %get3A_329, %get3A_341 : vector<16xf32>
      %abs3A_392 = math.absf %sub3A_391 : vector<16xf32>
      %add3A_393 = arith.addf %add3A_390, %abs3A_392 : vector<16xf32>
      %sub3A_394 = arith.subf %get3A_334, %get3A_348 : vector<16xf32>
      %abs3A_395 = math.absf %sub3A_394 : vector<16xf32>
      %add3A_396 = arith.addf %add3A_393, %abs3A_395 : vector<16xf32>
      %sub3A_397 = arith.subf %get3A_355, %get3A_371 : vector<16xf32>
      %abs3A_398 = math.absf %sub3A_397 : vector<16xf32>
      %add3A_399 = arith.addf %add3A_396, %abs3A_398 : vector<16xf32>
      %sub3A_400 = arith.subf %get3A_362, %get3A_380 : vector<16xf32>
      %abs3A_401 = math.absf %sub3A_400 : vector<16xf32>
      %add3A_402 = arith.addf %add3A_399, %abs3A_401 : vector<16xf32>
      %sub3A_403 = arith.subf %get3A_329, %get3A_355 : vector<16xf32>
      %abs3A_404 = math.absf %sub3A_403 : vector<16xf32>
      %add3A_405 = arith.addf %add3A_402, %abs3A_404 : vector<16xf32>
      %sub3A_406 = arith.subf %get3A_334, %get3A_362 : vector<16xf32>
      %abs3A_407 = math.absf %sub3A_406 : vector<16xf32>
      %add3A_408 = arith.addf %add3A_405, %abs3A_407 : vector<16xf32>
      %sub3A_409 = arith.subf %get3A_341, %get3A_371 : vector<16xf32>
      %abs3A_410 = math.absf %sub3A_409 : vector<16xf32>
      %add3A_411 = arith.addf %add3A_408, %abs3A_410 : vector<16xf32>
      %sub3A_412 = arith.subf %get3A_348, %get3A_380 : vector<16xf32>
      %abs3A_413 = math.absf %sub3A_412 : vector<16xf32>
      %add3A_414 = arith.addf %add3A_411, %abs3A_413 : vector<16xf32>
      %get3A_415 = arith.index_cast %select_n3A_318 : i32 to index
      %get3A_416 = arith.index_cast %select_n3A : i32 to index
      %get3A_417 = arith.constant 0 : index
      %get3A_418 = tpu.vector_load %arg6[%get3A_415, %get3A_416, %get3A_417] {strides = array<i32>} : memref<4x10x288xf32, #tpu.memory_space<vmem>>, vector<1x1x16xf32>,
      %get3A_419 = vector.shape_cast %get3A_418 : vector<1x1x16xf32> to vector<16xf32>
      %get3A_420 = arith.index_cast %select_n3A_318 : i32 to index
      %get3A_421 = arith.index_cast %select_n3A : i32 to index
      %get3A_422 = arith.constant 1 : index
      %get3A_423 = tpu.vector_load %arg6[%get3A_420, %get3A_421, %get3A_422] {strides = array<i32>} : memref<4x10x288xf32, #tpu.memory_space<vmem>>, vector<1x1x16xf32>,
      %get3A_424 = vector.shape_cast %get3A_423 : vector<1x1x16xf32> to vector<16xf32>
      %add3A_425 = arith.constant 1 : i32
      %add3A_426 = arith.addi %select_n3A, %add3A_425 : i32
      %get3A_427 = arith.index_cast %select_n3A_318 : i32 to index
      %get3A_428 = arith.index_cast %add3A_426 : i32 to index
      %get3A_429 = arith.constant 0 : index
      %get3A_430 = tpu.vector_load %arg6[%get3A_427, %get3A_428, %get3A_429] {strides = array<i32>} : memref<4x10x288xf32, #tpu.memory_space<vmem>>, vector<1x1x16xf32>,
      %get3A_431 = vector.shape_cast %get3A_430 : vector<1x1x16xf32> to vector<16xf32>
      %add3A_432 = arith.constant 1 : i32
      %add3A_433 = arith.addi %select_n3A, %add3A_432 : i32
      %get3A_434 = arith.index_cast %select_n3A_318 : i32 to index
      %get3A_435 = arith.index_cast %add3A_433 : i32 to index
      %get3A_436 = arith.constant 1 : index
      %get3A_437 = tpu.vector_load %arg6[%get3A_434, %get3A_435, %get3A_436] {strides = array<i32>} : memref<4x10x288xf32, #tpu.memory_space<vmem>>, vector<1x1x16xf32>,
      %get3A_438 = vector.shape_cast %get3A_437 : vector<1x1x16xf32> to vector<16xf32>
      %add3A_439 = arith.constant 1 : i32
      %add3A_440 = arith.addi %select_n3A_318, %add3A_439 : i32
      %get3A_441 = arith.index_cast %add3A_440 : i32 to index
      %get3A_442 = arith.index_cast %select_n3A : i32 to index
      %get3A_443 = arith.constant 0 : index
      %get3A_444 = tpu.vector_load %arg6[%get3A_441, %get3A_442, %get3A_443] {strides = array<i32>} : memref<4x10x288xf32, #tpu.memory_space<vmem>>, vector<1x1x16xf32>,
      %get3A_445 = vector.shape_cast %get3A_444 : vector<1x1x16xf32> to vector<16xf32>
      %add3A_446 = arith.constant 1 : i32
      %add3A_447 = arith.addi %select_n3A_318, %add3A_446 : i32
      %get3A_448 = arith.index_cast %add3A_447 : i32 to index
      %get3A_449 = arith.index_cast %select_n3A : i32 to index
      %get3A_450 = arith.constant 1 : index
      %get3A_451 = tpu.vector_load %arg6[%get3A_448, %get3A_449, %get3A_450] {strides = array<i32>} : memref<4x10x288xf32, #tpu.memory_space<vmem>>, vector<1x1x16xf32>,
      %get3A_452 = vector.shape_cast %get3A_451 : vector<1x1x16xf32> to vector<16xf32>
      %add3A_453 = arith.constant 1 : i32
      %add3A_454 = arith.addi %select_n3A_318, %add3A_453 : i32
      %add3A_455 = arith.constant 1 : i32
      %add3A_456 = arith.addi %select_n3A, %add3A_455 : i32
      %get3A_457 = arith.index_cast %add3A_454 : i32 to index
      %get3A_458 = arith.index_cast %add3A_456 : i32 to index
      %get3A_459 = arith.constant 0 : index
      %get3A_460 = tpu.vector_load %arg6[%get3A_457, %get3A_458, %get3A_459] {strides = array<i32>} : memref<4x10x288xf32, #tpu.memory_space<vmem>>, vector<1x1x16xf32>,
      %get3A_461 = vector.shape_cast %get3A_460 : vector<1x1x16xf32> to vector<16xf32>
      %add3A_462 = arith.constant 1 : i32
      %add3A_463 = arith.addi %select_n3A_318, %add3A_462 : i32
      %add3A_464 = arith.constant 1 : i32
      %add3A_465 = arith.addi %select_n3A, %add3A_464 : i32
      %get3A_466 = arith.index_cast %add3A_463 : i32 to index
      %get3A_467 = arith.index_cast %add3A_465 : i32 to index
      %get3A_468 = arith.constant 1 : index
      %get3A_469 = tpu.vector_load %arg6[%get3A_466, %get3A_467, %get3A_468] {strides = array<i32>} : memref<4x10x288xf32, #tpu.memory_space<vmem>>, vector<1x1x16xf32>,
      %get3A_470 = vector.shape_cast %get3A_469 : vector<1x1x16xf32> to vector<16xf32>
      %sub3A_471 = arith.subf %get3A_419, %get3A_424 : vector<16xf32>
      %abs3A_472 = math.absf %sub3A_471 : vector<16xf32>
      %sub3A_473 = arith.subf %get3A_431, %get3A_438 : vector<16xf32>
      %abs3A_474 = math.absf %sub3A_473 : vector<16xf32>
      %add3A_475 = arith.addf %abs3A_472, %abs3A_474 : vector<16xf32>
      %sub3A_476 = arith.subf %get3A_445, %get3A_452 : vector<16xf32>
      %abs3A_477 = math.absf %sub3A_476 : vector<16xf32>
      %add3A_478 = arith.addf %add3A_475, %abs3A_477 : vector<16xf32>
      %sub3A_479 = arith.subf %get3A_461, %get3A_470 : vector<16xf32>
      %abs3A_480 = math.absf %sub3A_479 : vector<16xf32>
      %add3A_481 = arith.addf %add3A_478, %abs3A_480 : vector<16xf32>
      %sub3A_482 = arith.subf %get3A_419, %get3A_431 : vector<16xf32>
      %abs3A_483 = math.absf %sub3A_482 : vector<16xf32>
      %add3A_484 = arith.addf %add3A_481, %abs3A_483 : vector<16xf32>
      %sub3A_485 = arith.subf %get3A_424, %get3A_438 : vector<16xf32>
      %abs3A_486 = math.absf %sub3A_485 : vector<16xf32>
      %add3A_487 = arith.addf %add3A_484, %abs3A_486 : vector<16xf32>
      %sub3A_488 = arith.subf %get3A_445, %get3A_461 : vector<16xf32>
      %abs3A_489 = math.absf %sub3A_488 : vector<16xf32>
      %add3A_490 = arith.addf %add3A_487, %abs3A_489 : vector<16xf32>
      %sub3A_491 = arith.subf %get3A_452, %get3A_470 : vector<16xf32>
      %abs3A_492 = math.absf %sub3A_491 : vector<16xf32>
      %add3A_493 = arith.addf %add3A_490, %abs3A_492 : vector<16xf32>
      %sub3A_494 = arith.subf %get3A_419, %get3A_445 : vector<16xf32>
      %abs3A_495 = math.absf %sub3A_494 : vector<16xf32>
      %add3A_496 = arith.addf %add3A_493, %abs3A_495 : vector<16xf32>
      %sub3A_497 = arith.subf %get3A_424, %get3A_452 : vector<16xf32>
      %abs3A_498 = math.absf %sub3A_497 : vector<16xf32>
      %add3A_499 = arith.addf %add3A_496, %abs3A_498 : vector<16xf32>
      %sub3A_500 = arith.subf %get3A_431, %get3A_461 : vector<16xf32>
      %abs3A_501 = math.absf %sub3A_500 : vector<16xf32>
      %add3A_502 = arith.addf %add3A_499, %abs3A_501 : vector<16xf32>
      %sub3A_503 = arith.subf %get3A_438, %get3A_470 : vector<16xf32>
      %abs3A_504 = math.absf %sub3A_503 : vector<16xf32>
      %add3A_505 = arith.addf %add3A_502, %abs3A_504 : vector<16xf32>
      %add3A_506 = arith.addf %add3A_414, %add3A_505 : vector<16xf32>
      %gt3A = arith.constant 0.000000e+00 : f32
      %gt3A_507 = vector.broadcast %gt3A : f32 to vector<16xf32>
      %gt3A_508 = arith.cmpf ogt, %add3A_414, %gt3A_507 : vector<16xf32>
      %gt3A_509 = arith.constant 0.000000e+00 : f32
      %gt3A_510 = vector.broadcast %gt3A_509 : f32 to vector<16xf32>
      %gt3A_511 = arith.cmpf ogt, %add3A_505, %gt3A_510 : vector<16xf32>
      %and3A_512 = arith.andi %gt3A_508, %gt3A_511 : vector<16xi1>
      %jit3A_513 = arith.constant 0.000000e+00 : f32
      %broadcast_in_dim3A_514 = vector.broadcast %jit3A_513 : f32 to vector<16xf32>
      %select_n3A_515 = arith.select %and3A_512, %add3A_506, %broadcast_in_dim3A_514 : vector<16xi1>, vector<16xf32>
      %mul3A_516 = vector.broadcast %select_n3A_325 : f32 to vector<16xf32>
      %mul3A_517 = arith.mulf %mul3A_516, %select_n3A_515 : vector<16xf32>
      %add3A_518 = arith.addf %scan3A_287, %mul3A_517 : vector<16xf32>
      %mul3A_519 = vector.broadcast %select_n3A_325 : f32 to vector<16xf32>
      %mul3A_520 = arith.mulf %mul3A_519, %add3A_506 : vector<16xf32>
      %add3A_521 = arith.addf %scan3A_288, %mul3A_520 : vector<16xf32>
      %get3A_522 = arith.index_cast %select_n3A_318 : i32 to index
      %get3A_523 = arith.index_cast %select_n3A : i32 to index
      %get3A_524 = arith.constant 16 : index
      %get3A_525 = tpu.vector_load %arg5[%get3A_522, %get3A_523, %get3A_524] {strides = array<i32>} : memref<4x10x288xf32, #tpu.memory_space<vmem>>, vector<1x1x16xf32>,
      %get3A_526 = vector.shape_cast %get3A_525 : vector<1x1x16xf32> to vector<16xf32>
      %get3A_527 = arith.index_cast %select_n3A_318 : i32 to index
      %get3A_528 = arith.index_cast %select_n3A : i32 to index
      %get3A_529 = arith.constant 17 : index
      %get3A_530 = tpu.vector_load %arg5[%get3A_527, %get3A_528, %get3A_529] {strides = array<i32>} : memref<4x10x288xf32, #tpu.memory_space<vmem>>, vector<1x1x16xf32>,
      %get3A_531 = vector.shape_cast %get3A_530 : vector<1x1x16xf32> to vector<16xf32>
      %add3A_532 = arith.constant 1 : i32
      %add3A_533 = arith.addi %select_n3A, %add3A_532 : i32
      %get3A_534 = arith.index_cast %select_n3A_318 : i32 to index
      %get3A_535 = arith.index_cast %add3A_533 : i32 to index
      %get3A_536 = arith.constant 16 : index
      %get3A_537 = tpu.vector_load %arg5[%get3A_534, %get3A_535, %get3A_536] {strides = array<i32>} : memref<4x10x288xf32, #tpu.memory_space<vmem>>, vector<1x1x16xf32>,
      %get3A_538 = vector.shape_cast %get3A_537 : vector<1x1x16xf32> to vector<16xf32>
      %add3A_539 = arith.constant 1 : i32
      %add3A_540 = arith.addi %select_n3A, %add3A_539 : i32
      %get3A_541 = arith.index_cast %select_n3A_318 : i32 to index
      %get3A_542 = arith.index_cast %add3A_540 : i32 to index
      %get3A_543 = arith.constant 17 : index
      %get3A_544 = tpu.vector_load %arg5[%get3A_541, %get3A_542, %get3A_543] {strides = array<i32>} : memref<4x10x288xf32, #tpu.memory_space<vmem>>, vector<1x1x16xf32>,
      %get3A_545 = vector.shape_cast %get3A_544 : vector<1x1x16xf32> to vector<16xf32>
      %add3A_546 = arith.constant 1 : i32
      %add3A_547 = arith.addi %select_n3A_318, %add3A_546 : i32
      %get3A_548 = arith.index_cast %add3A_547 : i32 to index
      %get3A_549 = arith.index_cast %select_n3A : i32 to index
      %get3A_550 = arith.constant 16 : index
      %get3A_551 = tpu.vector_load %arg5[%get3A_548, %get3A_549, %get3A_550] {strides = array<i32>} : memref<4x10x288xf32, #tpu.memory_space<vmem>>, vector<1x1x16xf32>,
      %get3A_552 = vector.shape_cast %get3A_551 : vector<1x1x16xf32> to vector<16xf32>
      %add3A_553 = arith.constant 1 : i32
      %add3A_554 = arith.addi %select_n3A_318, %add3A_553 : i32
      %get3A_555 = arith.index_cast %add3A_554 : i32 to index
      %get3A_556 = arith.index_cast %select_n3A : i32 to index
      %get3A_557 = arith.constant 17 : index
      %get3A_558 = tpu.vector_load %arg5[%get3A_555, %get3A_556, %get3A_557] {strides = array<i32>} : memref<4x10x288xf32, #tpu.memory_space<vmem>>, vector<1x1x16xf32>,
      %get3A_559 = vector.shape_cast %get3A_558 : vector<1x1x16xf32> to vector<16xf32>
      %add3A_560 = arith.constant 1 : i32
      %add3A_561 = arith.addi %select_n3A_318, %add3A_560 : i32
      %add3A_562 = arith.constant 1 : i32
      %add3A_563 = arith.addi %select_n3A, %add3A_562 : i32
      %get3A_564 = arith.index_cast %add3A_561 : i32 to index
      %get3A_565 = arith.index_cast %add3A_563 : i32 to index
      %get3A_566 = arith.constant 16 : index
      %get3A_567 = tpu.vector_load %arg5[%get3A_564, %get3A_565, %get3A_566] {strides = array<i32>} : memref<4x10x288xf32, #tpu.memory_space<vmem>>, vector<1x1x16xf32>,
      %get3A_568 = vector.shape_cast %get3A_567 : vector<1x1x16xf32> to vector<16xf32>
      %add3A_569 = arith.constant 1 : i32
      %add3A_570 = arith.addi %select_n3A_318, %add3A_569 : i32
      %add3A_571 = arith.constant 1 : i32
      %add3A_572 = arith.addi %select_n3A, %add3A_571 : i32
      %get3A_573 = arith.index_cast %add3A_570 : i32 to index
      %get3A_574 = arith.index_cast %add3A_572 : i32 to index
      %get3A_575 = arith.constant 17 : index
      %get3A_576 = tpu.vector_load %arg5[%get3A_573, %get3A_574, %get3A_575] {strides = array<i32>} : memref<4x10x288xf32, #tpu.memory_space<vmem>>, vector<1x1x16xf32>,
      %get3A_577 = vector.shape_cast %get3A_576 : vector<1x1x16xf32> to vector<16xf32>
      %sub3A_578 = arith.subf %get3A_526, %get3A_531 : vector<16xf32>
      %abs3A_579 = math.absf %sub3A_578 : vector<16xf32>
      %sub3A_580 = arith.subf %get3A_538, %get3A_545 : vector<16xf32>
      %abs3A_581 = math.absf %sub3A_580 : vector<16xf32>
      %add3A_582 = arith.addf %abs3A_579, %abs3A_581 : vector<16xf32>
      %sub3A_583 = arith.subf %get3A_552, %get3A_559 : vector<16xf32>
      %abs3A_584 = math.absf %sub3A_583 : vector<16xf32>
      %add3A_585 = arith.addf %add3A_582, %abs3A_584 : vector<16xf32>
      %sub3A_586 = arith.subf %get3A_568, %get3A_577 : vector<16xf32>
      %abs3A_587 = math.absf %sub3A_586 : vector<16xf32>
      %add3A_588 = arith.addf %add3A_585, %abs3A_587 : vector<16xf32>
      %sub3A_589 = arith.subf %get3A_526, %get3A_538 : vector<16xf32>
      %abs3A_590 = math.absf %sub3A_589 : vector<16xf32>
      %add3A_591 = arith.addf %add3A_588, %abs3A_590 : vector<16xf32>
      %sub3A_592 = arith.subf %get3A_531, %get3A_545 : vector<16xf32>
      %abs3A_593 = math.absf %sub3A_592 : vector<16xf32>
      %add3A_594 = arith.addf %add3A_591, %abs3A_593 : vector<16xf32>
      %sub3A_595 = arith.subf %get3A_552, %get3A_568 : vector<16xf32>
      %abs3A_596 = math.absf %sub3A_595 : vector<16xf32>
      %add3A_597 = arith.addf %add3A_594, %abs3A_596 : vector<16xf32>
      %sub3A_598 = arith.subf %get3A_559, %get3A_577 : vector<16xf32>
      %abs3A_599 = math.absf %sub3A_598 : vector<16xf32>
      %add3A_600 = arith.addf %add3A_597, %abs3A_599 : vector<16xf32>
      %sub3A_601 = arith.subf %get3A_526, %get3A_552 : vector<16xf32>
      %abs3A_602 = math.absf %sub3A_601 : vector<16xf32>
      %add3A_603 = arith.addf %add3A_600, %abs3A_602 : vector<16xf32>
      %sub3A_604 = arith.subf %get3A_531, %get3A_559 : vector<16xf32>
      %abs3A_605 = math.absf %sub3A_604 : vector<16xf32>
      %add3A_606 = arith.addf %add3A_603, %abs3A_605 : vector<16xf32>
      %sub3A_607 = arith.subf %get3A_538, %get3A_568 : vector<16xf32>
      %abs3A_608 = math.absf %sub3A_607 : vector<16xf32>
      %add3A_609 = arith.addf %add3A_606, %abs3A_608 : vector<16xf32>
      %sub3A_610 = arith.subf %get3A_545, %get3A_577 : vector<16xf32>
      %abs3A_611 = math.absf %sub3A_610 : vector<16xf32>
      %add3A_612 = arith.addf %add3A_609, %abs3A_611 : vector<16xf32>
      %get3A_613 = arith.index_cast %select_n3A_318 : i32 to index
      %get3A_614 = arith.index_cast %select_n3A : i32 to index
      %get3A_615 = arith.constant 16 : index
      %get3A_616 = tpu.vector_load %arg6[%get3A_613, %get3A_614, %get3A_615] {strides = array<i32>} : memref<4x10x288xf32, #tpu.memory_space<vmem>>, vector<1x1x16xf32>,
      %get3A_617 = vector.shape_cast %get3A_616 : vector<1x1x16xf32> to vector<16xf32>
      %get3A_618 = arith.index_cast %select_n3A_318 : i32 to index
      %get3A_619 = arith.index_cast %select_n3A : i32 to index
      %get3A_620 = arith.constant 17 : index
      %get3A_621 = tpu.vector_load %arg6[%get3A_618, %get3A_619, %get3A_620] {strides = array<i32>} : memref<4x10x288xf32, #tpu.memory_space<vmem>>, vector<1x1x16xf32>,
      %get3A_622 = vector.shape_cast %get3A_621 : vector<1x1x16xf32> to vector<16xf32>
      %add3A_623 = arith.constant 1 : i32
      %add3A_624 = arith.addi %select_n3A, %add3A_623 : i32
      %get3A_625 = arith.index_cast %select_n3A_318 : i32 to index
      %get3A_626 = arith.index_cast %add3A_624 : i32 to index
      %get3A_627 = arith.constant 16 : index
      %get3A_628 = tpu.vector_load %arg6[%get3A_625, %get3A_626, %get3A_627] {strides = array<i32>} : memref<4x10x288xf32, #tpu.memory_space<vmem>>, vector<1x1x16xf32>,
      %get3A_629 = vector.shape_cast %get3A_628 : vector<1x1x16xf32> to vector<16xf32>
      %add3A_630 = arith.constant 1 : i32
      %add3A_631 = arith.addi %select_n3A, %add3A_630 : i32
      %get3A_632 = arith.index_cast %select_n3A_318 : i32 to index
      %get3A_633 = arith.index_cast %add3A_631 : i32 to index
      %get3A_634 = arith.constant 17 : index
      %get3A_635 = tpu.vector_load %arg6[%get3A_632, %get3A_633, %get3A_634] {strides = array<i32>} : memref<4x10x288xf32, #tpu.memory_space<vmem>>, vector<1x1x16xf32>,
      %get3A_636 = vector.shape_cast %get3A_635 : vector<1x1x16xf32> to vector<16xf32>
      %add3A_637 = arith.constant 1 : i32
      %add3A_638 = arith.addi %select_n3A_318, %add3A_637 : i32
      %get3A_639 = arith.index_cast %add3A_638 : i32 to index
      %get3A_640 = arith.index_cast %select_n3A : i32 to index
      %get3A_641 = arith.constant 16 : index
      %get3A_642 = tpu.vector_load %arg6[%get3A_639, %get3A_640, %get3A_641] {strides = array<i32>} : memref<4x10x288xf32, #tpu.memory_space<vmem>>, vector<1x1x16xf32>,
      %get3A_643 = vector.shape_cast %get3A_642 : vector<1x1x16xf32> to vector<16xf32>
      %add3A_644 = arith.constant 1 : i32
      %add3A_645 = arith.addi %select_n3A_318, %add3A_644 : i32
      %get3A_646 = arith.index_cast %add3A_645 : i32 to index
      %get3A_647 = arith.index_cast %select_n3A : i32 to index
      %get3A_648 = arith.constant 17 : index
      %get3A_649 = tpu.vector_load %arg6[%get3A_646, %get3A_647, %get3A_648] {strides = array<i32>} : memref<4x10x288xf32, #tpu.memory_space<vmem>>, vector<1x1x16xf32>,
      %get3A_650 = vector.shape_cast %get3A_649 : vector<1x1x16xf32> to vector<16xf32>
      %add3A_651 = arith.constant 1 : i32
      %add3A_652 = arith.addi %select_n3A_318, %add3A_651 : i32
      %add3A_653 = arith.constant 1 : i32
      %add3A_654 = arith.addi %select_n3A, %add3A_653 : i32
      %get3A_655 = arith.index_cast %add3A_652 : i32 to index
      %get3A_656 = arith.index_cast %add3A_654 : i32 to index
      %get3A_657 = arith.constant 16 : index
      %get3A_658 = tpu.vector_load %arg6[%get3A_655, %get3A_656, %get3A_657] {strides = array<i32>} : memref<4x10x288xf32, #tpu.memory_space<vmem>>, vector<1x1x16xf32>,
      %get3A_659 = vector.shape_cast %get3A_658 : vector<1x1x16xf32> to vector<16xf32>
      %add3A_660 = arith.constant 1 : i32
      %add3A_661 = arith.addi %select_n3A_318, %add3A_660 : i32
      %add3A_662 = arith.constant 1 : i32
      %add3A_663 = arith.addi %select_n3A, %add3A_662 : i32
      %get3A_664 = arith.index_cast %add3A_661 : i32 to index
      %get3A_665 = arith.index_cast %add3A_663 : i32 to index
      %get3A_666 = arith.constant 17 : index
      %get3A_667 = tpu.vector_load %arg6[%get3A_664, %get3A_665, %get3A_666] {strides = array<i32>} : memref<4x10x288xf32, #tpu.memory_space<vmem>>, vector<1x1x16xf32>,
      %get3A_668 = vector.shape_cast %get3A_667 : vector<1x1x16xf32> to vector<16xf32>
      %sub3A_669 = arith.subf %get3A_617, %get3A_622 : vector<16xf32>
      %abs3A_670 = math.absf %sub3A_669 : vector<16xf32>
      %sub3A_671 = arith.subf %get3A_629, %get3A_636 : vector<16xf32>
      %abs3A_672 = math.absf %sub3A_671 : vector<16xf32>
      %add3A_673 = arith.addf %abs3A_670, %abs3A_672 : vector<16xf32>
      %sub3A_674 = arith.subf %get3A_643, %get3A_650 : vector<16xf32>
      %abs3A_675 = math.absf %sub3A_674 : vector<16xf32>
      %add3A_676 = arith.addf %add3A_673, %abs3A_675 : vector<16xf32>
      %sub3A_677 = arith.subf %get3A_659, %get3A_668 : vector<16xf32>
      %abs3A_678 = math.absf %sub3A_677 : vector<16xf32>
      %add3A_679 = arith.addf %add3A_676, %abs3A_678 : vector<16xf32>
      %sub3A_680 = arith.subf %get3A_617, %get3A_629 : vector<16xf32>
      %abs3A_681 = math.absf %sub3A_680 : vector<16xf32>
      %add3A_682 = arith.addf %add3A_679, %abs3A_681 : vector<16xf32>
      %sub3A_683 = arith.subf %get3A_622, %get3A_636 : vector<16xf32>
      %abs3A_684 = math.absf %sub3A_683 : vector<16xf32>
      %add3A_685 = arith.addf %add3A_682, %abs3A_684 : vector<16xf32>
      %sub3A_686 = arith.subf %get3A_643, %get3A_659 : vector<16xf32>
      %abs3A_687 = math.absf %sub3A_686 : vector<16xf32>
      %add3A_688 = arith.addf %add3A_685, %abs3A_687 : vector<16xf32>
      %sub3A_689 = arith.subf %get3A_650, %get3A_668 : vector<16xf32>
      %abs3A_690 = math.absf %sub3A_689 : vector<16xf32>
      %add3A_691 = arith.addf %add3A_688, %abs3A_690 : vector<16xf32>
      %sub3A_692 = arith.subf %get3A_617, %get3A_643 : vector<16xf32>
      %abs3A_693 = math.absf %sub3A_692 : vector<16xf32>
      %add3A_694 = arith.addf %add3A_691, %abs3A_693 : vector<16xf32>
      %sub3A_695 = arith.subf %get3A_622, %get3A_650 : vector<16xf32>
      %abs3A_696 = math.absf %sub3A_695 : vector<16xf32>
      %add3A_697 = arith.addf %add3A_694, %abs3A_696 : vector<16xf32>
      %sub3A_698 = arith.subf %get3A_629, %get3A_659 : vector<16xf32>
      %abs3A_699 = math.absf %sub3A_698 : vector<16xf32>
      %add3A_700 = arith.addf %add3A_697, %abs3A_699 : vector<16xf32>
      %sub3A_701 = arith.subf %get3A_636, %get3A_668 : vector<16xf32>
      %abs3A_702 = math.absf %sub3A_701 : vector<16xf32>
      %add3A_703 = arith.addf %add3A_700, %abs3A_702 : vector<16xf32>
      %add3A_704 = arith.addf %add3A_612, %add3A_703 : vector<16xf32>
      %gt3A_705 = arith.constant 0.000000e+00 : f32
      %gt3A_706 = vector.broadcast %gt3A_705 : f32 to vector<16xf32>
      %gt3A_707 = arith.cmpf ogt, %add3A_612, %gt3A_706 : vector<16xf32>
      %gt3A_708 = arith.constant 0.000000e+00 : f32
      %gt3A_709 = vector.broadcast %gt3A_708 : f32 to vector<16xf32>
      %gt3A_710 = arith.cmpf ogt, %add3A_703, %gt3A_709 : vector<16xf32>
      %and3A_711 = arith.andi %gt3A_707, %gt3A_710 : vector<16xi1>
      %jit3A_712 = arith.constant 0.000000e+00 : f32
      %broadcast_in_dim3A_713 = vector.broadcast %jit3A_712 : f32 to vector<16xf32>
      %select_n3A_714 = arith.select %and3A_711, %add3A_704, %broadcast_in_dim3A_713 : vector<16xi1>, vector<16xf32>
      %mul3A_715 = vector.broadcast %select_n3A_325 : f32 to vector<16xf32>
      %mul3A_716 = arith.mulf %mul3A_715, %select_n3A_714 : vector<16xf32>
      %add3A_717 = arith.addf %add3A_518, %mul3A_716 : vector<16xf32>
      %mul3A_718 = vector.broadcast %select_n3A_325 : f32 to vector<16xf32>
      %mul3A_719 = arith.mulf %mul3A_718, %add3A_704 : vector<16xf32>
      %add3A_720 = arith.addf %add3A_521, %mul3A_719 : vector<16xf32>
      %get3A_721 = arith.index_cast %select_n3A_318 : i32 to index
      %get3A_722 = arith.index_cast %select_n3A : i32 to index
      %get3A_723 = arith.constant 32 : index
      %get3A_724 = tpu.vector_load %arg5[%get3A_721, %get3A_722, %get3A_723] {strides = array<i32>} : memref<4x10x288xf32, #tpu.memory_space<vmem>>, vector<1x1x16xf32>,
      %get3A_725 = vector.shape_cast %get3A_724 : vector<1x1x16xf32> to vector<16xf32>
      %get3A_726 = arith.index_cast %select_n3A_318 : i32 to index
      %get3A_727 = arith.index_cast %select_n3A : i32 to index
      %get3A_728 = arith.constant 33 : index
      %get3A_729 = tpu.vector_load %arg5[%get3A_726, %get3A_727, %get3A_728] {strides = array<i32>} : memref<4x10x288xf32, #tpu.memory_space<vmem>>, vector<1x1x16xf32>,
      %get3A_730 = vector.shape_cast %get3A_729 : vector<1x1x16xf32> to vector<16xf32>
      %add3A_731 = arith.constant 1 : i32
      %add3A_732 = arith.addi %select_n3A, %add3A_731 : i32
      %get3A_733 = arith.index_cast %select_n3A_318 : i32 to index
      %get3A_734 = arith.index_cast %add3A_732 : i32 to index
      %get3A_735 = arith.constant 32 : index
      %get3A_736 = tpu.vector_load %arg5[%get3A_733, %get3A_734, %get3A_735] {strides = array<i32>} : memref<4x10x288xf32, #tpu.memory_space<vmem>>, vector<1x1x16xf32>,
      %get3A_737 = vector.shape_cast %get3A_736 : vector<1x1x16xf32> to vector<16xf32>
      %add3A_738 = arith.constant 1 : i32
      %add3A_739 = arith.addi %select_n3A, %add3A_738 : i32
      %get3A_740 = arith.index_cast %select_n3A_318 : i32 to index
      %get3A_741 = arith.index_cast %add3A_739 : i32 to index
      %get3A_742 = arith.constant 33 : index
      %get3A_743 = tpu.vector_load %arg5[%get3A_740, %get3A_741, %get3A_742] {strides = array<i32>} : memref<4x10x288xf32, #tpu.memory_space<vmem>>, vector<1x1x16xf32>,
      %get3A_744 = vector.shape_cast %get3A_743 : vector<1x1x16xf32> to vector<16xf32>
      %add3A_745 = arith.constant 1 : i32
      %add3A_746 = arith.addi %select_n3A_318, %add3A_745 : i32
      %get3A_747 = arith.index_cast %add3A_746 : i32 to index
      %get3A_748 = arith.index_cast %select_n3A : i32 to index
      %get3A_749 = arith.constant 32 : index
      %get3A_750 = tpu.vector_load %arg5[%get3A_747, %get3A_748, %get3A_749] {strides = array<i32>} : memref<4x10x288xf32, #tpu.memory_space<vmem>>, vector<1x1x16xf32>,
      %get3A_751 = vector.shape_cast %get3A_750 : vector<1x1x16xf32> to vector<16xf32>
      %add3A_752 = arith.constant 1 : i32
      %add3A_753 = arith.addi %select_n3A_318, %add3A_752 : i32
      %get3A_754 = arith.index_cast %add3A_753 : i32 to index
      %get3A_755 = arith.index_cast %select_n3A : i32 to index
      %get3A_756 = arith.constant 33 : index
      %get3A_757 = tpu.vector_load %arg5[%get3A_754, %get3A_755, %get3A_756] {strides = array<i32>} : memref<4x10x288xf32, #tpu.memory_space<vmem>>, vector<1x1x16xf32>,
      %get3A_758 = vector.shape_cast %get3A_757 : vector<1x1x16xf32> to vector<16xf32>
      %add3A_759 = arith.constant 1 : i32
      %add3A_760 = arith.addi %select_n3A_318, %add3A_759 : i32
      %add3A_761 = arith.constant 1 : i32
      %add3A_762 = arith.addi %select_n3A, %add3A_761 : i32
      %get3A_763 = arith.index_cast %add3A_760 : i32 to index
      %get3A_764 = arith.index_cast %add3A_762 : i32 to index
      %get3A_765 = arith.constant 32 : index
      %get3A_766 = tpu.vector_load %arg5[%get3A_763, %get3A_764, %get3A_765] {strides = array<i32>} : memref<4x10x288xf32, #tpu.memory_space<vmem>>, vector<1x1x16xf32>,
      %get3A_767 = vector.shape_cast %get3A_766 : vector<1x1x16xf32> to vector<16xf32>
      %add3A_768 = arith.constant 1 : i32
      %add3A_769 = arith.addi %select_n3A_318, %add3A_768 : i32
      %add3A_770 = arith.constant 1 : i32
      %add3A_771 = arith.addi %select_n3A, %add3A_770 : i32
      %get3A_772 = arith.index_cast %add3A_769 : i32 to index
      %get3A_773 = arith.index_cast %add3A_771 : i32 to index
      %get3A_774 = arith.constant 33 : index
      %get3A_775 = tpu.vector_load %arg5[%get3A_772, %get3A_773, %get3A_774] {strides = array<i32>} : memref<4x10x288xf32, #tpu.memory_space<vmem>>, vector<1x1x16xf32>,
      %get3A_776 = vector.shape_cast %get3A_775 : vector<1x1x16xf32> to vector<16xf32>
      %sub3A_777 = arith.subf %get3A_725, %get3A_730 : vector<16xf32>
      %abs3A_778 = math.absf %sub3A_777 : vector<16xf32>
      %sub3A_779 = arith.subf %get3A_737, %get3A_744 : vector<16xf32>
      %abs3A_780 = math.absf %sub3A_779 : vector<16xf32>
      %add3A_781 = arith.addf %abs3A_778, %abs3A_780 : vector<16xf32>
      %sub3A_782 = arith.subf %get3A_751, %get3A_758 : vector<16xf32>
      %abs3A_783 = math.absf %sub3A_782 : vector<16xf32>
      %add3A_784 = arith.addf %add3A_781, %abs3A_783 : vector<16xf32>
      %sub3A_785 = arith.subf %get3A_767, %get3A_776 : vector<16xf32>
      %abs3A_786 = math.absf %sub3A_785 : vector<16xf32>
      %add3A_787 = arith.addf %add3A_784, %abs3A_786 : vector<16xf32>
      %sub3A_788 = arith.subf %get3A_725, %get3A_737 : vector<16xf32>
      %abs3A_789 = math.absf %sub3A_788 : vector<16xf32>
      %add3A_790 = arith.addf %add3A_787, %abs3A_789 : vector<16xf32>
      %sub3A_791 = arith.subf %get3A_730, %get3A_744 : vector<16xf32>
      %abs3A_792 = math.absf %sub3A_791 : vector<16xf32>
      %add3A_793 = arith.addf %add3A_790, %abs3A_792 : vector<16xf32>
      %sub3A_794 = arith.subf %get3A_751, %get3A_767 : vector<16xf32>
      %abs3A_795 = math.absf %sub3A_794 : vector<16xf32>
      %add3A_796 = arith.addf %add3A_793, %abs3A_795 : vector<16xf32>
      %sub3A_797 = arith.subf %get3A_758, %get3A_776 : vector<16xf32>
      %abs3A_798 = math.absf %sub3A_797 : vector<16xf32>
      %add3A_799 = arith.addf %add3A_796, %abs3A_798 : vector<16xf32>
      %sub3A_800 = arith.subf %get3A_725, %get3A_751 : vector<16xf32>
      %abs3A_801 = math.absf %sub3A_800 : vector<16xf32>
      %add3A_802 = arith.addf %add3A_799, %abs3A_801 : vector<16xf32>
      %sub3A_803 = arith.subf %get3A_730, %get3A_758 : vector<16xf32>
      %abs3A_804 = math.absf %sub3A_803 : vector<16xf32>
      %add3A_805 = arith.addf %add3A_802, %abs3A_804 : vector<16xf32>
      %sub3A_806 = arith.subf %get3A_737, %get3A_767 : vector<16xf32>
      %abs3A_807 = math.absf %sub3A_806 : vector<16xf32>
      %add3A_808 = arith.addf %add3A_805, %abs3A_807 : vector<16xf32>
      %sub3A_809 = arith.subf %get3A_744, %get3A_776 : vector<16xf32>
      %abs3A_810 = math.absf %sub3A_809 : vector<16xf32>
      %add3A_811 = arith.addf %add3A_808, %abs3A_810 : vector<16xf32>
      %get3A_812 = arith.index_cast %select_n3A_318 : i32 to index
      %get3A_813 = arith.index_cast %select_n3A : i32 to index
      %get3A_814 = arith.constant 32 : index
      %get3A_815 = tpu.vector_load %arg6[%get3A_812, %get3A_813, %get3A_814] {strides = array<i32>} : memref<4x10x288xf32, #tpu.memory_space<vmem>>, vector<1x1x16xf32>,
      %get3A_816 = vector.shape_cast %get3A_815 : vector<1x1x16xf32> to vector<16xf32>
      %get3A_817 = arith.index_cast %select_n3A_318 : i32 to index
      %get3A_818 = arith.index_cast %select_n3A : i32 to index
      %get3A_819 = arith.constant 33 : index
      %get3A_820 = tpu.vector_load %arg6[%get3A_817, %get3A_818, %get3A_819] {strides = array<i32>} : memref<4x10x288xf32, #tpu.memory_space<vmem>>, vector<1x1x16xf32>,
      %get3A_821 = vector.shape_cast %get3A_820 : vector<1x1x16xf32> to vector<16xf32>
      %add3A_822 = arith.constant 1 : i32
      %add3A_823 = arith.addi %select_n3A, %add3A_822 : i32
      %get3A_824 = arith.index_cast %select_n3A_318 : i32 to index
      %get3A_825 = arith.index_cast %add3A_823 : i32 to index
      %get3A_826 = arith.constant 32 : index
      %get3A_827 = tpu.vector_load %arg6[%get3A_824, %get3A_825, %get3A_826] {strides = array<i32>} : memref<4x10x288xf32, #tpu.memory_space<vmem>>, vector<1x1x16xf32>,
      %get3A_828 = vector.shape_cast %get3A_827 : vector<1x1x16xf32> to vector<16xf32>
      %add3A_829 = arith.constant 1 : i32
      %add3A_830 = arith.addi %select_n3A, %add3A_829 : i32
      %get3A_831 = arith.index_cast %select_n3A_318 : i32 to index
      %get3A_832 = arith.index_cast %add3A_830 : i32 to index
      %get3A_833 = arith.constant 33 : index
      %get3A_834 = tpu.vector_load %arg6[%get3A_831, %get3A_832, %get3A_833] {strides = array<i32>} : memref<4x10x288xf32, #tpu.memory_space<vmem>>, vector<1x1x16xf32>,
      %get3A_835 = vector.shape_cast %get3A_834 : vector<1x1x16xf32> to vector<16xf32>
      %add3A_836 = arith.constant 1 : i32
      %add3A_837 = arith.addi %select_n3A_318, %add3A_836 : i32
      %get3A_838 = arith.index_cast %add3A_837 : i32 to index
      %get3A_839 = arith.index_cast %select_n3A : i32 to index
      %get3A_840 = arith.constant 32 : index
      %get3A_841 = tpu.vector_load %arg6[%get3A_838, %get3A_839, %get3A_840] {strides = array<i32>} : memref<4x10x288xf32, #tpu.memory_space<vmem>>, vector<1x1x16xf32>,
      %get3A_842 = vector.shape_cast %get3A_841 : vector<1x1x16xf32> to vector<16xf32>
      %add3A_843 = arith.constant 1 : i32
      %add3A_844 = arith.addi %select_n3A_318, %add3A_843 : i32
      %get3A_845 = arith.index_cast %add3A_844 : i32 to index
      %get3A_846 = arith.index_cast %select_n3A : i32 to index
      %get3A_847 = arith.constant 33 : index
      %get3A_848 = tpu.vector_load %arg6[%get3A_845, %get3A_846, %get3A_847] {strides = array<i32>} : memref<4x10x288xf32, #tpu.memory_space<vmem>>, vector<1x1x16xf32>,
      %get3A_849 = vector.shape_cast %get3A_848 : vector<1x1x16xf32> to vector<16xf32>
      %add3A_850 = arith.constant 1 : i32
      %add3A_851 = arith.addi %select_n3A_318, %add3A_850 : i32
      %add3A_852 = arith.constant 1 : i32
      %add3A_853 = arith.addi %select_n3A, %add3A_852 : i32
      %get3A_854 = arith.index_cast %add3A_851 : i32 to index
      %get3A_855 = arith.index_cast %add3A_853 : i32 to index
      %get3A_856 = arith.constant 32 : index
      %get3A_857 = tpu.vector_load %arg6[%get3A_854, %get3A_855, %get3A_856] {strides = array<i32>} : memref<4x10x288xf32, #tpu.memory_space<vmem>>, vector<1x1x16xf32>,
      %get3A_858 = vector.shape_cast %get3A_857 : vector<1x1x16xf32> to vector<16xf32>
      %add3A_859 = arith.constant 1 : i32
      %add3A_860 = arith.addi %select_n3A_318, %add3A_859 : i32
      %add3A_861 = arith.constant 1 : i32
      %add3A_862 = arith.addi %select_n3A, %add3A_861 : i32
      %get3A_863 = arith.index_cast %add3A_860 : i32 to index
      %get3A_864 = arith.index_cast %add3A_862 : i32 to index
      %get3A_865 = arith.constant 33 : index
      %get3A_866 = tpu.vector_load %arg6[%get3A_863, %get3A_864, %get3A_865] {strides = array<i32>} : memref<4x10x288xf32, #tpu.memory_space<vmem>>, vector<1x1x16xf32>,
      %get3A_867 = vector.shape_cast %get3A_866 : vector<1x1x16xf32> to vector<16xf32>
      %sub3A_868 = arith.subf %get3A_816, %get3A_821 : vector<16xf32>
      %abs3A_869 = math.absf %sub3A_868 : vector<16xf32>
      %sub3A_870 = arith.subf %get3A_828, %get3A_835 : vector<16xf32>
      %abs3A_871 = math.absf %sub3A_870 : vector<16xf32>
      %add3A_872 = arith.addf %abs3A_869, %abs3A_871 : vector<16xf32>
      %sub3A_873 = arith.subf %get3A_842, %get3A_849 : vector<16xf32>
      %abs3A_874 = math.absf %sub3A_873 : vector<16xf32>
      %add3A_875 = arith.addf %add3A_872, %abs3A_874 : vector<16xf32>
      %sub3A_876 = arith.subf %get3A_858, %get3A_867 : vector<16xf32>
      %abs3A_877 = math.absf %sub3A_876 : vector<16xf32>
      %add3A_878 = arith.addf %add3A_875, %abs3A_877 : vector<16xf32>
      %sub3A_879 = arith.subf %get3A_816, %get3A_828 : vector<16xf32>
      %abs3A_880 = math.absf %sub3A_879 : vector<16xf32>
      %add3A_881 = arith.addf %add3A_878, %abs3A_880 : vector<16xf32>
      %sub3A_882 = arith.subf %get3A_821, %get3A_835 : vector<16xf32>
      %abs3A_883 = math.absf %sub3A_882 : vector<16xf32>
      %add3A_884 = arith.addf %add3A_881, %abs3A_883 : vector<16xf32>
      %sub3A_885 = arith.subf %get3A_842, %get3A_858 : vector<16xf32>
      %abs3A_886 = math.absf %sub3A_885 : vector<16xf32>
      %add3A_887 = arith.addf %add3A_884, %abs3A_886 : vector<16xf32>
      %sub3A_888 = arith.subf %get3A_849, %get3A_867 : vector<16xf32>
      %abs3A_889 = math.absf %sub3A_888 : vector<16xf32>
      %add3A_890 = arith.addf %add3A_887, %abs3A_889 : vector<16xf32>
      %sub3A_891 = arith.subf %get3A_816, %get3A_842 : vector<16xf32>
      %abs3A_892 = math.absf %sub3A_891 : vector<16xf32>
      %add3A_893 = arith.addf %add3A_890, %abs3A_892 : vector<16xf32>
      %sub3A_894 = arith.subf %get3A_821, %get3A_849 : vector<16xf32>
      %abs3A_895 = math.absf %sub3A_894 : vector<16xf32>
      %add3A_896 = arith.addf %add3A_893, %abs3A_895 : vector<16xf32>
      %sub3A_897 = arith.subf %get3A_828, %get3A_858 : vector<16xf32>
      %abs3A_898 = math.absf %sub3A_897 : vector<16xf32>
      %add3A_899 = arith.addf %add3A_896, %abs3A_898 : vector<16xf32>
      %sub3A_900 = arith.subf %get3A_835, %get3A_867 : vector<16xf32>
      %abs3A_901 = math.absf %sub3A_900 : vector<16xf32>
      %add3A_902 = arith.addf %add3A_899, %abs3A_901 : vector<16xf32>
      %add3A_903 = arith.addf %add3A_811, %add3A_902 : vector<16xf32>
      %gt3A_904 = arith.constant 0.000000e+00 : f32
      %gt3A_905 = vector.broadcast %gt3A_904 : f32 to vector<16xf32>
      %gt3A_906 = arith.cmpf ogt, %add3A_811, %gt3A_905 : vector<16xf32>
      %gt3A_907 = arith.constant 0.000000e+00 : f32
      %gt3A_908 = vector.broadcast %gt3A_907 : f32 to vector<16xf32>
      %gt3A_909 = arith.cmpf ogt, %add3A_902, %gt3A_908 : vector<16xf32>
      %and3A_910 = arith.andi %gt3A_906, %gt3A_909 : vector<16xi1>
      %jit3A_911 = arith.constant 0.000000e+00 : f32
      %broadcast_in_dim3A_912 = vector.broadcast %jit3A_911 : f32 to vector<16xf32>
      %select_n3A_913 = arith.select %and3A_910, %add3A_903, %broadcast_in_dim3A_912 : vector<16xi1>, vector<16xf32>
      %mul3A_914 = vector.broadcast %select_n3A_325 : f32 to vector<16xf32>
      %mul3A_915 = arith.mulf %mul3A_914, %select_n3A_913 : vector<16xf32>
      %add3A_916 = arith.addf %add3A_717, %mul3A_915 : vector<16xf32>
      %mul3A_917 = vector.broadcast %select_n3A_325 : f32 to vector<16xf32>
      %mul3A_918 = arith.mulf %mul3A_917, %add3A_903 : vector<16xf32>
      %add3A_919 = arith.addf %add3A_720, %mul3A_918 : vector<16xf32>
      %get3A_920 = arith.index_cast %select_n3A_318 : i32 to index
      %get3A_921 = arith.index_cast %select_n3A : i32 to index
      %get3A_922 = arith.constant 48 : index
      %get3A_923 = tpu.vector_load %arg5[%get3A_920, %get3A_921, %get3A_922] {strides = array<i32>} : memref<4x10x288xf32, #tpu.memory_space<vmem>>, vector<1x1x16xf32>,
      %get3A_924 = vector.shape_cast %get3A_923 : vector<1x1x16xf32> to vector<16xf32>
      %get3A_925 = arith.index_cast %select_n3A_318 : i32 to index
      %get3A_926 = arith.index_cast %select_n3A : i32 to index
      %get3A_927 = arith.constant 49 : index
      %get3A_928 = tpu.vector_load %arg5[%get3A_925, %get3A_926, %get3A_927] {strides = array<i32>} : memref<4x10x288xf32, #tpu.memory_space<vmem>>, vector<1x1x16xf32>,
      %get3A_929 = vector.shape_cast %get3A_928 : vector<1x1x16xf32> to vector<16xf32>
      %add3A_930 = arith.constant 1 : i32
      %add3A_931 = arith.addi %select_n3A, %add3A_930 : i32
      %get3A_932 = arith.index_cast %select_n3A_318 : i32 to index
      %get3A_933 = arith.index_cast %add3A_931 : i32 to index
      %get3A_934 = arith.constant 48 : index
      %get3A_935 = tpu.vector_load %arg5[%get3A_932, %get3A_933, %get3A_934] {strides = array<i32>} : memref<4x10x288xf32, #tpu.memory_space<vmem>>, vector<1x1x16xf32>,
      %get3A_936 = vector.shape_cast %get3A_935 : vector<1x1x16xf32> to vector<16xf32>
      %add3A_937 = arith.constant 1 : i32
      %add3A_938 = arith.addi %select_n3A, %add3A_937 : i32
      %get3A_939 = arith.index_cast %select_n3A_318 : i32 to index
      %get3A_940 = arith.index_cast %add3A_938 : i32 to index
      %get3A_941 = arith.constant 49 : index
      %get3A_942 = tpu.vector_load %arg5[%get3A_939, %get3A_940, %get3A_941] {strides = array<i32>} : memref<4x10x288xf32, #tpu.memory_space<vmem>>, vector<1x1x16xf32>,
      %get3A_943 = vector.shape_cast %get3A_942 : vector<1x1x16xf32> to vector<16xf32>
      %add3A_944 = arith.constant 1 : i32
      %add3A_945 = arith.addi %select_n3A_318, %add3A_944 : i32
      %get3A_946 = arith.index_cast %add3A_945 : i32 to index
      %get3A_947 = arith.index_cast %select_n3A : i32 to index
      %get3A_948 = arith.constant 48 : index
      %get3A_949 = tpu.vector_load %arg5[%get3A_946, %get3A_947, %get3A_948] {strides = array<i32>} : memref<4x10x288xf32, #tpu.memory_space<vmem>>, vector<1x1x16xf32>,
      %get3A_950 = vector.shape_cast %get3A_949 : vector<1x1x16xf32> to vector<16xf32>
      %add3A_951 = arith.constant 1 : i32
      %add3A_952 = arith.addi %select_n3A_318, %add3A_951 : i32
      %get3A_953 = arith.index_cast %add3A_952 : i32 to index
      %get3A_954 = arith.index_cast %select_n3A : i32 to index
      %get3A_955 = arith.constant 49 : index
      %get3A_956 = tpu.vector_load %arg5[%get3A_953, %get3A_954, %get3A_955] {strides = array<i32>} : memref<4x10x288xf32, #tpu.memory_space<vmem>>, vector<1x1x16xf32>,
      %get3A_957 = vector.shape_cast %get3A_956 : vector<1x1x16xf32> to vector<16xf32>
      %add3A_958 = arith.constant 1 : i32
      %add3A_959 = arith.addi %select_n3A_318, %add3A_958 : i32
      %add3A_960 = arith.constant 1 : i32
      %add3A_961 = arith.addi %select_n3A, %add3A_960 : i32
      %get3A_962 = arith.index_cast %add3A_959 : i32 to index
      %get3A_963 = arith.index_cast %add3A_961 : i32 to index
      %get3A_964 = arith.constant 48 : index
      %get3A_965 = tpu.vector_load %arg5[%get3A_962, %get3A_963, %get3A_964] {strides = array<i32>} : memref<4x10x288xf32, #tpu.memory_space<vmem>>, vector<1x1x16xf32>,
      %get3A_966 = vector.shape_cast %get3A_965 : vector<1x1x16xf32> to vector<16xf32>
      %add3A_967 = arith.constant 1 : i32
      %add3A_968 = arith.addi %select_n3A_318, %add3A_967 : i32
      %add3A_969 = arith.constant 1 : i32
      %add3A_970 = arith.addi %select_n3A, %add3A_969 : i32
      %get3A_971 = arith.index_cast %add3A_968 : i32 to index
      %get3A_972 = arith.index_cast %add3A_970 : i32 to index
      %get3A_973 = arith.constant 49 : index
      %get3A_974 = tpu.vector_load %arg5[%get3A_971, %get3A_972, %get3A_973] {strides = array<i32>} : memref<4x10x288xf32, #tpu.memory_space<vmem>>, vector<1x1x16xf32>,
      %get3A_975 = vector.shape_cast %get3A_974 : vector<1x1x16xf32> to vector<16xf32>
      %sub3A_976 = arith.subf %get3A_924, %get3A_929 : vector<16xf32>
      %abs3A_977 = math.absf %sub3A_976 : vector<16xf32>
      %sub3A_978 = arith.subf %get3A_936, %get3A_943 : vector<16xf32>
      %abs3A_979 = math.absf %sub3A_978 : vector<16xf32>
      %add3A_980 = arith.addf %abs3A_977, %abs3A_979 : vector<16xf32>
      %sub3A_981 = arith.subf %get3A_950, %get3A_957 : vector<16xf32>
      %abs3A_982 = math.absf %sub3A_981 : vector<16xf32>
      %add3A_983 = arith.addf %add3A_980, %abs3A_982 : vector<16xf32>
      %sub3A_984 = arith.subf %get3A_966, %get3A_975 : vector<16xf32>
      %abs3A_985 = math.absf %sub3A_984 : vector<16xf32>
      %add3A_986 = arith.addf %add3A_983, %abs3A_985 : vector<16xf32>
      %sub3A_987 = arith.subf %get3A_924, %get3A_936 : vector<16xf32>
      %abs3A_988 = math.absf %sub3A_987 : vector<16xf32>
      %add3A_989 = arith.addf %add3A_986, %abs3A_988 : vector<16xf32>
      %sub3A_990 = arith.subf %get3A_929, %get3A_943 : vector<16xf32>
      %abs3A_991 = math.absf %sub3A_990 : vector<16xf32>
      %add3A_992 = arith.addf %add3A_989, %abs3A_991 : vector<16xf32>
      %sub3A_993 = arith.subf %get3A_950, %get3A_966 : vector<16xf32>
      %abs3A_994 = math.absf %sub3A_993 : vector<16xf32>
      %add3A_995 = arith.addf %add3A_992, %abs3A_994 : vector<16xf32>
      %sub3A_996 = arith.subf %get3A_957, %get3A_975 : vector<16xf32>
      %abs3A_997 = math.absf %sub3A_996 : vector<16xf32>
      %add3A_998 = arith.addf %add3A_995, %abs3A_997 : vector<16xf32>
      %sub3A_999 = arith.subf %get3A_924, %get3A_950 : vector<16xf32>
      %abs3A_1000 = math.absf %sub3A_999 : vector<16xf32>
      %add3A_1001 = arith.addf %add3A_998, %abs3A_1000 : vector<16xf32>
      %sub3A_1002 = arith.subf %get3A_929, %get3A_957 : vector<16xf32>
      %abs3A_1003 = math.absf %sub3A_1002 : vector<16xf32>
      %add3A_1004 = arith.addf %add3A_1001, %abs3A_1003 : vector<16xf32>
      %sub3A_1005 = arith.subf %get3A_936, %get3A_966 : vector<16xf32>
      %abs3A_1006 = math.absf %sub3A_1005 : vector<16xf32>
      %add3A_1007 = arith.addf %add3A_1004, %abs3A_1006 : vector<16xf32>
      %sub3A_1008 = arith.subf %get3A_943, %get3A_975 : vector<16xf32>
      %abs3A_1009 = math.absf %sub3A_1008 : vector<16xf32>
      %add3A_1010 = arith.addf %add3A_1007, %abs3A_1009 : vector<16xf32>
      %get3A_1011 = arith.index_cast %select_n3A_318 : i32 to index
      %get3A_1012 = arith.index_cast %select_n3A : i32 to index
      %get3A_1013 = arith.constant 48 : index
      %get3A_1014 = tpu.vector_load %arg6[%get3A_1011, %get3A_1012, %get3A_1013] {strides = array<i32>} : memref<4x10x288xf32, #tpu.memory_space<vmem>>, vector<1x1x16xf32>,
      %get3A_1015 = vector.shape_cast %get3A_1014 : vector<1x1x16xf32> to vector<16xf32>
      %get3A_1016 = arith.index_cast %select_n3A_318 : i32 to index
      %get3A_1017 = arith.index_cast %select_n3A : i32 to index
      %get3A_1018 = arith.constant 49 : index
      %get3A_1019 = tpu.vector_load %arg6[%get3A_1016, %get3A_1017, %get3A_1018] {strides = array<i32>} : memref<4x10x288xf32, #tpu.memory_space<vmem>>, vector<1x1x16xf32>,
      %get3A_1020 = vector.shape_cast %get3A_1019 : vector<1x1x16xf32> to vector<16xf32>
      %add3A_1021 = arith.constant 1 : i32
      %add3A_1022 = arith.addi %select_n3A, %add3A_1021 : i32
      %get3A_1023 = arith.index_cast %select_n3A_318 : i32 to index
      %get3A_1024 = arith.index_cast %add3A_1022 : i32 to index
      %get3A_1025 = arith.constant 48 : index
      %get3A_1026 = tpu.vector_load %arg6[%get3A_1023, %get3A_1024, %get3A_1025] {strides = array<i32>} : memref<4x10x288xf32, #tpu.memory_space<vmem>>, vector<1x1x16xf32>,
      %get3A_1027 = vector.shape_cast %get3A_1026 : vector<1x1x16xf32> to vector<16xf32>
      %add3A_1028 = arith.constant 1 : i32
      %add3A_1029 = arith.addi %select_n3A, %add3A_1028 : i32
      %get3A_1030 = arith.index_cast %select_n3A_318 : i32 to index
      %get3A_1031 = arith.index_cast %add3A_1029 : i32 to index
      %get3A_1032 = arith.constant 49 : index
      %get3A_1033 = tpu.vector_load %arg6[%get3A_1030, %get3A_1031, %get3A_1032] {strides = array<i32>} : memref<4x10x288xf32, #tpu.memory_space<vmem>>, vector<1x1x16xf32>,
      %get3A_1034 = vector.shape_cast %get3A_1033 : vector<1x1x16xf32> to vector<16xf32>
      %add3A_1035 = arith.constant 1 : i32
      %add3A_1036 = arith.addi %select_n3A_318, %add3A_1035 : i32
      %get3A_1037 = arith.index_cast %add3A_1036 : i32 to index
      %get3A_1038 = arith.index_cast %select_n3A : i32 to index
      %get3A_1039 = arith.constant 48 : index
      %get3A_1040 = tpu.vector_load %arg6[%get3A_1037, %get3A_1038, %get3A_1039] {strides = array<i32>} : memref<4x10x288xf32, #tpu.memory_space<vmem>>, vector<1x1x16xf32>,
      %get3A_1041 = vector.shape_cast %get3A_1040 : vector<1x1x16xf32> to vector<16xf32>
      %add3A_1042 = arith.constant 1 : i32
      %add3A_1043 = arith.addi %select_n3A_318, %add3A_1042 : i32
      %get3A_1044 = arith.index_cast %add3A_1043 : i32 to index
      %get3A_1045 = arith.index_cast %select_n3A : i32 to index
      %get3A_1046 = arith.constant 49 : index
      %get3A_1047 = tpu.vector_load %arg6[%get3A_1044, %get3A_1045, %get3A_1046] {strides = array<i32>} : memref<4x10x288xf32, #tpu.memory_space<vmem>>, vector<1x1x16xf32>,
      %get3A_1048 = vector.shape_cast %get3A_1047 : vector<1x1x16xf32> to vector<16xf32>
      %add3A_1049 = arith.constant 1 : i32
      %add3A_1050 = arith.addi %select_n3A_318, %add3A_1049 : i32
      %add3A_1051 = arith.constant 1 : i32
      %add3A_1052 = arith.addi %select_n3A, %add3A_1051 : i32
      %get3A_1053 = arith.index_cast %add3A_1050 : i32 to index
      %get3A_1054 = arith.index_cast %add3A_1052 : i32 to index
      %get3A_1055 = arith.constant 48 : index
      %get3A_1056 = tpu.vector_load %arg6[%get3A_1053, %get3A_1054, %get3A_1055] {strides = array<i32>} : memref<4x10x288xf32, #tpu.memory_space<vmem>>, vector<1x1x16xf32>,
      %get3A_1057 = vector.shape_cast %get3A_1056 : vector<1x1x16xf32> to vector<16xf32>
      %add3A_1058 = arith.constant 1 : i32
      %add3A_1059 = arith.addi %select_n3A_318, %add3A_1058 : i32
      %add3A_1060 = arith.constant 1 : i32
      %add3A_1061 = arith.addi %select_n3A, %add3A_1060 : i32
      %get3A_1062 = arith.index_cast %add3A_1059 : i32 to index
      %get3A_1063 = arith.index_cast %add3A_1061 : i32 to index
      %get3A_1064 = arith.constant 49 : index
      %get3A_1065 = tpu.vector_load %arg6[%get3A_1062, %get3A_1063, %get3A_1064] {strides = array<i32>} : memref<4x10x288xf32, #tpu.memory_space<vmem>>, vector<1x1x16xf32>,
      %get3A_1066 = vector.shape_cast %get3A_1065 : vector<1x1x16xf32> to vector<16xf32>
      %sub3A_1067 = arith.subf %get3A_1015, %get3A_1020 : vector<16xf32>
      %abs3A_1068 = math.absf %sub3A_1067 : vector<16xf32>
      %sub3A_1069 = arith.subf %get3A_1027, %get3A_1034 : vector<16xf32>
      %abs3A_1070 = math.absf %sub3A_1069 : vector<16xf32>
      %add3A_1071 = arith.addf %abs3A_1068, %abs3A_1070 : vector<16xf32>
      %sub3A_1072 = arith.subf %get3A_1041, %get3A_1048 : vector<16xf32>
      %abs3A_1073 = math.absf %sub3A_1072 : vector<16xf32>
      %add3A_1074 = arith.addf %add3A_1071, %abs3A_1073 : vector<16xf32>
      %sub3A_1075 = arith.subf %get3A_1057, %get3A_1066 : vector<16xf32>
      %abs3A_1076 = math.absf %sub3A_1075 : vector<16xf32>
      %add3A_1077 = arith.addf %add3A_1074, %abs3A_1076 : vector<16xf32>
      %sub3A_1078 = arith.subf %get3A_1015, %get3A_1027 : vector<16xf32>
      %abs3A_1079 = math.absf %sub3A_1078 : vector<16xf32>
      %add3A_1080 = arith.addf %add3A_1077, %abs3A_1079 : vector<16xf32>
      %sub3A_1081 = arith.subf %get3A_1020, %get3A_1034 : vector<16xf32>
      %abs3A_1082 = math.absf %sub3A_1081 : vector<16xf32>
      %add3A_1083 = arith.addf %add3A_1080, %abs3A_1082 : vector<16xf32>
      %sub3A_1084 = arith.subf %get3A_1041, %get3A_1057 : vector<16xf32>
      %abs3A_1085 = math.absf %sub3A_1084 : vector<16xf32>
      %add3A_1086 = arith.addf %add3A_1083, %abs3A_1085 : vector<16xf32>
      %sub3A_1087 = arith.subf %get3A_1048, %get3A_1066 : vector<16xf32>
      %abs3A_1088 = math.absf %sub3A_1087 : vector<16xf32>
      %add3A_1089 = arith.addf %add3A_1086, %abs3A_1088 : vector<16xf32>
      %sub3A_1090 = arith.subf %get3A_1015, %get3A_1041 : vector<16xf32>
      %abs3A_1091 = math.absf %sub3A_1090 : vector<16xf32>
      %add3A_1092 = arith.addf %add3A_1089, %abs3A_1091 : vector<16xf32>
      %sub3A_1093 = arith.subf %get3A_1020, %get3A_1048 : vector<16xf32>
      %abs3A_1094 = math.absf %sub3A_1093 : vector<16xf32>
      %add3A_1095 = arith.addf %add3A_1092, %abs3A_1094 : vector<16xf32>
      %sub3A_1096 = arith.subf %get3A_1027, %get3A_1057 : vector<16xf32>
      %abs3A_1097 = math.absf %sub3A_1096 : vector<16xf32>
      %add3A_1098 = arith.addf %add3A_1095, %abs3A_1097 : vector<16xf32>
      %sub3A_1099 = arith.subf %get3A_1034, %get3A_1066 : vector<16xf32>
      %abs3A_1100 = math.absf %sub3A_1099 : vector<16xf32>
      %add3A_1101 = arith.addf %add3A_1098, %abs3A_1100 : vector<16xf32>
      %add3A_1102 = arith.addf %add3A_1010, %add3A_1101 : vector<16xf32>
      %gt3A_1103 = arith.constant 0.000000e+00 : f32
      %gt3A_1104 = vector.broadcast %gt3A_1103 : f32 to vector<16xf32>
      %gt3A_1105 = arith.cmpf ogt, %add3A_1010, %gt3A_1104 : vector<16xf32>
      %gt3A_1106 = arith.constant 0.000000e+00 : f32
      %gt3A_1107 = vector.broadcast %gt3A_1106 : f32 to vector<16xf32>
      %gt3A_1108 = arith.cmpf ogt, %add3A_1101, %gt3A_1107 : vector<16xf32>
      %and3A_1109 = arith.andi %gt3A_1105, %gt3A_1108 : vector<16xi1>
      %jit3A_1110 = arith.constant 0.000000e+00 : f32
      %broadcast_in_dim3A_1111 = vector.broadcast %jit3A_1110 : f32 to vector<16xf32>
      %select_n3A_1112 = arith.select %and3A_1109, %add3A_1102, %broadcast_in_dim3A_1111 : vector<16xi1>, vector<16xf32>
      %mul3A_1113 = vector.broadcast %select_n3A_325 : f32 to vector<16xf32>
      %mul3A_1114 = arith.mulf %mul3A_1113, %select_n3A_1112 : vector<16xf32>
      %add3A_1115 = arith.addf %add3A_916, %mul3A_1114 : vector<16xf32>
      %mul3A_1116 = vector.broadcast %select_n3A_325 : f32 to vector<16xf32>
      %mul3A_1117 = arith.mulf %mul3A_1116, %add3A_1102 : vector<16xf32>
      %add3A_1118 = arith.addf %add3A_919, %mul3A_1117 : vector<16xf32>
      %get3A_1119 = arith.index_cast %select_n3A_318 : i32 to index
      %get3A_1120 = arith.index_cast %select_n3A : i32 to index
      %get3A_1121 = arith.constant 64 : index
      %get3A_1122 = tpu.vector_load %arg5[%get3A_1119, %get3A_1120, %get3A_1121] {strides = array<i32>} : memref<4x10x288xf32, #tpu.memory_space<vmem>>, vector<1x1x16xf32>,
      %get3A_1123 = vector.shape_cast %get3A_1122 : vector<1x1x16xf32> to vector<16xf32>
      %get3A_1124 = arith.index_cast %select_n3A_318 : i32 to index
      %get3A_1125 = arith.index_cast %select_n3A : i32 to index
      %get3A_1126 = arith.constant 65 : index
      %get3A_1127 = tpu.vector_load %arg5[%get3A_1124, %get3A_1125, %get3A_1126] {strides = array<i32>} : memref<4x10x288xf32, #tpu.memory_space<vmem>>, vector<1x1x16xf32>,
      %get3A_1128 = vector.shape_cast %get3A_1127 : vector<1x1x16xf32> to vector<16xf32>
      %add3A_1129 = arith.constant 1 : i32
      %add3A_1130 = arith.addi %select_n3A, %add3A_1129 : i32
      %get3A_1131 = arith.index_cast %select_n3A_318 : i32 to index
      %get3A_1132 = arith.index_cast %add3A_1130 : i32 to index
      %get3A_1133 = arith.constant 64 : index
      %get3A_1134 = tpu.vector_load %arg5[%get3A_1131, %get3A_1132, %get3A_1133] {strides = array<i32>} : memref<4x10x288xf32, #tpu.memory_space<vmem>>, vector<1x1x16xf32>,
      %get3A_1135 = vector.shape_cast %get3A_1134 : vector<1x1x16xf32> to vector<16xf32>
      %add3A_1136 = arith.constant 1 : i32
      %add3A_1137 = arith.addi %select_n3A, %add3A_1136 : i32
      %get3A_1138 = arith.index_cast %select_n3A_318 : i32 to index
      %get3A_1139 = arith.index_cast %add3A_1137 : i32 to index
      %get3A_1140 = arith.constant 65 : index
      %get3A_1141 = tpu.vector_load %arg5[%get3A_1138, %get3A_1139, %get3A_1140] {strides = array<i32>} : memref<4x10x288xf32, #tpu.memory_space<vmem>>, vector<1x1x16xf32>,
      %get3A_1142 = vector.shape_cast %get3A_1141 : vector<1x1x16xf32> to vector<16xf32>
      %add3A_1143 = arith.constant 1 : i32
      %add3A_1144 = arith.addi %select_n3A_318, %add3A_1143 : i32
      %get3A_1145 = arith.index_cast %add3A_1144 : i32 to index
      %get3A_1146 = arith.index_cast %select_n3A : i32 to index
      %get3A_1147 = arith.constant 64 : index
      %get3A_1148 = tpu.vector_load %arg5[%get3A_1145, %get3A_1146, %get3A_1147] {strides = array<i32>} : memref<4x10x288xf32, #tpu.memory_space<vmem>>, vector<1x1x16xf32>,
      %get3A_1149 = vector.shape_cast %get3A_1148 : vector<1x1x16xf32> to vector<16xf32>
      %add3A_1150 = arith.constant 1 : i32
      %add3A_1151 = arith.addi %select_n3A_318, %add3A_1150 : i32
      %get3A_1152 = arith.index_cast %add3A_1151 : i32 to index
      %get3A_1153 = arith.index_cast %select_n3A : i32 to index
      %get3A_1154 = arith.constant 65 : index
      %get3A_1155 = tpu.vector_load %arg5[%get3A_1152, %get3A_1153, %get3A_1154] {strides = array<i32>} : memref<4x10x288xf32, #tpu.memory_space<vmem>>, vector<1x1x16xf32>,
      %get3A_1156 = vector.shape_cast %get3A_1155 : vector<1x1x16xf32> to vector<16xf32>
      %add3A_1157 = arith.constant 1 : i32
      %add3A_1158 = arith.addi %select_n3A_318, %add3A_1157 : i32
      %add3A_1159 = arith.constant 1 : i32
      %add3A_1160 = arith.addi %select_n3A, %add3A_1159 : i32
      %get3A_1161 = arith.index_cast %add3A_1158 : i32 to index
      %get3A_1162 = arith.index_cast %add3A_1160 : i32 to index
      %get3A_1163 = arith.constant 64 : index
      %get3A_1164 = tpu.vector_load %arg5[%get3A_1161, %get3A_1162, %get3A_1163] {strides = array<i32>} : memref<4x10x288xf32, #tpu.memory_space<vmem>>, vector<1x1x16xf32>,
      %get3A_1165 = vector.shape_cast %get3A_1164 : vector<1x1x16xf32> to vector<16xf32>
      %add3A_1166 = arith.constant 1 : i32
      %add3A_1167 = arith.addi %select_n3A_318, %add3A_1166 : i32
      %add3A_1168 = arith.constant 1 : i32
      %add3A_1169 = arith.addi %select_n3A, %add3A_1168 : i32
      %get3A_1170 = arith.index_cast %add3A_1167 : i32 to index
      %get3A_1171 = arith.index_cast %add3A_1169 : i32 to index
      %get3A_1172 = arith.constant 65 : index
      %get3A_1173 = tpu.vector_load %arg5[%get3A_1170, %get3A_1171, %get3A_1172] {strides = array<i32>} : memref<4x10x288xf32, #tpu.memory_space<vmem>>, vector<1x1x16xf32>,
      %get3A_1174 = vector.shape_cast %get3A_1173 : vector<1x1x16xf32> to vector<16xf32>
      %sub3A_1175 = arith.subf %get3A_1123, %get3A_1128 : vector<16xf32>
      %abs3A_1176 = math.absf %sub3A_1175 : vector<16xf32>
      %sub3A_1177 = arith.subf %get3A_1135, %get3A_1142 : vector<16xf32>
      %abs3A_1178 = math.absf %sub3A_1177 : vector<16xf32>
      %add3A_1179 = arith.addf %abs3A_1176, %abs3A_1178 : vector<16xf32>
      %sub3A_1180 = arith.subf %get3A_1149, %get3A_1156 : vector<16xf32>
      %abs3A_1181 = math.absf %sub3A_1180 : vector<16xf32>
      %add3A_1182 = arith.addf %add3A_1179, %abs3A_1181 : vector<16xf32>
      %sub3A_1183 = arith.subf %get3A_1165, %get3A_1174 : vector<16xf32>
      %abs3A_1184 = math.absf %sub3A_1183 : vector<16xf32>
      %add3A_1185 = arith.addf %add3A_1182, %abs3A_1184 : vector<16xf32>
      %sub3A_1186 = arith.subf %get3A_1123, %get3A_1135 : vector<16xf32>
      %abs3A_1187 = math.absf %sub3A_1186 : vector<16xf32>
      %add3A_1188 = arith.addf %add3A_1185, %abs3A_1187 : vector<16xf32>
      %sub3A_1189 = arith.subf %get3A_1128, %get3A_1142 : vector<16xf32>
      %abs3A_1190 = math.absf %sub3A_1189 : vector<16xf32>
      %add3A_1191 = arith.addf %add3A_1188, %abs3A_1190 : vector<16xf32>
      %sub3A_1192 = arith.subf %get3A_1149, %get3A_1165 : vector<16xf32>
      %abs3A_1193 = math.absf %sub3A_1192 : vector<16xf32>
      %add3A_1194 = arith.addf %add3A_1191, %abs3A_1193 : vector<16xf32>
      %sub3A_1195 = arith.subf %get3A_1156, %get3A_1174 : vector<16xf32>
      %abs3A_1196 = math.absf %sub3A_1195 : vector<16xf32>
      %add3A_1197 = arith.addf %add3A_1194, %abs3A_1196 : vector<16xf32>
      %sub3A_1198 = arith.subf %get3A_1123, %get3A_1149 : vector<16xf32>
      %abs3A_1199 = math.absf %sub3A_1198 : vector<16xf32>
      %add3A_1200 = arith.addf %add3A_1197, %abs3A_1199 : vector<16xf32>
      %sub3A_1201 = arith.subf %get3A_1128, %get3A_1156 : vector<16xf32>
      %abs3A_1202 = math.absf %sub3A_1201 : vector<16xf32>
      %add3A_1203 = arith.addf %add3A_1200, %abs3A_1202 : vector<16xf32>
      %sub3A_1204 = arith.subf %get3A_1135, %get3A_1165 : vector<16xf32>
      %abs3A_1205 = math.absf %sub3A_1204 : vector<16xf32>
      %add3A_1206 = arith.addf %add3A_1203, %abs3A_1205 : vector<16xf32>
      %sub3A_1207 = arith.subf %get3A_1142, %get3A_1174 : vector<16xf32>
      %abs3A_1208 = math.absf %sub3A_1207 : vector<16xf32>
      %add3A_1209 = arith.addf %add3A_1206, %abs3A_1208 : vector<16xf32>
      %get3A_1210 = arith.index_cast %select_n3A_318 : i32 to index
      %get3A_1211 = arith.index_cast %select_n3A : i32 to index
      %get3A_1212 = arith.constant 64 : index
      %get3A_1213 = tpu.vector_load %arg6[%get3A_1210, %get3A_1211, %get3A_1212] {strides = array<i32>} : memref<4x10x288xf32, #tpu.memory_space<vmem>>, vector<1x1x16xf32>,
      %get3A_1214 = vector.shape_cast %get3A_1213 : vector<1x1x16xf32> to vector<16xf32>
      %get3A_1215 = arith.index_cast %select_n3A_318 : i32 to index
      %get3A_1216 = arith.index_cast %select_n3A : i32 to index
      %get3A_1217 = arith.constant 65 : index
      %get3A_1218 = tpu.vector_load %arg6[%get3A_1215, %get3A_1216, %get3A_1217] {strides = array<i32>} : memref<4x10x288xf32, #tpu.memory_space<vmem>>, vector<1x1x16xf32>,
      %get3A_1219 = vector.shape_cast %get3A_1218 : vector<1x1x16xf32> to vector<16xf32>
      %add3A_1220 = arith.constant 1 : i32
      %add3A_1221 = arith.addi %select_n3A, %add3A_1220 : i32
      %get3A_1222 = arith.index_cast %select_n3A_318 : i32 to index
      %get3A_1223 = arith.index_cast %add3A_1221 : i32 to index
      %get3A_1224 = arith.constant 64 : index
      %get3A_1225 = tpu.vector_load %arg6[%get3A_1222, %get3A_1223, %get3A_1224] {strides = array<i32>} : memref<4x10x288xf32, #tpu.memory_space<vmem>>, vector<1x1x16xf32>,
      %get3A_1226 = vector.shape_cast %get3A_1225 : vector<1x1x16xf32> to vector<16xf32>
      %add3A_1227 = arith.constant 1 : i32
      %add3A_1228 = arith.addi %select_n3A, %add3A_1227 : i32
      %get3A_1229 = arith.index_cast %select_n3A_318 : i32 to index
      %get3A_1230 = arith.index_cast %add3A_1228 : i32 to index
      %get3A_1231 = arith.constant 65 : index
      %get3A_1232 = tpu.vector_load %arg6[%get3A_1229, %get3A_1230, %get3A_1231] {strides = array<i32>} : memref<4x10x288xf32, #tpu.memory_space<vmem>>, vector<1x1x16xf32>,
      %get3A_1233 = vector.shape_cast %get3A_1232 : vector<1x1x16xf32> to vector<16xf32>
      %add3A_1234 = arith.constant 1 : i32
      %add3A_1235 = arith.addi %select_n3A_318, %add3A_1234 : i32
      %get3A_1236 = arith.index_cast %add3A_1235 : i32 to index
      %get3A_1237 = arith.index_cast %select_n3A : i32 to index
      %get3A_1238 = arith.constant 64 : index
      %get3A_1239 = tpu.vector_load %arg6[%get3A_1236, %get3A_1237, %get3A_1238] {strides = array<i32>} : memref<4x10x288xf32, #tpu.memory_space<vmem>>, vector<1x1x16xf32>,
      %get3A_1240 = vector.shape_cast %get3A_1239 : vector<1x1x16xf32> to vector<16xf32>
      %add3A_1241 = arith.constant 1 : i32
      %add3A_1242 = arith.addi %select_n3A_318, %add3A_1241 : i32
      %get3A_1243 = arith.index_cast %add3A_1242 : i32 to index
      %get3A_1244 = arith.index_cast %select_n3A : i32 to index
      %get3A_1245 = arith.constant 65 : index
      %get3A_1246 = tpu.vector_load %arg6[%get3A_1243, %get3A_1244, %get3A_1245] {strides = array<i32>} : memref<4x10x288xf32, #tpu.memory_space<vmem>>, vector<1x1x16xf32>,
      %get3A_1247 = vector.shape_cast %get3A_1246 : vector<1x1x16xf32> to vector<16xf32>
      %add3A_1248 = arith.constant 1 : i32
      %add3A_1249 = arith.addi %select_n3A_318, %add3A_1248 : i32
      %add3A_1250 = arith.constant 1 : i32
      %add3A_1251 = arith.addi %select_n3A, %add3A_1250 : i32
      %get3A_1252 = arith.index_cast %add3A_1249 : i32 to index
      %get3A_1253 = arith.index_cast %add3A_1251 : i32 to index
      %get3A_1254 = arith.constant 64 : index
      %get3A_1255 = tpu.vector_load %arg6[%get3A_1252, %get3A_1253, %get3A_1254] {strides = array<i32>} : memref<4x10x288xf32, #tpu.memory_space<vmem>>, vector<1x1x16xf32>,
      %get3A_1256 = vector.shape_cast %get3A_1255 : vector<1x1x16xf32> to vector<16xf32>
      %add3A_1257 = arith.constant 1 : i32
      %add3A_1258 = arith.addi %select_n3A_318, %add3A_1257 : i32
      %add3A_1259 = arith.constant 1 : i32
      %add3A_1260 = arith.addi %select_n3A, %add3A_1259 : i32
      %get3A_1261 = arith.index_cast %add3A_1258 : i32 to index
      %get3A_1262 = arith.index_cast %add3A_1260 : i32 to index
      %get3A_1263 = arith.constant 65 : index
      %get3A_1264 = tpu.vector_load %arg6[%get3A_1261, %get3A_1262, %get3A_1263] {strides = array<i32>} : memref<4x10x288xf32, #tpu.memory_space<vmem>>, vector<1x1x16xf32>,
      %get3A_1265 = vector.shape_cast %get3A_1264 : vector<1x1x16xf32> to vector<16xf32>
      %sub3A_1266 = arith.subf %get3A_1214, %get3A_1219 : vector<16xf32>
      %abs3A_1267 = math.absf %sub3A_1266 : vector<16xf32>
      %sub3A_1268 = arith.subf %get3A_1226, %get3A_1233 : vector<16xf32>
      %abs3A_1269 = math.absf %sub3A_1268 : vector<16xf32>
      %add3A_1270 = arith.addf %abs3A_1267, %abs3A_1269 : vector<16xf32>
      %sub3A_1271 = arith.subf %get3A_1240, %get3A_1247 : vector<16xf32>
      %abs3A_1272 = math.absf %sub3A_1271 : vector<16xf32>
      %add3A_1273 = arith.addf %add3A_1270, %abs3A_1272 : vector<16xf32>
      %sub3A_1274 = arith.subf %get3A_1256, %get3A_1265 : vector<16xf32>
      %abs3A_1275 = math.absf %sub3A_1274 : vector<16xf32>
      %add3A_1276 = arith.addf %add3A_1273, %abs3A_1275 : vector<16xf32>
      %sub3A_1277 = arith.subf %get3A_1214, %get3A_1226 : vector<16xf32>
      %abs3A_1278 = math.absf %sub3A_1277 : vector<16xf32>
      %add3A_1279 = arith.addf %add3A_1276, %abs3A_1278 : vector<16xf32>
      %sub3A_1280 = arith.subf %get3A_1219, %get3A_1233 : vector<16xf32>
      %abs3A_1281 = math.absf %sub3A_1280 : vector<16xf32>
      %add3A_1282 = arith.addf %add3A_1279, %abs3A_1281 : vector<16xf32>
      %sub3A_1283 = arith.subf %get3A_1240, %get3A_1256 : vector<16xf32>
      %abs3A_1284 = math.absf %sub3A_1283 : vector<16xf32>
      %add3A_1285 = arith.addf %add3A_1282, %abs3A_1284 : vector<16xf32>
      %sub3A_1286 = arith.subf %get3A_1247, %get3A_1265 : vector<16xf32>
      %abs3A_1287 = math.absf %sub3A_1286 : vector<16xf32>
      %add3A_1288 = arith.addf %add3A_1285, %abs3A_1287 : vector<16xf32>
      %sub3A_1289 = arith.subf %get3A_1214, %get3A_1240 : vector<16xf32>
      %abs3A_1290 = math.absf %sub3A_1289 : vector<16xf32>
      %add3A_1291 = arith.addf %add3A_1288, %abs3A_1290 : vector<16xf32>
      %sub3A_1292 = arith.subf %get3A_1219, %get3A_1247 : vector<16xf32>
      %abs3A_1293 = math.absf %sub3A_1292 : vector<16xf32>
      %add3A_1294 = arith.addf %add3A_1291, %abs3A_1293 : vector<16xf32>
      %sub3A_1295 = arith.subf %get3A_1226, %get3A_1256 : vector<16xf32>
      %abs3A_1296 = math.absf %sub3A_1295 : vector<16xf32>
      %add3A_1297 = arith.addf %add3A_1294, %abs3A_1296 : vector<16xf32>
      %sub3A_1298 = arith.subf %get3A_1233, %get3A_1265 : vector<16xf32>
      %abs3A_1299 = math.absf %sub3A_1298 : vector<16xf32>
      %add3A_1300 = arith.addf %add3A_1297, %abs3A_1299 : vector<16xf32>
      %add3A_1301 = arith.addf %add3A_1209, %add3A_1300 : vector<16xf32>
      %gt3A_1302 = arith.constant 0.000000e+00 : f32
      %gt3A_1303 = vector.broadcast %gt3A_1302 : f32 to vector<16xf32>
      %gt3A_1304 = arith.cmpf ogt, %add3A_1209, %gt3A_1303 : vector<16xf32>
      %gt3A_1305 = arith.constant 0.000000e+00 : f32
      %gt3A_1306 = vector.broadcast %gt3A_1305 : f32 to vector<16xf32>
      %gt3A_1307 = arith.cmpf ogt, %add3A_1300, %gt3A_1306 : vector<16xf32>
      %and3A_1308 = arith.andi %gt3A_1304, %gt3A_1307 : vector<16xi1>
      %jit3A_1309 = arith.constant 0.000000e+00 : f32
      %broadcast_in_dim3A_1310 = vector.broadcast %jit3A_1309 : f32 to vector<16xf32>
      %select_n3A_1311 = arith.select %and3A_1308, %add3A_1301, %broadcast_in_dim3A_1310 : vector<16xi1>, vector<16xf32>
      %mul3A_1312 = vector.broadcast %select_n3A_325 : f32 to vector<16xf32>
      %mul3A_1313 = arith.mulf %mul3A_1312, %select_n3A_1311 : vector<16xf32>
      %add3A_1314 = arith.addf %add3A_1115, %mul3A_1313 : vector<16xf32>
      %mul3A_1315 = vector.broadcast %select_n3A_325 : f32 to vector<16xf32>
      %mul3A_1316 = arith.mulf %mul3A_1315, %add3A_1301 : vector<16xf32>
      %add3A_1317 = arith.addf %add3A_1118, %mul3A_1316 : vector<16xf32>
      %get3A_1318 = arith.index_cast %select_n3A_318 : i32 to index
      %get3A_1319 = arith.index_cast %select_n3A : i32 to index
      %get3A_1320 = arith.constant 80 : index
      %get3A_1321 = tpu.vector_load %arg5[%get3A_1318, %get3A_1319, %get3A_1320] {strides = array<i32>} : memref<4x10x288xf32, #tpu.memory_space<vmem>>, vector<1x1x16xf32>,
      %get3A_1322 = vector.shape_cast %get3A_1321 : vector<1x1x16xf32> to vector<16xf32>
      %get3A_1323 = arith.index_cast %select_n3A_318 : i32 to index
      %get3A_1324 = arith.index_cast %select_n3A : i32 to index
      %get3A_1325 = arith.constant 81 : index
      %get3A_1326 = tpu.vector_load %arg5[%get3A_1323, %get3A_1324, %get3A_1325] {strides = array<i32>} : memref<4x10x288xf32, #tpu.memory_space<vmem>>, vector<1x1x16xf32>,
      %get3A_1327 = vector.shape_cast %get3A_1326 : vector<1x1x16xf32> to vector<16xf32>
      %add3A_1328 = arith.constant 1 : i32
      %add3A_1329 = arith.addi %select_n3A, %add3A_1328 : i32
      %get3A_1330 = arith.index_cast %select_n3A_318 : i32 to index
      %get3A_1331 = arith.index_cast %add3A_1329 : i32 to index
      %get3A_1332 = arith.constant 80 : index
      %get3A_1333 = tpu.vector_load %arg5[%get3A_1330, %get3A_1331, %get3A_1332] {strides = array<i32>} : memref<4x10x288xf32, #tpu.memory_space<vmem>>, vector<1x1x16xf32>,
      %get3A_1334 = vector.shape_cast %get3A_1333 : vector<1x1x16xf32> to vector<16xf32>
      %add3A_1335 = arith.constant 1 : i32
      %add3A_1336 = arith.addi %select_n3A, %add3A_1335 : i32
      %get3A_1337 = arith.index_cast %select_n3A_318 : i32 to index
      %get3A_1338 = arith.index_cast %add3A_1336 : i32 to index
      %get3A_1339 = arith.constant 81 : index
      %get3A_1340 = tpu.vector_load %arg5[%get3A_1337, %get3A_1338, %get3A_1339] {strides = array<i32>} : memref<4x10x288xf32, #tpu.memory_space<vmem>>, vector<1x1x16xf32>,
      %get3A_1341 = vector.shape_cast %get3A_1340 : vector<1x1x16xf32> to vector<16xf32>
      %add3A_1342 = arith.constant 1 : i32
      %add3A_1343 = arith.addi %select_n3A_318, %add3A_1342 : i32
      %get3A_1344 = arith.index_cast %add3A_1343 : i32 to index
      %get3A_1345 = arith.index_cast %select_n3A : i32 to index
      %get3A_1346 = arith.constant 80 : index
      %get3A_1347 = tpu.vector_load %arg5[%get3A_1344, %get3A_1345, %get3A_1346] {strides = array<i32>} : memref<4x10x288xf32, #tpu.memory_space<vmem>>, vector<1x1x16xf32>,
      %get3A_1348 = vector.shape_cast %get3A_1347 : vector<1x1x16xf32> to vector<16xf32>
      %add3A_1349 = arith.constant 1 : i32
      %add3A_1350 = arith.addi %select_n3A_318, %add3A_1349 : i32
      %get3A_1351 = arith.index_cast %add3A_1350 : i32 to index
      %get3A_1352 = arith.index_cast %select_n3A : i32 to index
      %get3A_1353 = arith.constant 81 : index
      %get3A_1354 = tpu.vector_load %arg5[%get3A_1351, %get3A_1352, %get3A_1353] {strides = array<i32>} : memref<4x10x288xf32, #tpu.memory_space<vmem>>, vector<1x1x16xf32>,
      %get3A_1355 = vector.shape_cast %get3A_1354 : vector<1x1x16xf32> to vector<16xf32>
      %add3A_1356 = arith.constant 1 : i32
      %add3A_1357 = arith.addi %select_n3A_318, %add3A_1356 : i32
      %add3A_1358 = arith.constant 1 : i32
      %add3A_1359 = arith.addi %select_n3A, %add3A_1358 : i32
      %get3A_1360 = arith.index_cast %add3A_1357 : i32 to index
      %get3A_1361 = arith.index_cast %add3A_1359 : i32 to index
      %get3A_1362 = arith.constant 80 : index
      %get3A_1363 = tpu.vector_load %arg5[%get3A_1360, %get3A_1361, %get3A_1362] {strides = array<i32>} : memref<4x10x288xf32, #tpu.memory_space<vmem>>, vector<1x1x16xf32>,
      %get3A_1364 = vector.shape_cast %get3A_1363 : vector<1x1x16xf32> to vector<16xf32>
      %add3A_1365 = arith.constant 1 : i32
      %add3A_1366 = arith.addi %select_n3A_318, %add3A_1365 : i32
      %add3A_1367 = arith.constant 1 : i32
      %add3A_1368 = arith.addi %select_n3A, %add3A_1367 : i32
      %get3A_1369 = arith.index_cast %add3A_1366 : i32 to index
      %get3A_1370 = arith.index_cast %add3A_1368 : i32 to index
      %get3A_1371 = arith.constant 81 : index
      %get3A_1372 = tpu.vector_load %arg5[%get3A_1369, %get3A_1370, %get3A_1371] {strides = array<i32>} : memref<4x10x288xf32, #tpu.memory_space<vmem>>, vector<1x1x16xf32>,
      %get3A_1373 = vector.shape_cast %get3A_1372 : vector<1x1x16xf32> to vector<16xf32>
      %sub3A_1374 = arith.subf %get3A_1322, %get3A_1327 : vector<16xf32>
      %abs3A_1375 = math.absf %sub3A_1374 : vector<16xf32>
      %sub3A_1376 = arith.subf %get3A_1334, %get3A_1341 : vector<16xf32>
      %abs3A_1377 = math.absf %sub3A_1376 : vector<16xf32>
      %add3A_1378 = arith.addf %abs3A_1375, %abs3A_1377 : vector<16xf32>
      %sub3A_1379 = arith.subf %get3A_1348, %get3A_1355 : vector<16xf32>
      %abs3A_1380 = math.absf %sub3A_1379 : vector<16xf32>
      %add3A_1381 = arith.addf %add3A_1378, %abs3A_1380 : vector<16xf32>
      %sub3A_1382 = arith.subf %get3A_1364, %get3A_1373 : vector<16xf32>
      %abs3A_1383 = math.absf %sub3A_1382 : vector<16xf32>
      %add3A_1384 = arith.addf %add3A_1381, %abs3A_1383 : vector<16xf32>
      %sub3A_1385 = arith.subf %get3A_1322, %get3A_1334 : vector<16xf32>
      %abs3A_1386 = math.absf %sub3A_1385 : vector<16xf32>
      %add3A_1387 = arith.addf %add3A_1384, %abs3A_1386 : vector<16xf32>
      %sub3A_1388 = arith.subf %get3A_1327, %get3A_1341 : vector<16xf32>
      %abs3A_1389 = math.absf %sub3A_1388 : vector<16xf32>
      %add3A_1390 = arith.addf %add3A_1387, %abs3A_1389 : vector<16xf32>
      %sub3A_1391 = arith.subf %get3A_1348, %get3A_1364 : vector<16xf32>
      %abs3A_1392 = math.absf %sub3A_1391 : vector<16xf32>
      %add3A_1393 = arith.addf %add3A_1390, %abs3A_1392 : vector<16xf32>
      %sub3A_1394 = arith.subf %get3A_1355, %get3A_1373 : vector<16xf32>
      %abs3A_1395 = math.absf %sub3A_1394 : vector<16xf32>
      %add3A_1396 = arith.addf %add3A_1393, %abs3A_1395 : vector<16xf32>
      %sub3A_1397 = arith.subf %get3A_1322, %get3A_1348 : vector<16xf32>
      %abs3A_1398 = math.absf %sub3A_1397 : vector<16xf32>
      %add3A_1399 = arith.addf %add3A_1396, %abs3A_1398 : vector<16xf32>
      %sub3A_1400 = arith.subf %get3A_1327, %get3A_1355 : vector<16xf32>
      %abs3A_1401 = math.absf %sub3A_1400 : vector<16xf32>
      %add3A_1402 = arith.addf %add3A_1399, %abs3A_1401 : vector<16xf32>
      %sub3A_1403 = arith.subf %get3A_1334, %get3A_1364 : vector<16xf32>
      %abs3A_1404 = math.absf %sub3A_1403 : vector<16xf32>
      %add3A_1405 = arith.addf %add3A_1402, %abs3A_1404 : vector<16xf32>
      %sub3A_1406 = arith.subf %get3A_1341, %get3A_1373 : vector<16xf32>
      %abs3A_1407 = math.absf %sub3A_1406 : vector<16xf32>
      %add3A_1408 = arith.addf %add3A_1405, %abs3A_1407 : vector<16xf32>
      %get3A_1409 = arith.index_cast %select_n3A_318 : i32 to index
      %get3A_1410 = arith.index_cast %select_n3A : i32 to index
      %get3A_1411 = arith.constant 80 : index
      %get3A_1412 = tpu.vector_load %arg6[%get3A_1409, %get3A_1410, %get3A_1411] {strides = array<i32>} : memref<4x10x288xf32, #tpu.memory_space<vmem>>, vector<1x1x16xf32>,
      %get3A_1413 = vector.shape_cast %get3A_1412 : vector<1x1x16xf32> to vector<16xf32>
      %get3A_1414 = arith.index_cast %select_n3A_318 : i32 to index
      %get3A_1415 = arith.index_cast %select_n3A : i32 to index
      %get3A_1416 = arith.constant 81 : index
      %get3A_1417 = tpu.vector_load %arg6[%get3A_1414, %get3A_1415, %get3A_1416] {strides = array<i32>} : memref<4x10x288xf32, #tpu.memory_space<vmem>>, vector<1x1x16xf32>,
      %get3A_1418 = vector.shape_cast %get3A_1417 : vector<1x1x16xf32> to vector<16xf32>
      %add3A_1419 = arith.constant 1 : i32
      %add3A_1420 = arith.addi %select_n3A, %add3A_1419 : i32
      %get3A_1421 = arith.index_cast %select_n3A_318 : i32 to index
      %get3A_1422 = arith.index_cast %add3A_1420 : i32 to index
      %get3A_1423 = arith.constant 80 : index
      %get3A_1424 = tpu.vector_load %arg6[%get3A_1421, %get3A_1422, %get3A_1423] {strides = array<i32>} : memref<4x10x288xf32, #tpu.memory_space<vmem>>, vector<1x1x16xf32>,
      %get3A_1425 = vector.shape_cast %get3A_1424 : vector<1x1x16xf32> to vector<16xf32>
      %add3A_1426 = arith.constant 1 : i32
      %add3A_1427 = arith.addi %select_n3A, %add3A_1426 : i32
      %get3A_1428 = arith.index_cast %select_n3A_318 : i32 to index
      %get3A_1429 = arith.index_cast %add3A_1427 : i32 to index
      %get3A_1430 = arith.constant 81 : index
      %get3A_1431 = tpu.vector_load %arg6[%get3A_1428, %get3A_1429, %get3A_1430] {strides = array<i32>} : memref<4x10x288xf32, #tpu.memory_space<vmem>>, vector<1x1x16xf32>,
      %get3A_1432 = vector.shape_cast %get3A_1431 : vector<1x1x16xf32> to vector<16xf32>
      %add3A_1433 = arith.constant 1 : i32
      %add3A_1434 = arith.addi %select_n3A_318, %add3A_1433 : i32
      %get3A_1435 = arith.index_cast %add3A_1434 : i32 to index
      %get3A_1436 = arith.index_cast %select_n3A : i32 to index
      %get3A_1437 = arith.constant 80 : index
      %get3A_1438 = tpu.vector_load %arg6[%get3A_1435, %get3A_1436, %get3A_1437] {strides = array<i32>} : memref<4x10x288xf32, #tpu.memory_space<vmem>>, vector<1x1x16xf32>,
      %get3A_1439 = vector.shape_cast %get3A_1438 : vector<1x1x16xf32> to vector<16xf32>
      %add3A_1440 = arith.constant 1 : i32
      %add3A_1441 = arith.addi %select_n3A_318, %add3A_1440 : i32
      %get3A_1442 = arith.index_cast %add3A_1441 : i32 to index
      %get3A_1443 = arith.index_cast %select_n3A : i32 to index
      %get3A_1444 = arith.constant 81 : index
      %get3A_1445 = tpu.vector_load %arg6[%get3A_1442, %get3A_1443, %get3A_1444] {strides = array<i32>} : memref<4x10x288xf32, #tpu.memory_space<vmem>>, vector<1x1x16xf32>,
      %get3A_1446 = vector.shape_cast %get3A_1445 : vector<1x1x16xf32> to vector<16xf32>
      %add3A_1447 = arith.constant 1 : i32
      %add3A_1448 = arith.addi %select_n3A_318, %add3A_1447 : i32
      %add3A_1449 = arith.constant 1 : i32
      %add3A_1450 = arith.addi %select_n3A, %add3A_1449 : i32
      %get3A_1451 = arith.index_cast %add3A_1448 : i32 to index
      %get3A_1452 = arith.index_cast %add3A_1450 : i32 to index
      %get3A_1453 = arith.constant 80 : index
      %get3A_1454 = tpu.vector_load %arg6[%get3A_1451, %get3A_1452, %get3A_1453] {strides = array<i32>} : memref<4x10x288xf32, #tpu.memory_space<vmem>>, vector<1x1x16xf32>,
      %get3A_1455 = vector.shape_cast %get3A_1454 : vector<1x1x16xf32> to vector<16xf32>
      %add3A_1456 = arith.constant 1 : i32
      %add3A_1457 = arith.addi %select_n3A_318, %add3A_1456 : i32
      %add3A_1458 = arith.constant 1 : i32
      %add3A_1459 = arith.addi %select_n3A, %add3A_1458 : i32
      %get3A_1460 = arith.index_cast %add3A_1457 : i32 to index
      %get3A_1461 = arith.index_cast %add3A_1459 : i32 to index
      %get3A_1462 = arith.constant 81 : index
      %get3A_1463 = tpu.vector_load %arg6[%get3A_1460, %get3A_1461, %get3A_1462] {strides = array<i32>} : memref<4x10x288xf32, #tpu.memory_space<vmem>>, vector<1x1x16xf32>,
      %get3A_1464 = vector.shape_cast %get3A_1463 : vector<1x1x16xf32> to vector<16xf32>
      %sub3A_1465 = arith.subf %get3A_1413, %get3A_1418 : vector<16xf32>
      %abs3A_1466 = math.absf %sub3A_1465 : vector<16xf32>
      %sub3A_1467 = arith.subf %get3A_1425, %get3A_1432 : vector<16xf32>
      %abs3A_1468 = math.absf %sub3A_1467 : vector<16xf32>
      %add3A_1469 = arith.addf %abs3A_1466, %abs3A_1468 : vector<16xf32>
      %sub3A_1470 = arith.subf %get3A_1439, %get3A_1446 : vector<16xf32>
      %abs3A_1471 = math.absf %sub3A_1470 : vector<16xf32>
      %add3A_1472 = arith.addf %add3A_1469, %abs3A_1471 : vector<16xf32>
      %sub3A_1473 = arith.subf %get3A_1455, %get3A_1464 : vector<16xf32>
      %abs3A_1474 = math.absf %sub3A_1473 : vector<16xf32>
      %add3A_1475 = arith.addf %add3A_1472, %abs3A_1474 : vector<16xf32>
      %sub3A_1476 = arith.subf %get3A_1413, %get3A_1425 : vector<16xf32>
      %abs3A_1477 = math.absf %sub3A_1476 : vector<16xf32>
      %add3A_1478 = arith.addf %add3A_1475, %abs3A_1477 : vector<16xf32>
      %sub3A_1479 = arith.subf %get3A_1418, %get3A_1432 : vector<16xf32>
      %abs3A_1480 = math.absf %sub3A_1479 : vector<16xf32>
      %add3A_1481 = arith.addf %add3A_1478, %abs3A_1480 : vector<16xf32>
      %sub3A_1482 = arith.subf %get3A_1439, %get3A_1455 : vector<16xf32>
      %abs3A_1483 = math.absf %sub3A_1482 : vector<16xf32>
      %add3A_1484 = arith.addf %add3A_1481, %abs3A_1483 : vector<16xf32>
      %sub3A_1485 = arith.subf %get3A_1446, %get3A_1464 : vector<16xf32>
      %abs3A_1486 = math.absf %sub3A_1485 : vector<16xf32>
      %add3A_1487 = arith.addf %add3A_1484, %abs3A_1486 : vector<16xf32>
      %sub3A_1488 = arith.subf %get3A_1413, %get3A_1439 : vector<16xf32>
      %abs3A_1489 = math.absf %sub3A_1488 : vector<16xf32>
      %add3A_1490 = arith.addf %add3A_1487, %abs3A_1489 : vector<16xf32>
      %sub3A_1491 = arith.subf %get3A_1418, %get3A_1446 : vector<16xf32>
      %abs3A_1492 = math.absf %sub3A_1491 : vector<16xf32>
      %add3A_1493 = arith.addf %add3A_1490, %abs3A_1492 : vector<16xf32>
      %sub3A_1494 = arith.subf %get3A_1425, %get3A_1455 : vector<16xf32>
      %abs3A_1495 = math.absf %sub3A_1494 : vector<16xf32>
      %add3A_1496 = arith.addf %add3A_1493, %abs3A_1495 : vector<16xf32>
      %sub3A_1497 = arith.subf %get3A_1432, %get3A_1464 : vector<16xf32>
      %abs3A_1498 = math.absf %sub3A_1497 : vector<16xf32>
      %add3A_1499 = arith.addf %add3A_1496, %abs3A_1498 : vector<16xf32>
      %add3A_1500 = arith.addf %add3A_1408, %add3A_1499 : vector<16xf32>
      %gt3A_1501 = arith.constant 0.000000e+00 : f32
      %gt3A_1502 = vector.broadcast %gt3A_1501 : f32 to vector<16xf32>
      %gt3A_1503 = arith.cmpf ogt, %add3A_1408, %gt3A_1502 : vector<16xf32>
      %gt3A_1504 = arith.constant 0.000000e+00 : f32
      %gt3A_1505 = vector.broadcast %gt3A_1504 : f32 to vector<16xf32>
      %gt3A_1506 = arith.cmpf ogt, %add3A_1499, %gt3A_1505 : vector<16xf32>
      %and3A_1507 = arith.andi %gt3A_1503, %gt3A_1506 : vector<16xi1>
      %jit3A_1508 = arith.constant 0.000000e+00 : f32
      %broadcast_in_dim3A_1509 = vector.broadcast %jit3A_1508 : f32 to vector<16xf32>
      %select_n3A_1510 = arith.select %and3A_1507, %add3A_1500, %broadcast_in_dim3A_1509 : vector<16xi1>, vector<16xf32>
      %mul3A_1511 = vector.broadcast %select_n3A_325 : f32 to vector<16xf32>
      %mul3A_1512 = arith.mulf %mul3A_1511, %select_n3A_1510 : vector<16xf32>
      %add3A_1513 = arith.addf %add3A_1314, %mul3A_1512 : vector<16xf32>
      %mul3A_1514 = vector.broadcast %select_n3A_325 : f32 to vector<16xf32>
      %mul3A_1515 = arith.mulf %mul3A_1514, %add3A_1500 : vector<16xf32>
      %add3A_1516 = arith.addf %add3A_1317, %mul3A_1515 : vector<16xf32>
      %get3A_1517 = arith.index_cast %select_n3A_318 : i32 to index
      %get3A_1518 = arith.index_cast %select_n3A : i32 to index
      %get3A_1519 = arith.constant 96 : index
      %get3A_1520 = tpu.vector_load %arg5[%get3A_1517, %get3A_1518, %get3A_1519] {strides = array<i32>} : memref<4x10x288xf32, #tpu.memory_space<vmem>>, vector<1x1x16xf32>,
      %get3A_1521 = vector.shape_cast %get3A_1520 : vector<1x1x16xf32> to vector<16xf32>
      %get3A_1522 = arith.index_cast %select_n3A_318 : i32 to index
      %get3A_1523 = arith.index_cast %select_n3A : i32 to index
      %get3A_1524 = arith.constant 97 : index
      %get3A_1525 = tpu.vector_load %arg5[%get3A_1522, %get3A_1523, %get3A_1524] {strides = array<i32>} : memref<4x10x288xf32, #tpu.memory_space<vmem>>, vector<1x1x16xf32>,
      %get3A_1526 = vector.shape_cast %get3A_1525 : vector<1x1x16xf32> to vector<16xf32>
      %add3A_1527 = arith.constant 1 : i32
      %add3A_1528 = arith.addi %select_n3A, %add3A_1527 : i32
      %get3A_1529 = arith.index_cast %select_n3A_318 : i32 to index
      %get3A_1530 = arith.index_cast %add3A_1528 : i32 to index
      %get3A_1531 = arith.constant 96 : index
      %get3A_1532 = tpu.vector_load %arg5[%get3A_1529, %get3A_1530, %get3A_1531] {strides = array<i32>} : memref<4x10x288xf32, #tpu.memory_space<vmem>>, vector<1x1x16xf32>,
      %get3A_1533 = vector.shape_cast %get3A_1532 : vector<1x1x16xf32> to vector<16xf32>
      %add3A_1534 = arith.constant 1 : i32
      %add3A_1535 = arith.addi %select_n3A, %add3A_1534 : i32
      %get3A_1536 = arith.index_cast %select_n3A_318 : i32 to index
      %get3A_1537 = arith.index_cast %add3A_1535 : i32 to index
      %get3A_1538 = arith.constant 97 : index
      %get3A_1539 = tpu.vector_load %arg5[%get3A_1536, %get3A_1537, %get3A_1538] {strides = array<i32>} : memref<4x10x288xf32, #tpu.memory_space<vmem>>, vector<1x1x16xf32>,
      %get3A_1540 = vector.shape_cast %get3A_1539 : vector<1x1x16xf32> to vector<16xf32>
      %add3A_1541 = arith.constant 1 : i32
      %add3A_1542 = arith.addi %select_n3A_318, %add3A_1541 : i32
      %get3A_1543 = arith.index_cast %add3A_1542 : i32 to index
      %get3A_1544 = arith.index_cast %select_n3A : i32 to index
      %get3A_1545 = arith.constant 96 : index
      %get3A_1546 = tpu.vector_load %arg5[%get3A_1543, %get3A_1544, %get3A_1545] {strides = array<i32>} : memref<4x10x288xf32, #tpu.memory_space<vmem>>, vector<1x1x16xf32>,
      %get3A_1547 = vector.shape_cast %get3A_1546 : vector<1x1x16xf32> to vector<16xf32>
      %add3A_1548 = arith.constant 1 : i32
      %add3A_1549 = arith.addi %select_n3A_318, %add3A_1548 : i32
      %get3A_1550 = arith.index_cast %add3A_1549 : i32 to index
      %get3A_1551 = arith.index_cast %select_n3A : i32 to index
      %get3A_1552 = arith.constant 97 : index
      %get3A_1553 = tpu.vector_load %arg5[%get3A_1550, %get3A_1551, %get3A_1552] {strides = array<i32>} : memref<4x10x288xf32, #tpu.memory_space<vmem>>, vector<1x1x16xf32>,
      %get3A_1554 = vector.shape_cast %get3A_1553 : vector<1x1x16xf32> to vector<16xf32>
      %add3A_1555 = arith.constant 1 : i32
      %add3A_1556 = arith.addi %select_n3A_318, %add3A_1555 : i32
      %add3A_1557 = arith.constant 1 : i32
      %add3A_1558 = arith.addi %select_n3A, %add3A_1557 : i32
      %get3A_1559 = arith.index_cast %add3A_1556 : i32 to index
      %get3A_1560 = arith.index_cast %add3A_1558 : i32 to index
      %get3A_1561 = arith.constant 96 : index
      %get3A_1562 = tpu.vector_load %arg5[%get3A_1559, %get3A_1560, %get3A_1561] {strides = array<i32>} : memref<4x10x288xf32, #tpu.memory_space<vmem>>, vector<1x1x16xf32>,
      %get3A_1563 = vector.shape_cast %get3A_1562 : vector<1x1x16xf32> to vector<16xf32>
      %add3A_1564 = arith.constant 1 : i32
      %add3A_1565 = arith.addi %select_n3A_318, %add3A_1564 : i32
      %add3A_1566 = arith.constant 1 : i32
      %add3A_1567 = arith.addi %select_n3A, %add3A_1566 : i32
      %get3A_1568 = arith.index_cast %add3A_1565 : i32 to index
      %get3A_1569 = arith.index_cast %add3A_1567 : i32 to index
      %get3A_1570 = arith.constant 97 : index
      %get3A_1571 = tpu.vector_load %arg5[%get3A_1568, %get3A_1569, %get3A_1570] {strides = array<i32>} : memref<4x10x288xf32, #tpu.memory_space<vmem>>, vector<1x1x16xf32>,
      %get3A_1572 = vector.shape_cast %get3A_1571 : vector<1x1x16xf32> to vector<16xf32>
      %sub3A_1573 = arith.subf %get3A_1521, %get3A_1526 : vector<16xf32>
      %abs3A_1574 = math.absf %sub3A_1573 : vector<16xf32>
      %sub3A_1575 = arith.subf %get3A_1533, %get3A_1540 : vector<16xf32>
      %abs3A_1576 = math.absf %sub3A_1575 : vector<16xf32>
      %add3A_1577 = arith.addf %abs3A_1574, %abs3A_1576 : vector<16xf32>
      %sub3A_1578 = arith.subf %get3A_1547, %get3A_1554 : vector<16xf32>
      %abs3A_1579 = math.absf %sub3A_1578 : vector<16xf32>
      %add3A_1580 = arith.addf %add3A_1577, %abs3A_1579 : vector<16xf32>
      %sub3A_1581 = arith.subf %get3A_1563, %get3A_1572 : vector<16xf32>
      %abs3A_1582 = math.absf %sub3A_1581 : vector<16xf32>
      %add3A_1583 = arith.addf %add3A_1580, %abs3A_1582 : vector<16xf32>
      %sub3A_1584 = arith.subf %get3A_1521, %get3A_1533 : vector<16xf32>
      %abs3A_1585 = math.absf %sub3A_1584 : vector<16xf32>
      %add3A_1586 = arith.addf %add3A_1583, %abs3A_1585 : vector<16xf32>
      %sub3A_1587 = arith.subf %get3A_1526, %get3A_1540 : vector<16xf32>
      %abs3A_1588 = math.absf %sub3A_1587 : vector<16xf32>
      %add3A_1589 = arith.addf %add3A_1586, %abs3A_1588 : vector<16xf32>
      %sub3A_1590 = arith.subf %get3A_1547, %get3A_1563 : vector<16xf32>
      %abs3A_1591 = math.absf %sub3A_1590 : vector<16xf32>
      %add3A_1592 = arith.addf %add3A_1589, %abs3A_1591 : vector<16xf32>
      %sub3A_1593 = arith.subf %get3A_1554, %get3A_1572 : vector<16xf32>
      %abs3A_1594 = math.absf %sub3A_1593 : vector<16xf32>
      %add3A_1595 = arith.addf %add3A_1592, %abs3A_1594 : vector<16xf32>
      %sub3A_1596 = arith.subf %get3A_1521, %get3A_1547 : vector<16xf32>
      %abs3A_1597 = math.absf %sub3A_1596 : vector<16xf32>
      %add3A_1598 = arith.addf %add3A_1595, %abs3A_1597 : vector<16xf32>
      %sub3A_1599 = arith.subf %get3A_1526, %get3A_1554 : vector<16xf32>
      %abs3A_1600 = math.absf %sub3A_1599 : vector<16xf32>
      %add3A_1601 = arith.addf %add3A_1598, %abs3A_1600 : vector<16xf32>
      %sub3A_1602 = arith.subf %get3A_1533, %get3A_1563 : vector<16xf32>
      %abs3A_1603 = math.absf %sub3A_1602 : vector<16xf32>
      %add3A_1604 = arith.addf %add3A_1601, %abs3A_1603 : vector<16xf32>
      %sub3A_1605 = arith.subf %get3A_1540, %get3A_1572 : vector<16xf32>
      %abs3A_1606 = math.absf %sub3A_1605 : vector<16xf32>
      %add3A_1607 = arith.addf %add3A_1604, %abs3A_1606 : vector<16xf32>
      %get3A_1608 = arith.index_cast %select_n3A_318 : i32 to index
      %get3A_1609 = arith.index_cast %select_n3A : i32 to index
      %get3A_1610 = arith.constant 96 : index
      %get3A_1611 = tpu.vector_load %arg6[%get3A_1608, %get3A_1609, %get3A_1610] {strides = array<i32>} : memref<4x10x288xf32, #tpu.memory_space<vmem>>, vector<1x1x16xf32>,
      %get3A_1612 = vector.shape_cast %get3A_1611 : vector<1x1x16xf32> to vector<16xf32>
      %get3A_1613 = arith.index_cast %select_n3A_318 : i32 to index
      %get3A_1614 = arith.index_cast %select_n3A : i32 to index
      %get3A_1615 = arith.constant 97 : index
      %get3A_1616 = tpu.vector_load %arg6[%get3A_1613, %get3A_1614, %get3A_1615] {strides = array<i32>} : memref<4x10x288xf32, #tpu.memory_space<vmem>>, vector<1x1x16xf32>,
      %get3A_1617 = vector.shape_cast %get3A_1616 : vector<1x1x16xf32> to vector<16xf32>
      %add3A_1618 = arith.constant 1 : i32
      %add3A_1619 = arith.addi %select_n3A, %add3A_1618 : i32
      %get3A_1620 = arith.index_cast %select_n3A_318 : i32 to index
      %get3A_1621 = arith.index_cast %add3A_1619 : i32 to index
      %get3A_1622 = arith.constant 96 : index
      %get3A_1623 = tpu.vector_load %arg6[%get3A_1620, %get3A_1621, %get3A_1622] {strides = array<i32>} : memref<4x10x288xf32, #tpu.memory_space<vmem>>, vector<1x1x16xf32>,
      %get3A_1624 = vector.shape_cast %get3A_1623 : vector<1x1x16xf32> to vector<16xf32>
      %add3A_1625 = arith.constant 1 : i32
      %add3A_1626 = arith.addi %select_n3A, %add3A_1625 : i32
      %get3A_1627 = arith.index_cast %select_n3A_318 : i32 to index
      %get3A_1628 = arith.index_cast %add3A_1626 : i32 to index
      %get3A_1629 = arith.constant 97 : index
      %get3A_1630 = tpu.vector_load %arg6[%get3A_1627, %get3A_1628, %get3A_1629] {strides = array<i32>} : memref<4x10x288xf32, #tpu.memory_space<vmem>>, vector<1x1x16xf32>,
      %get3A_1631 = vector.shape_cast %get3A_1630 : vector<1x1x16xf32> to vector<16xf32>
      %add3A_1632 = arith.constant 1 : i32
      %add3A_1633 = arith.addi %select_n3A_318, %add3A_1632 : i32
      %get3A_1634 = arith.index_cast %add3A_1633 : i32 to index
      %get3A_1635 = arith.index_cast %select_n3A : i32 to index
      %get3A_1636 = arith.constant 96 : index
      %get3A_1637 = tpu.vector_load %arg6[%get3A_1634, %get3A_1635, %get3A_1636] {strides = array<i32>} : memref<4x10x288xf32, #tpu.memory_space<vmem>>, vector<1x1x16xf32>,
      %get3A_1638 = vector.shape_cast %get3A_1637 : vector<1x1x16xf32> to vector<16xf32>
      %add3A_1639 = arith.constant 1 : i32
      %add3A_1640 = arith.addi %select_n3A_318, %add3A_1639 : i32
      %get3A_1641 = arith.index_cast %add3A_1640 : i32 to index
      %get3A_1642 = arith.index_cast %select_n3A : i32 to index
      %get3A_1643 = arith.constant 97 : index
      %get3A_1644 = tpu.vector_load %arg6[%get3A_1641, %get3A_1642, %get3A_1643] {strides = array<i32>} : memref<4x10x288xf32, #tpu.memory_space<vmem>>, vector<1x1x16xf32>,
      %get3A_1645 = vector.shape_cast %get3A_1644 : vector<1x1x16xf32> to vector<16xf32>
      %add3A_1646 = arith.constant 1 : i32
      %add3A_1647 = arith.addi %select_n3A_318, %add3A_1646 : i32
      %add3A_1648 = arith.constant 1 : i32
      %add3A_1649 = arith.addi %select_n3A, %add3A_1648 : i32
      %get3A_1650 = arith.index_cast %add3A_1647 : i32 to index
      %get3A_1651 = arith.index_cast %add3A_1649 : i32 to index
      %get3A_1652 = arith.constant 96 : index
      %get3A_1653 = tpu.vector_load %arg6[%get3A_1650, %get3A_1651, %get3A_1652] {strides = array<i32>} : memref<4x10x288xf32, #tpu.memory_space<vmem>>, vector<1x1x16xf32>,
      %get3A_1654 = vector.shape_cast %get3A_1653 : vector<1x1x16xf32> to vector<16xf32>
      %add3A_1655 = arith.constant 1 : i32
      %add3A_1656 = arith.addi %select_n3A_318, %add3A_1655 : i32
      %add3A_1657 = arith.constant 1 : i32
      %add3A_1658 = arith.addi %select_n3A, %add3A_1657 : i32
      %get3A_1659 = arith.index_cast %add3A_1656 : i32 to index
      %get3A_1660 = arith.index_cast %add3A_1658 : i32 to index
      %get3A_1661 = arith.constant 97 : index
      %get3A_1662 = tpu.vector_load %arg6[%get3A_1659, %get3A_1660, %get3A_1661] {strides = array<i32>} : memref<4x10x288xf32, #tpu.memory_space<vmem>>, vector<1x1x16xf32>,
      %get3A_1663 = vector.shape_cast %get3A_1662 : vector<1x1x16xf32> to vector<16xf32>
      %sub3A_1664 = arith.subf %get3A_1612, %get3A_1617 : vector<16xf32>
      %abs3A_1665 = math.absf %sub3A_1664 : vector<16xf32>
      %sub3A_1666 = arith.subf %get3A_1624, %get3A_1631 : vector<16xf32>
      %abs3A_1667 = math.absf %sub3A_1666 : vector<16xf32>
      %add3A_1668 = arith.addf %abs3A_1665, %abs3A_1667 : vector<16xf32>
      %sub3A_1669 = arith.subf %get3A_1638, %get3A_1645 : vector<16xf32>
      %abs3A_1670 = math.absf %sub3A_1669 : vector<16xf32>
      %add3A_1671 = arith.addf %add3A_1668, %abs3A_1670 : vector<16xf32>
      %sub3A_1672 = arith.subf %get3A_1654, %get3A_1663 : vector<16xf32>
      %abs3A_1673 = math.absf %sub3A_1672 : vector<16xf32>
      %add3A_1674 = arith.addf %add3A_1671, %abs3A_1673 : vector<16xf32>
      %sub3A_1675 = arith.subf %get3A_1612, %get3A_1624 : vector<16xf32>
      %abs3A_1676 = math.absf %sub3A_1675 : vector<16xf32>
      %add3A_1677 = arith.addf %add3A_1674, %abs3A_1676 : vector<16xf32>
      %sub3A_1678 = arith.subf %get3A_1617, %get3A_1631 : vector<16xf32>
      %abs3A_1679 = math.absf %sub3A_1678 : vector<16xf32>
      %add3A_1680 = arith.addf %add3A_1677, %abs3A_1679 : vector<16xf32>
      %sub3A_1681 = arith.subf %get3A_1638, %get3A_1654 : vector<16xf32>
      %abs3A_1682 = math.absf %sub3A_1681 : vector<16xf32>
      %add3A_1683 = arith.addf %add3A_1680, %abs3A_1682 : vector<16xf32>
      %sub3A_1684 = arith.subf %get3A_1645, %get3A_1663 : vector<16xf32>
      %abs3A_1685 = math.absf %sub3A_1684 : vector<16xf32>
      %add3A_1686 = arith.addf %add3A_1683, %abs3A_1685 : vector<16xf32>
      %sub3A_1687 = arith.subf %get3A_1612, %get3A_1638 : vector<16xf32>
      %abs3A_1688 = math.absf %sub3A_1687 : vector<16xf32>
      %add3A_1689 = arith.addf %add3A_1686, %abs3A_1688 : vector<16xf32>
      %sub3A_1690 = arith.subf %get3A_1617, %get3A_1645 : vector<16xf32>
      %abs3A_1691 = math.absf %sub3A_1690 : vector<16xf32>
      %add3A_1692 = arith.addf %add3A_1689, %abs3A_1691 : vector<16xf32>
      %sub3A_1693 = arith.subf %get3A_1624, %get3A_1654 : vector<16xf32>
      %abs3A_1694 = math.absf %sub3A_1693 : vector<16xf32>
      %add3A_1695 = arith.addf %add3A_1692, %abs3A_1694 : vector<16xf32>
      %sub3A_1696 = arith.subf %get3A_1631, %get3A_1663 : vector<16xf32>
      %abs3A_1697 = math.absf %sub3A_1696 : vector<16xf32>
      %add3A_1698 = arith.addf %add3A_1695, %abs3A_1697 : vector<16xf32>
      %add3A_1699 = arith.addf %add3A_1607, %add3A_1698 : vector<16xf32>
      %gt3A_1700 = arith.constant 0.000000e+00 : f32
      %gt3A_1701 = vector.broadcast %gt3A_1700 : f32 to vector<16xf32>
      %gt3A_1702 = arith.cmpf ogt, %add3A_1607, %gt3A_1701 : vector<16xf32>
      %gt3A_1703 = arith.constant 0.000000e+00 : f32
      %gt3A_1704 = vector.broadcast %gt3A_1703 : f32 to vector<16xf32>
      %gt3A_1705 = arith.cmpf ogt, %add3A_1698, %gt3A_1704 : vector<16xf32>
      %and3A_1706 = arith.andi %gt3A_1702, %gt3A_1705 : vector<16xi1>
      %jit3A_1707 = arith.constant 0.000000e+00 : f32
      %broadcast_in_dim3A_1708 = vector.broadcast %jit3A_1707 : f32 to vector<16xf32>
      %select_n3A_1709 = arith.select %and3A_1706, %add3A_1699, %broadcast_in_dim3A_1708 : vector<16xi1>, vector<16xf32>
      %mul3A_1710 = vector.broadcast %select_n3A_325 : f32 to vector<16xf32>
      %mul3A_1711 = arith.mulf %mul3A_1710, %select_n3A_1709 : vector<16xf32>
      %add3A_1712 = arith.addf %add3A_1513, %mul3A_1711 : vector<16xf32>
      %mul3A_1713 = vector.broadcast %select_n3A_325 : f32 to vector<16xf32>
      %mul3A_1714 = arith.mulf %mul3A_1713, %add3A_1699 : vector<16xf32>
      %add3A_1715 = arith.addf %add3A_1516, %mul3A_1714 : vector<16xf32>
      %get3A_1716 = arith.index_cast %select_n3A_318 : i32 to index
      %get3A_1717 = arith.index_cast %select_n3A : i32 to index
      %get3A_1718 = arith.constant 112 : index
      %get3A_1719 = tpu.vector_load %arg5[%get3A_1716, %get3A_1717, %get3A_1718] {strides = array<i32>} : memref<4x10x288xf32, #tpu.memory_space<vmem>>, vector<1x1x16xf32>,
      %get3A_1720 = vector.shape_cast %get3A_1719 : vector<1x1x16xf32> to vector<16xf32>
      %get3A_1721 = arith.index_cast %select_n3A_318 : i32 to index
      %get3A_1722 = arith.index_cast %select_n3A : i32 to index
      %get3A_1723 = arith.constant 113 : index
      %get3A_1724 = tpu.vector_load %arg5[%get3A_1721, %get3A_1722, %get3A_1723] {strides = array<i32>} : memref<4x10x288xf32, #tpu.memory_space<vmem>>, vector<1x1x16xf32>,
      %get3A_1725 = vector.shape_cast %get3A_1724 : vector<1x1x16xf32> to vector<16xf32>
      %add3A_1726 = arith.constant 1 : i32
      %add3A_1727 = arith.addi %select_n3A, %add3A_1726 : i32
      %get3A_1728 = arith.index_cast %select_n3A_318 : i32 to index
      %get3A_1729 = arith.index_cast %add3A_1727 : i32 to index
      %get3A_1730 = arith.constant 112 : index
      %get3A_1731 = tpu.vector_load %arg5[%get3A_1728, %get3A_1729, %get3A_1730] {strides = array<i32>} : memref<4x10x288xf32, #tpu.memory_space<vmem>>, vector<1x1x16xf32>,
      %get3A_1732 = vector.shape_cast %get3A_1731 : vector<1x1x16xf32> to vector<16xf32>
      %add3A_1733 = arith.constant 1 : i32
      %add3A_1734 = arith.addi %select_n3A, %add3A_1733 : i32
      %get3A_1735 = arith.index_cast %select_n3A_318 : i32 to index
      %get3A_1736 = arith.index_cast %add3A_1734 : i32 to index
      %get3A_1737 = arith.constant 113 : index
      %get3A_1738 = tpu.vector_load %arg5[%get3A_1735, %get3A_1736, %get3A_1737] {strides = array<i32>} : memref<4x10x288xf32, #tpu.memory_space<vmem>>, vector<1x1x16xf32>,
      %get3A_1739 = vector.shape_cast %get3A_1738 : vector<1x1x16xf32> to vector<16xf32>
      %add3A_1740 = arith.constant 1 : i32
      %add3A_1741 = arith.addi %select_n3A_318, %add3A_1740 : i32
      %get3A_1742 = arith.index_cast %add3A_1741 : i32 to index
      %get3A_1743 = arith.index_cast %select_n3A : i32 to index
      %get3A_1744 = arith.constant 112 : index
      %get3A_1745 = tpu.vector_load %arg5[%get3A_1742, %get3A_1743, %get3A_1744] {strides = array<i32>} : memref<4x10x288xf32, #tpu.memory_space<vmem>>, vector<1x1x16xf32>,
      %get3A_1746 = vector.shape_cast %get3A_1745 : vector<1x1x16xf32> to vector<16xf32>
      %add3A_1747 = arith.constant 1 : i32
      %add3A_1748 = arith.addi %select_n3A_318, %add3A_1747 : i32
      %get3A_1749 = arith.index_cast %add3A_1748 : i32 to index
      %get3A_1750 = arith.index_cast %select_n3A : i32 to index
      %get3A_1751 = arith.constant 113 : index
      %get3A_1752 = tpu.vector_load %arg5[%get3A_1749, %get3A_1750, %get3A_1751] {strides = array<i32>} : memref<4x10x288xf32, #tpu.memory_space<vmem>>, vector<1x1x16xf32>,
      %get3A_1753 = vector.shape_cast %get3A_1752 : vector<1x1x16xf32> to vector<16xf32>
      %add3A_1754 = arith.constant 1 : i32
      %add3A_1755 = arith.addi %select_n3A_318, %add3A_1754 : i32
      %add3A_1756 = arith.constant 1 : i32
      %add3A_1757 = arith.addi %select_n3A, %add3A_1756 : i32
      %get3A_1758 = arith.index_cast %add3A_1755 : i32 to index
      %get3A_1759 = arith.index_cast %add3A_1757 : i32 to index
      %get3A_1760 = arith.constant 112 : index
      %get3A_1761 = tpu.vector_load %arg5[%get3A_1758, %get3A_1759, %get3A_1760] {strides = array<i32>} : memref<4x10x288xf32, #tpu.memory_space<vmem>>, vector<1x1x16xf32>,
      %get3A_1762 = vector.shape_cast %get3A_1761 : vector<1x1x16xf32> to vector<16xf32>
      %add3A_1763 = arith.constant 1 : i32
      %add3A_1764 = arith.addi %select_n3A_318, %add3A_1763 : i32
      %add3A_1765 = arith.constant 1 : i32
      %add3A_1766 = arith.addi %select_n3A, %add3A_1765 : i32
      %get3A_1767 = arith.index_cast %add3A_1764 : i32 to index
      %get3A_1768 = arith.index_cast %add3A_1766 : i32 to index
      %get3A_1769 = arith.constant 113 : index
      %get3A_1770 = tpu.vector_load %arg5[%get3A_1767, %get3A_1768, %get3A_1769] {strides = array<i32>} : memref<4x10x288xf32, #tpu.memory_space<vmem>>, vector<1x1x16xf32>,
      %get3A_1771 = vector.shape_cast %get3A_1770 : vector<1x1x16xf32> to vector<16xf32>
      %sub3A_1772 = arith.subf %get3A_1720, %get3A_1725 : vector<16xf32>
      %abs3A_1773 = math.absf %sub3A_1772 : vector<16xf32>
      %sub3A_1774 = arith.subf %get3A_1732, %get3A_1739 : vector<16xf32>
      %abs3A_1775 = math.absf %sub3A_1774 : vector<16xf32>
      %add3A_1776 = arith.addf %abs3A_1773, %abs3A_1775 : vector<16xf32>
      %sub3A_1777 = arith.subf %get3A_1746, %get3A_1753 : vector<16xf32>
      %abs3A_1778 = math.absf %sub3A_1777 : vector<16xf32>
      %add3A_1779 = arith.addf %add3A_1776, %abs3A_1778 : vector<16xf32>
      %sub3A_1780 = arith.subf %get3A_1762, %get3A_1771 : vector<16xf32>
      %abs3A_1781 = math.absf %sub3A_1780 : vector<16xf32>
      %add3A_1782 = arith.addf %add3A_1779, %abs3A_1781 : vector<16xf32>
      %sub3A_1783 = arith.subf %get3A_1720, %get3A_1732 : vector<16xf32>
      %abs3A_1784 = math.absf %sub3A_1783 : vector<16xf32>
      %add3A_1785 = arith.addf %add3A_1782, %abs3A_1784 : vector<16xf32>
      %sub3A_1786 = arith.subf %get3A_1725, %get3A_1739 : vector<16xf32>
      %abs3A_1787 = math.absf %sub3A_1786 : vector<16xf32>
      %add3A_1788 = arith.addf %add3A_1785, %abs3A_1787 : vector<16xf32>
      %sub3A_1789 = arith.subf %get3A_1746, %get3A_1762 : vector<16xf32>
      %abs3A_1790 = math.absf %sub3A_1789 : vector<16xf32>
      %add3A_1791 = arith.addf %add3A_1788, %abs3A_1790 : vector<16xf32>
      %sub3A_1792 = arith.subf %get3A_1753, %get3A_1771 : vector<16xf32>
      %abs3A_1793 = math.absf %sub3A_1792 : vector<16xf32>
      %add3A_1794 = arith.addf %add3A_1791, %abs3A_1793 : vector<16xf32>
      %sub3A_1795 = arith.subf %get3A_1720, %get3A_1746 : vector<16xf32>
      %abs3A_1796 = math.absf %sub3A_1795 : vector<16xf32>
      %add3A_1797 = arith.addf %add3A_1794, %abs3A_1796 : vector<16xf32>
      %sub3A_1798 = arith.subf %get3A_1725, %get3A_1753 : vector<16xf32>
      %abs3A_1799 = math.absf %sub3A_1798 : vector<16xf32>
      %add3A_1800 = arith.addf %add3A_1797, %abs3A_1799 : vector<16xf32>
      %sub3A_1801 = arith.subf %get3A_1732, %get3A_1762 : vector<16xf32>
      %abs3A_1802 = math.absf %sub3A_1801 : vector<16xf32>
      %add3A_1803 = arith.addf %add3A_1800, %abs3A_1802 : vector<16xf32>
      %sub3A_1804 = arith.subf %get3A_1739, %get3A_1771 : vector<16xf32>
      %abs3A_1805 = math.absf %sub3A_1804 : vector<16xf32>
      %add3A_1806 = arith.addf %add3A_1803, %abs3A_1805 : vector<16xf32>
      %get3A_1807 = arith.index_cast %select_n3A_318 : i32 to index
      %get3A_1808 = arith.index_cast %select_n3A : i32 to index
      %get3A_1809 = arith.constant 112 : index
      %get3A_1810 = tpu.vector_load %arg6[%get3A_1807, %get3A_1808, %get3A_1809] {strides = array<i32>} : memref<4x10x288xf32, #tpu.memory_space<vmem>>, vector<1x1x16xf32>,
      %get3A_1811 = vector.shape_cast %get3A_1810 : vector<1x1x16xf32> to vector<16xf32>
      %get3A_1812 = arith.index_cast %select_n3A_318 : i32 to index
      %get3A_1813 = arith.index_cast %select_n3A : i32 to index
      %get3A_1814 = arith.constant 113 : index
      %get3A_1815 = tpu.vector_load %arg6[%get3A_1812, %get3A_1813, %get3A_1814] {strides = array<i32>} : memref<4x10x288xf32, #tpu.memory_space<vmem>>, vector<1x1x16xf32>,
      %get3A_1816 = vector.shape_cast %get3A_1815 : vector<1x1x16xf32> to vector<16xf32>
      %add3A_1817 = arith.constant 1 : i32
      %add3A_1818 = arith.addi %select_n3A, %add3A_1817 : i32
      %get3A_1819 = arith.index_cast %select_n3A_318 : i32 to index
      %get3A_1820 = arith.index_cast %add3A_1818 : i32 to index
      %get3A_1821 = arith.constant 112 : index
      %get3A_1822 = tpu.vector_load %arg6[%get3A_1819, %get3A_1820, %get3A_1821] {strides = array<i32>} : memref<4x10x288xf32, #tpu.memory_space<vmem>>, vector<1x1x16xf32>,
      %get3A_1823 = vector.shape_cast %get3A_1822 : vector<1x1x16xf32> to vector<16xf32>
      %add3A_1824 = arith.constant 1 : i32
      %add3A_1825 = arith.addi %select_n3A, %add3A_1824 : i32
      %get3A_1826 = arith.index_cast %select_n3A_318 : i32 to index
      %get3A_1827 = arith.index_cast %add3A_1825 : i32 to index
      %get3A_1828 = arith.constant 113 : index
      %get3A_1829 = tpu.vector_load %arg6[%get3A_1826, %get3A_1827, %get3A_1828] {strides = array<i32>} : memref<4x10x288xf32, #tpu.memory_space<vmem>>, vector<1x1x16xf32>,
      %get3A_1830 = vector.shape_cast %get3A_1829 : vector<1x1x16xf32> to vector<16xf32>
      %add3A_1831 = arith.constant 1 : i32
      %add3A_1832 = arith.addi %select_n3A_318, %add3A_1831 : i32
      %get3A_1833 = arith.index_cast %add3A_1832 : i32 to index
      %get3A_1834 = arith.index_cast %select_n3A : i32 to index
      %get3A_1835 = arith.constant 112 : index
      %get3A_1836 = tpu.vector_load %arg6[%get3A_1833, %get3A_1834, %get3A_1835] {strides = array<i32>} : memref<4x10x288xf32, #tpu.memory_space<vmem>>, vector<1x1x16xf32>,
      %get3A_1837 = vector.shape_cast %get3A_1836 : vector<1x1x16xf32> to vector<16xf32>
      %add3A_1838 = arith.constant 1 : i32
      %add3A_1839 = arith.addi %select_n3A_318, %add3A_1838 : i32
      %get3A_1840 = arith.index_cast %add3A_1839 : i32 to index
      %get3A_1841 = arith.index_cast %select_n3A : i32 to index
      %get3A_1842 = arith.constant 113 : index
      %get3A_1843 = tpu.vector_load %arg6[%get3A_1840, %get3A_1841, %get3A_1842] {strides = array<i32>} : memref<4x10x288xf32, #tpu.memory_space<vmem>>, vector<1x1x16xf32>,
      %get3A_1844 = vector.shape_cast %get3A_1843 : vector<1x1x16xf32> to vector<16xf32>
      %add3A_1845 = arith.constant 1 : i32
      %add3A_1846 = arith.addi %select_n3A_318, %add3A_1845 : i32
      %add3A_1847 = arith.constant 1 : i32
      %add3A_1848 = arith.addi %select_n3A, %add3A_1847 : i32
      %get3A_1849 = arith.index_cast %add3A_1846 : i32 to index
      %get3A_1850 = arith.index_cast %add3A_1848 : i32 to index
      %get3A_1851 = arith.constant 112 : index
      %get3A_1852 = tpu.vector_load %arg6[%get3A_1849, %get3A_1850, %get3A_1851] {strides = array<i32>} : memref<4x10x288xf32, #tpu.memory_space<vmem>>, vector<1x1x16xf32>,
      %get3A_1853 = vector.shape_cast %get3A_1852 : vector<1x1x16xf32> to vector<16xf32>
      %add3A_1854 = arith.constant 1 : i32
      %add3A_1855 = arith.addi %select_n3A_318, %add3A_1854 : i32
      %add3A_1856 = arith.constant 1 : i32
      %add3A_1857 = arith.addi %select_n3A, %add3A_1856 : i32
      %get3A_1858 = arith.index_cast %add3A_1855 : i32 to index
      %get3A_1859 = arith.index_cast %add3A_1857 : i32 to index
      %get3A_1860 = arith.constant 113 : index
      %get3A_1861 = tpu.vector_load %arg6[%get3A_1858, %get3A_1859, %get3A_1860] {strides = array<i32>} : memref<4x10x288xf32, #tpu.memory_space<vmem>>, vector<1x1x16xf32>,
      %get3A_1862 = vector.shape_cast %get3A_1861 : vector<1x1x16xf32> to vector<16xf32>
      %sub3A_1863 = arith.subf %get3A_1811, %get3A_1816 : vector<16xf32>
      %abs3A_1864 = math.absf %sub3A_1863 : vector<16xf32>
      %sub3A_1865 = arith.subf %get3A_1823, %get3A_1830 : vector<16xf32>
      %abs3A_1866 = math.absf %sub3A_1865 : vector<16xf32>
      %add3A_1867 = arith.addf %abs3A_1864, %abs3A_1866 : vector<16xf32>
      %sub3A_1868 = arith.subf %get3A_1837, %get3A_1844 : vector<16xf32>
      %abs3A_1869 = math.absf %sub3A_1868 : vector<16xf32>
      %add3A_1870 = arith.addf %add3A_1867, %abs3A_1869 : vector<16xf32>
      %sub3A_1871 = arith.subf %get3A_1853, %get3A_1862 : vector<16xf32>
      %abs3A_1872 = math.absf %sub3A_1871 : vector<16xf32>
      %add3A_1873 = arith.addf %add3A_1870, %abs3A_1872 : vector<16xf32>
      %sub3A_1874 = arith.subf %get3A_1811, %get3A_1823 : vector<16xf32>
      %abs3A_1875 = math.absf %sub3A_1874 : vector<16xf32>
      %add3A_1876 = arith.addf %add3A_1873, %abs3A_1875 : vector<16xf32>
      %sub3A_1877 = arith.subf %get3A_1816, %get3A_1830 : vector<16xf32>
      %abs3A_1878 = math.absf %sub3A_1877 : vector<16xf32>
      %add3A_1879 = arith.addf %add3A_1876, %abs3A_1878 : vector<16xf32>
      %sub3A_1880 = arith.subf %get3A_1837, %get3A_1853 : vector<16xf32>
      %abs3A_1881 = math.absf %sub3A_1880 : vector<16xf32>
      %add3A_1882 = arith.addf %add3A_1879, %abs3A_1881 : vector<16xf32>
      %sub3A_1883 = arith.subf %get3A_1844, %get3A_1862 : vector<16xf32>
      %abs3A_1884 = math.absf %sub3A_1883 : vector<16xf32>
      %add3A_1885 = arith.addf %add3A_1882, %abs3A_1884 : vector<16xf32>
      %sub3A_1886 = arith.subf %get3A_1811, %get3A_1837 : vector<16xf32>
      %abs3A_1887 = math.absf %sub3A_1886 : vector<16xf32>
      %add3A_1888 = arith.addf %add3A_1885, %abs3A_1887 : vector<16xf32>
      %sub3A_1889 = arith.subf %get3A_1816, %get3A_1844 : vector<16xf32>
      %abs3A_1890 = math.absf %sub3A_1889 : vector<16xf32>
      %add3A_1891 = arith.addf %add3A_1888, %abs3A_1890 : vector<16xf32>
      %sub3A_1892 = arith.subf %get3A_1823, %get3A_1853 : vector<16xf32>
      %abs3A_1893 = math.absf %sub3A_1892 : vector<16xf32>
      %add3A_1894 = arith.addf %add3A_1891, %abs3A_1893 : vector<16xf32>
      %sub3A_1895 = arith.subf %get3A_1830, %get3A_1862 : vector<16xf32>
      %abs3A_1896 = math.absf %sub3A_1895 : vector<16xf32>
      %add3A_1897 = arith.addf %add3A_1894, %abs3A_1896 : vector<16xf32>
      %add3A_1898 = arith.addf %add3A_1806, %add3A_1897 : vector<16xf32>
      %gt3A_1899 = arith.constant 0.000000e+00 : f32
      %gt3A_1900 = vector.broadcast %gt3A_1899 : f32 to vector<16xf32>
      %gt3A_1901 = arith.cmpf ogt, %add3A_1806, %gt3A_1900 : vector<16xf32>
      %gt3A_1902 = arith.constant 0.000000e+00 : f32
      %gt3A_1903 = vector.broadcast %gt3A_1902 : f32 to vector<16xf32>
      %gt3A_1904 = arith.cmpf ogt, %add3A_1897, %gt3A_1903 : vector<16xf32>
      %and3A_1905 = arith.andi %gt3A_1901, %gt3A_1904 : vector<16xi1>
      %jit3A_1906 = arith.constant 0.000000e+00 : f32
      %broadcast_in_dim3A_1907 = vector.broadcast %jit3A_1906 : f32 to vector<16xf32>
      %select_n3A_1908 = arith.select %and3A_1905, %add3A_1898, %broadcast_in_dim3A_1907 : vector<16xi1>, vector<16xf32>
      %mul3A_1909 = vector.broadcast %select_n3A_325 : f32 to vector<16xf32>
      %mul3A_1910 = arith.mulf %mul3A_1909, %select_n3A_1908 : vector<16xf32>
      %add3A_1911 = arith.addf %add3A_1712, %mul3A_1910 : vector<16xf32>
      %mul3A_1912 = vector.broadcast %select_n3A_325 : f32 to vector<16xf32>
      %mul3A_1913 = arith.mulf %mul3A_1912, %add3A_1898 : vector<16xf32>
      %add3A_1914 = arith.addf %add3A_1715, %mul3A_1913 : vector<16xf32>
      %get3A_1915 = arith.index_cast %select_n3A_318 : i32 to index
      %get3A_1916 = arith.index_cast %select_n3A : i32 to index
      %get3A_1917 = arith.constant 128 : index
      %get3A_1918 = tpu.vector_load %arg5[%get3A_1915, %get3A_1916, %get3A_1917] {strides = array<i32>} : memref<4x10x288xf32, #tpu.memory_space<vmem>>, vector<1x1x16xf32>,
      %get3A_1919 = vector.shape_cast %get3A_1918 : vector<1x1x16xf32> to vector<16xf32>
      %get3A_1920 = arith.index_cast %select_n3A_318 : i32 to index
      %get3A_1921 = arith.index_cast %select_n3A : i32 to index
      %get3A_1922 = arith.constant 129 : index
      %get3A_1923 = tpu.vector_load %arg5[%get3A_1920, %get3A_1921, %get3A_1922] {strides = array<i32>} : memref<4x10x288xf32, #tpu.memory_space<vmem>>, vector<1x1x16xf32>,
      %get3A_1924 = vector.shape_cast %get3A_1923 : vector<1x1x16xf32> to vector<16xf32>
      %add3A_1925 = arith.constant 1 : i32
      %add3A_1926 = arith.addi %select_n3A, %add3A_1925 : i32
      %get3A_1927 = arith.index_cast %select_n3A_318 : i32 to index
      %get3A_1928 = arith.index_cast %add3A_1926 : i32 to index
      %get3A_1929 = arith.constant 128 : index
      %get3A_1930 = tpu.vector_load %arg5[%get3A_1927, %get3A_1928, %get3A_1929] {strides = array<i32>} : memref<4x10x288xf32, #tpu.memory_space<vmem>>, vector<1x1x16xf32>,
      %get3A_1931 = vector.shape_cast %get3A_1930 : vector<1x1x16xf32> to vector<16xf32>
      %add3A_1932 = arith.constant 1 : i32
      %add3A_1933 = arith.addi %select_n3A, %add3A_1932 : i32
      %get3A_1934 = arith.index_cast %select_n3A_318 : i32 to index
      %get3A_1935 = arith.index_cast %add3A_1933 : i32 to index
      %get3A_1936 = arith.constant 129 : index
      %get3A_1937 = tpu.vector_load %arg5[%get3A_1934, %get3A_1935, %get3A_1936] {strides = array<i32>} : memref<4x10x288xf32, #tpu.memory_space<vmem>>, vector<1x1x16xf32>,
      %get3A_1938 = vector.shape_cast %get3A_1937 : vector<1x1x16xf32> to vector<16xf32>
      %add3A_1939 = arith.constant 1 : i32
      %add3A_1940 = arith.addi %select_n3A_318, %add3A_1939 : i32
      %get3A_1941 = arith.index_cast %add3A_1940 : i32 to index
      %get3A_1942 = arith.index_cast %select_n3A : i32 to index
      %get3A_1943 = arith.constant 128 : index
      %get3A_1944 = tpu.vector_load %arg5[%get3A_1941, %get3A_1942, %get3A_1943] {strides = array<i32>} : memref<4x10x288xf32, #tpu.memory_space<vmem>>, vector<1x1x16xf32>,
      %get3A_1945 = vector.shape_cast %get3A_1944 : vector<1x1x16xf32> to vector<16xf32>
      %add3A_1946 = arith.constant 1 : i32
      %add3A_1947 = arith.addi %select_n3A_318, %add3A_1946 : i32
      %get3A_1948 = arith.index_cast %add3A_1947 : i32 to index
      %get3A_1949 = arith.index_cast %select_n3A : i32 to index
      %get3A_1950 = arith.constant 129 : index
      %get3A_1951 = tpu.vector_load %arg5[%get3A_1948, %get3A_1949, %get3A_1950] {strides = array<i32>} : memref<4x10x288xf32, #tpu.memory_space<vmem>>, vector<1x1x16xf32>,
      %get3A_1952 = vector.shape_cast %get3A_1951 : vector<1x1x16xf32> to vector<16xf32>
      %add3A_1953 = arith.constant 1 : i32
      %add3A_1954 = arith.addi %select_n3A_318, %add3A_1953 : i32
      %add3A_1955 = arith.constant 1 : i32
      %add3A_1956 = arith.addi %select_n3A, %add3A_1955 : i32
      %get3A_1957 = arith.index_cast %add3A_1954 : i32 to index
      %get3A_1958 = arith.index_cast %add3A_1956 : i32 to index
      %get3A_1959 = arith.constant 128 : index
      %get3A_1960 = tpu.vector_load %arg5[%get3A_1957, %get3A_1958, %get3A_1959] {strides = array<i32>} : memref<4x10x288xf32, #tpu.memory_space<vmem>>, vector<1x1x16xf32>,
      %get3A_1961 = vector.shape_cast %get3A_1960 : vector<1x1x16xf32> to vector<16xf32>
      %add3A_1962 = arith.constant 1 : i32
      %add3A_1963 = arith.addi %select_n3A_318, %add3A_1962 : i32
      %add3A_1964 = arith.constant 1 : i32
      %add3A_1965 = arith.addi %select_n3A, %add3A_1964 : i32
      %get3A_1966 = arith.index_cast %add3A_1963 : i32 to index
      %get3A_1967 = arith.index_cast %add3A_1965 : i32 to index
      %get3A_1968 = arith.constant 129 : index
      %get3A_1969 = tpu.vector_load %arg5[%get3A_1966, %get3A_1967, %get3A_1968] {strides = array<i32>} : memref<4x10x288xf32, #tpu.memory_space<vmem>>, vector<1x1x16xf32>,
      %get3A_1970 = vector.shape_cast %get3A_1969 : vector<1x1x16xf32> to vector<16xf32>
      %sub3A_1971 = arith.subf %get3A_1919, %get3A_1924 : vector<16xf32>
      %abs3A_1972 = math.absf %sub3A_1971 : vector<16xf32>
      %sub3A_1973 = arith.subf %get3A_1931, %get3A_1938 : vector<16xf32>
      %abs3A_1974 = math.absf %sub3A_1973 : vector<16xf32>
      %add3A_1975 = arith.addf %abs3A_1972, %abs3A_1974 : vector<16xf32>
      %sub3A_1976 = arith.subf %get3A_1945, %get3A_1952 : vector<16xf32>
      %abs3A_1977 = math.absf %sub3A_1976 : vector<16xf32>
      %add3A_1978 = arith.addf %add3A_1975, %abs3A_1977 : vector<16xf32>
      %sub3A_1979 = arith.subf %get3A_1961, %get3A_1970 : vector<16xf32>
      %abs3A_1980 = math.absf %sub3A_1979 : vector<16xf32>
      %add3A_1981 = arith.addf %add3A_1978, %abs3A_1980 : vector<16xf32>
      %sub3A_1982 = arith.subf %get3A_1919, %get3A_1931 : vector<16xf32>
      %abs3A_1983 = math.absf %sub3A_1982 : vector<16xf32>
      %add3A_1984 = arith.addf %add3A_1981, %abs3A_1983 : vector<16xf32>
      %sub3A_1985 = arith.subf %get3A_1924, %get3A_1938 : vector<16xf32>
      %abs3A_1986 = math.absf %sub3A_1985 : vector<16xf32>
      %add3A_1987 = arith.addf %add3A_1984, %abs3A_1986 : vector<16xf32>
      %sub3A_1988 = arith.subf %get3A_1945, %get3A_1961 : vector<16xf32>
      %abs3A_1989 = math.absf %sub3A_1988 : vector<16xf32>
      %add3A_1990 = arith.addf %add3A_1987, %abs3A_1989 : vector<16xf32>
      %sub3A_1991 = arith.subf %get3A_1952, %get3A_1970 : vector<16xf32>
      %abs3A_1992 = math.absf %sub3A_1991 : vector<16xf32>
      %add3A_1993 = arith.addf %add3A_1990, %abs3A_1992 : vector<16xf32>
      %sub3A_1994 = arith.subf %get3A_1919, %get3A_1945 : vector<16xf32>
      %abs3A_1995 = math.absf %sub3A_1994 : vector<16xf32>
      %add3A_1996 = arith.addf %add3A_1993, %abs3A_1995 : vector<16xf32>
      %sub3A_1997 = arith.subf %get3A_1924, %get3A_1952 : vector<16xf32>
      %abs3A_1998 = math.absf %sub3A_1997 : vector<16xf32>
      %add3A_1999 = arith.addf %add3A_1996, %abs3A_1998 : vector<16xf32>
      %sub3A_2000 = arith.subf %get3A_1931, %get3A_1961 : vector<16xf32>
      %abs3A_2001 = math.absf %sub3A_2000 : vector<16xf32>
      %add3A_2002 = arith.addf %add3A_1999, %abs3A_2001 : vector<16xf32>
      %sub3A_2003 = arith.subf %get3A_1938, %get3A_1970 : vector<16xf32>
      %abs3A_2004 = math.absf %sub3A_2003 : vector<16xf32>
      %add3A_2005 = arith.addf %add3A_2002, %abs3A_2004 : vector<16xf32>
      %get3A_2006 = arith.index_cast %select_n3A_318 : i32 to index
      %get3A_2007 = arith.index_cast %select_n3A : i32 to index
      %get3A_2008 = arith.constant 128 : index
      %get3A_2009 = tpu.vector_load %arg6[%get3A_2006, %get3A_2007, %get3A_2008] {strides = array<i32>} : memref<4x10x288xf32, #tpu.memory_space<vmem>>, vector<1x1x16xf32>,
      %get3A_2010 = vector.shape_cast %get3A_2009 : vector<1x1x16xf32> to vector<16xf32>
      %get3A_2011 = arith.index_cast %select_n3A_318 : i32 to index
      %get3A_2012 = arith.index_cast %select_n3A : i32 to index
      %get3A_2013 = arith.constant 129 : index
      %get3A_2014 = tpu.vector_load %arg6[%get3A_2011, %get3A_2012, %get3A_2013] {strides = array<i32>} : memref<4x10x288xf32, #tpu.memory_space<vmem>>, vector<1x1x16xf32>,
      %get3A_2015 = vector.shape_cast %get3A_2014 : vector<1x1x16xf32> to vector<16xf32>
      %add3A_2016 = arith.constant 1 : i32
      %add3A_2017 = arith.addi %select_n3A, %add3A_2016 : i32
      %get3A_2018 = arith.index_cast %select_n3A_318 : i32 to index
      %get3A_2019 = arith.index_cast %add3A_2017 : i32 to index
      %get3A_2020 = arith.constant 128 : index
      %get3A_2021 = tpu.vector_load %arg6[%get3A_2018, %get3A_2019, %get3A_2020] {strides = array<i32>} : memref<4x10x288xf32, #tpu.memory_space<vmem>>, vector<1x1x16xf32>,
      %get3A_2022 = vector.shape_cast %get3A_2021 : vector<1x1x16xf32> to vector<16xf32>
      %add3A_2023 = arith.constant 1 : i32
      %add3A_2024 = arith.addi %select_n3A, %add3A_2023 : i32
      %get3A_2025 = arith.index_cast %select_n3A_318 : i32 to index
      %get3A_2026 = arith.index_cast %add3A_2024 : i32 to index
      %get3A_2027 = arith.constant 129 : index
      %get3A_2028 = tpu.vector_load %arg6[%get3A_2025, %get3A_2026, %get3A_2027] {strides = array<i32>} : memref<4x10x288xf32, #tpu.memory_space<vmem>>, vector<1x1x16xf32>,
      %get3A_2029 = vector.shape_cast %get3A_2028 : vector<1x1x16xf32> to vector<16xf32>
      %add3A_2030 = arith.constant 1 : i32
      %add3A_2031 = arith.addi %select_n3A_318, %add3A_2030 : i32
      %get3A_2032 = arith.index_cast %add3A_2031 : i32 to index
      %get3A_2033 = arith.index_cast %select_n3A : i32 to index
      %get3A_2034 = arith.constant 128 : index
      %get3A_2035 = tpu.vector_load %arg6[%get3A_2032, %get3A_2033, %get3A_2034] {strides = array<i32>} : memref<4x10x288xf32, #tpu.memory_space<vmem>>, vector<1x1x16xf32>,
      %get3A_2036 = vector.shape_cast %get3A_2035 : vector<1x1x16xf32> to vector<16xf32>
      %add3A_2037 = arith.constant 1 : i32
      %add3A_2038 = arith.addi %select_n3A_318, %add3A_2037 : i32
      %get3A_2039 = arith.index_cast %add3A_2038 : i32 to index
      %get3A_2040 = arith.index_cast %select_n3A : i32 to index
      %get3A_2041 = arith.constant 129 : index
      %get3A_2042 = tpu.vector_load %arg6[%get3A_2039, %get3A_2040, %get3A_2041] {strides = array<i32>} : memref<4x10x288xf32, #tpu.memory_space<vmem>>, vector<1x1x16xf32>,
      %get3A_2043 = vector.shape_cast %get3A_2042 : vector<1x1x16xf32> to vector<16xf32>
      %add3A_2044 = arith.constant 1 : i32
      %add3A_2045 = arith.addi %select_n3A_318, %add3A_2044 : i32
      %add3A_2046 = arith.constant 1 : i32
      %add3A_2047 = arith.addi %select_n3A, %add3A_2046 : i32
      %get3A_2048 = arith.index_cast %add3A_2045 : i32 to index
      %get3A_2049 = arith.index_cast %add3A_2047 : i32 to index
      %get3A_2050 = arith.constant 128 : index
      %get3A_2051 = tpu.vector_load %arg6[%get3A_2048, %get3A_2049, %get3A_2050] {strides = array<i32>} : memref<4x10x288xf32, #tpu.memory_space<vmem>>, vector<1x1x16xf32>,
      %get3A_2052 = vector.shape_cast %get3A_2051 : vector<1x1x16xf32> to vector<16xf32>
      %add3A_2053 = arith.constant 1 : i32
      %add3A_2054 = arith.addi %select_n3A_318, %add3A_2053 : i32
      %add3A_2055 = arith.constant 1 : i32
      %add3A_2056 = arith.addi %select_n3A, %add3A_2055 : i32
      %get3A_2057 = arith.index_cast %add3A_2054 : i32 to index
      %get3A_2058 = arith.index_cast %add3A_2056 : i32 to index
      %get3A_2059 = arith.constant 129 : index
      %get3A_2060 = tpu.vector_load %arg6[%get3A_2057, %get3A_2058, %get3A_2059] {strides = array<i32>} : memref<4x10x288xf32, #tpu.memory_space<vmem>>, vector<1x1x16xf32>,
      %get3A_2061 = vector.shape_cast %get3A_2060 : vector<1x1x16xf32> to vector<16xf32>
      %sub3A_2062 = arith.subf %get3A_2010, %get3A_2015 : vector<16xf32>
      %abs3A_2063 = math.absf %sub3A_2062 : vector<16xf32>
      %sub3A_2064 = arith.subf %get3A_2022, %get3A_2029 : vector<16xf32>
      %abs3A_2065 = math.absf %sub3A_2064 : vector<16xf32>
      %add3A_2066 = arith.addf %abs3A_2063, %abs3A_2065 : vector<16xf32>
      %sub3A_2067 = arith.subf %get3A_2036, %get3A_2043 : vector<16xf32>
      %abs3A_2068 = math.absf %sub3A_2067 : vector<16xf32>
      %add3A_2069 = arith.addf %add3A_2066, %abs3A_2068 : vector<16xf32>
      %sub3A_2070 = arith.subf %get3A_2052, %get3A_2061 : vector<16xf32>
      %abs3A_2071 = math.absf %sub3A_2070 : vector<16xf32>
      %add3A_2072 = arith.addf %add3A_2069, %abs3A_2071 : vector<16xf32>
      %sub3A_2073 = arith.subf %get3A_2010, %get3A_2022 : vector<16xf32>
      %abs3A_2074 = math.absf %sub3A_2073 : vector<16xf32>
      %add3A_2075 = arith.addf %add3A_2072, %abs3A_2074 : vector<16xf32>
      %sub3A_2076 = arith.subf %get3A_2015, %get3A_2029 : vector<16xf32>
      %abs3A_2077 = math.absf %sub3A_2076 : vector<16xf32>
      %add3A_2078 = arith.addf %add3A_2075, %abs3A_2077 : vector<16xf32>
      %sub3A_2079 = arith.subf %get3A_2036, %get3A_2052 : vector<16xf32>
      %abs3A_2080 = math.absf %sub3A_2079 : vector<16xf32>
      %add3A_2081 = arith.addf %add3A_2078, %abs3A_2080 : vector<16xf32>
      %sub3A_2082 = arith.subf %get3A_2043, %get3A_2061 : vector<16xf32>
      %abs3A_2083 = math.absf %sub3A_2082 : vector<16xf32>
      %add3A_2084 = arith.addf %add3A_2081, %abs3A_2083 : vector<16xf32>
      %sub3A_2085 = arith.subf %get3A_2010, %get3A_2036 : vector<16xf32>
      %abs3A_2086 = math.absf %sub3A_2085 : vector<16xf32>
      %add3A_2087 = arith.addf %add3A_2084, %abs3A_2086 : vector<16xf32>
      %sub3A_2088 = arith.subf %get3A_2015, %get3A_2043 : vector<16xf32>
      %abs3A_2089 = math.absf %sub3A_2088 : vector<16xf32>
      %add3A_2090 = arith.addf %add3A_2087, %abs3A_2089 : vector<16xf32>
      %sub3A_2091 = arith.subf %get3A_2022, %get3A_2052 : vector<16xf32>
      %abs3A_2092 = math.absf %sub3A_2091 : vector<16xf32>
      %add3A_2093 = arith.addf %add3A_2090, %abs3A_2092 : vector<16xf32>
      %sub3A_2094 = arith.subf %get3A_2029, %get3A_2061 : vector<16xf32>
      %abs3A_2095 = math.absf %sub3A_2094 : vector<16xf32>
      %add3A_2096 = arith.addf %add3A_2093, %abs3A_2095 : vector<16xf32>
      %add3A_2097 = arith.addf %add3A_2005, %add3A_2096 : vector<16xf32>
      %gt3A_2098 = arith.constant 0.000000e+00 : f32
      %gt3A_2099 = vector.broadcast %gt3A_2098 : f32 to vector<16xf32>
      %gt3A_2100 = arith.cmpf ogt, %add3A_2005, %gt3A_2099 : vector<16xf32>
      %gt3A_2101 = arith.constant 0.000000e+00 : f32
      %gt3A_2102 = vector.broadcast %gt3A_2101 : f32 to vector<16xf32>
      %gt3A_2103 = arith.cmpf ogt, %add3A_2096, %gt3A_2102 : vector<16xf32>
      %and3A_2104 = arith.andi %gt3A_2100, %gt3A_2103 : vector<16xi1>
      %jit3A_2105 = arith.constant 0.000000e+00 : f32
      %broadcast_in_dim3A_2106 = vector.broadcast %jit3A_2105 : f32 to vector<16xf32>
      %select_n3A_2107 = arith.select %and3A_2104, %add3A_2097, %broadcast_in_dim3A_2106 : vector<16xi1>, vector<16xf32>
      %mul3A_2108 = vector.broadcast %select_n3A_325 : f32 to vector<16xf32>
      %mul3A_2109 = arith.mulf %mul3A_2108, %select_n3A_2107 : vector<16xf32>
      %add3A_2110 = arith.addf %add3A_1911, %mul3A_2109 : vector<16xf32>
      %mul3A_2111 = vector.broadcast %select_n3A_325 : f32 to vector<16xf32>
      %mul3A_2112 = arith.mulf %mul3A_2111, %add3A_2097 : vector<16xf32>
      %add3A_2113 = arith.addf %add3A_1914, %mul3A_2112 : vector<16xf32>
      %get3A_2114 = arith.index_cast %select_n3A_318 : i32 to index
      %get3A_2115 = arith.index_cast %select_n3A : i32 to index
      %get3A_2116 = arith.constant 144 : index
      %get3A_2117 = tpu.vector_load %arg5[%get3A_2114, %get3A_2115, %get3A_2116] {strides = array<i32>} : memref<4x10x288xf32, #tpu.memory_space<vmem>>, vector<1x1x16xf32>,
      %get3A_2118 = vector.shape_cast %get3A_2117 : vector<1x1x16xf32> to vector<16xf32>
      %get3A_2119 = arith.index_cast %select_n3A_318 : i32 to index
      %get3A_2120 = arith.index_cast %select_n3A : i32 to index
      %get3A_2121 = arith.constant 145 : index
      %get3A_2122 = tpu.vector_load %arg5[%get3A_2119, %get3A_2120, %get3A_2121] {strides = array<i32>} : memref<4x10x288xf32, #tpu.memory_space<vmem>>, vector<1x1x16xf32>,
      %get3A_2123 = vector.shape_cast %get3A_2122 : vector<1x1x16xf32> to vector<16xf32>
      %add3A_2124 = arith.constant 1 : i32
      %add3A_2125 = arith.addi %select_n3A, %add3A_2124 : i32
      %get3A_2126 = arith.index_cast %select_n3A_318 : i32 to index
      %get3A_2127 = arith.index_cast %add3A_2125 : i32 to index
      %get3A_2128 = arith.constant 144 : index
      %get3A_2129 = tpu.vector_load %arg5[%get3A_2126, %get3A_2127, %get3A_2128] {strides = array<i32>} : memref<4x10x288xf32, #tpu.memory_space<vmem>>, vector<1x1x16xf32>,
      %get3A_2130 = vector.shape_cast %get3A_2129 : vector<1x1x16xf32> to vector<16xf32>
      %add3A_2131 = arith.constant 1 : i32
      %add3A_2132 = arith.addi %select_n3A, %add3A_2131 : i32
      %get3A_2133 = arith.index_cast %select_n3A_318 : i32 to index
      %get3A_2134 = arith.index_cast %add3A_2132 : i32 to index
      %get3A_2135 = arith.constant 145 : index
      %get3A_2136 = tpu.vector_load %arg5[%get3A_2133, %get3A_2134, %get3A_2135] {strides = array<i32>} : memref<4x10x288xf32, #tpu.memory_space<vmem>>, vector<1x1x16xf32>,
      %get3A_2137 = vector.shape_cast %get3A_2136 : vector<1x1x16xf32> to vector<16xf32>
      %add3A_2138 = arith.constant 1 : i32
      %add3A_2139 = arith.addi %select_n3A_318, %add3A_2138 : i32
      %get3A_2140 = arith.index_cast %add3A_2139 : i32 to index
      %get3A_2141 = arith.index_cast %select_n3A : i32 to index
      %get3A_2142 = arith.constant 144 : index
      %get3A_2143 = tpu.vector_load %arg5[%get3A_2140, %get3A_2141, %get3A_2142] {strides = array<i32>} : memref<4x10x288xf32, #tpu.memory_space<vmem>>, vector<1x1x16xf32>,
      %get3A_2144 = vector.shape_cast %get3A_2143 : vector<1x1x16xf32> to vector<16xf32>
      %add3A_2145 = arith.constant 1 : i32
      %add3A_2146 = arith.addi %select_n3A_318, %add3A_2145 : i32
      %get3A_2147 = arith.index_cast %add3A_2146 : i32 to index
      %get3A_2148 = arith.index_cast %select_n3A : i32 to index
      %get3A_2149 = arith.constant 145 : index
      %get3A_2150 = tpu.vector_load %arg5[%get3A_2147, %get3A_2148, %get3A_2149] {strides = array<i32>} : memref<4x10x288xf32, #tpu.memory_space<vmem>>, vector<1x1x16xf32>,
      %get3A_2151 = vector.shape_cast %get3A_2150 : vector<1x1x16xf32> to vector<16xf32>
      %add3A_2152 = arith.constant 1 : i32
      %add3A_2153 = arith.addi %select_n3A_318, %add3A_2152 : i32
      %add3A_2154 = arith.constant 1 : i32
      %add3A_2155 = arith.addi %select_n3A, %add3A_2154 : i32
      %get3A_2156 = arith.index_cast %add3A_2153 : i32 to index
      %get3A_2157 = arith.index_cast %add3A_2155 : i32 to index
      %get3A_2158 = arith.constant 144 : index
      %get3A_2159 = tpu.vector_load %arg5[%get3A_2156, %get3A_2157, %get3A_2158] {strides = array<i32>} : memref<4x10x288xf32, #tpu.memory_space<vmem>>, vector<1x1x16xf32>,
      %get3A_2160 = vector.shape_cast %get3A_2159 : vector<1x1x16xf32> to vector<16xf32>
      %add3A_2161 = arith.constant 1 : i32
      %add3A_2162 = arith.addi %select_n3A_318, %add3A_2161 : i32
      %add3A_2163 = arith.constant 1 : i32
      %add3A_2164 = arith.addi %select_n3A, %add3A_2163 : i32
      %get3A_2165 = arith.index_cast %add3A_2162 : i32 to index
      %get3A_2166 = arith.index_cast %add3A_2164 : i32 to index
      %get3A_2167 = arith.constant 145 : index
      %get3A_2168 = tpu.vector_load %arg5[%get3A_2165, %get3A_2166, %get3A_2167] {strides = array<i32>} : memref<4x10x288xf32, #tpu.memory_space<vmem>>, vector<1x1x16xf32>,
      %get3A_2169 = vector.shape_cast %get3A_2168 : vector<1x1x16xf32> to vector<16xf32>
      %sub3A_2170 = arith.subf %get3A_2118, %get3A_2123 : vector<16xf32>
      %abs3A_2171 = math.absf %sub3A_2170 : vector<16xf32>
      %sub3A_2172 = arith.subf %get3A_2130, %get3A_2137 : vector<16xf32>
      %abs3A_2173 = math.absf %sub3A_2172 : vector<16xf32>
      %add3A_2174 = arith.addf %abs3A_2171, %abs3A_2173 : vector<16xf32>
      %sub3A_2175 = arith.subf %get3A_2144, %get3A_2151 : vector<16xf32>
      %abs3A_2176 = math.absf %sub3A_2175 : vector<16xf32>
      %add3A_2177 = arith.addf %add3A_2174, %abs3A_2176 : vector<16xf32>
      %sub3A_2178 = arith.subf %get3A_2160, %get3A_2169 : vector<16xf32>
      %abs3A_2179 = math.absf %sub3A_2178 : vector<16xf32>
      %add3A_2180 = arith.addf %add3A_2177, %abs3A_2179 : vector<16xf32>
      %sub3A_2181 = arith.subf %get3A_2118, %get3A_2130 : vector<16xf32>
      %abs3A_2182 = math.absf %sub3A_2181 : vector<16xf32>
      %add3A_2183 = arith.addf %add3A_2180, %abs3A_2182 : vector<16xf32>
      %sub3A_2184 = arith.subf %get3A_2123, %get3A_2137 : vector<16xf32>
      %abs3A_2185 = math.absf %sub3A_2184 : vector<16xf32>
      %add3A_2186 = arith.addf %add3A_2183, %abs3A_2185 : vector<16xf32>
      %sub3A_2187 = arith.subf %get3A_2144, %get3A_2160 : vector<16xf32>
      %abs3A_2188 = math.absf %sub3A_2187 : vector<16xf32>
      %add3A_2189 = arith.addf %add3A_2186, %abs3A_2188 : vector<16xf32>
      %sub3A_2190 = arith.subf %get3A_2151, %get3A_2169 : vector<16xf32>
      %abs3A_2191 = math.absf %sub3A_2190 : vector<16xf32>
      %add3A_2192 = arith.addf %add3A_2189, %abs3A_2191 : vector<16xf32>
      %sub3A_2193 = arith.subf %get3A_2118, %get3A_2144 : vector<16xf32>
      %abs3A_2194 = math.absf %sub3A_2193 : vector<16xf32>
      %add3A_2195 = arith.addf %add3A_2192, %abs3A_2194 : vector<16xf32>
      %sub3A_2196 = arith.subf %get3A_2123, %get3A_2151 : vector<16xf32>
      %abs3A_2197 = math.absf %sub3A_2196 : vector<16xf32>
      %add3A_2198 = arith.addf %add3A_2195, %abs3A_2197 : vector<16xf32>
      %sub3A_2199 = arith.subf %get3A_2130, %get3A_2160 : vector<16xf32>
      %abs3A_2200 = math.absf %sub3A_2199 : vector<16xf32>
      %add3A_2201 = arith.addf %add3A_2198, %abs3A_2200 : vector<16xf32>
      %sub3A_2202 = arith.subf %get3A_2137, %get3A_2169 : vector<16xf32>
      %abs3A_2203 = math.absf %sub3A_2202 : vector<16xf32>
      %add3A_2204 = arith.addf %add3A_2201, %abs3A_2203 : vector<16xf32>
      %get3A_2205 = arith.index_cast %select_n3A_318 : i32 to index
      %get3A_2206 = arith.index_cast %select_n3A : i32 to index
      %get3A_2207 = arith.constant 144 : index
      %get3A_2208 = tpu.vector_load %arg6[%get3A_2205, %get3A_2206, %get3A_2207] {strides = array<i32>} : memref<4x10x288xf32, #tpu.memory_space<vmem>>, vector<1x1x16xf32>,
      %get3A_2209 = vector.shape_cast %get3A_2208 : vector<1x1x16xf32> to vector<16xf32>
      %get3A_2210 = arith.index_cast %select_n3A_318 : i32 to index
      %get3A_2211 = arith.index_cast %select_n3A : i32 to index
      %get3A_2212 = arith.constant 145 : index
      %get3A_2213 = tpu.vector_load %arg6[%get3A_2210, %get3A_2211, %get3A_2212] {strides = array<i32>} : memref<4x10x288xf32, #tpu.memory_space<vmem>>, vector<1x1x16xf32>,
      %get3A_2214 = vector.shape_cast %get3A_2213 : vector<1x1x16xf32> to vector<16xf32>
      %add3A_2215 = arith.constant 1 : i32
      %add3A_2216 = arith.addi %select_n3A, %add3A_2215 : i32
      %get3A_2217 = arith.index_cast %select_n3A_318 : i32 to index
      %get3A_2218 = arith.index_cast %add3A_2216 : i32 to index
      %get3A_2219 = arith.constant 144 : index
      %get3A_2220 = tpu.vector_load %arg6[%get3A_2217, %get3A_2218, %get3A_2219] {strides = array<i32>} : memref<4x10x288xf32, #tpu.memory_space<vmem>>, vector<1x1x16xf32>,
      %get3A_2221 = vector.shape_cast %get3A_2220 : vector<1x1x16xf32> to vector<16xf32>
      %add3A_2222 = arith.constant 1 : i32
      %add3A_2223 = arith.addi %select_n3A, %add3A_2222 : i32
      %get3A_2224 = arith.index_cast %select_n3A_318 : i32 to index
      %get3A_2225 = arith.index_cast %add3A_2223 : i32 to index
      %get3A_2226 = arith.constant 145 : index
      %get3A_2227 = tpu.vector_load %arg6[%get3A_2224, %get3A_2225, %get3A_2226] {strides = array<i32>} : memref<4x10x288xf32, #tpu.memory_space<vmem>>, vector<1x1x16xf32>,
      %get3A_2228 = vector.shape_cast %get3A_2227 : vector<1x1x16xf32> to vector<16xf32>
      %add3A_2229 = arith.constant 1 : i32
      %add3A_2230 = arith.addi %select_n3A_318, %add3A_2229 : i32
      %get3A_2231 = arith.index_cast %add3A_2230 : i32 to index
      %get3A_2232 = arith.index_cast %select_n3A : i32 to index
      %get3A_2233 = arith.constant 144 : index
      %get3A_2234 = tpu.vector_load %arg6[%get3A_2231, %get3A_2232, %get3A_2233] {strides = array<i32>} : memref<4x10x288xf32, #tpu.memory_space<vmem>>, vector<1x1x16xf32>,
      %get3A_2235 = vector.shape_cast %get3A_2234 : vector<1x1x16xf32> to vector<16xf32>
      %add3A_2236 = arith.constant 1 : i32
      %add3A_2237 = arith.addi %select_n3A_318, %add3A_2236 : i32
      %get3A_2238 = arith.index_cast %add3A_2237 : i32 to index
      %get3A_2239 = arith.index_cast %select_n3A : i32 to index
      %get3A_2240 = arith.constant 145 : index
      %get3A_2241 = tpu.vector_load %arg6[%get3A_2238, %get3A_2239, %get3A_2240] {strides = array<i32>} : memref<4x10x288xf32, #tpu.memory_space<vmem>>, vector<1x1x16xf32>,
      %get3A_2242 = vector.shape_cast %get3A_2241 : vector<1x1x16xf32> to vector<16xf32>
      %add3A_2243 = arith.constant 1 : i32
      %add3A_2244 = arith.addi %select_n3A_318, %add3A_2243 : i32
      %add3A_2245 = arith.constant 1 : i32
      %add3A_2246 = arith.addi %select_n3A, %add3A_2245 : i32
      %get3A_2247 = arith.index_cast %add3A_2244 : i32 to index
      %get3A_2248 = arith.index_cast %add3A_2246 : i32 to index
      %get3A_2249 = arith.constant 144 : index
      %get3A_2250 = tpu.vector_load %arg6[%get3A_2247, %get3A_2248, %get3A_2249] {strides = array<i32>} : memref<4x10x288xf32, #tpu.memory_space<vmem>>, vector<1x1x16xf32>,
      %get3A_2251 = vector.shape_cast %get3A_2250 : vector<1x1x16xf32> to vector<16xf32>
      %add3A_2252 = arith.constant 1 : i32
      %add3A_2253 = arith.addi %select_n3A_318, %add3A_2252 : i32
      %add3A_2254 = arith.constant 1 : i32
      %add3A_2255 = arith.addi %select_n3A, %add3A_2254 : i32
      %get3A_2256 = arith.index_cast %add3A_2253 : i32 to index
      %get3A_2257 = arith.index_cast %add3A_2255 : i32 to index
      %get3A_2258 = arith.constant 145 : index
      %get3A_2259 = tpu.vector_load %arg6[%get3A_2256, %get3A_2257, %get3A_2258] {strides = array<i32>} : memref<4x10x288xf32, #tpu.memory_space<vmem>>, vector<1x1x16xf32>,
      %get3A_2260 = vector.shape_cast %get3A_2259 : vector<1x1x16xf32> to vector<16xf32>
      %sub3A_2261 = arith.subf %get3A_2209, %get3A_2214 : vector<16xf32>
      %abs3A_2262 = math.absf %sub3A_2261 : vector<16xf32>
      %sub3A_2263 = arith.subf %get3A_2221, %get3A_2228 : vector<16xf32>
      %abs3A_2264 = math.absf %sub3A_2263 : vector<16xf32>
      %add3A_2265 = arith.addf %abs3A_2262, %abs3A_2264 : vector<16xf32>
      %sub3A_2266 = arith.subf %get3A_2235, %get3A_2242 : vector<16xf32>
      %abs3A_2267 = math.absf %sub3A_2266 : vector<16xf32>
      %add3A_2268 = arith.addf %add3A_2265, %abs3A_2267 : vector<16xf32>
      %sub3A_2269 = arith.subf %get3A_2251, %get3A_2260 : vector<16xf32>
      %abs3A_2270 = math.absf %sub3A_2269 : vector<16xf32>
      %add3A_2271 = arith.addf %add3A_2268, %abs3A_2270 : vector<16xf32>
      %sub3A_2272 = arith.subf %get3A_2209, %get3A_2221 : vector<16xf32>
      %abs3A_2273 = math.absf %sub3A_2272 : vector<16xf32>
      %add3A_2274 = arith.addf %add3A_2271, %abs3A_2273 : vector<16xf32>
      %sub3A_2275 = arith.subf %get3A_2214, %get3A_2228 : vector<16xf32>
      %abs3A_2276 = math.absf %sub3A_2275 : vector<16xf32>
      %add3A_2277 = arith.addf %add3A_2274, %abs3A_2276 : vector<16xf32>
      %sub3A_2278 = arith.subf %get3A_2235, %get3A_2251 : vector<16xf32>
      %abs3A_2279 = math.absf %sub3A_2278 : vector<16xf32>
      %add3A_2280 = arith.addf %add3A_2277, %abs3A_2279 : vector<16xf32>
      %sub3A_2281 = arith.subf %get3A_2242, %get3A_2260 : vector<16xf32>
      %abs3A_2282 = math.absf %sub3A_2281 : vector<16xf32>
      %add3A_2283 = arith.addf %add3A_2280, %abs3A_2282 : vector<16xf32>
      %sub3A_2284 = arith.subf %get3A_2209, %get3A_2235 : vector<16xf32>
      %abs3A_2285 = math.absf %sub3A_2284 : vector<16xf32>
      %add3A_2286 = arith.addf %add3A_2283, %abs3A_2285 : vector<16xf32>
      %sub3A_2287 = arith.subf %get3A_2214, %get3A_2242 : vector<16xf32>
      %abs3A_2288 = math.absf %sub3A_2287 : vector<16xf32>
      %add3A_2289 = arith.addf %add3A_2286, %abs3A_2288 : vector<16xf32>
      %sub3A_2290 = arith.subf %get3A_2221, %get3A_2251 : vector<16xf32>
      %abs3A_2291 = math.absf %sub3A_2290 : vector<16xf32>
      %add3A_2292 = arith.addf %add3A_2289, %abs3A_2291 : vector<16xf32>
      %sub3A_2293 = arith.subf %get3A_2228, %get3A_2260 : vector<16xf32>
      %abs3A_2294 = math.absf %sub3A_2293 : vector<16xf32>
      %add3A_2295 = arith.addf %add3A_2292, %abs3A_2294 : vector<16xf32>
      %add3A_2296 = arith.addf %add3A_2204, %add3A_2295 : vector<16xf32>
      %gt3A_2297 = arith.constant 0.000000e+00 : f32
      %gt3A_2298 = vector.broadcast %gt3A_2297 : f32 to vector<16xf32>
      %gt3A_2299 = arith.cmpf ogt, %add3A_2204, %gt3A_2298 : vector<16xf32>
      %gt3A_2300 = arith.constant 0.000000e+00 : f32
      %gt3A_2301 = vector.broadcast %gt3A_2300 : f32 to vector<16xf32>
      %gt3A_2302 = arith.cmpf ogt, %add3A_2295, %gt3A_2301 : vector<16xf32>
      %and3A_2303 = arith.andi %gt3A_2299, %gt3A_2302 : vector<16xi1>
      %jit3A_2304 = arith.constant 0.000000e+00 : f32
      %broadcast_in_dim3A_2305 = vector.broadcast %jit3A_2304 : f32 to vector<16xf32>
      %select_n3A_2306 = arith.select %and3A_2303, %add3A_2296, %broadcast_in_dim3A_2305 : vector<16xi1>, vector<16xf32>
      %mul3A_2307 = vector.broadcast %select_n3A_325 : f32 to vector<16xf32>
      %mul3A_2308 = arith.mulf %mul3A_2307, %select_n3A_2306 : vector<16xf32>
      %add3A_2309 = arith.addf %add3A_2110, %mul3A_2308 : vector<16xf32>
      %mul3A_2310 = vector.broadcast %select_n3A_325 : f32 to vector<16xf32>
      %mul3A_2311 = arith.mulf %mul3A_2310, %add3A_2296 : vector<16xf32>
      %add3A_2312 = arith.addf %add3A_2113, %mul3A_2311 : vector<16xf32>
      %get3A_2313 = arith.index_cast %select_n3A_318 : i32 to index
      %get3A_2314 = arith.index_cast %select_n3A : i32 to index
      %get3A_2315 = arith.constant 160 : index
      %get3A_2316 = tpu.vector_load %arg5[%get3A_2313, %get3A_2314, %get3A_2315] {strides = array<i32>} : memref<4x10x288xf32, #tpu.memory_space<vmem>>, vector<1x1x16xf32>,
      %get3A_2317 = vector.shape_cast %get3A_2316 : vector<1x1x16xf32> to vector<16xf32>
      %get3A_2318 = arith.index_cast %select_n3A_318 : i32 to index
      %get3A_2319 = arith.index_cast %select_n3A : i32 to index
      %get3A_2320 = arith.constant 161 : index
      %get3A_2321 = tpu.vector_load %arg5[%get3A_2318, %get3A_2319, %get3A_2320] {strides = array<i32>} : memref<4x10x288xf32, #tpu.memory_space<vmem>>, vector<1x1x16xf32>,
      %get3A_2322 = vector.shape_cast %get3A_2321 : vector<1x1x16xf32> to vector<16xf32>
      %add3A_2323 = arith.constant 1 : i32
      %add3A_2324 = arith.addi %select_n3A, %add3A_2323 : i32
      %get3A_2325 = arith.index_cast %select_n3A_318 : i32 to index
      %get3A_2326 = arith.index_cast %add3A_2324 : i32 to index
      %get3A_2327 = arith.constant 160 : index
      %get3A_2328 = tpu.vector_load %arg5[%get3A_2325, %get3A_2326, %get3A_2327] {strides = array<i32>} : memref<4x10x288xf32, #tpu.memory_space<vmem>>, vector<1x1x16xf32>,
      %get3A_2329 = vector.shape_cast %get3A_2328 : vector<1x1x16xf32> to vector<16xf32>
      %add3A_2330 = arith.constant 1 : i32
      %add3A_2331 = arith.addi %select_n3A, %add3A_2330 : i32
      %get3A_2332 = arith.index_cast %select_n3A_318 : i32 to index
      %get3A_2333 = arith.index_cast %add3A_2331 : i32 to index
      %get3A_2334 = arith.constant 161 : index
      %get3A_2335 = tpu.vector_load %arg5[%get3A_2332, %get3A_2333, %get3A_2334] {strides = array<i32>} : memref<4x10x288xf32, #tpu.memory_space<vmem>>, vector<1x1x16xf32>,
      %get3A_2336 = vector.shape_cast %get3A_2335 : vector<1x1x16xf32> to vector<16xf32>
      %add3A_2337 = arith.constant 1 : i32
      %add3A_2338 = arith.addi %select_n3A_318, %add3A_2337 : i32
      %get3A_2339 = arith.index_cast %add3A_2338 : i32 to index
      %get3A_2340 = arith.index_cast %select_n3A : i32 to index
      %get3A_2341 = arith.constant 160 : index
      %get3A_2342 = tpu.vector_load %arg5[%get3A_2339, %get3A_2340, %get3A_2341] {strides = array<i32>} : memref<4x10x288xf32, #tpu.memory_space<vmem>>, vector<1x1x16xf32>,
      %get3A_2343 = vector.shape_cast %get3A_2342 : vector<1x1x16xf32> to vector<16xf32>
      %add3A_2344 = arith.constant 1 : i32
      %add3A_2345 = arith.addi %select_n3A_318, %add3A_2344 : i32
      %get3A_2346 = arith.index_cast %add3A_2345 : i32 to index
      %get3A_2347 = arith.index_cast %select_n3A : i32 to index
      %get3A_2348 = arith.constant 161 : index
      %get3A_2349 = tpu.vector_load %arg5[%get3A_2346, %get3A_2347, %get3A_2348] {strides = array<i32>} : memref<4x10x288xf32, #tpu.memory_space<vmem>>, vector<1x1x16xf32>,
      %get3A_2350 = vector.shape_cast %get3A_2349 : vector<1x1x16xf32> to vector<16xf32>
      %add3A_2351 = arith.constant 1 : i32
      %add3A_2352 = arith.addi %select_n3A_318, %add3A_2351 : i32
      %add3A_2353 = arith.constant 1 : i32
      %add3A_2354 = arith.addi %select_n3A, %add3A_2353 : i32
      %get3A_2355 = arith.index_cast %add3A_2352 : i32 to index
      %get3A_2356 = arith.index_cast %add3A_2354 : i32 to index
      %get3A_2357 = arith.constant 160 : index
      %get3A_2358 = tpu.vector_load %arg5[%get3A_2355, %get3A_2356, %get3A_2357] {strides = array<i32>} : memref<4x10x288xf32, #tpu.memory_space<vmem>>, vector<1x1x16xf32>,
      %get3A_2359 = vector.shape_cast %get3A_2358 : vector<1x1x16xf32> to vector<16xf32>
      %add3A_2360 = arith.constant 1 : i32
      %add3A_2361 = arith.addi %select_n3A_318, %add3A_2360 : i32
      %add3A_2362 = arith.constant 1 : i32
      %add3A_2363 = arith.addi %select_n3A, %add3A_2362 : i32
      %get3A_2364 = arith.index_cast %add3A_2361 : i32 to index
      %get3A_2365 = arith.index_cast %add3A_2363 : i32 to index
      %get3A_2366 = arith.constant 161 : index
      %get3A_2367 = tpu.vector_load %arg5[%get3A_2364, %get3A_2365, %get3A_2366] {strides = array<i32>} : memref<4x10x288xf32, #tpu.memory_space<vmem>>, vector<1x1x16xf32>,
      %get3A_2368 = vector.shape_cast %get3A_2367 : vector<1x1x16xf32> to vector<16xf32>
      %sub3A_2369 = arith.subf %get3A_2317, %get3A_2322 : vector<16xf32>
      %abs3A_2370 = math.absf %sub3A_2369 : vector<16xf32>
      %sub3A_2371 = arith.subf %get3A_2329, %get3A_2336 : vector<16xf32>
      %abs3A_2372 = math.absf %sub3A_2371 : vector<16xf32>
      %add3A_2373 = arith.addf %abs3A_2370, %abs3A_2372 : vector<16xf32>
      %sub3A_2374 = arith.subf %get3A_2343, %get3A_2350 : vector<16xf32>
      %abs3A_2375 = math.absf %sub3A_2374 : vector<16xf32>
      %add3A_2376 = arith.addf %add3A_2373, %abs3A_2375 : vector<16xf32>
      %sub3A_2377 = arith.subf %get3A_2359, %get3A_2368 : vector<16xf32>
      %abs3A_2378 = math.absf %sub3A_2377 : vector<16xf32>
      %add3A_2379 = arith.addf %add3A_2376, %abs3A_2378 : vector<16xf32>
      %sub3A_2380 = arith.subf %get3A_2317, %get3A_2329 : vector<16xf32>
      %abs3A_2381 = math.absf %sub3A_2380 : vector<16xf32>
      %add3A_2382 = arith.addf %add3A_2379, %abs3A_2381 : vector<16xf32>
      %sub3A_2383 = arith.subf %get3A_2322, %get3A_2336 : vector<16xf32>
      %abs3A_2384 = math.absf %sub3A_2383 : vector<16xf32>
      %add3A_2385 = arith.addf %add3A_2382, %abs3A_2384 : vector<16xf32>
      %sub3A_2386 = arith.subf %get3A_2343, %get3A_2359 : vector<16xf32>
      %abs3A_2387 = math.absf %sub3A_2386 : vector<16xf32>
      %add3A_2388 = arith.addf %add3A_2385, %abs3A_2387 : vector<16xf32>
      %sub3A_2389 = arith.subf %get3A_2350, %get3A_2368 : vector<16xf32>
      %abs3A_2390 = math.absf %sub3A_2389 : vector<16xf32>
      %add3A_2391 = arith.addf %add3A_2388, %abs3A_2390 : vector<16xf32>
      %sub3A_2392 = arith.subf %get3A_2317, %get3A_2343 : vector<16xf32>
      %abs3A_2393 = math.absf %sub3A_2392 : vector<16xf32>
      %add3A_2394 = arith.addf %add3A_2391, %abs3A_2393 : vector<16xf32>
      %sub3A_2395 = arith.subf %get3A_2322, %get3A_2350 : vector<16xf32>
      %abs3A_2396 = math.absf %sub3A_2395 : vector<16xf32>
      %add3A_2397 = arith.addf %add3A_2394, %abs3A_2396 : vector<16xf32>
      %sub3A_2398 = arith.subf %get3A_2329, %get3A_2359 : vector<16xf32>
      %abs3A_2399 = math.absf %sub3A_2398 : vector<16xf32>
      %add3A_2400 = arith.addf %add3A_2397, %abs3A_2399 : vector<16xf32>
      %sub3A_2401 = arith.subf %get3A_2336, %get3A_2368 : vector<16xf32>
      %abs3A_2402 = math.absf %sub3A_2401 : vector<16xf32>
      %add3A_2403 = arith.addf %add3A_2400, %abs3A_2402 : vector<16xf32>
      %get3A_2404 = arith.index_cast %select_n3A_318 : i32 to index
      %get3A_2405 = arith.index_cast %select_n3A : i32 to index
      %get3A_2406 = arith.constant 160 : index
      %get3A_2407 = tpu.vector_load %arg6[%get3A_2404, %get3A_2405, %get3A_2406] {strides = array<i32>} : memref<4x10x288xf32, #tpu.memory_space<vmem>>, vector<1x1x16xf32>,
      %get3A_2408 = vector.shape_cast %get3A_2407 : vector<1x1x16xf32> to vector<16xf32>
      %get3A_2409 = arith.index_cast %select_n3A_318 : i32 to index
      %get3A_2410 = arith.index_cast %select_n3A : i32 to index
      %get3A_2411 = arith.constant 161 : index
      %get3A_2412 = tpu.vector_load %arg6[%get3A_2409, %get3A_2410, %get3A_2411] {strides = array<i32>} : memref<4x10x288xf32, #tpu.memory_space<vmem>>, vector<1x1x16xf32>,
      %get3A_2413 = vector.shape_cast %get3A_2412 : vector<1x1x16xf32> to vector<16xf32>
      %add3A_2414 = arith.constant 1 : i32
      %add3A_2415 = arith.addi %select_n3A, %add3A_2414 : i32
      %get3A_2416 = arith.index_cast %select_n3A_318 : i32 to index
      %get3A_2417 = arith.index_cast %add3A_2415 : i32 to index
      %get3A_2418 = arith.constant 160 : index
      %get3A_2419 = tpu.vector_load %arg6[%get3A_2416, %get3A_2417, %get3A_2418] {strides = array<i32>} : memref<4x10x288xf32, #tpu.memory_space<vmem>>, vector<1x1x16xf32>,
      %get3A_2420 = vector.shape_cast %get3A_2419 : vector<1x1x16xf32> to vector<16xf32>
      %add3A_2421 = arith.constant 1 : i32
      %add3A_2422 = arith.addi %select_n3A, %add3A_2421 : i32
      %get3A_2423 = arith.index_cast %select_n3A_318 : i32 to index
      %get3A_2424 = arith.index_cast %add3A_2422 : i32 to index
      %get3A_2425 = arith.constant 161 : index
      %get3A_2426 = tpu.vector_load %arg6[%get3A_2423, %get3A_2424, %get3A_2425] {strides = array<i32>} : memref<4x10x288xf32, #tpu.memory_space<vmem>>, vector<1x1x16xf32>,
      %get3A_2427 = vector.shape_cast %get3A_2426 : vector<1x1x16xf32> to vector<16xf32>
      %add3A_2428 = arith.constant 1 : i32
      %add3A_2429 = arith.addi %select_n3A_318, %add3A_2428 : i32
      %get3A_2430 = arith.index_cast %add3A_2429 : i32 to index
      %get3A_2431 = arith.index_cast %select_n3A : i32 to index
      %get3A_2432 = arith.constant 160 : index
      %get3A_2433 = tpu.vector_load %arg6[%get3A_2430, %get3A_2431, %get3A_2432] {strides = array<i32>} : memref<4x10x288xf32, #tpu.memory_space<vmem>>, vector<1x1x16xf32>,
      %get3A_2434 = vector.shape_cast %get3A_2433 : vector<1x1x16xf32> to vector<16xf32>
      %add3A_2435 = arith.constant 1 : i32
      %add3A_2436 = arith.addi %select_n3A_318, %add3A_2435 : i32
      %get3A_2437 = arith.index_cast %add3A_2436 : i32 to index
      %get3A_2438 = arith.index_cast %select_n3A : i32 to index
      %get3A_2439 = arith.constant 161 : index
      %get3A_2440 = tpu.vector_load %arg6[%get3A_2437, %get3A_2438, %get3A_2439] {strides = array<i32>} : memref<4x10x288xf32, #tpu.memory_space<vmem>>, vector<1x1x16xf32>,
      %get3A_2441 = vector.shape_cast %get3A_2440 : vector<1x1x16xf32> to vector<16xf32>
      %add3A_2442 = arith.constant 1 : i32
      %add3A_2443 = arith.addi %select_n3A_318, %add3A_2442 : i32
      %add3A_2444 = arith.constant 1 : i32
      %add3A_2445 = arith.addi %select_n3A, %add3A_2444 : i32
      %get3A_2446 = arith.index_cast %add3A_2443 : i32 to index
      %get3A_2447 = arith.index_cast %add3A_2445 : i32 to index
      %get3A_2448 = arith.constant 160 : index
      %get3A_2449 = tpu.vector_load %arg6[%get3A_2446, %get3A_2447, %get3A_2448] {strides = array<i32>} : memref<4x10x288xf32, #tpu.memory_space<vmem>>, vector<1x1x16xf32>,
      %get3A_2450 = vector.shape_cast %get3A_2449 : vector<1x1x16xf32> to vector<16xf32>
      %add3A_2451 = arith.constant 1 : i32
      %add3A_2452 = arith.addi %select_n3A_318, %add3A_2451 : i32
      %add3A_2453 = arith.constant 1 : i32
      %add3A_2454 = arith.addi %select_n3A, %add3A_2453 : i32
      %get3A_2455 = arith.index_cast %add3A_2452 : i32 to index
      %get3A_2456 = arith.index_cast %add3A_2454 : i32 to index
      %get3A_2457 = arith.constant 161 : index
      %get3A_2458 = tpu.vector_load %arg6[%get3A_2455, %get3A_2456, %get3A_2457] {strides = array<i32>} : memref<4x10x288xf32, #tpu.memory_space<vmem>>, vector<1x1x16xf32>,
      %get3A_2459 = vector.shape_cast %get3A_2458 : vector<1x1x16xf32> to vector<16xf32>
      %sub3A_2460 = arith.subf %get3A_2408, %get3A_2413 : vector<16xf32>
      %abs3A_2461 = math.absf %sub3A_2460 : vector<16xf32>
      %sub3A_2462 = arith.subf %get3A_2420, %get3A_2427 : vector<16xf32>
      %abs3A_2463 = math.absf %sub3A_2462 : vector<16xf32>
      %add3A_2464 = arith.addf %abs3A_2461, %abs3A_2463 : vector<16xf32>
      %sub3A_2465 = arith.subf %get3A_2434, %get3A_2441 : vector<16xf32>
      %abs3A_2466 = math.absf %sub3A_2465 : vector<16xf32>
      %add3A_2467 = arith.addf %add3A_2464, %abs3A_2466 : vector<16xf32>
      %sub3A_2468 = arith.subf %get3A_2450, %get3A_2459 : vector<16xf32>
      %abs3A_2469 = math.absf %sub3A_2468 : vector<16xf32>
      %add3A_2470 = arith.addf %add3A_2467, %abs3A_2469 : vector<16xf32>
      %sub3A_2471 = arith.subf %get3A_2408, %get3A_2420 : vector<16xf32>
      %abs3A_2472 = math.absf %sub3A_2471 : vector<16xf32>
      %add3A_2473 = arith.addf %add3A_2470, %abs3A_2472 : vector<16xf32>
      %sub3A_2474 = arith.subf %get3A_2413, %get3A_2427 : vector<16xf32>
      %abs3A_2475 = math.absf %sub3A_2474 : vector<16xf32>
      %add3A_2476 = arith.addf %add3A_2473, %abs3A_2475 : vector<16xf32>
      %sub3A_2477 = arith.subf %get3A_2434, %get3A_2450 : vector<16xf32>
      %abs3A_2478 = math.absf %sub3A_2477 : vector<16xf32>
      %add3A_2479 = arith.addf %add3A_2476, %abs3A_2478 : vector<16xf32>
      %sub3A_2480 = arith.subf %get3A_2441, %get3A_2459 : vector<16xf32>
      %abs3A_2481 = math.absf %sub3A_2480 : vector<16xf32>
      %add3A_2482 = arith.addf %add3A_2479, %abs3A_2481 : vector<16xf32>
      %sub3A_2483 = arith.subf %get3A_2408, %get3A_2434 : vector<16xf32>
      %abs3A_2484 = math.absf %sub3A_2483 : vector<16xf32>
      %add3A_2485 = arith.addf %add3A_2482, %abs3A_2484 : vector<16xf32>
      %sub3A_2486 = arith.subf %get3A_2413, %get3A_2441 : vector<16xf32>
      %abs3A_2487 = math.absf %sub3A_2486 : vector<16xf32>
      %add3A_2488 = arith.addf %add3A_2485, %abs3A_2487 : vector<16xf32>
      %sub3A_2489 = arith.subf %get3A_2420, %get3A_2450 : vector<16xf32>
      %abs3A_2490 = math.absf %sub3A_2489 : vector<16xf32>
      %add3A_2491 = arith.addf %add3A_2488, %abs3A_2490 : vector<16xf32>
      %sub3A_2492 = arith.subf %get3A_2427, %get3A_2459 : vector<16xf32>
      %abs3A_2493 = math.absf %sub3A_2492 : vector<16xf32>
      %add3A_2494 = arith.addf %add3A_2491, %abs3A_2493 : vector<16xf32>
      %add3A_2495 = arith.addf %add3A_2403, %add3A_2494 : vector<16xf32>
      %gt3A_2496 = arith.constant 0.000000e+00 : f32
      %gt3A_2497 = vector.broadcast %gt3A_2496 : f32 to vector<16xf32>
      %gt3A_2498 = arith.cmpf ogt, %add3A_2403, %gt3A_2497 : vector<16xf32>
      %gt3A_2499 = arith.constant 0.000000e+00 : f32
      %gt3A_2500 = vector.broadcast %gt3A_2499 : f32 to vector<16xf32>
      %gt3A_2501 = arith.cmpf ogt, %add3A_2494, %gt3A_2500 : vector<16xf32>
      %and3A_2502 = arith.andi %gt3A_2498, %gt3A_2501 : vector<16xi1>
      %jit3A_2503 = arith.constant 0.000000e+00 : f32
      %broadcast_in_dim3A_2504 = vector.broadcast %jit3A_2503 : f32 to vector<16xf32>
      %select_n3A_2505 = arith.select %and3A_2502, %add3A_2495, %broadcast_in_dim3A_2504 : vector<16xi1>, vector<16xf32>
      %mul3A_2506 = vector.broadcast %select_n3A_325 : f32 to vector<16xf32>
      %mul3A_2507 = arith.mulf %mul3A_2506, %select_n3A_2505 : vector<16xf32>
      %add3A_2508 = arith.addf %add3A_2309, %mul3A_2507 : vector<16xf32>
      %mul3A_2509 = vector.broadcast %select_n3A_325 : f32 to vector<16xf32>
      %mul3A_2510 = arith.mulf %mul3A_2509, %add3A_2495 : vector<16xf32>
      %add3A_2511 = arith.addf %add3A_2312, %mul3A_2510 : vector<16xf32>
      %get3A_2512 = arith.index_cast %select_n3A_318 : i32 to index
      %get3A_2513 = arith.index_cast %select_n3A : i32 to index
      %get3A_2514 = arith.constant 176 : index
      %get3A_2515 = tpu.vector_load %arg5[%get3A_2512, %get3A_2513, %get3A_2514] {strides = array<i32>} : memref<4x10x288xf32, #tpu.memory_space<vmem>>, vector<1x1x16xf32>,
      %get3A_2516 = vector.shape_cast %get3A_2515 : vector<1x1x16xf32> to vector<16xf32>
      %get3A_2517 = arith.index_cast %select_n3A_318 : i32 to index
      %get3A_2518 = arith.index_cast %select_n3A : i32 to index
      %get3A_2519 = arith.constant 177 : index
      %get3A_2520 = tpu.vector_load %arg5[%get3A_2517, %get3A_2518, %get3A_2519] {strides = array<i32>} : memref<4x10x288xf32, #tpu.memory_space<vmem>>, vector<1x1x16xf32>,
      %get3A_2521 = vector.shape_cast %get3A_2520 : vector<1x1x16xf32> to vector<16xf32>
      %add3A_2522 = arith.constant 1 : i32
      %add3A_2523 = arith.addi %select_n3A, %add3A_2522 : i32
      %get3A_2524 = arith.index_cast %select_n3A_318 : i32 to index
      %get3A_2525 = arith.index_cast %add3A_2523 : i32 to index
      %get3A_2526 = arith.constant 176 : index
      %get3A_2527 = tpu.vector_load %arg5[%get3A_2524, %get3A_2525, %get3A_2526] {strides = array<i32>} : memref<4x10x288xf32, #tpu.memory_space<vmem>>, vector<1x1x16xf32>,
      %get3A_2528 = vector.shape_cast %get3A_2527 : vector<1x1x16xf32> to vector<16xf32>
      %add3A_2529 = arith.constant 1 : i32
      %add3A_2530 = arith.addi %select_n3A, %add3A_2529 : i32
      %get3A_2531 = arith.index_cast %select_n3A_318 : i32 to index
      %get3A_2532 = arith.index_cast %add3A_2530 : i32 to index
      %get3A_2533 = arith.constant 177 : index
      %get3A_2534 = tpu.vector_load %arg5[%get3A_2531, %get3A_2532, %get3A_2533] {strides = array<i32>} : memref<4x10x288xf32, #tpu.memory_space<vmem>>, vector<1x1x16xf32>,
      %get3A_2535 = vector.shape_cast %get3A_2534 : vector<1x1x16xf32> to vector<16xf32>
      %add3A_2536 = arith.constant 1 : i32
      %add3A_2537 = arith.addi %select_n3A_318, %add3A_2536 : i32
      %get3A_2538 = arith.index_cast %add3A_2537 : i32 to index
      %get3A_2539 = arith.index_cast %select_n3A : i32 to index
      %get3A_2540 = arith.constant 176 : index
      %get3A_2541 = tpu.vector_load %arg5[%get3A_2538, %get3A_2539, %get3A_2540] {strides = array<i32>} : memref<4x10x288xf32, #tpu.memory_space<vmem>>, vector<1x1x16xf32>,
      %get3A_2542 = vector.shape_cast %get3A_2541 : vector<1x1x16xf32> to vector<16xf32>
      %add3A_2543 = arith.constant 1 : i32
      %add3A_2544 = arith.addi %select_n3A_318, %add3A_2543 : i32
      %get3A_2545 = arith.index_cast %add3A_2544 : i32 to index
      %get3A_2546 = arith.index_cast %select_n3A : i32 to index
      %get3A_2547 = arith.constant 177 : index
      %get3A_2548 = tpu.vector_load %arg5[%get3A_2545, %get3A_2546, %get3A_2547] {strides = array<i32>} : memref<4x10x288xf32, #tpu.memory_space<vmem>>, vector<1x1x16xf32>,
      %get3A_2549 = vector.shape_cast %get3A_2548 : vector<1x1x16xf32> to vector<16xf32>
      %add3A_2550 = arith.constant 1 : i32
      %add3A_2551 = arith.addi %select_n3A_318, %add3A_2550 : i32
      %add3A_2552 = arith.constant 1 : i32
      %add3A_2553 = arith.addi %select_n3A, %add3A_2552 : i32
      %get3A_2554 = arith.index_cast %add3A_2551 : i32 to index
      %get3A_2555 = arith.index_cast %add3A_2553 : i32 to index
      %get3A_2556 = arith.constant 176 : index
      %get3A_2557 = tpu.vector_load %arg5[%get3A_2554, %get3A_2555, %get3A_2556] {strides = array<i32>} : memref<4x10x288xf32, #tpu.memory_space<vmem>>, vector<1x1x16xf32>,
      %get3A_2558 = vector.shape_cast %get3A_2557 : vector<1x1x16xf32> to vector<16xf32>
      %add3A_2559 = arith.constant 1 : i32
      %add3A_2560 = arith.addi %select_n3A_318, %add3A_2559 : i32
      %add3A_2561 = arith.constant 1 : i32
      %add3A_2562 = arith.addi %select_n3A, %add3A_2561 : i32
      %get3A_2563 = arith.index_cast %add3A_2560 : i32 to index
      %get3A_2564 = arith.index_cast %add3A_2562 : i32 to index
      %get3A_2565 = arith.constant 177 : index
      %get3A_2566 = tpu.vector_load %arg5[%get3A_2563, %get3A_2564, %get3A_2565] {strides = array<i32>} : memref<4x10x288xf32, #tpu.memory_space<vmem>>, vector<1x1x16xf32>,
      %get3A_2567 = vector.shape_cast %get3A_2566 : vector<1x1x16xf32> to vector<16xf32>
      %sub3A_2568 = arith.subf %get3A_2516, %get3A_2521 : vector<16xf32>
      %abs3A_2569 = math.absf %sub3A_2568 : vector<16xf32>
      %sub3A_2570 = arith.subf %get3A_2528, %get3A_2535 : vector<16xf32>
      %abs3A_2571 = math.absf %sub3A_2570 : vector<16xf32>
      %add3A_2572 = arith.addf %abs3A_2569, %abs3A_2571 : vector<16xf32>
      %sub3A_2573 = arith.subf %get3A_2542, %get3A_2549 : vector<16xf32>
      %abs3A_2574 = math.absf %sub3A_2573 : vector<16xf32>
      %add3A_2575 = arith.addf %add3A_2572, %abs3A_2574 : vector<16xf32>
      %sub3A_2576 = arith.subf %get3A_2558, %get3A_2567 : vector<16xf32>
      %abs3A_2577 = math.absf %sub3A_2576 : vector<16xf32>
      %add3A_2578 = arith.addf %add3A_2575, %abs3A_2577 : vector<16xf32>
      %sub3A_2579 = arith.subf %get3A_2516, %get3A_2528 : vector<16xf32>
      %abs3A_2580 = math.absf %sub3A_2579 : vector<16xf32>
      %add3A_2581 = arith.addf %add3A_2578, %abs3A_2580 : vector<16xf32>
      %sub3A_2582 = arith.subf %get3A_2521, %get3A_2535 : vector<16xf32>
      %abs3A_2583 = math.absf %sub3A_2582 : vector<16xf32>
      %add3A_2584 = arith.addf %add3A_2581, %abs3A_2583 : vector<16xf32>
      %sub3A_2585 = arith.subf %get3A_2542, %get3A_2558 : vector<16xf32>
      %abs3A_2586 = math.absf %sub3A_2585 : vector<16xf32>
      %add3A_2587 = arith.addf %add3A_2584, %abs3A_2586 : vector<16xf32>
      %sub3A_2588 = arith.subf %get3A_2549, %get3A_2567 : vector<16xf32>
      %abs3A_2589 = math.absf %sub3A_2588 : vector<16xf32>
      %add3A_2590 = arith.addf %add3A_2587, %abs3A_2589 : vector<16xf32>
      %sub3A_2591 = arith.subf %get3A_2516, %get3A_2542 : vector<16xf32>
      %abs3A_2592 = math.absf %sub3A_2591 : vector<16xf32>
      %add3A_2593 = arith.addf %add3A_2590, %abs3A_2592 : vector<16xf32>
      %sub3A_2594 = arith.subf %get3A_2521, %get3A_2549 : vector<16xf32>
      %abs3A_2595 = math.absf %sub3A_2594 : vector<16xf32>
      %add3A_2596 = arith.addf %add3A_2593, %abs3A_2595 : vector<16xf32>
      %sub3A_2597 = arith.subf %get3A_2528, %get3A_2558 : vector<16xf32>
      %abs3A_2598 = math.absf %sub3A_2597 : vector<16xf32>
      %add3A_2599 = arith.addf %add3A_2596, %abs3A_2598 : vector<16xf32>
      %sub3A_2600 = arith.subf %get3A_2535, %get3A_2567 : vector<16xf32>
      %abs3A_2601 = math.absf %sub3A_2600 : vector<16xf32>
      %add3A_2602 = arith.addf %add3A_2599, %abs3A_2601 : vector<16xf32>
      %get3A_2603 = arith.index_cast %select_n3A_318 : i32 to index
      %get3A_2604 = arith.index_cast %select_n3A : i32 to index
      %get3A_2605 = arith.constant 176 : index
      %get3A_2606 = tpu.vector_load %arg6[%get3A_2603, %get3A_2604, %get3A_2605] {strides = array<i32>} : memref<4x10x288xf32, #tpu.memory_space<vmem>>, vector<1x1x16xf32>,
      %get3A_2607 = vector.shape_cast %get3A_2606 : vector<1x1x16xf32> to vector<16xf32>
      %get3A_2608 = arith.index_cast %select_n3A_318 : i32 to index
      %get3A_2609 = arith.index_cast %select_n3A : i32 to index
      %get3A_2610 = arith.constant 177 : index
      %get3A_2611 = tpu.vector_load %arg6[%get3A_2608, %get3A_2609, %get3A_2610] {strides = array<i32>} : memref<4x10x288xf32, #tpu.memory_space<vmem>>, vector<1x1x16xf32>,
      %get3A_2612 = vector.shape_cast %get3A_2611 : vector<1x1x16xf32> to vector<16xf32>
      %add3A_2613 = arith.constant 1 : i32
      %add3A_2614 = arith.addi %select_n3A, %add3A_2613 : i32
      %get3A_2615 = arith.index_cast %select_n3A_318 : i32 to index
      %get3A_2616 = arith.index_cast %add3A_2614 : i32 to index
      %get3A_2617 = arith.constant 176 : index
      %get3A_2618 = tpu.vector_load %arg6[%get3A_2615, %get3A_2616, %get3A_2617] {strides = array<i32>} : memref<4x10x288xf32, #tpu.memory_space<vmem>>, vector<1x1x16xf32>,
      %get3A_2619 = vector.shape_cast %get3A_2618 : vector<1x1x16xf32> to vector<16xf32>
      %add3A_2620 = arith.constant 1 : i32
      %add3A_2621 = arith.addi %select_n3A, %add3A_2620 : i32
      %get3A_2622 = arith.index_cast %select_n3A_318 : i32 to index
      %get3A_2623 = arith.index_cast %add3A_2621 : i32 to index
      %get3A_2624 = arith.constant 177 : index
      %get3A_2625 = tpu.vector_load %arg6[%get3A_2622, %get3A_2623, %get3A_2624] {strides = array<i32>} : memref<4x10x288xf32, #tpu.memory_space<vmem>>, vector<1x1x16xf32>,
      %get3A_2626 = vector.shape_cast %get3A_2625 : vector<1x1x16xf32> to vector<16xf32>
      %add3A_2627 = arith.constant 1 : i32
      %add3A_2628 = arith.addi %select_n3A_318, %add3A_2627 : i32
      %get3A_2629 = arith.index_cast %add3A_2628 : i32 to index
      %get3A_2630 = arith.index_cast %select_n3A : i32 to index
      %get3A_2631 = arith.constant 176 : index
      %get3A_2632 = tpu.vector_load %arg6[%get3A_2629, %get3A_2630, %get3A_2631] {strides = array<i32>} : memref<4x10x288xf32, #tpu.memory_space<vmem>>, vector<1x1x16xf32>,
      %get3A_2633 = vector.shape_cast %get3A_2632 : vector<1x1x16xf32> to vector<16xf32>
      %add3A_2634 = arith.constant 1 : i32
      %add3A_2635 = arith.addi %select_n3A_318, %add3A_2634 : i32
      %get3A_2636 = arith.index_cast %add3A_2635 : i32 to index
      %get3A_2637 = arith.index_cast %select_n3A : i32 to index
      %get3A_2638 = arith.constant 177 : index
      %get3A_2639 = tpu.vector_load %arg6[%get3A_2636, %get3A_2637, %get3A_2638] {strides = array<i32>} : memref<4x10x288xf32, #tpu.memory_space<vmem>>, vector<1x1x16xf32>,
      %get3A_2640 = vector.shape_cast %get3A_2639 : vector<1x1x16xf32> to vector<16xf32>
      %add3A_2641 = arith.constant 1 : i32
      %add3A_2642 = arith.addi %select_n3A_318, %add3A_2641 : i32
      %add3A_2643 = arith.constant 1 : i32
      %add3A_2644 = arith.addi %select_n3A, %add3A_2643 : i32
      %get3A_2645 = arith.index_cast %add3A_2642 : i32 to index
      %get3A_2646 = arith.index_cast %add3A_2644 : i32 to index
      %get3A_2647 = arith.constant 176 : index
      %get3A_2648 = tpu.vector_load %arg6[%get3A_2645, %get3A_2646, %get3A_2647] {strides = array<i32>} : memref<4x10x288xf32, #tpu.memory_space<vmem>>, vector<1x1x16xf32>,
      %get3A_2649 = vector.shape_cast %get3A_2648 : vector<1x1x16xf32> to vector<16xf32>
      %add3A_2650 = arith.constant 1 : i32
      %add3A_2651 = arith.addi %select_n3A_318, %add3A_2650 : i32
      %add3A_2652 = arith.constant 1 : i32
      %add3A_2653 = arith.addi %select_n3A, %add3A_2652 : i32
      %get3A_2654 = arith.index_cast %add3A_2651 : i32 to index
      %get3A_2655 = arith.index_cast %add3A_2653 : i32 to index
      %get3A_2656 = arith.constant 177 : index
      %get3A_2657 = tpu.vector_load %arg6[%get3A_2654, %get3A_2655, %get3A_2656] {strides = array<i32>} : memref<4x10x288xf32, #tpu.memory_space<vmem>>, vector<1x1x16xf32>,
      %get3A_2658 = vector.shape_cast %get3A_2657 : vector<1x1x16xf32> to vector<16xf32>
      %sub3A_2659 = arith.subf %get3A_2607, %get3A_2612 : vector<16xf32>
      %abs3A_2660 = math.absf %sub3A_2659 : vector<16xf32>
      %sub3A_2661 = arith.subf %get3A_2619, %get3A_2626 : vector<16xf32>
      %abs3A_2662 = math.absf %sub3A_2661 : vector<16xf32>
      %add3A_2663 = arith.addf %abs3A_2660, %abs3A_2662 : vector<16xf32>
      %sub3A_2664 = arith.subf %get3A_2633, %get3A_2640 : vector<16xf32>
      %abs3A_2665 = math.absf %sub3A_2664 : vector<16xf32>
      %add3A_2666 = arith.addf %add3A_2663, %abs3A_2665 : vector<16xf32>
      %sub3A_2667 = arith.subf %get3A_2649, %get3A_2658 : vector<16xf32>
      %abs3A_2668 = math.absf %sub3A_2667 : vector<16xf32>
      %add3A_2669 = arith.addf %add3A_2666, %abs3A_2668 : vector<16xf32>
      %sub3A_2670 = arith.subf %get3A_2607, %get3A_2619 : vector<16xf32>
      %abs3A_2671 = math.absf %sub3A_2670 : vector<16xf32>
      %add3A_2672 = arith.addf %add3A_2669, %abs3A_2671 : vector<16xf32>
      %sub3A_2673 = arith.subf %get3A_2612, %get3A_2626 : vector<16xf32>
      %abs3A_2674 = math.absf %sub3A_2673 : vector<16xf32>
      %add3A_2675 = arith.addf %add3A_2672, %abs3A_2674 : vector<16xf32>
      %sub3A_2676 = arith.subf %get3A_2633, %get3A_2649 : vector<16xf32>
      %abs3A_2677 = math.absf %sub3A_2676 : vector<16xf32>
      %add3A_2678 = arith.addf %add3A_2675, %abs3A_2677 : vector<16xf32>
      %sub3A_2679 = arith.subf %get3A_2640, %get3A_2658 : vector<16xf32>
      %abs3A_2680 = math.absf %sub3A_2679 : vector<16xf32>
      %add3A_2681 = arith.addf %add3A_2678, %abs3A_2680 : vector<16xf32>
      %sub3A_2682 = arith.subf %get3A_2607, %get3A_2633 : vector<16xf32>
      %abs3A_2683 = math.absf %sub3A_2682 : vector<16xf32>
      %add3A_2684 = arith.addf %add3A_2681, %abs3A_2683 : vector<16xf32>
      %sub3A_2685 = arith.subf %get3A_2612, %get3A_2640 : vector<16xf32>
      %abs3A_2686 = math.absf %sub3A_2685 : vector<16xf32>
      %add3A_2687 = arith.addf %add3A_2684, %abs3A_2686 : vector<16xf32>
      %sub3A_2688 = arith.subf %get3A_2619, %get3A_2649 : vector<16xf32>
      %abs3A_2689 = math.absf %sub3A_2688 : vector<16xf32>
      %add3A_2690 = arith.addf %add3A_2687, %abs3A_2689 : vector<16xf32>
      %sub3A_2691 = arith.subf %get3A_2626, %get3A_2658 : vector<16xf32>
      %abs3A_2692 = math.absf %sub3A_2691 : vector<16xf32>
      %add3A_2693 = arith.addf %add3A_2690, %abs3A_2692 : vector<16xf32>
      %add3A_2694 = arith.addf %add3A_2602, %add3A_2693 : vector<16xf32>
      %gt3A_2695 = arith.constant 0.000000e+00 : f32
      %gt3A_2696 = vector.broadcast %gt3A_2695 : f32 to vector<16xf32>
      %gt3A_2697 = arith.cmpf ogt, %add3A_2602, %gt3A_2696 : vector<16xf32>
      %gt3A_2698 = arith.constant 0.000000e+00 : f32
      %gt3A_2699 = vector.broadcast %gt3A_2698 : f32 to vector<16xf32>
      %gt3A_2700 = arith.cmpf ogt, %add3A_2693, %gt3A_2699 : vector<16xf32>
      %and3A_2701 = arith.andi %gt3A_2697, %gt3A_2700 : vector<16xi1>
      %jit3A_2702 = arith.constant 0.000000e+00 : f32
      %broadcast_in_dim3A_2703 = vector.broadcast %jit3A_2702 : f32 to vector<16xf32>
      %select_n3A_2704 = arith.select %and3A_2701, %add3A_2694, %broadcast_in_dim3A_2703 : vector<16xi1>, vector<16xf32>
      %mul3A_2705 = vector.broadcast %select_n3A_325 : f32 to vector<16xf32>
      %mul3A_2706 = arith.mulf %mul3A_2705, %select_n3A_2704 : vector<16xf32>
      %add3A_2707 = arith.addf %add3A_2508, %mul3A_2706 : vector<16xf32>
      %mul3A_2708 = vector.broadcast %select_n3A_325 : f32 to vector<16xf32>
      %mul3A_2709 = arith.mulf %mul3A_2708, %add3A_2694 : vector<16xf32>
      %add3A_2710 = arith.addf %add3A_2511, %mul3A_2709 : vector<16xf32>
      %get3A_2711 = arith.index_cast %select_n3A_318 : i32 to index
      %get3A_2712 = arith.index_cast %select_n3A : i32 to index
      %get3A_2713 = arith.constant 192 : index
      %get3A_2714 = tpu.vector_load %arg5[%get3A_2711, %get3A_2712, %get3A_2713] {strides = array<i32>} : memref<4x10x288xf32, #tpu.memory_space<vmem>>, vector<1x1x16xf32>,
      %get3A_2715 = vector.shape_cast %get3A_2714 : vector<1x1x16xf32> to vector<16xf32>
      %get3A_2716 = arith.index_cast %select_n3A_318 : i32 to index
      %get3A_2717 = arith.index_cast %select_n3A : i32 to index
      %get3A_2718 = arith.constant 193 : index
      %get3A_2719 = tpu.vector_load %arg5[%get3A_2716, %get3A_2717, %get3A_2718] {strides = array<i32>} : memref<4x10x288xf32, #tpu.memory_space<vmem>>, vector<1x1x16xf32>,
      %get3A_2720 = vector.shape_cast %get3A_2719 : vector<1x1x16xf32> to vector<16xf32>
      %add3A_2721 = arith.constant 1 : i32
      %add3A_2722 = arith.addi %select_n3A, %add3A_2721 : i32
      %get3A_2723 = arith.index_cast %select_n3A_318 : i32 to index
      %get3A_2724 = arith.index_cast %add3A_2722 : i32 to index
      %get3A_2725 = arith.constant 192 : index
      %get3A_2726 = tpu.vector_load %arg5[%get3A_2723, %get3A_2724, %get3A_2725] {strides = array<i32>} : memref<4x10x288xf32, #tpu.memory_space<vmem>>, vector<1x1x16xf32>,
      %get3A_2727 = vector.shape_cast %get3A_2726 : vector<1x1x16xf32> to vector<16xf32>
      %add3A_2728 = arith.constant 1 : i32
      %add3A_2729 = arith.addi %select_n3A, %add3A_2728 : i32
      %get3A_2730 = arith.index_cast %select_n3A_318 : i32 to index
      %get3A_2731 = arith.index_cast %add3A_2729 : i32 to index
      %get3A_2732 = arith.constant 193 : index
      %get3A_2733 = tpu.vector_load %arg5[%get3A_2730, %get3A_2731, %get3A_2732] {strides = array<i32>} : memref<4x10x288xf32, #tpu.memory_space<vmem>>, vector<1x1x16xf32>,
      %get3A_2734 = vector.shape_cast %get3A_2733 : vector<1x1x16xf32> to vector<16xf32>
      %add3A_2735 = arith.constant 1 : i32
      %add3A_2736 = arith.addi %select_n3A_318, %add3A_2735 : i32
      %get3A_2737 = arith.index_cast %add3A_2736 : i32 to index
      %get3A_2738 = arith.index_cast %select_n3A : i32 to index
      %get3A_2739 = arith.constant 192 : index
      %get3A_2740 = tpu.vector_load %arg5[%get3A_2737, %get3A_2738, %get3A_2739] {strides = array<i32>} : memref<4x10x288xf32, #tpu.memory_space<vmem>>, vector<1x1x16xf32>,
      %get3A_2741 = vector.shape_cast %get3A_2740 : vector<1x1x16xf32> to vector<16xf32>
      %add3A_2742 = arith.constant 1 : i32
      %add3A_2743 = arith.addi %select_n3A_318, %add3A_2742 : i32
      %get3A_2744 = arith.index_cast %add3A_2743 : i32 to index
      %get3A_2745 = arith.index_cast %select_n3A : i32 to index
      %get3A_2746 = arith.constant 193 : index
      %get3A_2747 = tpu.vector_load %arg5[%get3A_2744, %get3A_2745, %get3A_2746] {strides = array<i32>} : memref<4x10x288xf32, #tpu.memory_space<vmem>>, vector<1x1x16xf32>,
      %get3A_2748 = vector.shape_cast %get3A_2747 : vector<1x1x16xf32> to vector<16xf32>
      %add3A_2749 = arith.constant 1 : i32
      %add3A_2750 = arith.addi %select_n3A_318, %add3A_2749 : i32
      %add3A_2751 = arith.constant 1 : i32
      %add3A_2752 = arith.addi %select_n3A, %add3A_2751 : i32
      %get3A_2753 = arith.index_cast %add3A_2750 : i32 to index
      %get3A_2754 = arith.index_cast %add3A_2752 : i32 to index
      %get3A_2755 = arith.constant 192 : index
      %get3A_2756 = tpu.vector_load %arg5[%get3A_2753, %get3A_2754, %get3A_2755] {strides = array<i32>} : memref<4x10x288xf32, #tpu.memory_space<vmem>>, vector<1x1x16xf32>,
      %get3A_2757 = vector.shape_cast %get3A_2756 : vector<1x1x16xf32> to vector<16xf32>
      %add3A_2758 = arith.constant 1 : i32
      %add3A_2759 = arith.addi %select_n3A_318, %add3A_2758 : i32
      %add3A_2760 = arith.constant 1 : i32
      %add3A_2761 = arith.addi %select_n3A, %add3A_2760 : i32
      %get3A_2762 = arith.index_cast %add3A_2759 : i32 to index
      %get3A_2763 = arith.index_cast %add3A_2761 : i32 to index
      %get3A_2764 = arith.constant 193 : index
      %get3A_2765 = tpu.vector_load %arg5[%get3A_2762, %get3A_2763, %get3A_2764] {strides = array<i32>} : memref<4x10x288xf32, #tpu.memory_space<vmem>>, vector<1x1x16xf32>,
      %get3A_2766 = vector.shape_cast %get3A_2765 : vector<1x1x16xf32> to vector<16xf32>
      %sub3A_2767 = arith.subf %get3A_2715, %get3A_2720 : vector<16xf32>
      %abs3A_2768 = math.absf %sub3A_2767 : vector<16xf32>
      %sub3A_2769 = arith.subf %get3A_2727, %get3A_2734 : vector<16xf32>
      %abs3A_2770 = math.absf %sub3A_2769 : vector<16xf32>
      %add3A_2771 = arith.addf %abs3A_2768, %abs3A_2770 : vector<16xf32>
      %sub3A_2772 = arith.subf %get3A_2741, %get3A_2748 : vector<16xf32>
      %abs3A_2773 = math.absf %sub3A_2772 : vector<16xf32>
      %add3A_2774 = arith.addf %add3A_2771, %abs3A_2773 : vector<16xf32>
      %sub3A_2775 = arith.subf %get3A_2757, %get3A_2766 : vector<16xf32>
      %abs3A_2776 = math.absf %sub3A_2775 : vector<16xf32>
      %add3A_2777 = arith.addf %add3A_2774, %abs3A_2776 : vector<16xf32>
      %sub3A_2778 = arith.subf %get3A_2715, %get3A_2727 : vector<16xf32>
      %abs3A_2779 = math.absf %sub3A_2778 : vector<16xf32>
      %add3A_2780 = arith.addf %add3A_2777, %abs3A_2779 : vector<16xf32>
      %sub3A_2781 = arith.subf %get3A_2720, %get3A_2734 : vector<16xf32>
      %abs3A_2782 = math.absf %sub3A_2781 : vector<16xf32>
      %add3A_2783 = arith.addf %add3A_2780, %abs3A_2782 : vector<16xf32>
      %sub3A_2784 = arith.subf %get3A_2741, %get3A_2757 : vector<16xf32>
      %abs3A_2785 = math.absf %sub3A_2784 : vector<16xf32>
      %add3A_2786 = arith.addf %add3A_2783, %abs3A_2785 : vector<16xf32>
      %sub3A_2787 = arith.subf %get3A_2748, %get3A_2766 : vector<16xf32>
      %abs3A_2788 = math.absf %sub3A_2787 : vector<16xf32>
      %add3A_2789 = arith.addf %add3A_2786, %abs3A_2788 : vector<16xf32>
      %sub3A_2790 = arith.subf %get3A_2715, %get3A_2741 : vector<16xf32>
      %abs3A_2791 = math.absf %sub3A_2790 : vector<16xf32>
      %add3A_2792 = arith.addf %add3A_2789, %abs3A_2791 : vector<16xf32>
      %sub3A_2793 = arith.subf %get3A_2720, %get3A_2748 : vector<16xf32>
      %abs3A_2794 = math.absf %sub3A_2793 : vector<16xf32>
      %add3A_2795 = arith.addf %add3A_2792, %abs3A_2794 : vector<16xf32>
      %sub3A_2796 = arith.subf %get3A_2727, %get3A_2757 : vector<16xf32>
      %abs3A_2797 = math.absf %sub3A_2796 : vector<16xf32>
      %add3A_2798 = arith.addf %add3A_2795, %abs3A_2797 : vector<16xf32>
      %sub3A_2799 = arith.subf %get3A_2734, %get3A_2766 : vector<16xf32>
      %abs3A_2800 = math.absf %sub3A_2799 : vector<16xf32>
      %add3A_2801 = arith.addf %add3A_2798, %abs3A_2800 : vector<16xf32>
      %get3A_2802 = arith.index_cast %select_n3A_318 : i32 to index
      %get3A_2803 = arith.index_cast %select_n3A : i32 to index
      %get3A_2804 = arith.constant 192 : index
      %get3A_2805 = tpu.vector_load %arg6[%get3A_2802, %get3A_2803, %get3A_2804] {strides = array<i32>} : memref<4x10x288xf32, #tpu.memory_space<vmem>>, vector<1x1x16xf32>,
      %get3A_2806 = vector.shape_cast %get3A_2805 : vector<1x1x16xf32> to vector<16xf32>
      %get3A_2807 = arith.index_cast %select_n3A_318 : i32 to index
      %get3A_2808 = arith.index_cast %select_n3A : i32 to index
      %get3A_2809 = arith.constant 193 : index
      %get3A_2810 = tpu.vector_load %arg6[%get3A_2807, %get3A_2808, %get3A_2809] {strides = array<i32>} : memref<4x10x288xf32, #tpu.memory_space<vmem>>, vector<1x1x16xf32>,
      %get3A_2811 = vector.shape_cast %get3A_2810 : vector<1x1x16xf32> to vector<16xf32>
      %add3A_2812 = arith.constant 1 : i32
      %add3A_2813 = arith.addi %select_n3A, %add3A_2812 : i32
      %get3A_2814 = arith.index_cast %select_n3A_318 : i32 to index
      %get3A_2815 = arith.index_cast %add3A_2813 : i32 to index
      %get3A_2816 = arith.constant 192 : index
      %get3A_2817 = tpu.vector_load %arg6[%get3A_2814, %get3A_2815, %get3A_2816] {strides = array<i32>} : memref<4x10x288xf32, #tpu.memory_space<vmem>>, vector<1x1x16xf32>,
      %get3A_2818 = vector.shape_cast %get3A_2817 : vector<1x1x16xf32> to vector<16xf32>
      %add3A_2819 = arith.constant 1 : i32
      %add3A_2820 = arith.addi %select_n3A, %add3A_2819 : i32
      %get3A_2821 = arith.index_cast %select_n3A_318 : i32 to index
      %get3A_2822 = arith.index_cast %add3A_2820 : i32 to index
      %get3A_2823 = arith.constant 193 : index
      %get3A_2824 = tpu.vector_load %arg6[%get3A_2821, %get3A_2822, %get3A_2823] {strides = array<i32>} : memref<4x10x288xf32, #tpu.memory_space<vmem>>, vector<1x1x16xf32>,
      %get3A_2825 = vector.shape_cast %get3A_2824 : vector<1x1x16xf32> to vector<16xf32>
      %add3A_2826 = arith.constant 1 : i32
      %add3A_2827 = arith.addi %select_n3A_318, %add3A_2826 : i32
      %get3A_2828 = arith.index_cast %add3A_2827 : i32 to index
      %get3A_2829 = arith.index_cast %select_n3A : i32 to index
      %get3A_2830 = arith.constant 192 : index
      %get3A_2831 = tpu.vector_load %arg6[%get3A_2828, %get3A_2829, %get3A_2830] {strides = array<i32>} : memref<4x10x288xf32, #tpu.memory_space<vmem>>, vector<1x1x16xf32>,
      %get3A_2832 = vector.shape_cast %get3A_2831 : vector<1x1x16xf32> to vector<16xf32>
      %add3A_2833 = arith.constant 1 : i32
      %add3A_2834 = arith.addi %select_n3A_318, %add3A_2833 : i32
      %get3A_2835 = arith.index_cast %add3A_2834 : i32 to index
      %get3A_2836 = arith.index_cast %select_n3A : i32 to index
      %get3A_2837 = arith.constant 193 : index
      %get3A_2838 = tpu.vector_load %arg6[%get3A_2835, %get3A_2836, %get3A_2837] {strides = array<i32>} : memref<4x10x288xf32, #tpu.memory_space<vmem>>, vector<1x1x16xf32>,
      %get3A_2839 = vector.shape_cast %get3A_2838 : vector<1x1x16xf32> to vector<16xf32>
      %add3A_2840 = arith.constant 1 : i32
      %add3A_2841 = arith.addi %select_n3A_318, %add3A_2840 : i32
      %add3A_2842 = arith.constant 1 : i32
      %add3A_2843 = arith.addi %select_n3A, %add3A_2842 : i32
      %get3A_2844 = arith.index_cast %add3A_2841 : i32 to index
      %get3A_2845 = arith.index_cast %add3A_2843 : i32 to index
      %get3A_2846 = arith.constant 192 : index
      %get3A_2847 = tpu.vector_load %arg6[%get3A_2844, %get3A_2845, %get3A_2846] {strides = array<i32>} : memref<4x10x288xf32, #tpu.memory_space<vmem>>, vector<1x1x16xf32>,
      %get3A_2848 = vector.shape_cast %get3A_2847 : vector<1x1x16xf32> to vector<16xf32>
      %add3A_2849 = arith.constant 1 : i32
      %add3A_2850 = arith.addi %select_n3A_318, %add3A_2849 : i32
      %add3A_2851 = arith.constant 1 : i32
      %add3A_2852 = arith.addi %select_n3A, %add3A_2851 : i32
      %get3A_2853 = arith.index_cast %add3A_2850 : i32 to index
      %get3A_2854 = arith.index_cast %add3A_2852 : i32 to index
      %get3A_2855 = arith.constant 193 : index
      %get3A_2856 = tpu.vector_load %arg6[%get3A_2853, %get3A_2854, %get3A_2855] {strides = array<i32>} : memref<4x10x288xf32, #tpu.memory_space<vmem>>, vector<1x1x16xf32>,
      %get3A_2857 = vector.shape_cast %get3A_2856 : vector<1x1x16xf32> to vector<16xf32>
      %sub3A_2858 = arith.subf %get3A_2806, %get3A_2811 : vector<16xf32>
      %abs3A_2859 = math.absf %sub3A_2858 : vector<16xf32>
      %sub3A_2860 = arith.subf %get3A_2818, %get3A_2825 : vector<16xf32>
      %abs3A_2861 = math.absf %sub3A_2860 : vector<16xf32>
      %add3A_2862 = arith.addf %abs3A_2859, %abs3A_2861 : vector<16xf32>
      %sub3A_2863 = arith.subf %get3A_2832, %get3A_2839 : vector<16xf32>
      %abs3A_2864 = math.absf %sub3A_2863 : vector<16xf32>
      %add3A_2865 = arith.addf %add3A_2862, %abs3A_2864 : vector<16xf32>
      %sub3A_2866 = arith.subf %get3A_2848, %get3A_2857 : vector<16xf32>
      %abs3A_2867 = math.absf %sub3A_2866 : vector<16xf32>
      %add3A_2868 = arith.addf %add3A_2865, %abs3A_2867 : vector<16xf32>
      %sub3A_2869 = arith.subf %get3A_2806, %get3A_2818 : vector<16xf32>
      %abs3A_2870 = math.absf %sub3A_2869 : vector<16xf32>
      %add3A_2871 = arith.addf %add3A_2868, %abs3A_2870 : vector<16xf32>
      %sub3A_2872 = arith.subf %get3A_2811, %get3A_2825 : vector<16xf32>
      %abs3A_2873 = math.absf %sub3A_2872 : vector<16xf32>
      %add3A_2874 = arith.addf %add3A_2871, %abs3A_2873 : vector<16xf32>
      %sub3A_2875 = arith.subf %get3A_2832, %get3A_2848 : vector<16xf32>
      %abs3A_2876 = math.absf %sub3A_2875 : vector<16xf32>
      %add3A_2877 = arith.addf %add3A_2874, %abs3A_2876 : vector<16xf32>
      %sub3A_2878 = arith.subf %get3A_2839, %get3A_2857 : vector<16xf32>
      %abs3A_2879 = math.absf %sub3A_2878 : vector<16xf32>
      %add3A_2880 = arith.addf %add3A_2877, %abs3A_2879 : vector<16xf32>
      %sub3A_2881 = arith.subf %get3A_2806, %get3A_2832 : vector<16xf32>
      %abs3A_2882 = math.absf %sub3A_2881 : vector<16xf32>
      %add3A_2883 = arith.addf %add3A_2880, %abs3A_2882 : vector<16xf32>
      %sub3A_2884 = arith.subf %get3A_2811, %get3A_2839 : vector<16xf32>
      %abs3A_2885 = math.absf %sub3A_2884 : vector<16xf32>
      %add3A_2886 = arith.addf %add3A_2883, %abs3A_2885 : vector<16xf32>
      %sub3A_2887 = arith.subf %get3A_2818, %get3A_2848 : vector<16xf32>
      %abs3A_2888 = math.absf %sub3A_2887 : vector<16xf32>
      %add3A_2889 = arith.addf %add3A_2886, %abs3A_2888 : vector<16xf32>
      %sub3A_2890 = arith.subf %get3A_2825, %get3A_2857 : vector<16xf32>
      %abs3A_2891 = math.absf %sub3A_2890 : vector<16xf32>
      %add3A_2892 = arith.addf %add3A_2889, %abs3A_2891 : vector<16xf32>
      %add3A_2893 = arith.addf %add3A_2801, %add3A_2892 : vector<16xf32>
      %gt3A_2894 = arith.constant 0.000000e+00 : f32
      %gt3A_2895 = vector.broadcast %gt3A_2894 : f32 to vector<16xf32>
      %gt3A_2896 = arith.cmpf ogt, %add3A_2801, %gt3A_2895 : vector<16xf32>
      %gt3A_2897 = arith.constant 0.000000e+00 : f32
      %gt3A_2898 = vector.broadcast %gt3A_2897 : f32 to vector<16xf32>
      %gt3A_2899 = arith.cmpf ogt, %add3A_2892, %gt3A_2898 : vector<16xf32>
      %and3A_2900 = arith.andi %gt3A_2896, %gt3A_2899 : vector<16xi1>
      %jit3A_2901 = arith.constant 0.000000e+00 : f32
      %broadcast_in_dim3A_2902 = vector.broadcast %jit3A_2901 : f32 to vector<16xf32>
      %select_n3A_2903 = arith.select %and3A_2900, %add3A_2893, %broadcast_in_dim3A_2902 : vector<16xi1>, vector<16xf32>
      %mul3A_2904 = vector.broadcast %select_n3A_325 : f32 to vector<16xf32>
      %mul3A_2905 = arith.mulf %mul3A_2904, %select_n3A_2903 : vector<16xf32>
      %add3A_2906 = arith.addf %add3A_2707, %mul3A_2905 : vector<16xf32>
      %mul3A_2907 = vector.broadcast %select_n3A_325 : f32 to vector<16xf32>
      %mul3A_2908 = arith.mulf %mul3A_2907, %add3A_2893 : vector<16xf32>
      %add3A_2909 = arith.addf %add3A_2710, %mul3A_2908 : vector<16xf32>
      %get3A_2910 = arith.index_cast %select_n3A_318 : i32 to index
      %get3A_2911 = arith.index_cast %select_n3A : i32 to index
      %get3A_2912 = arith.constant 208 : index
      %get3A_2913 = tpu.vector_load %arg5[%get3A_2910, %get3A_2911, %get3A_2912] {strides = array<i32>} : memref<4x10x288xf32, #tpu.memory_space<vmem>>, vector<1x1x16xf32>,
      %get3A_2914 = vector.shape_cast %get3A_2913 : vector<1x1x16xf32> to vector<16xf32>
      %get3A_2915 = arith.index_cast %select_n3A_318 : i32 to index
      %get3A_2916 = arith.index_cast %select_n3A : i32 to index
      %get3A_2917 = arith.constant 209 : index
      %get3A_2918 = tpu.vector_load %arg5[%get3A_2915, %get3A_2916, %get3A_2917] {strides = array<i32>} : memref<4x10x288xf32, #tpu.memory_space<vmem>>, vector<1x1x16xf32>,
      %get3A_2919 = vector.shape_cast %get3A_2918 : vector<1x1x16xf32> to vector<16xf32>
      %add3A_2920 = arith.constant 1 : i32
      %add3A_2921 = arith.addi %select_n3A, %add3A_2920 : i32
      %get3A_2922 = arith.index_cast %select_n3A_318 : i32 to index
      %get3A_2923 = arith.index_cast %add3A_2921 : i32 to index
      %get3A_2924 = arith.constant 208 : index
      %get3A_2925 = tpu.vector_load %arg5[%get3A_2922, %get3A_2923, %get3A_2924] {strides = array<i32>} : memref<4x10x288xf32, #tpu.memory_space<vmem>>, vector<1x1x16xf32>,
      %get3A_2926 = vector.shape_cast %get3A_2925 : vector<1x1x16xf32> to vector<16xf32>
      %add3A_2927 = arith.constant 1 : i32
      %add3A_2928 = arith.addi %select_n3A, %add3A_2927 : i32
      %get3A_2929 = arith.index_cast %select_n3A_318 : i32 to index
      %get3A_2930 = arith.index_cast %add3A_2928 : i32 to index
      %get3A_2931 = arith.constant 209 : index
      %get3A_2932 = tpu.vector_load %arg5[%get3A_2929, %get3A_2930, %get3A_2931] {strides = array<i32>} : memref<4x10x288xf32, #tpu.memory_space<vmem>>, vector<1x1x16xf32>,
      %get3A_2933 = vector.shape_cast %get3A_2932 : vector<1x1x16xf32> to vector<16xf32>
      %add3A_2934 = arith.constant 1 : i32
      %add3A_2935 = arith.addi %select_n3A_318, %add3A_2934 : i32
      %get3A_2936 = arith.index_cast %add3A_2935 : i32 to index
      %get3A_2937 = arith.index_cast %select_n3A : i32 to index
      %get3A_2938 = arith.constant 208 : index
      %get3A_2939 = tpu.vector_load %arg5[%get3A_2936, %get3A_2937, %get3A_2938] {strides = array<i32>} : memref<4x10x288xf32, #tpu.memory_space<vmem>>, vector<1x1x16xf32>,
      %get3A_2940 = vector.shape_cast %get3A_2939 : vector<1x1x16xf32> to vector<16xf32>
      %add3A_2941 = arith.constant 1 : i32
      %add3A_2942 = arith.addi %select_n3A_318, %add3A_2941 : i32
      %get3A_2943 = arith.index_cast %add3A_2942 : i32 to index
      %get3A_2944 = arith.index_cast %select_n3A : i32 to index
      %get3A_2945 = arith.constant 209 : index
      %get3A_2946 = tpu.vector_load %arg5[%get3A_2943, %get3A_2944, %get3A_2945] {strides = array<i32>} : memref<4x10x288xf32, #tpu.memory_space<vmem>>, vector<1x1x16xf32>,
      %get3A_2947 = vector.shape_cast %get3A_2946 : vector<1x1x16xf32> to vector<16xf32>
      %add3A_2948 = arith.constant 1 : i32
      %add3A_2949 = arith.addi %select_n3A_318, %add3A_2948 : i32
      %add3A_2950 = arith.constant 1 : i32
      %add3A_2951 = arith.addi %select_n3A, %add3A_2950 : i32
      %get3A_2952 = arith.index_cast %add3A_2949 : i32 to index
      %get3A_2953 = arith.index_cast %add3A_2951 : i32 to index
      %get3A_2954 = arith.constant 208 : index
      %get3A_2955 = tpu.vector_load %arg5[%get3A_2952, %get3A_2953, %get3A_2954] {strides = array<i32>} : memref<4x10x288xf32, #tpu.memory_space<vmem>>, vector<1x1x16xf32>,
      %get3A_2956 = vector.shape_cast %get3A_2955 : vector<1x1x16xf32> to vector<16xf32>
      %add3A_2957 = arith.constant 1 : i32
      %add3A_2958 = arith.addi %select_n3A_318, %add3A_2957 : i32
      %add3A_2959 = arith.constant 1 : i32
      %add3A_2960 = arith.addi %select_n3A, %add3A_2959 : i32
      %get3A_2961 = arith.index_cast %add3A_2958 : i32 to index
      %get3A_2962 = arith.index_cast %add3A_2960 : i32 to index
      %get3A_2963 = arith.constant 209 : index
      %get3A_2964 = tpu.vector_load %arg5[%get3A_2961, %get3A_2962, %get3A_2963] {strides = array<i32>} : memref<4x10x288xf32, #tpu.memory_space<vmem>>, vector<1x1x16xf32>,
      %get3A_2965 = vector.shape_cast %get3A_2964 : vector<1x1x16xf32> to vector<16xf32>
      %sub3A_2966 = arith.subf %get3A_2914, %get3A_2919 : vector<16xf32>
      %abs3A_2967 = math.absf %sub3A_2966 : vector<16xf32>
      %sub3A_2968 = arith.subf %get3A_2926, %get3A_2933 : vector<16xf32>
      %abs3A_2969 = math.absf %sub3A_2968 : vector<16xf32>
      %add3A_2970 = arith.addf %abs3A_2967, %abs3A_2969 : vector<16xf32>
      %sub3A_2971 = arith.subf %get3A_2940, %get3A_2947 : vector<16xf32>
      %abs3A_2972 = math.absf %sub3A_2971 : vector<16xf32>
      %add3A_2973 = arith.addf %add3A_2970, %abs3A_2972 : vector<16xf32>
      %sub3A_2974 = arith.subf %get3A_2956, %get3A_2965 : vector<16xf32>
      %abs3A_2975 = math.absf %sub3A_2974 : vector<16xf32>
      %add3A_2976 = arith.addf %add3A_2973, %abs3A_2975 : vector<16xf32>
      %sub3A_2977 = arith.subf %get3A_2914, %get3A_2926 : vector<16xf32>
      %abs3A_2978 = math.absf %sub3A_2977 : vector<16xf32>
      %add3A_2979 = arith.addf %add3A_2976, %abs3A_2978 : vector<16xf32>
      %sub3A_2980 = arith.subf %get3A_2919, %get3A_2933 : vector<16xf32>
      %abs3A_2981 = math.absf %sub3A_2980 : vector<16xf32>
      %add3A_2982 = arith.addf %add3A_2979, %abs3A_2981 : vector<16xf32>
      %sub3A_2983 = arith.subf %get3A_2940, %get3A_2956 : vector<16xf32>
      %abs3A_2984 = math.absf %sub3A_2983 : vector<16xf32>
      %add3A_2985 = arith.addf %add3A_2982, %abs3A_2984 : vector<16xf32>
      %sub3A_2986 = arith.subf %get3A_2947, %get3A_2965 : vector<16xf32>
      %abs3A_2987 = math.absf %sub3A_2986 : vector<16xf32>
      %add3A_2988 = arith.addf %add3A_2985, %abs3A_2987 : vector<16xf32>
      %sub3A_2989 = arith.subf %get3A_2914, %get3A_2940 : vector<16xf32>
      %abs3A_2990 = math.absf %sub3A_2989 : vector<16xf32>
      %add3A_2991 = arith.addf %add3A_2988, %abs3A_2990 : vector<16xf32>
      %sub3A_2992 = arith.subf %get3A_2919, %get3A_2947 : vector<16xf32>
      %abs3A_2993 = math.absf %sub3A_2992 : vector<16xf32>
      %add3A_2994 = arith.addf %add3A_2991, %abs3A_2993 : vector<16xf32>
      %sub3A_2995 = arith.subf %get3A_2926, %get3A_2956 : vector<16xf32>
      %abs3A_2996 = math.absf %sub3A_2995 : vector<16xf32>
      %add3A_2997 = arith.addf %add3A_2994, %abs3A_2996 : vector<16xf32>
      %sub3A_2998 = arith.subf %get3A_2933, %get3A_2965 : vector<16xf32>
      %abs3A_2999 = math.absf %sub3A_2998 : vector<16xf32>
      %add3A_3000 = arith.addf %add3A_2997, %abs3A_2999 : vector<16xf32>
      %get3A_3001 = arith.index_cast %select_n3A_318 : i32 to index
      %get3A_3002 = arith.index_cast %select_n3A : i32 to index
      %get3A_3003 = arith.constant 208 : index
      %get3A_3004 = tpu.vector_load %arg6[%get3A_3001, %get3A_3002, %get3A_3003] {strides = array<i32>} : memref<4x10x288xf32, #tpu.memory_space<vmem>>, vector<1x1x16xf32>,
      %get3A_3005 = vector.shape_cast %get3A_3004 : vector<1x1x16xf32> to vector<16xf32>
      %get3A_3006 = arith.index_cast %select_n3A_318 : i32 to index
      %get3A_3007 = arith.index_cast %select_n3A : i32 to index
      %get3A_3008 = arith.constant 209 : index
      %get3A_3009 = tpu.vector_load %arg6[%get3A_3006, %get3A_3007, %get3A_3008] {strides = array<i32>} : memref<4x10x288xf32, #tpu.memory_space<vmem>>, vector<1x1x16xf32>,
      %get3A_3010 = vector.shape_cast %get3A_3009 : vector<1x1x16xf32> to vector<16xf32>
      %add3A_3011 = arith.constant 1 : i32
      %add3A_3012 = arith.addi %select_n3A, %add3A_3011 : i32
      %get3A_3013 = arith.index_cast %select_n3A_318 : i32 to index
      %get3A_3014 = arith.index_cast %add3A_3012 : i32 to index
      %get3A_3015 = arith.constant 208 : index
      %get3A_3016 = tpu.vector_load %arg6[%get3A_3013, %get3A_3014, %get3A_3015] {strides = array<i32>} : memref<4x10x288xf32, #tpu.memory_space<vmem>>, vector<1x1x16xf32>,
      %get3A_3017 = vector.shape_cast %get3A_3016 : vector<1x1x16xf32> to vector<16xf32>
      %add3A_3018 = arith.constant 1 : i32
      %add3A_3019 = arith.addi %select_n3A, %add3A_3018 : i32
      %get3A_3020 = arith.index_cast %select_n3A_318 : i32 to index
      %get3A_3021 = arith.index_cast %add3A_3019 : i32 to index
      %get3A_3022 = arith.constant 209 : index
      %get3A_3023 = tpu.vector_load %arg6[%get3A_3020, %get3A_3021, %get3A_3022] {strides = array<i32>} : memref<4x10x288xf32, #tpu.memory_space<vmem>>, vector<1x1x16xf32>,
      %get3A_3024 = vector.shape_cast %get3A_3023 : vector<1x1x16xf32> to vector<16xf32>
      %add3A_3025 = arith.constant 1 : i32
      %add3A_3026 = arith.addi %select_n3A_318, %add3A_3025 : i32
      %get3A_3027 = arith.index_cast %add3A_3026 : i32 to index
      %get3A_3028 = arith.index_cast %select_n3A : i32 to index
      %get3A_3029 = arith.constant 208 : index
      %get3A_3030 = tpu.vector_load %arg6[%get3A_3027, %get3A_3028, %get3A_3029] {strides = array<i32>} : memref<4x10x288xf32, #tpu.memory_space<vmem>>, vector<1x1x16xf32>,
      %get3A_3031 = vector.shape_cast %get3A_3030 : vector<1x1x16xf32> to vector<16xf32>
      %add3A_3032 = arith.constant 1 : i32
      %add3A_3033 = arith.addi %select_n3A_318, %add3A_3032 : i32
      %get3A_3034 = arith.index_cast %add3A_3033 : i32 to index
      %get3A_3035 = arith.index_cast %select_n3A : i32 to index
      %get3A_3036 = arith.constant 209 : index
      %get3A_3037 = tpu.vector_load %arg6[%get3A_3034, %get3A_3035, %get3A_3036] {strides = array<i32>} : memref<4x10x288xf32, #tpu.memory_space<vmem>>, vector<1x1x16xf32>,
      %get3A_3038 = vector.shape_cast %get3A_3037 : vector<1x1x16xf32> to vector<16xf32>
      %add3A_3039 = arith.constant 1 : i32
      %add3A_3040 = arith.addi %select_n3A_318, %add3A_3039 : i32
      %add3A_3041 = arith.constant 1 : i32
      %add3A_3042 = arith.addi %select_n3A, %add3A_3041 : i32
      %get3A_3043 = arith.index_cast %add3A_3040 : i32 to index
      %get3A_3044 = arith.index_cast %add3A_3042 : i32 to index
      %get3A_3045 = arith.constant 208 : index
      %get3A_3046 = tpu.vector_load %arg6[%get3A_3043, %get3A_3044, %get3A_3045] {strides = array<i32>} : memref<4x10x288xf32, #tpu.memory_space<vmem>>, vector<1x1x16xf32>,
      %get3A_3047 = vector.shape_cast %get3A_3046 : vector<1x1x16xf32> to vector<16xf32>
      %add3A_3048 = arith.constant 1 : i32
      %add3A_3049 = arith.addi %select_n3A_318, %add3A_3048 : i32
      %add3A_3050 = arith.constant 1 : i32
      %add3A_3051 = arith.addi %select_n3A, %add3A_3050 : i32
      %get3A_3052 = arith.index_cast %add3A_3049 : i32 to index
      %get3A_3053 = arith.index_cast %add3A_3051 : i32 to index
      %get3A_3054 = arith.constant 209 : index
      %get3A_3055 = tpu.vector_load %arg6[%get3A_3052, %get3A_3053, %get3A_3054] {strides = array<i32>} : memref<4x10x288xf32, #tpu.memory_space<vmem>>, vector<1x1x16xf32>,
      %get3A_3056 = vector.shape_cast %get3A_3055 : vector<1x1x16xf32> to vector<16xf32>
      %sub3A_3057 = arith.subf %get3A_3005, %get3A_3010 : vector<16xf32>
      %abs3A_3058 = math.absf %sub3A_3057 : vector<16xf32>
      %sub3A_3059 = arith.subf %get3A_3017, %get3A_3024 : vector<16xf32>
      %abs3A_3060 = math.absf %sub3A_3059 : vector<16xf32>
      %add3A_3061 = arith.addf %abs3A_3058, %abs3A_3060 : vector<16xf32>
      %sub3A_3062 = arith.subf %get3A_3031, %get3A_3038 : vector<16xf32>
      %abs3A_3063 = math.absf %sub3A_3062 : vector<16xf32>
      %add3A_3064 = arith.addf %add3A_3061, %abs3A_3063 : vector<16xf32>
      %sub3A_3065 = arith.subf %get3A_3047, %get3A_3056 : vector<16xf32>
      %abs3A_3066 = math.absf %sub3A_3065 : vector<16xf32>
      %add3A_3067 = arith.addf %add3A_3064, %abs3A_3066 : vector<16xf32>
      %sub3A_3068 = arith.subf %get3A_3005, %get3A_3017 : vector<16xf32>
      %abs3A_3069 = math.absf %sub3A_3068 : vector<16xf32>
      %add3A_3070 = arith.addf %add3A_3067, %abs3A_3069 : vector<16xf32>
      %sub3A_3071 = arith.subf %get3A_3010, %get3A_3024 : vector<16xf32>
      %abs3A_3072 = math.absf %sub3A_3071 : vector<16xf32>
      %add3A_3073 = arith.addf %add3A_3070, %abs3A_3072 : vector<16xf32>
      %sub3A_3074 = arith.subf %get3A_3031, %get3A_3047 : vector<16xf32>
      %abs3A_3075 = math.absf %sub3A_3074 : vector<16xf32>
      %add3A_3076 = arith.addf %add3A_3073, %abs3A_3075 : vector<16xf32>
      %sub3A_3077 = arith.subf %get3A_3038, %get3A_3056 : vector<16xf32>
      %abs3A_3078 = math.absf %sub3A_3077 : vector<16xf32>
      %add3A_3079 = arith.addf %add3A_3076, %abs3A_3078 : vector<16xf32>
      %sub3A_3080 = arith.subf %get3A_3005, %get3A_3031 : vector<16xf32>
      %abs3A_3081 = math.absf %sub3A_3080 : vector<16xf32>
      %add3A_3082 = arith.addf %add3A_3079, %abs3A_3081 : vector<16xf32>
      %sub3A_3083 = arith.subf %get3A_3010, %get3A_3038 : vector<16xf32>
      %abs3A_3084 = math.absf %sub3A_3083 : vector<16xf32>
      %add3A_3085 = arith.addf %add3A_3082, %abs3A_3084 : vector<16xf32>
      %sub3A_3086 = arith.subf %get3A_3017, %get3A_3047 : vector<16xf32>
      %abs3A_3087 = math.absf %sub3A_3086 : vector<16xf32>
      %add3A_3088 = arith.addf %add3A_3085, %abs3A_3087 : vector<16xf32>
      %sub3A_3089 = arith.subf %get3A_3024, %get3A_3056 : vector<16xf32>
      %abs3A_3090 = math.absf %sub3A_3089 : vector<16xf32>
      %add3A_3091 = arith.addf %add3A_3088, %abs3A_3090 : vector<16xf32>
      %add3A_3092 = arith.addf %add3A_3000, %add3A_3091 : vector<16xf32>
      %gt3A_3093 = arith.constant 0.000000e+00 : f32
      %gt3A_3094 = vector.broadcast %gt3A_3093 : f32 to vector<16xf32>
      %gt3A_3095 = arith.cmpf ogt, %add3A_3000, %gt3A_3094 : vector<16xf32>
      %gt3A_3096 = arith.constant 0.000000e+00 : f32
      %gt3A_3097 = vector.broadcast %gt3A_3096 : f32 to vector<16xf32>
      %gt3A_3098 = arith.cmpf ogt, %add3A_3091, %gt3A_3097 : vector<16xf32>
      %and3A_3099 = arith.andi %gt3A_3095, %gt3A_3098 : vector<16xi1>
      %jit3A_3100 = arith.constant 0.000000e+00 : f32
      %broadcast_in_dim3A_3101 = vector.broadcast %jit3A_3100 : f32 to vector<16xf32>
      %select_n3A_3102 = arith.select %and3A_3099, %add3A_3092, %broadcast_in_dim3A_3101 : vector<16xi1>, vector<16xf32>
      %mul3A_3103 = vector.broadcast %select_n3A_325 : f32 to vector<16xf32>
      %mul3A_3104 = arith.mulf %mul3A_3103, %select_n3A_3102 : vector<16xf32>
      %add3A_3105 = arith.addf %add3A_2906, %mul3A_3104 : vector<16xf32>
      %mul3A_3106 = vector.broadcast %select_n3A_325 : f32 to vector<16xf32>
      %mul3A_3107 = arith.mulf %mul3A_3106, %add3A_3092 : vector<16xf32>
      %add3A_3108 = arith.addf %add3A_2909, %mul3A_3107 : vector<16xf32>
      %get3A_3109 = arith.index_cast %select_n3A_318 : i32 to index
      %get3A_3110 = arith.index_cast %select_n3A : i32 to index
      %get3A_3111 = arith.constant 224 : index
      %get3A_3112 = tpu.vector_load %arg5[%get3A_3109, %get3A_3110, %get3A_3111] {strides = array<i32>} : memref<4x10x288xf32, #tpu.memory_space<vmem>>, vector<1x1x16xf32>,
      %get3A_3113 = vector.shape_cast %get3A_3112 : vector<1x1x16xf32> to vector<16xf32>
      %get3A_3114 = arith.index_cast %select_n3A_318 : i32 to index
      %get3A_3115 = arith.index_cast %select_n3A : i32 to index
      %get3A_3116 = arith.constant 225 : index
      %get3A_3117 = tpu.vector_load %arg5[%get3A_3114, %get3A_3115, %get3A_3116] {strides = array<i32>} : memref<4x10x288xf32, #tpu.memory_space<vmem>>, vector<1x1x16xf32>,
      %get3A_3118 = vector.shape_cast %get3A_3117 : vector<1x1x16xf32> to vector<16xf32>
      %add3A_3119 = arith.constant 1 : i32
      %add3A_3120 = arith.addi %select_n3A, %add3A_3119 : i32
      %get3A_3121 = arith.index_cast %select_n3A_318 : i32 to index
      %get3A_3122 = arith.index_cast %add3A_3120 : i32 to index
      %get3A_3123 = arith.constant 224 : index
      %get3A_3124 = tpu.vector_load %arg5[%get3A_3121, %get3A_3122, %get3A_3123] {strides = array<i32>} : memref<4x10x288xf32, #tpu.memory_space<vmem>>, vector<1x1x16xf32>,
      %get3A_3125 = vector.shape_cast %get3A_3124 : vector<1x1x16xf32> to vector<16xf32>
      %add3A_3126 = arith.constant 1 : i32
      %add3A_3127 = arith.addi %select_n3A, %add3A_3126 : i32
      %get3A_3128 = arith.index_cast %select_n3A_318 : i32 to index
      %get3A_3129 = arith.index_cast %add3A_3127 : i32 to index
      %get3A_3130 = arith.constant 225 : index
      %get3A_3131 = tpu.vector_load %arg5[%get3A_3128, %get3A_3129, %get3A_3130] {strides = array<i32>} : memref<4x10x288xf32, #tpu.memory_space<vmem>>, vector<1x1x16xf32>,
      %get3A_3132 = vector.shape_cast %get3A_3131 : vector<1x1x16xf32> to vector<16xf32>
      %add3A_3133 = arith.constant 1 : i32
      %add3A_3134 = arith.addi %select_n3A_318, %add3A_3133 : i32
      %get3A_3135 = arith.index_cast %add3A_3134 : i32 to index
      %get3A_3136 = arith.index_cast %select_n3A : i32 to index
      %get3A_3137 = arith.constant 224 : index
      %get3A_3138 = tpu.vector_load %arg5[%get3A_3135, %get3A_3136, %get3A_3137] {strides = array<i32>} : memref<4x10x288xf32, #tpu.memory_space<vmem>>, vector<1x1x16xf32>,
      %get3A_3139 = vector.shape_cast %get3A_3138 : vector<1x1x16xf32> to vector<16xf32>
      %add3A_3140 = arith.constant 1 : i32
      %add3A_3141 = arith.addi %select_n3A_318, %add3A_3140 : i32
      %get3A_3142 = arith.index_cast %add3A_3141 : i32 to index
      %get3A_3143 = arith.index_cast %select_n3A : i32 to index
      %get3A_3144 = arith.constant 225 : index
      %get3A_3145 = tpu.vector_load %arg5[%get3A_3142, %get3A_3143, %get3A_3144] {strides = array<i32>} : memref<4x10x288xf32, #tpu.memory_space<vmem>>, vector<1x1x16xf32>,
      %get3A_3146 = vector.shape_cast %get3A_3145 : vector<1x1x16xf32> to vector<16xf32>
      %add3A_3147 = arith.constant 1 : i32
      %add3A_3148 = arith.addi %select_n3A_318, %add3A_3147 : i32
      %add3A_3149 = arith.constant 1 : i32
      %add3A_3150 = arith.addi %select_n3A, %add3A_3149 : i32
      %get3A_3151 = arith.index_cast %add3A_3148 : i32 to index
      %get3A_3152 = arith.index_cast %add3A_3150 : i32 to index
      %get3A_3153 = arith.constant 224 : index
      %get3A_3154 = tpu.vector_load %arg5[%get3A_3151, %get3A_3152, %get3A_3153] {strides = array<i32>} : memref<4x10x288xf32, #tpu.memory_space<vmem>>, vector<1x1x16xf32>,
      %get3A_3155 = vector.shape_cast %get3A_3154 : vector<1x1x16xf32> to vector<16xf32>
      %add3A_3156 = arith.constant 1 : i32
      %add3A_3157 = arith.addi %select_n3A_318, %add3A_3156 : i32
      %add3A_3158 = arith.constant 1 : i32
      %add3A_3159 = arith.addi %select_n3A, %add3A_3158 : i32
      %get3A_3160 = arith.index_cast %add3A_3157 : i32 to index
      %get3A_3161 = arith.index_cast %add3A_3159 : i32 to index
      %get3A_3162 = arith.constant 225 : index
      %get3A_3163 = tpu.vector_load %arg5[%get3A_3160, %get3A_3161, %get3A_3162] {strides = array<i32>} : memref<4x10x288xf32, #tpu.memory_space<vmem>>, vector<1x1x16xf32>,
      %get3A_3164 = vector.shape_cast %get3A_3163 : vector<1x1x16xf32> to vector<16xf32>
      %sub3A_3165 = arith.subf %get3A_3113, %get3A_3118 : vector<16xf32>
      %abs3A_3166 = math.absf %sub3A_3165 : vector<16xf32>
      %sub3A_3167 = arith.subf %get3A_3125, %get3A_3132 : vector<16xf32>
      %abs3A_3168 = math.absf %sub3A_3167 : vector<16xf32>
      %add3A_3169 = arith.addf %abs3A_3166, %abs3A_3168 : vector<16xf32>
      %sub3A_3170 = arith.subf %get3A_3139, %get3A_3146 : vector<16xf32>
      %abs3A_3171 = math.absf %sub3A_3170 : vector<16xf32>
      %add3A_3172 = arith.addf %add3A_3169, %abs3A_3171 : vector<16xf32>
      %sub3A_3173 = arith.subf %get3A_3155, %get3A_3164 : vector<16xf32>
      %abs3A_3174 = math.absf %sub3A_3173 : vector<16xf32>
      %add3A_3175 = arith.addf %add3A_3172, %abs3A_3174 : vector<16xf32>
      %sub3A_3176 = arith.subf %get3A_3113, %get3A_3125 : vector<16xf32>
      %abs3A_3177 = math.absf %sub3A_3176 : vector<16xf32>
      %add3A_3178 = arith.addf %add3A_3175, %abs3A_3177 : vector<16xf32>
      %sub3A_3179 = arith.subf %get3A_3118, %get3A_3132 : vector<16xf32>
      %abs3A_3180 = math.absf %sub3A_3179 : vector<16xf32>
      %add3A_3181 = arith.addf %add3A_3178, %abs3A_3180 : vector<16xf32>
      %sub3A_3182 = arith.subf %get3A_3139, %get3A_3155 : vector<16xf32>
      %abs3A_3183 = math.absf %sub3A_3182 : vector<16xf32>
      %add3A_3184 = arith.addf %add3A_3181, %abs3A_3183 : vector<16xf32>
      %sub3A_3185 = arith.subf %get3A_3146, %get3A_3164 : vector<16xf32>
      %abs3A_3186 = math.absf %sub3A_3185 : vector<16xf32>
      %add3A_3187 = arith.addf %add3A_3184, %abs3A_3186 : vector<16xf32>
      %sub3A_3188 = arith.subf %get3A_3113, %get3A_3139 : vector<16xf32>
      %abs3A_3189 = math.absf %sub3A_3188 : vector<16xf32>
      %add3A_3190 = arith.addf %add3A_3187, %abs3A_3189 : vector<16xf32>
      %sub3A_3191 = arith.subf %get3A_3118, %get3A_3146 : vector<16xf32>
      %abs3A_3192 = math.absf %sub3A_3191 : vector<16xf32>
      %add3A_3193 = arith.addf %add3A_3190, %abs3A_3192 : vector<16xf32>
      %sub3A_3194 = arith.subf %get3A_3125, %get3A_3155 : vector<16xf32>
      %abs3A_3195 = math.absf %sub3A_3194 : vector<16xf32>
      %add3A_3196 = arith.addf %add3A_3193, %abs3A_3195 : vector<16xf32>
      %sub3A_3197 = arith.subf %get3A_3132, %get3A_3164 : vector<16xf32>
      %abs3A_3198 = math.absf %sub3A_3197 : vector<16xf32>
      %add3A_3199 = arith.addf %add3A_3196, %abs3A_3198 : vector<16xf32>
      %get3A_3200 = arith.index_cast %select_n3A_318 : i32 to index
      %get3A_3201 = arith.index_cast %select_n3A : i32 to index
      %get3A_3202 = arith.constant 224 : index
      %get3A_3203 = tpu.vector_load %arg6[%get3A_3200, %get3A_3201, %get3A_3202] {strides = array<i32>} : memref<4x10x288xf32, #tpu.memory_space<vmem>>, vector<1x1x16xf32>,
      %get3A_3204 = vector.shape_cast %get3A_3203 : vector<1x1x16xf32> to vector<16xf32>
      %get3A_3205 = arith.index_cast %select_n3A_318 : i32 to index
      %get3A_3206 = arith.index_cast %select_n3A : i32 to index
      %get3A_3207 = arith.constant 225 : index
      %get3A_3208 = tpu.vector_load %arg6[%get3A_3205, %get3A_3206, %get3A_3207] {strides = array<i32>} : memref<4x10x288xf32, #tpu.memory_space<vmem>>, vector<1x1x16xf32>,
      %get3A_3209 = vector.shape_cast %get3A_3208 : vector<1x1x16xf32> to vector<16xf32>
      %add3A_3210 = arith.constant 1 : i32
      %add3A_3211 = arith.addi %select_n3A, %add3A_3210 : i32
      %get3A_3212 = arith.index_cast %select_n3A_318 : i32 to index
      %get3A_3213 = arith.index_cast %add3A_3211 : i32 to index
      %get3A_3214 = arith.constant 224 : index
      %get3A_3215 = tpu.vector_load %arg6[%get3A_3212, %get3A_3213, %get3A_3214] {strides = array<i32>} : memref<4x10x288xf32, #tpu.memory_space<vmem>>, vector<1x1x16xf32>,
      %get3A_3216 = vector.shape_cast %get3A_3215 : vector<1x1x16xf32> to vector<16xf32>
      %add3A_3217 = arith.constant 1 : i32
      %add3A_3218 = arith.addi %select_n3A, %add3A_3217 : i32
      %get3A_3219 = arith.index_cast %select_n3A_318 : i32 to index
      %get3A_3220 = arith.index_cast %add3A_3218 : i32 to index
      %get3A_3221 = arith.constant 225 : index
      %get3A_3222 = tpu.vector_load %arg6[%get3A_3219, %get3A_3220, %get3A_3221] {strides = array<i32>} : memref<4x10x288xf32, #tpu.memory_space<vmem>>, vector<1x1x16xf32>,
      %get3A_3223 = vector.shape_cast %get3A_3222 : vector<1x1x16xf32> to vector<16xf32>
      %add3A_3224 = arith.constant 1 : i32
      %add3A_3225 = arith.addi %select_n3A_318, %add3A_3224 : i32
      %get3A_3226 = arith.index_cast %add3A_3225 : i32 to index
      %get3A_3227 = arith.index_cast %select_n3A : i32 to index
      %get3A_3228 = arith.constant 224 : index
      %get3A_3229 = tpu.vector_load %arg6[%get3A_3226, %get3A_3227, %get3A_3228] {strides = array<i32>} : memref<4x10x288xf32, #tpu.memory_space<vmem>>, vector<1x1x16xf32>,
      %get3A_3230 = vector.shape_cast %get3A_3229 : vector<1x1x16xf32> to vector<16xf32>
      %add3A_3231 = arith.constant 1 : i32
      %add3A_3232 = arith.addi %select_n3A_318, %add3A_3231 : i32
      %get3A_3233 = arith.index_cast %add3A_3232 : i32 to index
      %get3A_3234 = arith.index_cast %select_n3A : i32 to index
      %get3A_3235 = arith.constant 225 : index
      %get3A_3236 = tpu.vector_load %arg6[%get3A_3233, %get3A_3234, %get3A_3235] {strides = array<i32>} : memref<4x10x288xf32, #tpu.memory_space<vmem>>, vector<1x1x16xf32>,
      %get3A_3237 = vector.shape_cast %get3A_3236 : vector<1x1x16xf32> to vector<16xf32>
      %add3A_3238 = arith.constant 1 : i32
      %add3A_3239 = arith.addi %select_n3A_318, %add3A_3238 : i32
      %add3A_3240 = arith.constant 1 : i32
      %add3A_3241 = arith.addi %select_n3A, %add3A_3240 : i32
      %get3A_3242 = arith.index_cast %add3A_3239 : i32 to index
      %get3A_3243 = arith.index_cast %add3A_3241 : i32 to index
      %get3A_3244 = arith.constant 224 : index
      %get3A_3245 = tpu.vector_load %arg6[%get3A_3242, %get3A_3243, %get3A_3244] {strides = array<i32>} : memref<4x10x288xf32, #tpu.memory_space<vmem>>, vector<1x1x16xf32>,
      %get3A_3246 = vector.shape_cast %get3A_3245 : vector<1x1x16xf32> to vector<16xf32>
      %add3A_3247 = arith.constant 1 : i32
      %add3A_3248 = arith.addi %select_n3A_318, %add3A_3247 : i32
      %add3A_3249 = arith.constant 1 : i32
      %add3A_3250 = arith.addi %select_n3A, %add3A_3249 : i32
      %get3A_3251 = arith.index_cast %add3A_3248 : i32 to index
      %get3A_3252 = arith.index_cast %add3A_3250 : i32 to index
      %get3A_3253 = arith.constant 225 : index
      %get3A_3254 = tpu.vector_load %arg6[%get3A_3251, %get3A_3252, %get3A_3253] {strides = array<i32>} : memref<4x10x288xf32, #tpu.memory_space<vmem>>, vector<1x1x16xf32>,
      %get3A_3255 = vector.shape_cast %get3A_3254 : vector<1x1x16xf32> to vector<16xf32>
      %sub3A_3256 = arith.subf %get3A_3204, %get3A_3209 : vector<16xf32>
      %abs3A_3257 = math.absf %sub3A_3256 : vector<16xf32>
      %sub3A_3258 = arith.subf %get3A_3216, %get3A_3223 : vector<16xf32>
      %abs3A_3259 = math.absf %sub3A_3258 : vector<16xf32>
      %add3A_3260 = arith.addf %abs3A_3257, %abs3A_3259 : vector<16xf32>
      %sub3A_3261 = arith.subf %get3A_3230, %get3A_3237 : vector<16xf32>
      %abs3A_3262 = math.absf %sub3A_3261 : vector<16xf32>
      %add3A_3263 = arith.addf %add3A_3260, %abs3A_3262 : vector<16xf32>
      %sub3A_3264 = arith.subf %get3A_3246, %get3A_3255 : vector<16xf32>
      %abs3A_3265 = math.absf %sub3A_3264 : vector<16xf32>
      %add3A_3266 = arith.addf %add3A_3263, %abs3A_3265 : vector<16xf32>
      %sub3A_3267 = arith.subf %get3A_3204, %get3A_3216 : vector<16xf32>
      %abs3A_3268 = math.absf %sub3A_3267 : vector<16xf32>
      %add3A_3269 = arith.addf %add3A_3266, %abs3A_3268 : vector<16xf32>
      %sub3A_3270 = arith.subf %get3A_3209, %get3A_3223 : vector<16xf32>
      %abs3A_3271 = math.absf %sub3A_3270 : vector<16xf32>
      %add3A_3272 = arith.addf %add3A_3269, %abs3A_3271 : vector<16xf32>
      %sub3A_3273 = arith.subf %get3A_3230, %get3A_3246 : vector<16xf32>
      %abs3A_3274 = math.absf %sub3A_3273 : vector<16xf32>
      %add3A_3275 = arith.addf %add3A_3272, %abs3A_3274 : vector<16xf32>
      %sub3A_3276 = arith.subf %get3A_3237, %get3A_3255 : vector<16xf32>
      %abs3A_3277 = math.absf %sub3A_3276 : vector<16xf32>
      %add3A_3278 = arith.addf %add3A_3275, %abs3A_3277 : vector<16xf32>
      %sub3A_3279 = arith.subf %get3A_3204, %get3A_3230 : vector<16xf32>
      %abs3A_3280 = math.absf %sub3A_3279 : vector<16xf32>
      %add3A_3281 = arith.addf %add3A_3278, %abs3A_3280 : vector<16xf32>
      %sub3A_3282 = arith.subf %get3A_3209, %get3A_3237 : vector<16xf32>
      %abs3A_3283 = math.absf %sub3A_3282 : vector<16xf32>
      %add3A_3284 = arith.addf %add3A_3281, %abs3A_3283 : vector<16xf32>
      %sub3A_3285 = arith.subf %get3A_3216, %get3A_3246 : vector<16xf32>
      %abs3A_3286 = math.absf %sub3A_3285 : vector<16xf32>
      %add3A_3287 = arith.addf %add3A_3284, %abs3A_3286 : vector<16xf32>
      %sub3A_3288 = arith.subf %get3A_3223, %get3A_3255 : vector<16xf32>
      %abs3A_3289 = math.absf %sub3A_3288 : vector<16xf32>
      %add3A_3290 = arith.addf %add3A_3287, %abs3A_3289 : vector<16xf32>
      %add3A_3291 = arith.addf %add3A_3199, %add3A_3290 : vector<16xf32>
      %gt3A_3292 = arith.constant 0.000000e+00 : f32
      %gt3A_3293 = vector.broadcast %gt3A_3292 : f32 to vector<16xf32>
      %gt3A_3294 = arith.cmpf ogt, %add3A_3199, %gt3A_3293 : vector<16xf32>
      %gt3A_3295 = arith.constant 0.000000e+00 : f32
      %gt3A_3296 = vector.broadcast %gt3A_3295 : f32 to vector<16xf32>
      %gt3A_3297 = arith.cmpf ogt, %add3A_3290, %gt3A_3296 : vector<16xf32>
      %and3A_3298 = arith.andi %gt3A_3294, %gt3A_3297 : vector<16xi1>
      %jit3A_3299 = arith.constant 0.000000e+00 : f32
      %broadcast_in_dim3A_3300 = vector.broadcast %jit3A_3299 : f32 to vector<16xf32>
      %select_n3A_3301 = arith.select %and3A_3298, %add3A_3291, %broadcast_in_dim3A_3300 : vector<16xi1>, vector<16xf32>
      %mul3A_3302 = vector.broadcast %select_n3A_325 : f32 to vector<16xf32>
      %mul3A_3303 = arith.mulf %mul3A_3302, %select_n3A_3301 : vector<16xf32>
      %add3A_3304 = arith.addf %add3A_3105, %mul3A_3303 : vector<16xf32>
      %mul3A_3305 = vector.broadcast %select_n3A_325 : f32 to vector<16xf32>
      %mul3A_3306 = arith.mulf %mul3A_3305, %add3A_3291 : vector<16xf32>
      %add3A_3307 = arith.addf %add3A_3108, %mul3A_3306 : vector<16xf32>
      %get3A_3308 = arith.index_cast %select_n3A_318 : i32 to index
      %get3A_3309 = arith.index_cast %select_n3A : i32 to index
      %get3A_3310 = arith.constant 240 : index
      %get3A_3311 = tpu.vector_load %arg5[%get3A_3308, %get3A_3309, %get3A_3310] {strides = array<i32>} : memref<4x10x288xf32, #tpu.memory_space<vmem>>, vector<1x1x16xf32>,
      %get3A_3312 = vector.shape_cast %get3A_3311 : vector<1x1x16xf32> to vector<16xf32>
      %get3A_3313 = arith.index_cast %select_n3A_318 : i32 to index
      %get3A_3314 = arith.index_cast %select_n3A : i32 to index
      %get3A_3315 = arith.constant 241 : index
      %get3A_3316 = tpu.vector_load %arg5[%get3A_3313, %get3A_3314, %get3A_3315] {strides = array<i32>} : memref<4x10x288xf32, #tpu.memory_space<vmem>>, vector<1x1x16xf32>,
      %get3A_3317 = vector.shape_cast %get3A_3316 : vector<1x1x16xf32> to vector<16xf32>
      %add3A_3318 = arith.constant 1 : i32
      %add3A_3319 = arith.addi %select_n3A, %add3A_3318 : i32
      %get3A_3320 = arith.index_cast %select_n3A_318 : i32 to index
      %get3A_3321 = arith.index_cast %add3A_3319 : i32 to index
      %get3A_3322 = arith.constant 240 : index
      %get3A_3323 = tpu.vector_load %arg5[%get3A_3320, %get3A_3321, %get3A_3322] {strides = array<i32>} : memref<4x10x288xf32, #tpu.memory_space<vmem>>, vector<1x1x16xf32>,
      %get3A_3324 = vector.shape_cast %get3A_3323 : vector<1x1x16xf32> to vector<16xf32>
      %add3A_3325 = arith.constant 1 : i32
      %add3A_3326 = arith.addi %select_n3A, %add3A_3325 : i32
      %get3A_3327 = arith.index_cast %select_n3A_318 : i32 to index
      %get3A_3328 = arith.index_cast %add3A_3326 : i32 to index
      %get3A_3329 = arith.constant 241 : index
      %get3A_3330 = tpu.vector_load %arg5[%get3A_3327, %get3A_3328, %get3A_3329] {strides = array<i32>} : memref<4x10x288xf32, #tpu.memory_space<vmem>>, vector<1x1x16xf32>,
      %get3A_3331 = vector.shape_cast %get3A_3330 : vector<1x1x16xf32> to vector<16xf32>
      %add3A_3332 = arith.constant 1 : i32
      %add3A_3333 = arith.addi %select_n3A_318, %add3A_3332 : i32
      %get3A_3334 = arith.index_cast %add3A_3333 : i32 to index
      %get3A_3335 = arith.index_cast %select_n3A : i32 to index
      %get3A_3336 = arith.constant 240 : index
      %get3A_3337 = tpu.vector_load %arg5[%get3A_3334, %get3A_3335, %get3A_3336] {strides = array<i32>} : memref<4x10x288xf32, #tpu.memory_space<vmem>>, vector<1x1x16xf32>,
      %get3A_3338 = vector.shape_cast %get3A_3337 : vector<1x1x16xf32> to vector<16xf32>
      %add3A_3339 = arith.constant 1 : i32
      %add3A_3340 = arith.addi %select_n3A_318, %add3A_3339 : i32
      %get3A_3341 = arith.index_cast %add3A_3340 : i32 to index
      %get3A_3342 = arith.index_cast %select_n3A : i32 to index
      %get3A_3343 = arith.constant 241 : index
      %get3A_3344 = tpu.vector_load %arg5[%get3A_3341, %get3A_3342, %get3A_3343] {strides = array<i32>} : memref<4x10x288xf32, #tpu.memory_space<vmem>>, vector<1x1x16xf32>,
      %get3A_3345 = vector.shape_cast %get3A_3344 : vector<1x1x16xf32> to vector<16xf32>
      %add3A_3346 = arith.constant 1 : i32
      %add3A_3347 = arith.addi %select_n3A_318, %add3A_3346 : i32
      %add3A_3348 = arith.constant 1 : i32
      %add3A_3349 = arith.addi %select_n3A, %add3A_3348 : i32
      %get3A_3350 = arith.index_cast %add3A_3347 : i32 to index
      %get3A_3351 = arith.index_cast %add3A_3349 : i32 to index
      %get3A_3352 = arith.constant 240 : index
      %get3A_3353 = tpu.vector_load %arg5[%get3A_3350, %get3A_3351, %get3A_3352] {strides = array<i32>} : memref<4x10x288xf32, #tpu.memory_space<vmem>>, vector<1x1x16xf32>,
      %get3A_3354 = vector.shape_cast %get3A_3353 : vector<1x1x16xf32> to vector<16xf32>
      %add3A_3355 = arith.constant 1 : i32
      %add3A_3356 = arith.addi %select_n3A_318, %add3A_3355 : i32
      %add3A_3357 = arith.constant 1 : i32
      %add3A_3358 = arith.addi %select_n3A, %add3A_3357 : i32
      %get3A_3359 = arith.index_cast %add3A_3356 : i32 to index
      %get3A_3360 = arith.index_cast %add3A_3358 : i32 to index
      %get3A_3361 = arith.constant 241 : index
      %get3A_3362 = tpu.vector_load %arg5[%get3A_3359, %get3A_3360, %get3A_3361] {strides = array<i32>} : memref<4x10x288xf32, #tpu.memory_space<vmem>>, vector<1x1x16xf32>,
      %get3A_3363 = vector.shape_cast %get3A_3362 : vector<1x1x16xf32> to vector<16xf32>
      %sub3A_3364 = arith.subf %get3A_3312, %get3A_3317 : vector<16xf32>
      %abs3A_3365 = math.absf %sub3A_3364 : vector<16xf32>
      %sub3A_3366 = arith.subf %get3A_3324, %get3A_3331 : vector<16xf32>
      %abs3A_3367 = math.absf %sub3A_3366 : vector<16xf32>
      %add3A_3368 = arith.addf %abs3A_3365, %abs3A_3367 : vector<16xf32>
      %sub3A_3369 = arith.subf %get3A_3338, %get3A_3345 : vector<16xf32>
      %abs3A_3370 = math.absf %sub3A_3369 : vector<16xf32>
      %add3A_3371 = arith.addf %add3A_3368, %abs3A_3370 : vector<16xf32>
      %sub3A_3372 = arith.subf %get3A_3354, %get3A_3363 : vector<16xf32>
      %abs3A_3373 = math.absf %sub3A_3372 : vector<16xf32>
      %add3A_3374 = arith.addf %add3A_3371, %abs3A_3373 : vector<16xf32>
      %sub3A_3375 = arith.subf %get3A_3312, %get3A_3324 : vector<16xf32>
      %abs3A_3376 = math.absf %sub3A_3375 : vector<16xf32>
      %add3A_3377 = arith.addf %add3A_3374, %abs3A_3376 : vector<16xf32>
      %sub3A_3378 = arith.subf %get3A_3317, %get3A_3331 : vector<16xf32>
      %abs3A_3379 = math.absf %sub3A_3378 : vector<16xf32>
      %add3A_3380 = arith.addf %add3A_3377, %abs3A_3379 : vector<16xf32>
      %sub3A_3381 = arith.subf %get3A_3338, %get3A_3354 : vector<16xf32>
      %abs3A_3382 = math.absf %sub3A_3381 : vector<16xf32>
      %add3A_3383 = arith.addf %add3A_3380, %abs3A_3382 : vector<16xf32>
      %sub3A_3384 = arith.subf %get3A_3345, %get3A_3363 : vector<16xf32>
      %abs3A_3385 = math.absf %sub3A_3384 : vector<16xf32>
      %add3A_3386 = arith.addf %add3A_3383, %abs3A_3385 : vector<16xf32>
      %sub3A_3387 = arith.subf %get3A_3312, %get3A_3338 : vector<16xf32>
      %abs3A_3388 = math.absf %sub3A_3387 : vector<16xf32>
      %add3A_3389 = arith.addf %add3A_3386, %abs3A_3388 : vector<16xf32>
      %sub3A_3390 = arith.subf %get3A_3317, %get3A_3345 : vector<16xf32>
      %abs3A_3391 = math.absf %sub3A_3390 : vector<16xf32>
      %add3A_3392 = arith.addf %add3A_3389, %abs3A_3391 : vector<16xf32>
      %sub3A_3393 = arith.subf %get3A_3324, %get3A_3354 : vector<16xf32>
      %abs3A_3394 = math.absf %sub3A_3393 : vector<16xf32>
      %add3A_3395 = arith.addf %add3A_3392, %abs3A_3394 : vector<16xf32>
      %sub3A_3396 = arith.subf %get3A_3331, %get3A_3363 : vector<16xf32>
      %abs3A_3397 = math.absf %sub3A_3396 : vector<16xf32>
      %add3A_3398 = arith.addf %add3A_3395, %abs3A_3397 : vector<16xf32>
      %get3A_3399 = arith.index_cast %select_n3A_318 : i32 to index
      %get3A_3400 = arith.index_cast %select_n3A : i32 to index
      %get3A_3401 = arith.constant 240 : index
      %get3A_3402 = tpu.vector_load %arg6[%get3A_3399, %get3A_3400, %get3A_3401] {strides = array<i32>} : memref<4x10x288xf32, #tpu.memory_space<vmem>>, vector<1x1x16xf32>,
      %get3A_3403 = vector.shape_cast %get3A_3402 : vector<1x1x16xf32> to vector<16xf32>
      %get3A_3404 = arith.index_cast %select_n3A_318 : i32 to index
      %get3A_3405 = arith.index_cast %select_n3A : i32 to index
      %get3A_3406 = arith.constant 241 : index
      %get3A_3407 = tpu.vector_load %arg6[%get3A_3404, %get3A_3405, %get3A_3406] {strides = array<i32>} : memref<4x10x288xf32, #tpu.memory_space<vmem>>, vector<1x1x16xf32>,
      %get3A_3408 = vector.shape_cast %get3A_3407 : vector<1x1x16xf32> to vector<16xf32>
      %add3A_3409 = arith.constant 1 : i32
      %add3A_3410 = arith.addi %select_n3A, %add3A_3409 : i32
      %get3A_3411 = arith.index_cast %select_n3A_318 : i32 to index
      %get3A_3412 = arith.index_cast %add3A_3410 : i32 to index
      %get3A_3413 = arith.constant 240 : index
      %get3A_3414 = tpu.vector_load %arg6[%get3A_3411, %get3A_3412, %get3A_3413] {strides = array<i32>} : memref<4x10x288xf32, #tpu.memory_space<vmem>>, vector<1x1x16xf32>,
      %get3A_3415 = vector.shape_cast %get3A_3414 : vector<1x1x16xf32> to vector<16xf32>
      %add3A_3416 = arith.constant 1 : i32
      %add3A_3417 = arith.addi %select_n3A, %add3A_3416 : i32
      %get3A_3418 = arith.index_cast %select_n3A_318 : i32 to index
      %get3A_3419 = arith.index_cast %add3A_3417 : i32 to index
      %get3A_3420 = arith.constant 241 : index
      %get3A_3421 = tpu.vector_load %arg6[%get3A_3418, %get3A_3419, %get3A_3420] {strides = array<i32>} : memref<4x10x288xf32, #tpu.memory_space<vmem>>, vector<1x1x16xf32>,
      %get3A_3422 = vector.shape_cast %get3A_3421 : vector<1x1x16xf32> to vector<16xf32>
      %add3A_3423 = arith.constant 1 : i32
      %add3A_3424 = arith.addi %select_n3A_318, %add3A_3423 : i32
      %get3A_3425 = arith.index_cast %add3A_3424 : i32 to index
      %get3A_3426 = arith.index_cast %select_n3A : i32 to index
      %get3A_3427 = arith.constant 240 : index
      %get3A_3428 = tpu.vector_load %arg6[%get3A_3425, %get3A_3426, %get3A_3427] {strides = array<i32>} : memref<4x10x288xf32, #tpu.memory_space<vmem>>, vector<1x1x16xf32>,
      %get3A_3429 = vector.shape_cast %get3A_3428 : vector<1x1x16xf32> to vector<16xf32>
      %add3A_3430 = arith.constant 1 : i32
      %add3A_3431 = arith.addi %select_n3A_318, %add3A_3430 : i32
      %get3A_3432 = arith.index_cast %add3A_3431 : i32 to index
      %get3A_3433 = arith.index_cast %select_n3A : i32 to index
      %get3A_3434 = arith.constant 241 : index
      %get3A_3435 = tpu.vector_load %arg6[%get3A_3432, %get3A_3433, %get3A_3434] {strides = array<i32>} : memref<4x10x288xf32, #tpu.memory_space<vmem>>, vector<1x1x16xf32>,
      %get3A_3436 = vector.shape_cast %get3A_3435 : vector<1x1x16xf32> to vector<16xf32>
      %add3A_3437 = arith.constant 1 : i32
      %add3A_3438 = arith.addi %select_n3A_318, %add3A_3437 : i32
      %add3A_3439 = arith.constant 1 : i32
      %add3A_3440 = arith.addi %select_n3A, %add3A_3439 : i32
      %get3A_3441 = arith.index_cast %add3A_3438 : i32 to index
      %get3A_3442 = arith.index_cast %add3A_3440 : i32 to index
      %get3A_3443 = arith.constant 240 : index
      %get3A_3444 = tpu.vector_load %arg6[%get3A_3441, %get3A_3442, %get3A_3443] {strides = array<i32>} : memref<4x10x288xf32, #tpu.memory_space<vmem>>, vector<1x1x16xf32>,
      %get3A_3445 = vector.shape_cast %get3A_3444 : vector<1x1x16xf32> to vector<16xf32>
      %add3A_3446 = arith.constant 1 : i32
      %add3A_3447 = arith.addi %select_n3A_318, %add3A_3446 : i32
      %add3A_3448 = arith.constant 1 : i32
      %add3A_3449 = arith.addi %select_n3A, %add3A_3448 : i32
      %get3A_3450 = arith.index_cast %add3A_3447 : i32 to index
      %get3A_3451 = arith.index_cast %add3A_3449 : i32 to index
      %get3A_3452 = arith.constant 241 : index
      %get3A_3453 = tpu.vector_load %arg6[%get3A_3450, %get3A_3451, %get3A_3452] {strides = array<i32>} : memref<4x10x288xf32, #tpu.memory_space<vmem>>, vector<1x1x16xf32>,
      %get3A_3454 = vector.shape_cast %get3A_3453 : vector<1x1x16xf32> to vector<16xf32>
      %sub3A_3455 = arith.subf %get3A_3403, %get3A_3408 : vector<16xf32>
      %abs3A_3456 = math.absf %sub3A_3455 : vector<16xf32>
      %sub3A_3457 = arith.subf %get3A_3415, %get3A_3422 : vector<16xf32>
      %abs3A_3458 = math.absf %sub3A_3457 : vector<16xf32>
      %add3A_3459 = arith.addf %abs3A_3456, %abs3A_3458 : vector<16xf32>
      %sub3A_3460 = arith.subf %get3A_3429, %get3A_3436 : vector<16xf32>
      %abs3A_3461 = math.absf %sub3A_3460 : vector<16xf32>
      %add3A_3462 = arith.addf %add3A_3459, %abs3A_3461 : vector<16xf32>
      %sub3A_3463 = arith.subf %get3A_3445, %get3A_3454 : vector<16xf32>
      %abs3A_3464 = math.absf %sub3A_3463 : vector<16xf32>
      %add3A_3465 = arith.addf %add3A_3462, %abs3A_3464 : vector<16xf32>
      %sub3A_3466 = arith.subf %get3A_3403, %get3A_3415 : vector<16xf32>
      %abs3A_3467 = math.absf %sub3A_3466 : vector<16xf32>
      %add3A_3468 = arith.addf %add3A_3465, %abs3A_3467 : vector<16xf32>
      %sub3A_3469 = arith.subf %get3A_3408, %get3A_3422 : vector<16xf32>
      %abs3A_3470 = math.absf %sub3A_3469 : vector<16xf32>
      %add3A_3471 = arith.addf %add3A_3468, %abs3A_3470 : vector<16xf32>
      %sub3A_3472 = arith.subf %get3A_3429, %get3A_3445 : vector<16xf32>
      %abs3A_3473 = math.absf %sub3A_3472 : vector<16xf32>
      %add3A_3474 = arith.addf %add3A_3471, %abs3A_3473 : vector<16xf32>
      %sub3A_3475 = arith.subf %get3A_3436, %get3A_3454 : vector<16xf32>
      %abs3A_3476 = math.absf %sub3A_3475 : vector<16xf32>
      %add3A_3477 = arith.addf %add3A_3474, %abs3A_3476 : vector<16xf32>
      %sub3A_3478 = arith.subf %get3A_3403, %get3A_3429 : vector<16xf32>
      %abs3A_3479 = math.absf %sub3A_3478 : vector<16xf32>
      %add3A_3480 = arith.addf %add3A_3477, %abs3A_3479 : vector<16xf32>
      %sub3A_3481 = arith.subf %get3A_3408, %get3A_3436 : vector<16xf32>
      %abs3A_3482 = math.absf %sub3A_3481 : vector<16xf32>
      %add3A_3483 = arith.addf %add3A_3480, %abs3A_3482 : vector<16xf32>
      %sub3A_3484 = arith.subf %get3A_3415, %get3A_3445 : vector<16xf32>
      %abs3A_3485 = math.absf %sub3A_3484 : vector<16xf32>
      %add3A_3486 = arith.addf %add3A_3483, %abs3A_3485 : vector<16xf32>
      %sub3A_3487 = arith.subf %get3A_3422, %get3A_3454 : vector<16xf32>
      %abs3A_3488 = math.absf %sub3A_3487 : vector<16xf32>
      %add3A_3489 = arith.addf %add3A_3486, %abs3A_3488 : vector<16xf32>
      %add3A_3490 = arith.addf %add3A_3398, %add3A_3489 : vector<16xf32>
      %gt3A_3491 = arith.constant 0.000000e+00 : f32
      %gt3A_3492 = vector.broadcast %gt3A_3491 : f32 to vector<16xf32>
      %gt3A_3493 = arith.cmpf ogt, %add3A_3398, %gt3A_3492 : vector<16xf32>
      %gt3A_3494 = arith.constant 0.000000e+00 : f32
      %gt3A_3495 = vector.broadcast %gt3A_3494 : f32 to vector<16xf32>
      %gt3A_3496 = arith.cmpf ogt, %add3A_3489, %gt3A_3495 : vector<16xf32>
      %and3A_3497 = arith.andi %gt3A_3493, %gt3A_3496 : vector<16xi1>
      %jit3A_3498 = arith.constant 0.000000e+00 : f32
      %broadcast_in_dim3A_3499 = vector.broadcast %jit3A_3498 : f32 to vector<16xf32>
      %select_n3A_3500 = arith.select %and3A_3497, %add3A_3490, %broadcast_in_dim3A_3499 : vector<16xi1>, vector<16xf32>
      %mul3A_3501 = vector.broadcast %select_n3A_325 : f32 to vector<16xf32>
      %mul3A_3502 = arith.mulf %mul3A_3501, %select_n3A_3500 : vector<16xf32>
      %add3A_3503 = arith.addf %add3A_3304, %mul3A_3502 : vector<16xf32>
      %mul3A_3504 = vector.broadcast %select_n3A_325 : f32 to vector<16xf32>
      %mul3A_3505 = arith.mulf %mul3A_3504, %add3A_3490 : vector<16xf32>
      %add3A_3506 = arith.addf %add3A_3307, %mul3A_3505 : vector<16xf32>
      %get3A_3507 = arith.index_cast %select_n3A_318 : i32 to index
      %get3A_3508 = arith.index_cast %select_n3A : i32 to index
      %get3A_3509 = arith.constant 256 : index
      %get3A_3510 = tpu.vector_load %arg5[%get3A_3507, %get3A_3508, %get3A_3509] {strides = array<i32>} : memref<4x10x288xf32, #tpu.memory_space<vmem>>, vector<1x1x16xf32>,
      %get3A_3511 = vector.shape_cast %get3A_3510 : vector<1x1x16xf32> to vector<16xf32>
      %get3A_3512 = arith.index_cast %select_n3A_318 : i32 to index
      %get3A_3513 = arith.index_cast %select_n3A : i32 to index
      %get3A_3514 = arith.constant 257 : index
      %get3A_3515 = tpu.vector_load %arg5[%get3A_3512, %get3A_3513, %get3A_3514] {strides = array<i32>} : memref<4x10x288xf32, #tpu.memory_space<vmem>>, vector<1x1x16xf32>,
      %get3A_3516 = vector.shape_cast %get3A_3515 : vector<1x1x16xf32> to vector<16xf32>
      %add3A_3517 = arith.constant 1 : i32
      %add3A_3518 = arith.addi %select_n3A, %add3A_3517 : i32
      %get3A_3519 = arith.index_cast %select_n3A_318 : i32 to index
      %get3A_3520 = arith.index_cast %add3A_3518 : i32 to index
      %get3A_3521 = arith.constant 256 : index
      %get3A_3522 = tpu.vector_load %arg5[%get3A_3519, %get3A_3520, %get3A_3521] {strides = array<i32>} : memref<4x10x288xf32, #tpu.memory_space<vmem>>, vector<1x1x16xf32>,
      %get3A_3523 = vector.shape_cast %get3A_3522 : vector<1x1x16xf32> to vector<16xf32>
      %add3A_3524 = arith.constant 1 : i32
      %add3A_3525 = arith.addi %select_n3A, %add3A_3524 : i32
      %get3A_3526 = arith.index_cast %select_n3A_318 : i32 to index
      %get3A_3527 = arith.index_cast %add3A_3525 : i32 to index
      %get3A_3528 = arith.constant 257 : index
      %get3A_3529 = tpu.vector_load %arg5[%get3A_3526, %get3A_3527, %get3A_3528] {strides = array<i32>} : memref<4x10x288xf32, #tpu.memory_space<vmem>>, vector<1x1x16xf32>,
      %get3A_3530 = vector.shape_cast %get3A_3529 : vector<1x1x16xf32> to vector<16xf32>
      %add3A_3531 = arith.constant 1 : i32
      %add3A_3532 = arith.addi %select_n3A_318, %add3A_3531 : i32
      %get3A_3533 = arith.index_cast %add3A_3532 : i32 to index
      %get3A_3534 = arith.index_cast %select_n3A : i32 to index
      %get3A_3535 = arith.constant 256 : index
      %get3A_3536 = tpu.vector_load %arg5[%get3A_3533, %get3A_3534, %get3A_3535] {strides = array<i32>} : memref<4x10x288xf32, #tpu.memory_space<vmem>>, vector<1x1x16xf32>,
      %get3A_3537 = vector.shape_cast %get3A_3536 : vector<1x1x16xf32> to vector<16xf32>
      %add3A_3538 = arith.constant 1 : i32
      %add3A_3539 = arith.addi %select_n3A_318, %add3A_3538 : i32
      %get3A_3540 = arith.index_cast %add3A_3539 : i32 to index
      %get3A_3541 = arith.index_cast %select_n3A : i32 to index
      %get3A_3542 = arith.constant 257 : index
      %get3A_3543 = tpu.vector_load %arg5[%get3A_3540, %get3A_3541, %get3A_3542] {strides = array<i32>} : memref<4x10x288xf32, #tpu.memory_space<vmem>>, vector<1x1x16xf32>,
      %get3A_3544 = vector.shape_cast %get3A_3543 : vector<1x1x16xf32> to vector<16xf32>
      %add3A_3545 = arith.constant 1 : i32
      %add3A_3546 = arith.addi %select_n3A_318, %add3A_3545 : i32
      %add3A_3547 = arith.constant 1 : i32
      %add3A_3548 = arith.addi %select_n3A, %add3A_3547 : i32
      %get3A_3549 = arith.index_cast %add3A_3546 : i32 to index
      %get3A_3550 = arith.index_cast %add3A_3548 : i32 to index
      %get3A_3551 = arith.constant 256 : index
      %get3A_3552 = tpu.vector_load %arg5[%get3A_3549, %get3A_3550, %get3A_3551] {strides = array<i32>} : memref<4x10x288xf32, #tpu.memory_space<vmem>>, vector<1x1x16xf32>,
      %get3A_3553 = vector.shape_cast %get3A_3552 : vector<1x1x16xf32> to vector<16xf32>
      %add3A_3554 = arith.constant 1 : i32
      %add3A_3555 = arith.addi %select_n3A_318, %add3A_3554 : i32
      %add3A_3556 = arith.constant 1 : i32
      %add3A_3557 = arith.addi %select_n3A, %add3A_3556 : i32
      %get3A_3558 = arith.index_cast %add3A_3555 : i32 to index
      %get3A_3559 = arith.index_cast %add3A_3557 : i32 to index
      %get3A_3560 = arith.constant 257 : index
      %get3A_3561 = tpu.vector_load %arg5[%get3A_3558, %get3A_3559, %get3A_3560] {strides = array<i32>} : memref<4x10x288xf32, #tpu.memory_space<vmem>>, vector<1x1x16xf32>,
      %get3A_3562 = vector.shape_cast %get3A_3561 : vector<1x1x16xf32> to vector<16xf32>
      %sub3A_3563 = arith.subf %get3A_3511, %get3A_3516 : vector<16xf32>
      %abs3A_3564 = math.absf %sub3A_3563 : vector<16xf32>
      %sub3A_3565 = arith.subf %get3A_3523, %get3A_3530 : vector<16xf32>
      %abs3A_3566 = math.absf %sub3A_3565 : vector<16xf32>
      %add3A_3567 = arith.addf %abs3A_3564, %abs3A_3566 : vector<16xf32>
      %sub3A_3568 = arith.subf %get3A_3537, %get3A_3544 : vector<16xf32>
      %abs3A_3569 = math.absf %sub3A_3568 : vector<16xf32>
      %add3A_3570 = arith.addf %add3A_3567, %abs3A_3569 : vector<16xf32>
      %sub3A_3571 = arith.subf %get3A_3553, %get3A_3562 : vector<16xf32>
      %abs3A_3572 = math.absf %sub3A_3571 : vector<16xf32>
      %add3A_3573 = arith.addf %add3A_3570, %abs3A_3572 : vector<16xf32>
      %sub3A_3574 = arith.subf %get3A_3511, %get3A_3523 : vector<16xf32>
      %abs3A_3575 = math.absf %sub3A_3574 : vector<16xf32>
      %add3A_3576 = arith.addf %add3A_3573, %abs3A_3575 : vector<16xf32>
      %sub3A_3577 = arith.subf %get3A_3516, %get3A_3530 : vector<16xf32>
      %abs3A_3578 = math.absf %sub3A_3577 : vector<16xf32>
      %add3A_3579 = arith.addf %add3A_3576, %abs3A_3578 : vector<16xf32>
      %sub3A_3580 = arith.subf %get3A_3537, %get3A_3553 : vector<16xf32>
      %abs3A_3581 = math.absf %sub3A_3580 : vector<16xf32>
      %add3A_3582 = arith.addf %add3A_3579, %abs3A_3581 : vector<16xf32>
      %sub3A_3583 = arith.subf %get3A_3544, %get3A_3562 : vector<16xf32>
      %abs3A_3584 = math.absf %sub3A_3583 : vector<16xf32>
      %add3A_3585 = arith.addf %add3A_3582, %abs3A_3584 : vector<16xf32>
      %sub3A_3586 = arith.subf %get3A_3511, %get3A_3537 : vector<16xf32>
      %abs3A_3587 = math.absf %sub3A_3586 : vector<16xf32>
      %add3A_3588 = arith.addf %add3A_3585, %abs3A_3587 : vector<16xf32>
      %sub3A_3589 = arith.subf %get3A_3516, %get3A_3544 : vector<16xf32>
      %abs3A_3590 = math.absf %sub3A_3589 : vector<16xf32>
      %add3A_3591 = arith.addf %add3A_3588, %abs3A_3590 : vector<16xf32>
      %sub3A_3592 = arith.subf %get3A_3523, %get3A_3553 : vector<16xf32>
      %abs3A_3593 = math.absf %sub3A_3592 : vector<16xf32>
      %add3A_3594 = arith.addf %add3A_3591, %abs3A_3593 : vector<16xf32>
      %sub3A_3595 = arith.subf %get3A_3530, %get3A_3562 : vector<16xf32>
      %abs3A_3596 = math.absf %sub3A_3595 : vector<16xf32>
      %add3A_3597 = arith.addf %add3A_3594, %abs3A_3596 : vector<16xf32>
      %get3A_3598 = arith.index_cast %select_n3A_318 : i32 to index
      %get3A_3599 = arith.index_cast %select_n3A : i32 to index
      %get3A_3600 = arith.constant 256 : index
      %get3A_3601 = tpu.vector_load %arg6[%get3A_3598, %get3A_3599, %get3A_3600] {strides = array<i32>} : memref<4x10x288xf32, #tpu.memory_space<vmem>>, vector<1x1x16xf32>,
      %get3A_3602 = vector.shape_cast %get3A_3601 : vector<1x1x16xf32> to vector<16xf32>
      %get3A_3603 = arith.index_cast %select_n3A_318 : i32 to index
      %get3A_3604 = arith.index_cast %select_n3A : i32 to index
      %get3A_3605 = arith.constant 257 : index
      %get3A_3606 = tpu.vector_load %arg6[%get3A_3603, %get3A_3604, %get3A_3605] {strides = array<i32>} : memref<4x10x288xf32, #tpu.memory_space<vmem>>, vector<1x1x16xf32>,
      %get3A_3607 = vector.shape_cast %get3A_3606 : vector<1x1x16xf32> to vector<16xf32>
      %add3A_3608 = arith.constant 1 : i32
      %add3A_3609 = arith.addi %select_n3A, %add3A_3608 : i32
      %get3A_3610 = arith.index_cast %select_n3A_318 : i32 to index
      %get3A_3611 = arith.index_cast %add3A_3609 : i32 to index
      %get3A_3612 = arith.constant 256 : index
      %get3A_3613 = tpu.vector_load %arg6[%get3A_3610, %get3A_3611, %get3A_3612] {strides = array<i32>} : memref<4x10x288xf32, #tpu.memory_space<vmem>>, vector<1x1x16xf32>,
      %get3A_3614 = vector.shape_cast %get3A_3613 : vector<1x1x16xf32> to vector<16xf32>
      %add3A_3615 = arith.constant 1 : i32
      %add3A_3616 = arith.addi %select_n3A, %add3A_3615 : i32
      %get3A_3617 = arith.index_cast %select_n3A_318 : i32 to index
      %get3A_3618 = arith.index_cast %add3A_3616 : i32 to index
      %get3A_3619 = arith.constant 257 : index
      %get3A_3620 = tpu.vector_load %arg6[%get3A_3617, %get3A_3618, %get3A_3619] {strides = array<i32>} : memref<4x10x288xf32, #tpu.memory_space<vmem>>, vector<1x1x16xf32>,
      %get3A_3621 = vector.shape_cast %get3A_3620 : vector<1x1x16xf32> to vector<16xf32>
      %add3A_3622 = arith.constant 1 : i32
      %add3A_3623 = arith.addi %select_n3A_318, %add3A_3622 : i32
      %get3A_3624 = arith.index_cast %add3A_3623 : i32 to index
      %get3A_3625 = arith.index_cast %select_n3A : i32 to index
      %get3A_3626 = arith.constant 256 : index
      %get3A_3627 = tpu.vector_load %arg6[%get3A_3624, %get3A_3625, %get3A_3626] {strides = array<i32>} : memref<4x10x288xf32, #tpu.memory_space<vmem>>, vector<1x1x16xf32>,
      %get3A_3628 = vector.shape_cast %get3A_3627 : vector<1x1x16xf32> to vector<16xf32>
      %add3A_3629 = arith.constant 1 : i32
      %add3A_3630 = arith.addi %select_n3A_318, %add3A_3629 : i32
      %get3A_3631 = arith.index_cast %add3A_3630 : i32 to index
      %get3A_3632 = arith.index_cast %select_n3A : i32 to index
      %get3A_3633 = arith.constant 257 : index
      %get3A_3634 = tpu.vector_load %arg6[%get3A_3631, %get3A_3632, %get3A_3633] {strides = array<i32>} : memref<4x10x288xf32, #tpu.memory_space<vmem>>, vector<1x1x16xf32>,
      %get3A_3635 = vector.shape_cast %get3A_3634 : vector<1x1x16xf32> to vector<16xf32>
      %add3A_3636 = arith.constant 1 : i32
      %add3A_3637 = arith.addi %select_n3A_318, %add3A_3636 : i32
      %add3A_3638 = arith.constant 1 : i32
      %add3A_3639 = arith.addi %select_n3A, %add3A_3638 : i32
      %get3A_3640 = arith.index_cast %add3A_3637 : i32 to index
      %get3A_3641 = arith.index_cast %add3A_3639 : i32 to index
      %get3A_3642 = arith.constant 256 : index
      %get3A_3643 = tpu.vector_load %arg6[%get3A_3640, %get3A_3641, %get3A_3642] {strides = array<i32>} : memref<4x10x288xf32, #tpu.memory_space<vmem>>, vector<1x1x16xf32>,
      %get3A_3644 = vector.shape_cast %get3A_3643 : vector<1x1x16xf32> to vector<16xf32>
      %add3A_3645 = arith.constant 1 : i32
      %add3A_3646 = arith.addi %select_n3A_318, %add3A_3645 : i32
      %add3A_3647 = arith.constant 1 : i32
      %add3A_3648 = arith.addi %select_n3A, %add3A_3647 : i32
      %get3A_3649 = arith.index_cast %add3A_3646 : i32 to index
      %get3A_3650 = arith.index_cast %add3A_3648 : i32 to index
      %get3A_3651 = arith.constant 257 : index
      %get3A_3652 = tpu.vector_load %arg6[%get3A_3649, %get3A_3650, %get3A_3651] {strides = array<i32>} : memref<4x10x288xf32, #tpu.memory_space<vmem>>, vector<1x1x16xf32>,
      %get3A_3653 = vector.shape_cast %get3A_3652 : vector<1x1x16xf32> to vector<16xf32>
      %sub3A_3654 = arith.subf %get3A_3602, %get3A_3607 : vector<16xf32>
      %abs3A_3655 = math.absf %sub3A_3654 : vector<16xf32>
      %sub3A_3656 = arith.subf %get3A_3614, %get3A_3621 : vector<16xf32>
      %abs3A_3657 = math.absf %sub3A_3656 : vector<16xf32>
      %add3A_3658 = arith.addf %abs3A_3655, %abs3A_3657 : vector<16xf32>
      %sub3A_3659 = arith.subf %get3A_3628, %get3A_3635 : vector<16xf32>
      %abs3A_3660 = math.absf %sub3A_3659 : vector<16xf32>
      %add3A_3661 = arith.addf %add3A_3658, %abs3A_3660 : vector<16xf32>
      %sub3A_3662 = arith.subf %get3A_3644, %get3A_3653 : vector<16xf32>
      %abs3A_3663 = math.absf %sub3A_3662 : vector<16xf32>
      %add3A_3664 = arith.addf %add3A_3661, %abs3A_3663 : vector<16xf32>
      %sub3A_3665 = arith.subf %get3A_3602, %get3A_3614 : vector<16xf32>
      %abs3A_3666 = math.absf %sub3A_3665 : vector<16xf32>
      %add3A_3667 = arith.addf %add3A_3664, %abs3A_3666 : vector<16xf32>
      %sub3A_3668 = arith.subf %get3A_3607, %get3A_3621 : vector<16xf32>
      %abs3A_3669 = math.absf %sub3A_3668 : vector<16xf32>
      %add3A_3670 = arith.addf %add3A_3667, %abs3A_3669 : vector<16xf32>
      %sub3A_3671 = arith.subf %get3A_3628, %get3A_3644 : vector<16xf32>
      %abs3A_3672 = math.absf %sub3A_3671 : vector<16xf32>
      %add3A_3673 = arith.addf %add3A_3670, %abs3A_3672 : vector<16xf32>
      %sub3A_3674 = arith.subf %get3A_3635, %get3A_3653 : vector<16xf32>
      %abs3A_3675 = math.absf %sub3A_3674 : vector<16xf32>
      %add3A_3676 = arith.addf %add3A_3673, %abs3A_3675 : vector<16xf32>
      %sub3A_3677 = arith.subf %get3A_3602, %get3A_3628 : vector<16xf32>
      %abs3A_3678 = math.absf %sub3A_3677 : vector<16xf32>
      %add3A_3679 = arith.addf %add3A_3676, %abs3A_3678 : vector<16xf32>
      %sub3A_3680 = arith.subf %get3A_3607, %get3A_3635 : vector<16xf32>
      %abs3A_3681 = math.absf %sub3A_3680 : vector<16xf32>
      %add3A_3682 = arith.addf %add3A_3679, %abs3A_3681 : vector<16xf32>
      %sub3A_3683 = arith.subf %get3A_3614, %get3A_3644 : vector<16xf32>
      %abs3A_3684 = math.absf %sub3A_3683 : vector<16xf32>
      %add3A_3685 = arith.addf %add3A_3682, %abs3A_3684 : vector<16xf32>
      %sub3A_3686 = arith.subf %get3A_3621, %get3A_3653 : vector<16xf32>
      %abs3A_3687 = math.absf %sub3A_3686 : vector<16xf32>
      %add3A_3688 = arith.addf %add3A_3685, %abs3A_3687 : vector<16xf32>
      %add3A_3689 = arith.addf %add3A_3597, %add3A_3688 : vector<16xf32>
      %gt3A_3690 = arith.constant 0.000000e+00 : f32
      %gt3A_3691 = vector.broadcast %gt3A_3690 : f32 to vector<16xf32>
      %gt3A_3692 = arith.cmpf ogt, %add3A_3597, %gt3A_3691 : vector<16xf32>
      %gt3A_3693 = arith.constant 0.000000e+00 : f32
      %gt3A_3694 = vector.broadcast %gt3A_3693 : f32 to vector<16xf32>
      %gt3A_3695 = arith.cmpf ogt, %add3A_3688, %gt3A_3694 : vector<16xf32>
      %and3A_3696 = arith.andi %gt3A_3692, %gt3A_3695 : vector<16xi1>
      %jit3A_3697 = arith.constant 0.000000e+00 : f32
      %broadcast_in_dim3A_3698 = vector.broadcast %jit3A_3697 : f32 to vector<16xf32>
      %select_n3A_3699 = arith.select %and3A_3696, %add3A_3689, %broadcast_in_dim3A_3698 : vector<16xi1>, vector<16xf32>
      %mul3A_3700 = vector.broadcast %select_n3A_325 : f32 to vector<16xf32>
      %mul3A_3701 = arith.mulf %mul3A_3700, %select_n3A_3699 : vector<16xf32>
      %add3A_3702 = arith.addf %add3A_3503, %mul3A_3701 : vector<16xf32>
      %mul3A_3703 = vector.broadcast %select_n3A_325 : f32 to vector<16xf32>
      %mul3A_3704 = arith.mulf %mul3A_3703, %add3A_3689 : vector<16xf32>
      %add3A_3705 = arith.addf %add3A_3506, %mul3A_3704 : vector<16xf32>
      scf.yield %add3A_3702, %add3A_3705 : vector<16xf32>, vector<16xf32>
    }
    %scan3A_268 = arith.constant 27 : i32
    %mul3A_269 = arith.constant 0.216506347 : f32
    %mul3A_270 = vector.broadcast %mul3A_269 : f32 to vector<16xf32>
    %mul3A_271 = arith.mulf %scan3A_267#0, %mul3A_270 : vector<16xf32>
    %swap3A = arith.constant 0 : i32
    %swap3A_272 = arith.index_cast %swap3A : i32 to index
    %swap3A_273 = arith.constant 0 : index
    %swap3A_274 = tpu.vector_load %arg7[%swap3A_272, %swap3A_273] {strides = array<i32>} : memref<2x16xf32, #tpu.memory_space<vmem>>, vector<1x16xf32>,
    %swap3A_275 = vector.shape_cast %swap3A_274 : vector<1x16xf32> to vector<16xf32>
    %swap3A_276 = vector.shape_cast %mul3A_271 : vector<16xf32> to vector<1x16xf32>
    tpu.vector_store %arg7[%swap3A_272, %swap3A_273], %swap3A_276 {strides = array<i32>} : memref<2x16xf32, #tpu.memory_space<vmem>>, vector<1x16xf32>,
    %mul3A_277 = arith.constant 0.216506347 : f32
    %mul3A_278 = vector.broadcast %mul3A_277 : f32 to vector<16xf32>
    %mul3A_279 = arith.mulf %scan3A_267#1, %mul3A_278 : vector<16xf32>
    %swap3A_280 = arith.constant 1 : i32
    %swap3A_281 = arith.index_cast %swap3A_280 : i32 to index
    %swap3A_282 = arith.constant 0 : index
    %swap3A_283 = tpu.vector_load %arg7[%swap3A_281, %swap3A_282] {strides = array<i32>} : memref<2x16xf32, #tpu.memory_space<vmem>>, vector<1x16xf32>,
    %swap3A_284 = vector.shape_cast %swap3A_283 : vector<1x16xf32> to vector<16xf32>
    %swap3A_285 = vector.shape_cast %mul3A_279 : vector<16xf32> to vector<1x16xf32>
    tpu.vector_store %arg7[%swap3A_281, %swap3A_282], %swap3A_285 {strides = array<i32>} : memref<2x16xf32, #tpu.memory_space<vmem>>, vector<1x16xf32>,
    "tpu.region"() ({
      %run_scoped3A = tpu.sem_alloc : memref<!tpu.dma_semaphore, #tpu.memory_space<semaphore_mem>>
      %dma_start3A_286 = arith.constant 0 : i32
      %dma_start3A_287 = arith.constant 0 : i32
      %dma_start3A_288 = tpu.memref_slice %arg4[%add3A, %dma_start3A_286, %dma_start3A_287] : memref<32x2x16xf32, #tpu.memory_space<hbm>> -> memref<1x2x16xf32, #tpu.memory_space<hbm>>
      %dma_start3A_289 = tpu.memref_squeeze %dma_start3A_288 : memref<1x2x16xf32, #tpu.memory_space<hbm>> -> memref<2x16xf32, #tpu.memory_space<hbm>>
      %dma_start3A_290 = arith.constant 0 : i32
      %dma_start3A_291 = arith.constant 0 : i32
      %dma_start3A_292 = tpu.memref_slice %arg4[%add3A, %dma_start3A_290, %dma_start3A_291] : memref<32x2x16xf32, #tpu.memory_space<hbm>> -> memref<1x2x16xf32, #tpu.memory_space<hbm>>
      %dma_start3A_293 = tpu.memref_squeeze %dma_start3A_292 : memref<1x2x16xf32, #tpu.memory_space<hbm>> -> memref<2x16xf32, #tpu.memory_space<hbm>>
      tpu.enqueue_dma source(%arg7 : memref<2x16xf32, #tpu.memory_space<vmem>>) target(%dma_start3A_293 : memref<2x16xf32, #tpu.memory_space<hbm>>) target_semaphore(%run_scoped3A : memref<!tpu.dma_semaphore, #tpu.memory_space<semaphore_mem>>)
      %dma_wait3A_294 = arith.constant 0 : i32
      %dma_wait3A_295 = arith.constant 0 : i32
      %dma_wait3A_296 = tpu.memref_slice %arg4[%add3A, %dma_wait3A_294, %dma_wait3A_295] : memref<32x2x16xf32, #tpu.memory_space<hbm>> -> memref<1x2x16xf32, #tpu.memory_space<hbm>>
      %dma_wait3A_297 = tpu.memref_squeeze %dma_wait3A_296 : memref<1x2x16xf32, #tpu.memory_space<hbm>> -> memref<2x16xf32, #tpu.memory_space<hbm>>
      %dma_wait3A_298 = arith.constant 0 : i32
      %dma_wait3A_299 = arith.constant 0 : i32
      %dma_wait3A_300 = tpu.memref_slice %arg4[%add3A, %dma_wait3A_298, %dma_wait3A_299] : memref<32x2x16xf32, #tpu.memory_space<hbm>> -> memref<1x2x16xf32, #tpu.memory_space<hbm>>
      %dma_wait3A_301 = tpu.memref_squeeze %dma_wait3A_300 : memref<1x2x16xf32, #tpu.memory_space<hbm>> -> memref<2x16xf32, #tpu.memory_space<hbm>>
      tpu.wait_dma2 semaphore(%run_scoped3A : memref<!tpu.dma_semaphore, #tpu.memory_space<semaphore_mem>>) src(%arg7 : memref<2x16xf32, #tpu.memory_space<vmem>>) dst(%dma_wait3A_301 : memref<2x16xf32, #tpu.memory_space<hbm>>)
      tpu.yield
    }) : () -> ()
    return
  }
}

module attributes {stable_mosaic.version = 14 : i64} {
  func.func @_combine_body(%arg0: memref<32x2x16xf32, #tpu.memory_space<vmem>>, %arg1: memref<1x1xf32, #tpu.memory_space<vmem>>) attributes {dimension_semantics = [], scalar_prefetch = 0 : i64, scratch_operands = 0 : i64, tpu.core_type = #tpu.core_type<tc>} {
    %get3A = arith.constant 0 : index
    %get3A_0 = arith.constant 0 : index
    %get3A_1 = arith.constant 0 : index
    %get3A_2 = vector.load %arg0[%get3A, %get3A_0, %get3A_1] : memref<32x2x16xf32, #tpu.memory_space<vmem>>, vector<32x2x16xf32>
    %slice3A = vector.extract_strided_slice %get3A_2 {offsets = [0, 0, 0], sizes = [32, 1, 16], strides = [1, 1, 1]} : vector<32x2x16xf32> to vector<32x1x16xf32>
    %squeeze3A = vector.shape_cast %slice3A : vector<32x1x16xf32> to vector<32x16xf32>
    %reduce_sum3A = vector.shape_cast %squeeze3A : vector<32x16xf32> to vector<1x32x16xf32>
    %reduce_sum3A_3 = arith.constant dense<0.000000e+00> : vector<1xf32>
    %reduce_sum3A_4 = vector.multi_reduction <add>, %reduce_sum3A, %reduce_sum3A_3 [1, 2] : vector<1x32x16xf32> to vector<1xf32>
    %reduce_sum3A_5 = vector.shape_cast %reduce_sum3A_4 : vector<1xf32> to vector<1x1x1xf32>
    %reduce_sum3A_6 = vector.extract %reduce_sum3A_5[0, 0, 0] : f32 from vector<1x1x1xf32>
    %slice3A_7 = vector.extract_strided_slice %get3A_2 {offsets = [0, 1, 0], sizes = [32, 1, 16], strides = [1, 1, 1]} : vector<32x2x16xf32> to vector<32x1x16xf32>
    %squeeze3A_8 = vector.shape_cast %slice3A_7 : vector<32x1x16xf32> to vector<32x16xf32>
    %reduce_sum3A_9 = vector.shape_cast %squeeze3A_8 : vector<32x16xf32> to vector<1x32x16xf32>
    %reduce_sum3A_10 = arith.constant dense<0.000000e+00> : vector<1xf32>
    %reduce_sum3A_11 = vector.multi_reduction <add>, %reduce_sum3A_9, %reduce_sum3A_10 [1, 2] : vector<1x32x16xf32> to vector<1xf32>
    %reduce_sum3A_12 = vector.shape_cast %reduce_sum3A_11 : vector<1xf32> to vector<1x1x1xf32>
    %reduce_sum3A_13 = vector.extract %reduce_sum3A_12[0, 0, 0] : f32 from vector<1x1x1xf32>
    %add3A = arith.constant 1.000000e-03 : f32
    %add3A_14 = arith.addf %reduce_sum3A_6, %add3A : f32
    %add3A_15 = arith.constant 1.000000e-03 : f32
    %add3A_16 = arith.addf %reduce_sum3A_13, %add3A_15 : f32
    %div3A = arith.divf %add3A_14, %add3A_16 : f32
    %sub3A = arith.constant 1.000000e+00 : f32
    %sub3A_17 = arith.subf %sub3A, %div3A : f32
    %broadcast_in_dim3A = vector.broadcast %sub3A_17 : f32 to vector<1x1xf32>
    %swap3A = arith.constant 0 : index
    %swap3A_18 = arith.constant 0 : index
    %swap3A_19 = vector.load %arg1[%swap3A, %swap3A_18] : memref<1x1xf32, #tpu.memory_space<vmem>>, vector<1x1xf32>
    tpu.vector_store %arg1[%swap3A, %swap3A_18], %broadcast_in_dim3A {strides = array<i32>} : memref<1x1xf32, #tpu.memory_space<vmem>>, vector<1x1xf32>,
    return
  }
}

</mosaic_0001>

<sc_bundles>
// kernel: kernel.4.cloned.1.call-start
scs
__scs_entry_jumppad:
0x0: {  	(pc) =	sbr.rel $0x88, $3  }
0x1: {  	(tag) =	ssettag $0x0;
	lr =	simm.s32 $0x1  }
0x2: {  	[smem:$0x3F9F] =	sst lr;
	_ =	strace $0xD0000000  }
0x3: {  	_ = 	snop  }
0x4: {  	_ = 	snop  }
0x5: {  	_ = 	snop  }
0x6: {  	_ = 	snop  }
0x7: {  	_ = 	snop  }
__scs_overlays_trampoline_lowered:
0x8: {  	[smem:$0x3FAE] =	sst s0  }
0x9: {  	[smem:$0x3FAF] =	sst s1  }
0xa: {  	[smem:$0x3FB0] =	sst s2  }
0xb: {  	[smem:$0x3FB1] =	sst s3  }
0xc: {  	[smem:$0x3FB2] =	sst s4  }
0xd: {  	[smem:$0x3FB3] =	sst s5  }
0xe: {  	[smem:$0x3FB4] =	sst s6  }
0xf: {  	[smem:$0x3FB5] =	sst s7  }
0x10: {  	[smem:$0x3FB6] =	sst s8  }
0x11: {  	[smem:$0x3FB7] =	sst s9;
	s0 =	simm.s32 @!p0 $0x0  }
0x12: {  	s1 =	sld [smem:$0x3F9D];
	s0 =	simm.s32 @p0 $0x1  }
0x13: {  	[smem:$0x3FB8] =	sst s0;
	s0 =	simm.s32 @!p1 $0x0  }
0x14: {  	s2 =	sld [smem:$0x3F9C];
	s0 =	simm.s32 @p1 $0x1  }
0x15: {  	[smem:$0x3FB9] =	sst s0;
	s0 =	simm.s32 @!p2 $0x0  }
0x16: {  	s3 =	sld [smem:$0x3FDB];
	s0 =	simm.s32 @p2 $0x1  }
0x17: {  	s4 =	simm.s32 $0x1BF5;
	[smem:$0x3FBB] =	sst s0  }
0x18: {  	s0 =	sld [smem:$0x3F9E];
	_ =	swait.ge [sflag:s4], $0x0  }
0x19: {  	s7 =	sld [smem:$0x3F9F]  }
0x1a: {  	s8 =	sadd.s32 $0xFFFFE003, lr  }
0x1b: {  	s9 =	sadd.s32 $0xFFFFFEF7, lr;
	s5 =	simm.s32 $0xFFFFFFFF;
	p2 =	slt.u32 s8, $0xFFFFF086  }
0x1c: {  	p1 =	slt.u32 s9, $0xF7A;
	s5 =	simm.s32 @!p2 $0x0  }
0x1d: {  	s5 =	simm.s32 @p1 $0x1;
	p0 =	seq.s32 s7, s2  }
0x1e: {  	s7 =	smul.u32 @!p0 $0xF7A, s2;
	p2 =	seq.s32 @!p0 s5, $0x0  }
0x1f: {  	s9 =	smul.u32 $0xF7A, s1;
	s8 =	simm.s32 @!p0 $0x1BF5;
	p2 =	por !p2, p0  }
0x20: {  	[sflag:s8] =	ssyncset.s32 @!p0 $0xFFFFF086;
	s6 =	sadd.s32 @!p0 s3, s7;
	s7 =	simm.s32 @!p0 $0x108  }
0x21: {  	s3 =	sadd.s32 s3, s9;
	s6 =	sadd.s32 @!p0 $0x88, s6;
	s7 =	simm.s32 @p2 $0x1082  }
0x22: {  	[simem:s7], [sflag:s8] =	dma.local @!p0 [hbm:s6], $0xF7A  }
0x23: {  	s9 =	sor.u32 $0xD0000000, s2;
	s6 =	simm.s32 $0x108;
	_ =	swait.ge @!p0 [sflag:s8], $0x0  }
0x24: {  	s3 =	sadd.s32 $0x88, s3;
	s6 =	simm.s32 @!p1 $0x1082;
	[sflag:s4] =	ssyncset.s32 $0xFFFFF086  }
0x25: {  	[simem:s6], [sflag:s4] =	dma.local [hbm:s3], $0xF7A  }
0x26: {  	[smem:$0x3F9F] =	sst s1;
	(tag) =	ssettag s2;
	_ =	strace s9  }
0x27: {  	s1 =	sld [smem:$0x3FAF]  }
0x28: {  	s2 =	sld [smem:$0x3FB0]  }
0x29: {  	s4 =	sld [smem:$0x3FB2]  }
0x2a: {  	p0 =	seq.s32 s5, $0x0;
	s5 =	sld [smem:$0x3FB3]  }
0x2b: {  	s6 =	sld [smem:$0x3FB4]  }
0x2c: {  	s7 =	sld [smem:$0x3FB5]  }
0x2d: {  	s3 =	simm.s32 $0x108;
	s8 =	sld [smem:$0x3FB6]  }
0x2e: {  	s3 =	simm.s32 @!p0 $0x1082;
	s9 =	sld [smem:$0x3FB7]  }
0x2f: {  	lr =	sadd.s32 s0, s3;
	s0 =	sld [smem:$0x3FAE]  }
0x30: {  	s3 =	sld [smem:$0x3FB1]  }
0x31: {  	[smem:$0x3FBA] =	sst s10  }
0x32: {  	s10 =	sld [smem:$0x3FB8];
	_ =	sdelay $0x3  }
0x33: {  	p0 =	seq.s32 s10, $0x1;
	s10 =	sld [smem:$0x3FBA];
	_ =	sdelay $0x3  }
0x34: {  	[smem:$0x3FBA] =	sst s10  }
0x35: {  	s10 =	sld [smem:$0x3FB9];
	_ =	sdelay $0x3  }
0x36: {  	p1 =	seq.s32 s10, $0x1;
	s10 =	sld [smem:$0x3FBA];
	_ =	sdelay $0x3  }
0x37: {  	[smem:$0x3FBA] =	sst s10  }
0x38: {  	s10 =	sld [smem:$0x3FBB]  }
0x39: {  	_ = 	snop;
	(pc) =	sbr.ind lr, $3  }
0x3a: {  	_ = 	snop  }
0x3b: {  	_ = 	snop  }
0x3c: {  	p2 =	seq.s32 s10, $0x1;
	s10 =	sld [smem:$0x3FBA]  }
0x3d: {  	_ =	shalt  }
0x3e: {  	_ =	shalt  }
0x3f: {  	_ =	shalt  }
0x40: {  	_ =	shalt  }
0x41: {  	_ =	shalt  }
0x42: {  	_ =	shalt  }
0x43: {  	_ =	shalt  }
0x44: {  	_ =	shalt  }
0x45: {  	_ =	shalt  }
0x46: {  	_ =	shalt  }
0x47: {  	_ =	shalt  }
0x48: {  	_ =	shalt  }
0x49: {  	_ =	shalt  }
0x4a: {  	_ =	shalt  }
0x4b: {  	_ =	shalt  }
0x4c: {  	_ =	shalt  }
0x4d: {  	_ =	shalt  }
0x4e: {  	_ =	shalt  }
0x4f: {  	_ =	shalt  }
0x50: {  	_ =	shalt  }
0x51: {  	_ =	shalt  }
0x52: {  	_ =	shalt  }
0x53: {  	_ =	shalt  }
0x54: {  	_ =	shalt  }
0x55: {  	_ =	shalt  }
0x56: {  	_ =	shalt  }
0x57: {  	_ =	shalt  }
0x58: {  	_ =	shalt  }
0x59: {  	_ =	shalt  }
0x5a: {  	_ =	shalt  }
0x5b: {  	_ =	shalt  }
0x5c: {  	_ =	shalt  }
0x5d: {  	_ =	shalt  }
0x5e: {  	_ =	shalt  }
0x5f: {  	_ =	shalt  }
0x60: {  	_ =	shalt  }
0x61: {  	_ =	shalt  }
0x62: {  	_ =	shalt  }
0x63: {  	_ =	shalt  }
0x64: {  	_ =	shalt  }
0x65: {  	_ =	shalt  }
0x66: {  	_ =	shalt  }
0x67: {  	_ =	shalt  }
0x68: {  	_ =	shalt  }
0x69: {  	_ =	shalt  }
0x6a: {  	_ =	shalt  }
0x6b: {  	_ =	shalt  }
0x6c: {  	_ =	shalt  }
0x6d: {  	_ =	shalt  }
0x6e: {  	_ =	shalt  }
0x6f: {  	_ =	shalt  }
0x70: {  	_ =	shalt  }
0x71: {  	_ =	shalt  }
0x72: {  	_ =	shalt  }
0x73: {  	_ =	shalt  }
0x74: {  	_ =	shalt  }
0x75: {  	_ =	shalt  }
0x76: {  	_ =	shalt  }
0x77: {  	_ =	shalt  }
0x78: {  	_ =	shalt  }
0x79: {  	_ =	shalt  }
0x7a: {  	_ =	shalt  }
0x7b: {  	_ =	shalt  }
0x7c: {  	_ =	shalt  }
0x7d: {  	_ =	shalt  }
0x7e: {  	_ =	shalt  }
0x7f: {  	_ =	shalt  }
0x80: {  	_ =	shalt  }
0x81: {  	_ =	shalt  }
0x82: {  	_ =	shalt  }
0x83: {  	_ =	shalt  }
0x84: {  	_ =	shalt  }
0x85: {  	_ =	shalt  }
0x86: {  	_ =	shalt  }
0x87: {  	_ =	shalt  }
.Lfunc_end0:
.L_simem_size_0:
called_computation_lowered:
.L_overlay_start_0:
0x88: {  	s2 =	sld [smem:$0x3FD9]  }
0x89: {  	s3 =	sld [smem:$0x3FFE];
	_ =	sdelay $0x1  }
0x8a: {  	s1 =	srdreg.scid  }
0x8b: {  	s0 =	sand.u32 $0x1, s1  }
0x8c: {  	s16 =	sshll.u32 s0, $0xA;
	s2 =	sadd.s32 s3, s2  }
0x8d: {  	s2 =	sadd.s32 s2, s16  }
0x8e: {  	[smem:$0x3FC6] =	sst s2  }
0x8f: {  	_ = 	snop  }
0x90: {  	(tm) =	ssettm $0x1  }
0x91: {  	s17 =	sld [smem:$0x3FFB];
	_ =	sdelay $0x3  }
0x92: {  	_ =	strace s17  }
0x93: {  	s2 =	sld [smem:$0x3FFC];
	_ =	sdelay $0x3  }
0x94: {  	_ =	strace s2  }
0x95: {  	s2 =	sld [smem:$0x3FFD];
	_ =	sdelay $0x3  }
0x96: {  	_ =	strace s2  }
0x97: {  	_ =	strace $0x8FFFFFFF  }
0x98: {  	s18 =	sld [smem:$0x3FDB];
	_ =	sdelay $0x1  }
0x99: {  	s19 =	simm.s32 $_scs_section_size  }
0x9a: {  	s4 =	simm.s32 $_size__tile_overlayer_lowered;
	s5 =	simm.s32 $_tile_overlayer_lowered  }
0x9b: {  	s22 =	simm.s32 $0x1BFF;
	s21 =	sshll.u32 s5, $0x1;
	s2 =	sadd.s32 s19, s18  }
0x9c: {  	s6 =	simm.s32 $0x0;
	s20 =	sshll.u32 s4, $0x1;
	s4 =	sadd.s32 s21, s2  }
0x9d: {  	[timem:s6], [sflag:s22] =	dma.local [hbm:s4], s20  }
0x9e: {  	_ =	swait.ge [sflag:s22], s20  }
0x9f: {  	s3 =	ssub.s32 $0x0, s20;
	[sflag:s22] =	ssyncset.done $0x0  }
0xa0: {  	[sflag:s22] =	ssyncadd.s32 s3;
	_ =	sdelay $0x1  }
0xa1: {  	s23 =	simm.s32 $0x1B8B  }
0xa2: {  	_ =	swait.ge [sflag:s23], $0x1  }
0xa3: {  	[sflag:s23] =	ssyncset.done $0x0  }
0xa4: {  	s25 =	simm.s32 $0x1B8E;
	s24 =	sld [smem:$0x3FFE];
	[sflag:s23] =	ssyncadd.s32 $0xFFFFFFFF  }
0xa5: {  	s26 =	simm.s32 $execute0_lowered;
	[smem:$0x3FD2] =	sst s25  }
0xa6: {  	s4 =	sshll.u32 s26, $0x1;
	_ =	strace $0x80000046;
	[dreg:$0x1] =	wrdreg $0xFFFFFFFF  }
0xa7: {  	s28 =	simm.s32 $_size_execute0_lowered;
	s2 =	sadd.s32 s2, s4;
	[dreg:$0x0] =	wrdreg $0x0  }
0xa8: {  	s4 =	sshll.u32 s28, $0x1;
	[dreg:$0x2] =	wrdreg s2  }
0xa9: {  	[dreg:$0x3] =	wrdreg s4  }
0xaa: {  	[dreg:$0x4] =	wrdreg $0xC0  }
0xab: {  	_ =	task [dreg:s6], $0x5FFFF  }
0xac: {  	[dreg:$0x1] =	wrdreg $0xFFFFFFFF  }
0xad: {  	[dreg:$0x0] =	wrdreg $0x60  }
0xae: {  	[dreg:$0x2] =	wrdreg s24  }
0xaf: {  	[dreg:$0x3] =	wrdreg $0x9  }
0xb0: {  	_ =	task.clear_ibuf [dreg:s6], $0x4FFFF;
	_ =	strace $0x90000046  }
0xb1: {  	s29 =	simm.s32 $0x9;
	_ =	strace $0x80000048  }
0xb2: {  	_ =	swait.ge [sflag:s29], $0x1  }
0xb3: {  	[sflag:s29] =	ssyncadd.s32 $0xFFFFFFFF  }
0xb4: {  	_ =	strace $0x90000048  }
0xb5: {  	_ =	sfence  }
0xb6: {  	s30 =	sld [smem:$0x0];
	_ =	sdelay $0x2  }
0xb7: {  	s31 =	sshll.u32 s1, $0xD;
	s1 =	sshrl.u32 s1, $0x2  }
0xb8: {  	s3 =	sand.u32 $0x4000, s31;
	s1 =	sadd.s32 s1, s30  }
0xb9: {  	s0 =	sor.u32 s3, s0;
	s1 =	sshll.u32 s1, $0x11  }
0xba: {  	s0 =	sor.u32 s1, s0  }
0xbb: {  	s0 =	sadd.s32 $0x8F2B, s0  }
0xbc: {  	[sflag:s0] =	ssyncadd.remote.s32 $0x1  }
0xbd: {  	_ =	sfence.sel $0xFFFF  }
0xbe: {  	[dreg:$0x0] =	wrdreg $0xFFFFFFFF;
	(pc) =	sbr.abs _section_cstart, $3  }
0xbf: {  	[dreg:$0x1] =	wrdreg $0xFFFFFFFF  }
0xc0: {  	_ =	task.clear_ibuf [dreg:s6], $0x2FFFF;
	_ =	strace $0x9FFFFFFF  }
0xc1: {  	(tm) =	ssettm $0x7FFFFFFF  }
tec
execute0_lowered:
.L_overlay_start_1:
0x0: {  	(tag) =	ssettag $0x1  }
0x1: {  	s3 =	rddreg [dreg:$0x0];
	s4 =	srdreg.scid  }
0x2: {  	s1 =	stileid.u32;
	s2 =	simm.s32 $0x0;
	s14 =	simm.s32 $0x1680  }
0x3: {  	s15 =	simm.s32 $0x21C0;
	s16 =	simm.s32 $0x2D00;
	s17 =	simm.s32 $0x3840  }
0x4: {  	s18 =	simm.s32 $0x4380;
	s19 =	simm.s32 $0x4EC0;
	s20 =	simm.s32 $0x1  }
0x5: {  	s21 =	simm.s32 $0x2;
	s23 =	simm.s32 $0x3;
	s24 =	simm.s32 $0x0  }
0x6: {  	s4 =	sand.u32 $0x1, s4;
	s5 =	sshll.u32 s1, $0x1;
	[smem:$0x7FF] =	sst s2  }
0x7: {  	s6 =	sadd.s32 $0x9800, s3;
	s10 =	sadd.s32 $0x600, s3;
	s22 =	sor.u32 s4, s5  }
0x8: {  	_ =	strace $0x80000047;
	s4 =	ssub.s32 $0x2, s4;
	s5 =	smul.u32 $0x900, s22  }
0x9: {  	s7 =	sshll.u32 s22, $0x2;
	s30 =	sshrl.u32 s4, $0x1;
	p0 =	seq.s32 s22, $0x1F  }
0xa: {  	s22 =	simm.s32 $0x5A00;
	s11 =	sadd.s32 s7, s3;
	s12 =	ssub.s32 s4, s30  }
0xb: {  	s31 =	sshrl.u32 s5, $0x3;
	s11 =	sadd.s32 $0x12A00, s11;
	s12 =	smax.u32 s12, $0x1  }
0xc: {  	s3 =	sadd.s32 s6, s31;
	s8 =	sadd.s32 $0x2448, s31;
	s9 =	sadd.s32 $0x4890, s31  }
0xd: {  	s13 =	sadd.s32 $0x6CD8, s31;
	s7 =	sadd.s32 s10, s31;
	s4 =	sadd.s32 s6, s8  }
0xe: {  	s5 =	sadd.s32 s6, s9;
	s6 =	sadd.s32 s6, s13;
	s8 =	sadd.s32 s10, s8  }
0xf: {  	s9 =	sadd.s32 s10, s9;
	s10 =	sadd.s32 s10, s13;
	s13 =	simm.s32 $0xB40  }
.LBB2_1:
0x10: {  	[tilespmem:s2], [sflag:$0x1] =	stream.linear.gather [hbm4b:s3+s2], $0xB40, $0x38;
	[tilespmem:$0x5A20] =	vst v63  }
0x11: {  	_ = 	snop  }
0x12: {  	[tilespmem:s13], [sflag:$0x1] =	stream.linear.gather [hbm4b:s4+s2], $0xB40, $0x38;
	[tilespmem:$0x5A20] =	vst v63  }
0x13: {  	_ = 	snop  }
0x14: {  	[tilespmem:s14], [sflag:$0x1] =	stream.linear.gather [hbm4b:s5+s2], $0xB40, $0x38;
	[tilespmem:$0x5A20] =	vst v63  }
0x15: {  	_ = 	snop  }
0x16: {  	[tilespmem:s15], [sflag:$0x1] =	stream.linear.gather [hbm4b:s6+s2], $0xB40, $0x38;
	[tilespmem:$0x5A20] =	vst v63  }
0x17: {  	_ = 	snop  }
0x18: {  	[tilespmem:s16], [sflag:$0x2] =	stream.linear.gather [hbm4b:s7+s2], $0xB40, $0x38;
	[tilespmem:$0x5A20] =	vst v63  }
0x19: {  	_ = 	snop  }
0x1a: {  	[tilespmem:s17], [sflag:$0x2] =	stream.linear.gather [hbm4b:s8+s2], $0xB40, $0x38;
	[tilespmem:$0x5A20] =	vst v63  }
0x1b: {  	_ = 	snop  }
0x1c: {  	[tilespmem:s18], [sflag:$0x2] =	stream.linear.gather [hbm4b:s9+s2], $0xB40, $0x38;
	[tilespmem:$0x5A20] =	vst v63  }
0x1d: {  	_ = 	snop  }
0x1e: {  	[tilespmem:s19], [sflag:$0x2] =	stream.linear.gather [hbm4b:s10+s2], $0xB40, $0x38;
	[tilespmem:$0x5A20] =	vst v63  }
0x1f: {  	s25 =	smul.u32 $0xCD, s2;
	_ =	swait.ge [sflag:s20], $0xB40  }
0x20: {  	[sflag:s20] =	ssyncset.done $0x0  }
0x21: {  	s25 =	sshrl.u32 s25, $0xB;
	[sflag:s20] =	ssyncadd.s32 $0xFFFFF4C0  }
0x22: {  	s25 =	sand.u32 $0x1F, s25;
	_ =	swait.ge [sflag:s20], $0xB40  }
0x23: {  	s26 =	smul.u32 $0xA, s25;
	[sflag:s20] =	ssyncset.done $0x0  }
0x24: {  	[sflag:s20] =	ssyncadd.s32 $0xFFFFF4C0  }
0x25: {  	s26 =	ssub.s32 $0x0, s26;
	_ =	swait.ge [sflag:s20], $0xB40  }
0x26: {  	s25 =	smul.u32 $0x2D00, s25;
	s26 =	sand.u32 $0xFF, s26;
	[sflag:s20] =	ssyncset.done $0x0  }
0x27: {  	s26 =	smul.u32 $0x480, s26;
	[sflag:s20] =	ssyncadd.s32 $0xFFFFF4C0  }
0x28: {  	_ =	swait.ge [sflag:s20], $0xB40  }
0x29: {  	s25 =	sshrl.u32 s25, $0x2;
	s26 =	sshrl.u32 s26, $0x2;
	[sflag:s20] =	ssyncset.done $0x0  }
0x2a: {  	s25 =	sadd.s32 s26, s25;
	[sflag:s20] =	ssyncadd.s32 $0xFFFFF4C0  }
0x2b: {  	v0 =	vld [tilespmem:s25+$0x50]  }
0x2c: {  	v1 =	vld [tilespmem:s25+$0x100]  }
0x2d: {  	v2 =	vld [tilespmem:s25+$0x110]  }
0x2e: {  	v3 =	vld [tilespmem:s25+$0xB0]  }
0x2f: {  	v4 =	vld [tilespmem:s25+$0x0]  }
0x30: {  	v5 =	vld [tilespmem:s25+$0x90];
	v0 =	vsub.f32 $0.0e+00, v0  }
0x31: {  	v6 =	vld [tilespmem:s25+$0x80];
	v1 =	vsub.f32 $0.0e+00, v1  }
0x32: {  	v7 =	vld [tilespmem:s25+$0xF0];
	v2 =	vsub.f32 $0.0e+00, v2;
	v0 =	vmul.f32 $1.442695020e+00, v0  }
0x33: {  	v8 =	vld [tilespmem:s25+$0xA0];
	v1 =	vmul.f32 $1.442695020e+00, v1  }
0x34: {  	v9 =	vld [tilespmem:s25+$0xD0];
	v3 =	vsub.f32 $0.0e+00, v3;
	v2 =	vmul.f32 $1.442695020e+00, v2;
	(erf) = vpow2.f32 v0  }
0x35: {  	v0 =	vsub.f32 $0.0e+00, v4;
	v4 =	vld [tilespmem:s25+$0xE0];
	(erf) = vpow2.f32 v1  }
0x36: {  	v3 =	vmul.f32 $1.442695020e+00, v3;
	(erf) = vpow2.f32 v2;
	v2 =	vld [tilespmem:s25+$0x10]  }
0x37: {  	v1 =	vsub.f32 $0.0e+00, v6;
	v6 =	vld [tilespmem:s25+$0xC0];
	v0 =	vmul.f32 $1.442695020e+00, v0  }
0x38: {  	v10 =	vld [tilespmem:s25+$0x30];
	v5 =	vsub.f32 $0.0e+00, v5;
	v8 =	vsub.f32 $0.0e+00, v8;
	(erf) = vpow2.f32 v3  }
0x39: {  	v9 =	vsub.f32 $0.0e+00, v9;
	v3 =	vld [tilespmem:s25+$0x20];
	v1 =	vmul.f32 $1.442695020e+00, v1;
	(erf) = vpow2.f32 v0  }
0x3a: {  	v7 =	vsub.f32 $0.0e+00, v7;
	v0 =	vmul.f32 $1.442695020e+00, v5;
	v5 =	vmul.f32 $1.442695020e+00, v8;
	v8 =	vld [tilespmem:s25+$0x70]  }
0x3b: {  	v9 =	vmul.f32 $1.442695020e+00, v9;
	(erf) = vpow2.f32 v1;
	v1 =	vsub.f32 $0.0e+00, v2  }
0x3c: {  	v11 =	vld [tilespmem:s25+$0x60];
	v4 =	vsub.f32 $0.0e+00, v4;
	v6 =	vsub.f32 $0.0e+00, v6;
	(erf) = vpow2.f32 v5  }
0x3d: {  	(erf) = vpow2.f32 v0;
	v0 =	vmul.f32 $1.442695020e+00, v1;
	v1 =	vsub.f32 $0.0e+00, v10  }
0x3e: {  	v4 =	vmul.f32 $1.442695020e+00, v4;
	v3 =	vsub.f32 $0.0e+00, v3;
	v6 =	vmul.f32 $1.442695020e+00, v6  }
0x3f: {  	v12 =	vpop (erf);
	(erf) = vpow2.f32 v9;
	v13 =	vmul.f32 $1.442695020e+00, v1;
	v1 =	vsub.f32 $0.0e+00, v8  }
0x40: {  	s26 =	simm.s32 $0x1;
	v7 =	vmul.f32 $1.442695020e+00, v7;
	v2 =	vpop (erf);
	(erf) = vpow2.f32 v6  }
0x41: {  	s29 =	smul.u32 $0xCD, s26;
	v9 =	vsub.f32 $0.0e+00, v11;
	v10 =	vpop (erf);
	(erf) = vpow2.f32 v4  }
0x42: {  	v5 =	vmul.f32 $1.442695020e+00, v3;
	v8 =	vadd.f32 $1.000000000e+00, v12;
	v3 =	vpop (erf);
	(erf) = vpow2.f32 v7  }
0x43: {  	s28 =	simm.s32 $0x2;
	s29 =	sshrl.u32 s29, $0xB;
	v6 =	vld [tilespmem:s25+$0x40];
	v4 =	vadd.f32 $1.000000000e+00, v10;
	v7 =	vmul.f32 $1.442695020e+00, v1;
	(erf) = vpow2.f32 v13;
	v1 =	vpop (erf)  }
.LBB2_2:
0x44: {  	p1 =	sne.s32 s28, $0x27  }
0x45: {  	s29 =	sand.u32 $0x1F, s29;
	v9 =	vmul.f32 $1.442695020e+00, v9;
	(erf) = vrcp.f32 v8;
	s30 =	smov.u32 s28;
	s28 =	sadd.s32 $0x1, s28  }
0x46: {  	s31 =	smul.u32 $0xA, s29;
	(erf) = vpow2.f32 v5;
	v5 =	vpop (erf)  }
0x47: {  	v2 =	vadd.f32 $1.000000000e+00, v2;
	s29 =	smul.u32 $0x2D00, s29;
	(erf) = vpow2.f32 v7;
	v7 =	vpop (erf)  }
0x48: {  	s31 =	ssub.s32 s26, s31;
	v6 =	vsub.f32 $0.0e+00, v6;
	(erf) = vpow2.f32 v9;
	v8 =	vpop (erf);
	s26 =	smov.u32 s30  }
0x49: {  	v10 =	vadd.f32 $1.000000000e+00, v3;
	v7 =	vadd.f32 $1.000000000e+00, v7;
	s30 =	sand.u32 $0xFF, s31;
	(erf) = vpow2.f32 v0;
	v0 =	vpop (erf)  }
0x4a: {  	s30 =	smul.u32 $0x480, s30;
	v6 =	vmul.f32 $1.442695020e+00, v6;
	v0 =	vadd.f32 $1.000000000e+00, v0;
	v9 =	vpop (erf);
	(erf) = vrcp.f32 v4  }
0x4b: {  	v4 =	vadd.f32 $1.000000000e+00, v8;
	v8 =	vadd.f32 $1.000000000e+00, v9;
	v9 =	vpop (erf);
	(erf) = vrcp.f32 v2  }
0x4c: {  	v11 =	vadd.f32 $1.000000000e+00, v1;
	s29 =	sshrl.u32 s29, $0x2;
	s30 =	sshrl.u32 s30, $0x2;
	v2 =	vadd.f32 $1.000000000e+00, v9;
	(erf) = vrcp.f32 v10;
	v3 =	vpop (erf)  }
0x4d: {  	v5 =	vadd.f32 $1.000000000e+00, v5;
	s29 =	sadd.s32 s30, s29;
	v3 =	vadd.f32 $1.000000000e+00, v3;
	v9 =	vpop (erf);
	(erf) = vrcp.f32 v4  }
0x4e: {  	v4 =	vadd.f32 $1.000000000e+00, v9;
	(erf) = vrcp.f32 v11;
	v1 =	vpop (erf)  }
0x4f: {  	v9 =	vpop (erf);
	(erf) = vpow2.f32 v6  }
0x50: {  	v6 =	vadd.f32 $1.000000000e+00, v9;
	v9 =	vpop (erf);
	(erf) = vrcp.f32 v5  }
0x51: {  	[tilespmem:s25+$0x50] =	vst v1;
	v1 =	vadd.f32 $1.000000000e+00, v9;
	v5 =	vpop (erf);
	(erf) = vrcp.f32 v3  }
0x52: {  	v3 =	vld [tilespmem:s29+$0x50];
	v5 =	vadd.f32 $1.000000000e+00, v5;
	v9 =	vpop (erf);
	(erf) = vrcp.f32 v7  }
0x53: {  	v7 =	vadd.f32 $1.000000000e+00, v9;
	(erf) = vrcp.f32 v0;
	v0 =	vpop (erf)  }
0x54: {  	[tilespmem:s25+$0x110] =	vst v0;
	(erf) = vrcp.f32 v2;
	v0 =	vpop (erf)  }
0x55: {  	v2 =	vld [tilespmem:s29+$0x110];
	[tilespmem:s25+$0x100] =	vst v0;
	v0 =	vpop (erf);
	(erf) = vrcp.f32 v8  }
0x56: {  	v8 =	vld [tilespmem:s29+$0x100];
	[tilespmem:s25+$0xB0] =	vst v0;
	(erf) = vrcp.f32 v7;
	v0 =	vpop (erf)  }
0x57: {  	v3 =	vsub.f32 $0.0e+00, v3;
	[tilespmem:s25+$0x90] =	vst v0;
	v0 =	vpop (erf);
	(erf) = vrcp.f32 v6  }
0x58: {  	v6 =	vld [tilespmem:s29+$0xB0];
	[tilespmem:s25+$0x0] =	vst v0;
	(erf) = vrcp.f32 v4;
	v0 =	vpop (erf)  }
0x59: {  	v4 =	vld [tilespmem:s29+$0x0];
	v3 =	vmul.f32 $1.442695020e+00, v3;
	v9 =	vadd.f32 $1.000000000e+00, v0;
	(erf) = vrcp.f32 v5;
	v5 =	vpop (erf)  }
0x5a: {  	v7 =	vld [tilespmem:s29+$0x90];
	v2 =	vsub.f32 $0.0e+00, v2;
	[tilespmem:s25+$0x80] =	vst v5;
	(erf) = vrcp.f32 v1;
	v1 =	vpop (erf)  }
0x5b: {  	v5 =	vld [tilespmem:s29+$0x80];
	v8 =	vsub.f32 $0.0e+00, v8;
	[tilespmem:s25+$0xF0] =	vst v1;
	(erf) = vrcp.f32 v9;
	v0 =	vpop (erf)  }
0x5c: {  	v1 =	vld [tilespmem:s29+$0xF0];
	v2 =	vmul.f32 $1.442695020e+00, v2;
	[tilespmem:s25+$0xA0] =	vst v0;
	v0 =	vpop (erf)  }
0x5d: {  	v9 =	vld [tilespmem:s29+$0xA0];
	v6 =	vsub.f32 $0.0e+00, v6;
	v8 =	vmul.f32 $1.442695020e+00, v8;
	[tilespmem:s25+$0xD0] =	vst v0;
	v0 =	vpop (erf)  }
0x5e: {  	v4 =	vsub.f32 $0.0e+00, v4;
	v10 =	vld [tilespmem:s29+$0xD0];
	(erf) = vpow2.f32 v3;
	[tilespmem:s25+$0xE0] =	vst v0;
	v0 =	vpop (erf)  }
0x5f: {  	v3 =	vmul.f32 $1.442695020e+00, v6;
	v6 =	vld [tilespmem:s29+$0xE0];
	(erf) = vpow2.f32 v8;
	[tilespmem:s25+$0xC0] =	vst v0;
	v0 =	vpop (erf)  }
0x60: {  	v4 =	vmul.f32 $1.442695020e+00, v4;
	v5 =	vsub.f32 $0.0e+00, v5;
	v8 =	vld [tilespmem:s29+$0xC0];
	(erf) = vpow2.f32 v2;
	[tilespmem:s25+$0x10] =	vst v0;
	v0 =	vpop (erf)  }
0x61: {  	v2 =	vld [tilespmem:s29+$0x10];
	v1 =	vsub.f32 $0.0e+00, v1;
	(erf) = vpow2.f32 v3;
	[tilespmem:s25+$0x20] =	vst v0;
	v0 =	vpop (erf)  }
0x62: {  	v7 =	vsub.f32 $0.0e+00, v7;
	v3 =	vld [tilespmem:s29+$0x20];
	v5 =	vmul.f32 $1.442695020e+00, v5;
	v9 =	vsub.f32 $0.0e+00, v9;
	[tilespmem:s25+$0x30] =	vst v0;
	v0 =	vpop (erf)  }
0x63: {  	v11 =	vld [tilespmem:s29+$0x30];
	v10 =	vsub.f32 $0.0e+00, v10;
	v1 =	vmul.f32 $1.442695020e+00, v1;
	(erf) = vpow2.f32 v4;
	[tilespmem:s25+$0x60] =	vst v0;
	v0 =	vpop (erf)  }
0x64: {  	v4 =	vmul.f32 $1.442695020e+00, v7;
	v7 =	vmul.f32 $1.442695020e+00, v9;
	v6 =	vsub.f32 $0.0e+00, v6;
	[tilespmem:s25+$0x70] =	vst v0;
	v0 =	vpop (erf)  }
0x65: {  	v9 =	vld [tilespmem:s29+$0x70];
	v13 =	vsub.f32 $0.0e+00, v8;
	v10 =	vmul.f32 $1.442695020e+00, v10;
	(erf) = vpow2.f32 v5;
	[tilespmem:s25+$0x40] =	vst v0;
	s25 =	smov.u32 s29  }
0x66: {  	v0 =	vsub.f32 $0.0e+00, v2;
	v12 =	vld [tilespmem:s25+$0x60];
	v6 =	vmul.f32 $1.442695020e+00, v6;
	(erf) = vpow2.f32 v7  }
0x67: {  	v14 =	vsub.f32 $0.0e+00, v3;
	v7 =	vmul.f32 $1.442695020e+00, v13;
	v8 =	vpop (erf);
	(erf) = vpow2.f32 v4  }
.Ltmp0:
0x68: {  	v0 =	vmul.f32 $1.442695020e+00, v0;
	v4 =	vsub.f32 $0.0e+00, v11;
	(erf) = vpow2.f32 v10;
	v2 =	vpop (erf);
	(pc) =	sbr.rel @p1 .LBB2_2-.Ltmp0, $4  }
0x69: {  	v5 =	vmul.f32 $1.442695020e+00, v14;
	(erf) = vpow2.f32 v7;
	v10 =	vpop (erf)  }
0x6a: {  	s29 =	smul.u32 $0xCD, s26;
	v11 =	vmul.f32 $1.442695020e+00, v4;
	v4 =	vsub.f32 $0.0e+00, v9;
	v3 =	vpop (erf);
	(erf) = vpow2.f32 v6  }
0x6b: {  	v8 =	vadd.f32 $1.000000000e+00, v8;
	v6 =	vld [tilespmem:s25+$0x40];
	v9 =	vsub.f32 $0.0e+00, v12;
	(erf) = vpow2.f32 v1  }
0x6c: {  	s29 =	sshrl.u32 s29, $0xB;
	v7 =	vmul.f32 $1.442695020e+00, v4;
	v4 =	vadd.f32 $1.000000000e+00, v10;
	v1 =	vpop (erf);
	(erf) = vpow2.f32 v11  }
0x6d: {  	(erf) = vrcp.f32 v8  }
0x6e: {  	v20 =	vmul.f32 $1.442695020e+00, v9;
	(erf) = vpow2.f32 v5;
	v21 =	vpop (erf)  }
0x6f: {  	(erf) = vpow2.f32 v7;
	v22 =	vpop (erf)  }
0x70: {  	v2 =	vadd.f32 $1.000000000e+00, v2;
	(erf) = vpow2.f32 v20;
	v23 =	vpop (erf)  }
0x71: {  	(erf) = vpow2.f32 v0;
	v0 =	vpop (erf)  }
0x72: {  	v3 =	vadd.f32 $1.000000000e+00, v3;
	v1 =	vadd.f32 $1.000000000e+00, v1;
	v24 =	vpop (erf);
	(erf) = vrcp.f32 v4  }
0x73: {  	v25 =	vsub.f32 $0.0e+00, v6;
	v26 =	vadd.f32 $1.000000000e+00, v23;
	v27 =	vpop (erf);
	(erf) = vrcp.f32 v2  }
0x74: {  	(erf) = vrcp.f32 v3;
	v2 =	vpop (erf)  }
0x75: {  	s28 =	sand.u32 $0x1F, s29;
	v3 =	vmul.f32 $1.442695020e+00, v25;
	v28 =	vpop (erf);
	(erf) = vrcp.f32 v26  }
0x76: {  	s29 =	smul.u32 $0xA, s28;
	v5 =	vadd.f32 $1.000000000e+00, v21;
	v2 =	vadd.f32 $1.000000000e+00, v2;
	(erf) = vrcp.f32 v1;
	v1 =	vpop (erf)  }
0x77: {  	v29 =	vpop (erf);
	(erf) = vpow2.f32 v3  }
0x78: {  	s26 =	ssub.s32 s26, s29;
	v0 =	vadd.f32 $1.000000000e+00, v0;
	v3 =	vadd.f32 $1.000000000e+00, v22;
	v30 =	vpop (erf);
	(erf) = vrcp.f32 v5  }
0x79: {  	s28 =	smul.u32 $0x2D00, s28;
	s26 =	sand.u32 $0xFF, s26;
	v31 =	vpop (erf);
	(erf) = vrcp.f32 v2  }
0x7a: {  	s26 =	smul.u32 $0x480, s26;
	v2 =	vpop (erf);
	(erf) = vrcp.f32 v3;
	v3 =	vadd.f32 $1.000000000e+00, v27  }
0x7b: {  	v9 =	vadd.f32 $1.000000000e+00, v24;
	[tilespmem:s25+$0x50] =	vst v1;
	v32 =	vpop (erf);
	(erf) = vrcp.f32 v0;
	v1 =	vadd.f32 $1.000000000e+00, v2  }
0x7c: {  	s28 =	sshrl.u32 s28, $0x2;
	s26 =	sshrl.u32 s26, $0x2;
	v0 =	vpop (erf);
	(erf) = vrcp.f32 v3  }
0x7d: {  	s26 =	sadd.s32 s26, s28;
	[tilespmem:s25+$0x110] =	vst v32;
	v2 =	vpop (erf);
	(erf) = vrcp.f32 v9  }
0x7e: {  	v3 =	vld [tilespmem:s26+$0x50];
	[tilespmem:s25+$0xB0] =	vst v2;
	v2 =	vpop (erf);
	(erf) = vrcp.f32 v1  }
0x7f: {  	v8 =	vld [tilespmem:s26+$0x110];
	[tilespmem:s25+$0x100] =	vst v0;
	v1 =	vpop (erf)  }
0x80: {  	v6 =	vadd.f32 $1.000000000e+00, v29;
	v10 =	vld [tilespmem:s26+$0x100];
	[tilespmem:s25+$0x90] =	vst v2;
	v33 =	vpop (erf)  }
0x81: {  	v4 =	vadd.f32 $1.000000000e+00, v28;
	v2 =	vld [tilespmem:s26+$0xB0];
	[tilespmem:s25+$0x0] =	vst v1;
	v0 =	vpop (erf)  }
0x82: {  	(erf) = vrcp.f32 v6;
	v34 =	vld [tilespmem:s26+$0x90];
	[tilespmem:s25+$0x80] =	vst v0;
	v0 =	vpop (erf)  }
0x83: {  	v5 =	vadd.f32 $1.000000000e+00, v31;
	(erf) = vrcp.f32 v4;
	v35 =	vld [tilespmem:s26+$0x80];
	[tilespmem:s25+$0xF0] =	vst v0;
	v0 =	vpop (erf)  }
0x84: {  	v7 =	vadd.f32 $1.000000000e+00, v30;
	v11 =	vld [tilespmem:s26+$0xF0];
	[tilespmem:s25+$0xA0] =	vst v0;
	v0 =	vpop (erf)  }
0x85: {  	v9 =	vadd.f32 $1.000000000e+00, v33;
	(erf) = vrcp.f32 v5;
	v1 =	vld [tilespmem:s26+$0xA0];
	[tilespmem:s25+$0xD0] =	vst v0;
	v0 =	vpop (erf)  }
0x86: {  	v36 =	vld [tilespmem:s26+$0x0];
	v3 =	vsub.f32 $0.0e+00, v3;
	(erf) = vrcp.f32 v7;
	v12 =	vpop (erf)  }
0x87: {  	(erf) = vrcp.f32 v9;
	v37 =	vld [tilespmem:s26+$0xD0];
	[tilespmem:s25+$0xE0] =	vst v0;
	v0 =	vpop (erf)  }
0x88: {  	[tilespmem:s25+$0x10] =	vst v0;
	v0 =	vmul.f32 $1.442695020e+00, v3;
	v3 =	vsub.f32 $0.0e+00, v8  }
0x89: {  	v38 =	vsub.f32 $0.0e+00, v10  }
0x8a: {  	v2 =	vsub.f32 $0.0e+00, v2;
	v39 =	vld [tilespmem:s26+$0xE0];
	[tilespmem:s25+$0xC0] =	vst v12;
	v3 =	vmul.f32 $1.442695020e+00, v3  }
0x8b: {  	v9 =	vmul.f32 $1.442695020e+00, v38;
	v5 =	vsub.f32 $0.0e+00, v36;
	v40 =	vpop (erf);
	v13 =	vld [tilespmem:s26+$0xC0]  }
0x8c: {  	v2 =	vmul.f32 $1.442695020e+00, v2;
	v41 =	vld [tilespmem:s26+$0x10];
	[tilespmem:s25+$0x20] =	vst v40;
	(erf) = vpow2.f32 v0;
	v44 =	vsub.f32 $0.0e+00, v37;
	v0 =	vpop (erf)  }
0x8d: {  	v4 =	vsub.f32 $0.0e+00, v35;
	v8 =	vld [tilespmem:s26+$0x20];
	(erf) = vpow2.f32 v9;
	[tilespmem:s25+$0x30] =	vst v0;
	v0 =	vmul.f32 $1.442695020e+00, v5  }
0x8e: {  	v1 =	vsub.f32 $0.0e+00, v1;
	(erf) = vpow2.f32 v3;
	v6 =	vmul.f32 $1.442695020e+00, v44;
	v3 =	vpop (erf)  }
0x8f: {  	v43 =	vsub.f32 $0.0e+00, v34;
	v42 =	vld [tilespmem:s26+$0x30];
	(erf) = vpow2.f32 v2;
	v2 =	vmul.f32 $1.442695020e+00, v4;
	[tilespmem:s25+$0x60] =	vst v3;
	v3 =	vpop (erf)  }
0x90: {  	v46 =	vsub.f32 $0.0e+00, v13;
	(erf) = vpow2.f32 v0;
	v0 =	vmul.f32 $1.442695020e+00, v1;
	[tilespmem:s25+$0x70] =	vst v3;
	v3 =	vpop (erf)  }
0x91: {  	v1 =	vmul.f32 $1.442695020e+00, v43;
	(erf) = vpow2.f32 v2;
	v2 =	vsub.f32 $0.0e+00, v39;
	v45 =	vld [tilespmem:s26+$0x70];
	[tilespmem:s25+$0x40] =	vst v3  }
0x92: {  	v7 =	vmul.f32 $1.442695020e+00, v46;
	(erf) = vpow2.f32 v0;
	v3 =	vld [tilespmem:s26+$0x60]  }
0x93: {  	v0 =	vsub.f32 $0.0e+00, v11;
	(erf) = vpow2.f32 v1;
	v1 =	vmul.f32 $1.442695020e+00, v2  }
0x94: {  	v2 =	vsub.f32 $0.0e+00, v42;
	(erf) = vpow2.f32 v6  }
0x95: {  	v48 =	vsub.f32 $0.0e+00, v8;
	v0 =	vmul.f32 $1.442695020e+00, v0;
	v47 =	vpop (erf);
	(erf) = vpow2.f32 v7  }
0x96: {  	v49 =	vpop (erf);
	v2 =	vmul.f32 $1.442695020e+00, v2;
	(erf) = vpow2.f32 v1;
	v4 =	vsub.f32 $0.0e+00, v45  }
0x97: {  	v1 =	vpop (erf);
	(erf) = vpow2.f32 v0;
	v0 =	vmul.f32 $1.442695020e+00, v48;
	v3 =	vsub.f32 $0.0e+00, v3  }
0x98: {  	v5 =	vadd.f32 $1.000000000e+00, v47;
	v50 =	vpop (erf);
	(erf) = vpow2.f32 v2;
	v2 =	vsub.f32 $0.0e+00, v41  }
0x99: {  	v4 =	vmul.f32 $1.442695020e+00, v4;
	v3 =	vmul.f32 $1.442695020e+00, v3  }
0x9a: {  	v51 =	vpop (erf);
	(erf) = vrcp.f32 v5;
	v2 =	vmul.f32 $1.442695020e+00, v2  }
0x9b: {  	v52 =	vld [tilespmem:s26+$0x40];
	(erf) = vpow2.f32 v0;
	v0 =	vpop (erf)  }
0x9c: {  	(erf) = vpow2.f32 v4;
	v53 =	vpop (erf)  }
0x9d: {  	v1 =	vadd.f32 $1.000000000e+00, v1;
	(erf) = vpow2.f32 v3;
	v3 =	vpop (erf)  }
0x9e: {  	v7 =	vadd.f32 $1.000000000e+00, v49;
	(erf) = vpow2.f32 v2;
	v2 =	vpop (erf)  }
0x9f: {  	v6 =	vadd.f32 $1.000000000e+00, v50;
	v3 =	vadd.f32 $1.000000000e+00, v3;
	v54 =	vpop (erf);
	(erf) = vrcp.f32 v1  }
0xa0: {  	v1 =	vsub.f32 $0.0e+00, v52;
	v55 =	vpop (erf);
	(erf) = vrcp.f32 v7  }
0xa1: {  	v56 =	vadd.f32 $1.000000000e+00, v51;
	(erf) = vrcp.f32 v6;
	v57 =	vpop (erf)  }
0xa2: {  	v1 =	vmul.f32 $1.442695020e+00, v1;
	v58 =	vpop (erf);
	(erf) = vrcp.f32 v3  }
0xa3: {  	v0 =	vadd.f32 $1.000000000e+00, v0;
	(erf) = vrcp.f32 v56;
	v3 =	vpop (erf)  }
0xa4: {  	v6 =	vadd.f32 $1.000000000e+00, v57;
	v59 =	vpop (erf);
	(erf) = vpow2.f32 v1  }
0xa5: {  	v1 =	vadd.f32 $1.000000000e+00, v53;
	v60 =	vpop (erf);
	(erf) = vrcp.f32 v0;
	v0 =	vadd.f32 $1.000000000e+00, v2  }
0xa6: {  	v2 =	vpop (erf);
	(erf) = vrcp.f32 v6  }
0xa7: {  	v5 =	vadd.f32 $1.000000000e+00, v55;
	v61 =	vpop (erf);
	(erf) = vrcp.f32 v1  }
0xa8: {  	[tilespmem:s26+$0x50] =	vst v3;
	v1 =	vadd.f32 $1.000000000e+00, v54;
	(erf) = vrcp.f32 v0;
	v3 =	vadd.f32 $1.000000000e+00, v61  }
0xa9: {  	v0 =	vpop (erf);
	(erf) = vrcp.f32 v5  }
0xaa: {  	v62 =	vpop (erf);
	(erf) = vrcp.f32 v1;
	v1 =	vadd.f32 $1.000000000e+00, v58  }
0xab: {  	v63 =	vadd.f32 $1.000000000e+00, v59;
	[tilespmem:s26+$0x110] =	vst v0;
	v0 =	vpop (erf)  }
0xac: {  	(erf) = vrcp.f32 v3;
	v3 =	vpop (erf)  }
0xad: {  	[tilespmem:s26+$0xB0] =	vst v0;
	(erf) = vrcp.f32 v63;
	v0 =	vpop (erf)  }
0xae: {  	(erf) = vrcp.f32 v1;
	v1 =	vpop (erf)  }
0xaf: {  	v2 =	vadd.f32 $1.000000000e+00, v2;
	[tilespmem:s26+$0x0] =	vst v0;
	v0 =	vadd.f32 $1.000000000e+00, v1  }
0xb0: {  	v4 =	vadd.f32 $1.000000000e+00, v60;
	[tilespmem:s26+$0x100] =	vst v62  }
0xb1: {  	[tilespmem:s26+$0x90] =	vst v3;
	(erf) = vrcp.f32 v2;
	v1 =	vpop (erf)  }
0xb2: {  	(erf) = vrcp.f32 v4;
	[tilespmem:s26+$0x80] =	vst v1;
	v1 =	vpop (erf)  }
0xb3: {  	[tilespmem:s26+$0xF0] =	vst v1;
	(erf) = vrcp.f32 v0;
	v0 =	vpop (erf)  }
0xb4: {  	[tilespmem:s26+$0xA0] =	vst v0;
	v0 =	vpop (erf)  }
0xb5: {  	[tilespmem:s26+$0xD0] =	vst v0;
	v0 =	vpop (erf)  }
0xb6: {  	[tilespmem:s26+$0xE0] =	vst v0;
	v0 =	vpop (erf)  }
0xb7: {  	[tilespmem:s26+$0xC0] =	vst v0;
	v0 =	vpop (erf)  }
0xb8: {  	[tilespmem:s26+$0x10] =	vst v0;
	v0 =	vpop (erf)  }
0xb9: {  	[tilespmem:s26+$0x20] =	vst v0;
	v0 =	vpop (erf)  }
0xba: {  	[tilespmem:s26+$0x30] =	vst v0;
	v0 =	vpop (erf)  }
0xbb: {  	[tilespmem:s26+$0x60] =	vst v0;
	v0 =	vpop (erf)  }
0xbc: {  	[tilespmem:s26+$0x70] =	vst v0;
	v0 =	vpop (erf)  }
0xbd: {  	[tilespmem:s26+$0x40] =	vst v0  }
0xbe: {  	_ =	swait.ge [sflag:s21], $0xB40  }
0xbf: {  	[sflag:s21] =	ssyncset.done $0x0  }
0xc0: {  	[sflag:s21] =	ssyncadd.s32 $0xFFFFF4C0  }
0xc1: {  	_ =	swait.ge [sflag:s21], $0xB40  }
0xc2: {  	[sflag:s21] =	ssyncset.done $0x0  }
0xc3: {  	[sflag:s21] =	ssyncadd.s32 $0xFFFFF4C0  }
0xc4: {  	_ =	swait.ge [sflag:s21], $0xB40  }
0xc5: {  	[sflag:s21] =	ssyncset.done $0x0  }
0xc6: {  	[sflag:s21] =	ssyncadd.s32 $0xFFFFF4C0  }
0xc7: {  	_ =	swait.ge [sflag:s21], $0xB40  }
0xc8: {  	[sflag:s21] =	ssyncset.done $0x0  }
0xc9: {  	s25 =	simm.s32 $0x0;
	v1 =	vimm.f32 $0.0e+00;
	v0 =	vimm.f32 $0.0e+00;
	[sflag:s21] =	ssyncadd.s32 $0xFFFFF4C0  }
.LBB2_4:
0xca: {  	s26 =	smul.u32 $0xAB, s25;
	_ =	sdelay $0x1  }
0xcb: {  	s26 =	sshrl.u32 s26, $0x9  }
0xcc: {  	s26 =	sand.u32 $0x7F, s26  }
0xcd: {  	s28 =	smul.u32 $0x3, s26;
	_ =	sdelay $0x1  }
0xce: {  	s28 =	ssub.s32 s25, s28  }
0xcf: {  	s26 =	smul.u32 $0x120, s26;
	s28 =	sand.u32 $0xFF, s28  }
0xd0: {  	s28 =	smul.u32 $0xB40, s28;
	_ =	sdelay $0x1  }
0xd1: {  	s30 =	sadd.s32 s26, s28  }
0xd2: {  	s31 =	sadd.s32 $0x120, s26;
	v2 =	vld [tilespmem:s30+$0x0]  }
0xd3: {  	s29 =	sadd.s32 s28, s31;
	v3 =	vld [tilespmem:s30+$0x1]  }
0xd4: {  	v4 =	vld [tilespmem:s29+$0x0]  }
0xd5: {  	v5 =	vld [tilespmem:s29+$0x1]  }
0xd6: {  	v10 =	vld [tilespmem:s30+$0x2D00]  }
0xd7: {  	v11 =	vld [tilespmem:s30+$0x2D01]  }
0xd8: {  	s0 =	sadd.s32 $0xB40, s28;
	v12 =	vld [tilespmem:s29+$0x2D00]  }
0xd9: {  	s28 =	sadd.s32 s26, s0;
	v13 =	vld [tilespmem:s29+$0x2D01]  }
0xda: {  	v6 =	vld [tilespmem:s28+$0x0]  }
0xdb: {  	s0 =	sadd.s32 s31, s0;
	v7 =	vld [tilespmem:s28+$0x1]  }
0xdc: {  	v8 =	vld [tilespmem:s0+$0x0]  }
0xdd: {  	v9 =	vld [tilespmem:s0+$0x1]  }
0xde: {  	v16 =	vld [tilespmem:s28+$0x2D00]  }
0xdf: {  	v17 =	vld [tilespmem:s28+$0x2D01]  }
0xe0: {  	v19 =	vld [tilespmem:s0+$0x2D00]  }
0xe1: {  	v20 =	vld [tilespmem:s0+$0x2D01];
	v14 =	vsub.f32 v2, v3;
	v15 =	vsub.f32 v4, v5  }
0xe2: {  	v21 =	vsub.f32 v10, v11;
	v22 =	vsub.f32 v12, v13  }
0xe3: {  	v63 =	vsub.f32 v2, v4;
	v26 =	vsub.f32 v3, v5  }
0xe4: {  	v32 =	vsub.f32 v10, v12;
	v35 =	vsub.f32 v11, v13  }
0xe5: {  	v18 =	vsub.f32 v6, v7;
	v62 =	vsub.f32 v8, v9  }
0xe6: {  	v23 =	vsub.f32 v16, v17;
	v28 =	vsub.f32 v19, v20  }
0xe7: {  	v33 =	vsub.f32 v6, v8;
	v36 =	vsub.f32 v7, v9  }
0xe8: {  	v38 =	vsub.f32 v16, v19;
	v2 =	vsub.f32 v2, v6  }
0xe9: {  	v41 =	vsub.f32 v17, v20;
	v10 =	vsub.f32 v10, v16  }
0xea: {  	v58 =	vld [tilespmem:s28+$0x2D10];
	v3 =	vsub.f32 v3, v7;
	v44 =	vsub.f32 v11, v17  }
0xeb: {  	v60 =	vld [tilespmem:s28+$0x2D11];
	v4 =	vsub.f32 v4, v8;
	v47 =	vsub.f32 v12, v19  }
0xec: {  	v5 =	vsub.f32 v5, v9;
	v50 =	vsub.f32 v13, v20  }
0xed: {  	v51 =	vld [tilespmem:s30+$0x2D10];
	v14 =	vand.u32 $0x7FFFFFFF, v14;
	v15 =	vand.u32 $0x7FFFFFFF, v15;
	v21 =	vand.u32 $0x7FFFFFFF, v21  }
0xee: {  	v52 =	vld [tilespmem:s30+$0x2D11];
	v22 =	vand.u32 $0x7FFFFFFF, v22;
	v24 =	vand.u32 $0x7FFFFFFF, v63;
	v30 =	vand.u32 $0x7FFFFFFF, v26  }
0xef: {  	v54 =	vld [tilespmem:s29+$0x2D10];
	v34 =	vand.u32 $0x7FFFFFFF, v32;
	v37 =	vand.u32 $0x7FFFFFFF, v35;
	v14 =	vadd.f32 v15, v14  }
0xf0: {  	v55 =	vld [tilespmem:s29+$0x2D11];
	v26 =	vsub.f32 v58, v60;
	v18 =	vand.u32 $0x7FFFFFFF, v18;
	v15 =	vand.u32 $0x7FFFFFFF, v62  }
0xf1: {  	v45 =	vld [tilespmem:s28+$0x10];
	v25 =	vadd.f32 v22, v21;
	v27 =	vand.u32 $0x7FFFFFFF, v23;
	v14 =	vadd.f32 v18, v14  }
0xf2: {  	v16 =	vld [tilespmem:s29+$0x10];
	v31 =	vand.u32 $0x7FFFFFFF, v28;
	v39 =	vand.u32 $0x7FFFFFFF, v36;
	v40 =	vand.u32 $0x7FFFFFFF, v38  }
0xf3: {  	v7 =	vld [tilespmem:s28+$0x11];
	v2 =	vand.u32 $0x7FFFFFFF, v2;
	v29 =	vadd.f32 v27, v25;
	v14 =	vadd.f32 v15, v14  }
0xf4: {  	v22 =	vld [tilespmem:s30+$0x10];
	v42 =	vand.u32 $0x7FFFFFFF, v41;
	v43 =	vand.u32 $0x7FFFFFFF, v10;
	v38 =	vsub.f32 v51, v54  }
0xf5: {  	v3 =	vand.u32 $0x7FFFFFFF, v3;
	v62 =	vld [tilespmem:s0+$0x2D10];
	v15 =	vadd.f32 v31, v29;
	v14 =	vadd.f32 v14, v24  }
0xf6: {  	v46 =	vand.u32 $0x7FFFFFFF, v44;
	v10 =	vsub.f32 v51, v58;
	v25 =	vsub.f32 v54, v55  }
0xf7: {  	v49 =	vand.u32 $0x7FFFFFFF, v47;
	v15 =	vadd.f32 v15, v34;
	v14 =	vadd.f32 v14, v30  }
0xf8: {  	v18 =	vand.u32 $0x7FFFFFFF, v33;
	v61 =	vsub.f32 v45, v7;
	v24 =	vsub.f32 v51, v52  }
0xf9: {  	v5 =	vand.u32 $0x7FFFFFFF, v5;
	v28 =	vld [tilespmem:s0+$0x2D11];
	v15 =	vadd.f32 v15, v37;
	v14 =	vadd.f32 v14, v18  }
0xfa: {  	v25 =	vand.u32 $0x7FFFFFFF, v25;
	v29 =	vsub.f32 v22, v16;
	v44 =	vsub.f32 v58, v62  }
0xfb: {  	v12 =	vld [tilespmem:s0+$0x10];
	v24 =	vand.u32 $0x7FFFFFFF, v24;
	v6 =	vadd.f32 v15, v40;
	v14 =	vadd.f32 v14, v39  }
0xfc: {  	v53 =	vand.u32 $0x7FFFFFFF, v50;
	v11 =	vsub.f32 v22, v45;
	v31 =	vadd.f32 v25, v24;
	v15 =	vld [tilespmem:s30+$0x11]  }
0xfd: {  	v33 =	vand.u32 $0x7FFFFFFF, v26;
	v6 =	vadd.f32 v6, v42;
	v2 =	vadd.f32 v14, v2;
	v14 =	vld [tilespmem:s29+$0x11]  }
0xfe: {  	v41 =	vand.u32 $0x7FFFFFFF, v38;
	v9 =	vsub.f32 v54, v62;
	v34 =	vsub.f32 v62, v28  }
0xff: {  	v10 =	vand.u32 $0x7FFFFFFF, v10;
	v35 =	vadd.f32 v33, v31;
	v6 =	vadd.f32 v6, v43  }
0x100: {  	v58 =	vld [tilespmem:s28+$0x2D20];
	v37 =	vand.u32 $0x7FFFFFFF, v34;
	v40 =	vsub.f32 v45, v12;
	v42 =	vsub.f32 v52, v55  }
0x101: {  	v20 =	vand.u32 $0x7FFFFFFF, v61;
	v39 =	vadd.f32 v37, v35;
	v48 =	vadd.f32 v6, v46;
	v6 =	vld [tilespmem:s0+$0x11]  }
0x102: {  	v61 =	vld [tilespmem:s0+$0x2D20];
	v11 =	vand.u32 $0x7FFFFFFF, v11;
	v56 =	vsub.f32 v22, v15;
	v57 =	vsub.f32 v16, v14  }
0x103: {  	v2 =	vadd.f32 v2, v3;
	v3 =	vand.u32 $0x7FFFFFFF, v4;
	v46 =	vsub.f32 v60, v28  }
0x104: {  	v4 =	vsub.f32 v52, v60;
	v8 =	vand.u32 $0x7FFFFFFF, v56;
	v13 =	vand.u32 $0x7FFFFFFF, v57  }
0x105: {  	v9 =	vand.u32 $0x7FFFFFFF, v9;
	v2 =	vadd.f32 v2, v3;
	v8 =	vadd.f32 v13, v8  }
0x106: {  	v30 =	vand.u32 $0x7FFFFFFF, v29;
	v3 =	vadd.f32 v48, v49;
	v63 =	vsub.f32 v12, v6  }
0x107: {  	v47 =	vand.u32 $0x7FFFFFFF, v46;
	v46 =	vsub.f32 v58, v61;
	v8 =	vadd.f32 v20, v8  }
0x108: {  	v32 =	vsub.f32 v15, v14;
	v2 =	vadd.f32 v2, v5;
	v13 =	vand.u32 $0x7FFFFFFF, v63  }
0x109: {  	v45 =	vand.u32 $0x7FFFFFFF, v44;
	v3 =	vadd.f32 v3, v53;
	v8 =	vadd.f32 v13, v8  }
0x10a: {  	v51 =	vld [tilespmem:s28+$0x21];
	v43 =	vand.u32 $0x7FFFFFFF, v42;
	v5 =	vsub.f32 v55, v28;
	v12 =	vsub.f32 v16, v12  }
0x10b: {  	v49 =	vld [tilespmem:s28+$0x20];
	v36 =	vand.u32 $0x7FFFFFFF, v32;
	v59 =	vadd.f32 v3, v2;
	v8 =	vadd.f32 v8, v30  }
0x10c: {  	v54 =	vld [tilespmem:s30+$0x2D21];
	vm1 =	vgt.f32 v3, $0.0e+00;
	v3 =	vsub.f32 v7, v6;
	v7 =	vsub.f32 v15, v7  }
0x10d: {  	v53 =	vld [tilespmem:s30+$0x2D20];
	vm0 =	vgt.f32 v2, $0.0e+00;
	v2 =	vadd.f32 v8, v36;
	v8 =	vadd.f32 v39, v41  }
0x10e: {  	p1 =	slt.u32 s25, $0x18;
	s31 =	simm.f32 $1.000000000e+00;
	v17 =	vld [tilespmem:s29+$0x20];
	v6 =	vsub.f32 v14, v6;
	vm0 =	vmand vm0, vm1;
	v13 =	vand.u32 $0x7FFFFFFF, v40  }
0x10f: {  	s31 =	simm.s32 @!p1 $0x0;
	v16 =	vld [tilespmem:s0+$0x20];
	v52 =	vand.u32 $0x7FFFFFFF, v12;
	v2 =	vadd.f32 v2, v13;
	v8 =	vadd.f32 v8, v43  }
0x110: {  	s31 =	simm.s32 @p0 $0x3F800000;
	v22 =	vld [tilespmem:s30+$0x20];
	v60 =	vsub.f32 v49, v51;
	v3 =	vand.u32 $0x7FFFFFFF, v3;
	v48 =	vnsel vm0, $0x0, v59  }
0x111: {  	v55 =	vmul.f32 s31, v59;
	v59 =	vld [tilespmem:s28+$0x2D21];
	v2 =	vadd.f32 v2, v3;
	v3 =	vadd.f32 v8, v45  }
0x112: {  	v63 =	vld [tilespmem:s0+$0x2D21];
	v50 =	vmul.f32 s31, v48;
	v28 =	vsub.f32 v53, v54;
	v12 =	vsub.f32 v53, v58  }
0x113: {  	v4 =	vand.u32 $0x7FFFFFFF, v4;
	v0 =	vadd.f32 v55, v0;
	v3 =	vadd.f32 v3, v47  }
0x114: {  	v5 =	vand.u32 $0x7FFFFFFF, v5;
	v42 =	vsub.f32 v49, v16;
	v1 =	vadd.f32 v50, v1  }
0x115: {  	v7 =	vand.u32 $0x7FFFFFFF, v7;
	v30 =	vsub.f32 v22, v17;
	v8 =	vld [tilespmem:s30+$0x21];
	v3 =	vadd.f32 v3, v10  }
0x116: {  	v6 =	vand.u32 $0x7FFFFFFF, v6;
	v31 =	vsub.f32 v58, v59;
	v2 =	vadd.f32 v2, v11;
	v11 =	vld [tilespmem:s29+$0x21]  }
0x117: {  	v20 =	vand.u32 $0x7FFFFFFF, v60;
	v48 =	vsub.f32 v59, v63;
	v3 =	vadd.f32 v3, v4  }
0x118: {  	v24 =	vand.u32 $0x7FFFFFFF, v28;
	v36 =	vsub.f32 v61, v63;
	v2 =	vadd.f32 v2, v7  }
0x119: {  	v32 =	vand.u32 $0x7FFFFFFF, v30;
	v13 =	vsub.f32 v22, v49;
	v4 =	vld [tilespmem:s0+$0x21];
	v3 =	vadd.f32 v3, v9  }
0x11a: {  	v35 =	vand.u32 $0x7FFFFFFF, v31;
	v56 =	vsub.f32 v22, v8;
	v2 =	vadd.f32 v2, v52;
	v9 =	vld [tilespmem:s29+$0x2D20]  }
0x11b: {  	v39 =	vand.u32 $0x7FFFFFFF, v36;
	v57 =	vsub.f32 v17, v11;
	v3 =	vadd.f32 v3, v5;
	v5 =	vld [tilespmem:s29+$0x2D21]  }
0x11c: {  	v49 =	vand.u32 $0x7FFFFFFF, v48;
	v13 =	vand.u32 $0x7FFFFFFF, v13;
	v7 =	vsub.f32 v54, v59  }
0x11d: {  	v2 =	vadd.f32 v2, v6;
	v6 =	vand.u32 $0x7FFFFFFF, v56;
	v15 =	vand.u32 $0x7FFFFFFF, v57  }
0x11e: {  	v47 =	vand.u32 $0x7FFFFFFF, v46;
	v34 =	vsub.f32 v8, v11;
	v6 =	vadd.f32 v15, v6  }
0x11f: {  	v22 =	vld [tilespmem:s30+$0x30];
	v7 =	vand.u32 $0x7FFFFFFF, v7;
	v8 =	vsub.f32 v8, v51;
	v62 =	vsub.f32 v16, v4  }
0x120: {  	v52 =	vld [tilespmem:s28+$0x30];
	v38 =	vand.u32 $0x7FFFFFFF, v34;
	v6 =	vadd.f32 v20, v6;
	v29 =	vsub.f32 v9, v5  }
0x121: {  	v8 =	vand.u32 $0x7FFFFFFF, v8;
	v16 =	vsub.f32 v17, v16;
	v15 =	vand.u32 $0x7FFFFFFF, v62  }
0x122: {  	v14 =	vadd.f32 v3, v2;
	v6 =	vadd.f32 v15, v6;
	v25 =	vand.u32 $0x7FFFFFFF, v29  }
0x123: {  	vm9 =	vgt.f32 v3, $0.0e+00;
	v3 =	vsub.f32 v51, v4;
	v33 =	vadd.f32 v25, v24  }
0x124: {  	v56 =	vld [tilespmem:s30+$0x2D30];
	vm8 =	vgt.f32 v2, $0.0e+00;
	v4 =	vsub.f32 v11, v4;
	v6 =	vadd.f32 v6, v32  }
0x125: {  	v57 =	vld [tilespmem:s30+$0x2D31];
	v51 =	vand.u32 $0x7FFFFFFF, v12;
	v12 =	vsub.f32 v22, v52;
	v37 =	vadd.f32 v35, v33  }
0x126: {  	v40 =	vsub.f32 v53, v9;
	vm0 =	vmand vm8, vm9;
	v2 =	vadd.f32 v6, v38  }
0x127: {  	v55 =	vand.u32 $0x7FFFFFFF, v16;
	v15 =	vand.u32 $0x7FFFFFFF, v42;
	v41 =	vadd.f32 v39, v37  }
0x128: {  	v18 =	vld [tilespmem:s29+$0x30];
	v43 =	vand.u32 $0x7FFFFFFF, v40;
	v44 =	vsub.f32 v54, v5;
	v2 =	vadd.f32 v2, v15  }
0x129: {  	v28 =	vld [tilespmem:s0+$0x2D30];
	v3 =	vand.u32 $0x7FFFFFFF, v3;
	v50 =	vnsel vm0, $0x0, v14;
	v6 =	vadd.f32 v41, v43  }
0x12a: {  	v31 =	vsub.f32 v56, v57;
	v54 =	vld [tilespmem:s28+$0x31];
	v45 =	vand.u32 $0x7FFFFFFF, v44;
	v2 =	vadd.f32 v2, v3  }
0x12b: {  	v14 =	vmul.f32 s31, v14;
	v9 =	vsub.f32 v9, v61;
	v61 =	vld [tilespmem:s28+$0x2D30];
	v6 =	vadd.f32 v6, v45  }
0x12c: {  	v53 =	vmul.f32 s31, v50;
	v5 =	vsub.f32 v5, v63;
	v63 =	vld [tilespmem:s28+$0x2D31];
	v2 =	vadd.f32 v2, v13  }
0x12d: {  	v58 =	vld [tilespmem:s29+$0x2D30];
	v4 =	vand.u32 $0x7FFFFFFF, v4;
	v0 =	vadd.f32 v14, v0;
	v3 =	vadd.f32 v6, v47  }
0x12e: {  	v30 =	vld [tilespmem:s0+$0x2D31];
	v12 =	vand.u32 $0x7FFFFFFF, v12;
	v1 =	vadd.f32 v53, v1;
	v2 =	vadd.f32 v2, v8  }
0x12f: {  	v9 =	vand.u32 $0x7FFFFFFF, v9;
	v27 =	vsub.f32 v52, v54;
	v13 =	vld [tilespmem:s29+$0x31];
	v3 =	vadd.f32 v3, v49  }
0x130: {  	v5 =	vand.u32 $0x7FFFFFFF, v5;
	v33 =	vsub.f32 v22, v18;
	v6 =	vld [tilespmem:s30+$0x31];
	v2 =	vadd.f32 v2, v55  }
0x131: {  	v17 =	vld [tilespmem:s0+$0x30];
	v24 =	vand.u32 $0x7FFFFFFF, v31;
	v34 =	vsub.f32 v61, v63;
	v3 =	vadd.f32 v3, v51  }
0x132: {  	v11 =	vsub.f32 v56, v61;
	v20 =	vand.u32 $0x7FFFFFFF, v27;
	v2 =	vadd.f32 v2, v4;
	v4 =	vld [tilespmem:s29+$0x2D31]  }
0x133: {  	v35 =	vand.u32 $0x7FFFFFFF, v33;
	v39 =	vsub.f32 v28, v30;
	v3 =	vadd.f32 v3, v7  }
0x134: {  	v38 =	vand.u32 $0x7FFFFFFF, v34;
	v43 =	vsub.f32 v56, v58;
	v60 =	vsub.f32 v18, v13;
	v7 =	vld [tilespmem:s0+$0x31]  }
0x135: {  	v42 =	vand.u32 $0x7FFFFFFF, v39;
	v59 =	vsub.f32 v22, v6;
	v3 =	vadd.f32 v3, v9  }
0x136: {  	v45 =	vsub.f32 v52, v17;
	v8 =	vsub.f32 v57, v63;
	v15 =	vand.u32 $0x7FFFFFFF, v60  }
0x137: {  	v32 =	vsub.f32 v58, v4;
	v3 =	vadd.f32 v3, v5;
	v5 =	vand.u32 $0x7FFFFFFF, v59  }
0x138: {  	v46 =	vand.u32 $0x7FFFFFFF, v43;
	v49 =	vsub.f32 v61, v28;
	v5 =	vadd.f32 v15, v5  }
0x139: {  	v51 =	vsub.f32 v63, v30;
	v25 =	vand.u32 $0x7FFFFFFF, v32;
	v29 =	vsub.f32 v17, v7  }
0x13a: {  	v8 =	vand.u32 $0x7FFFFFFF, v8;
	v36 =	vadd.f32 v25, v24;
	v5 =	vadd.f32 v20, v5  }
0x13b: {  	v37 =	vsub.f32 v6, v13;
	v6 =	vsub.f32 v6, v54;
	v15 =	vand.u32 $0x7FFFFFFF, v29  }
0x13c: {  	v16 =	vld [tilespmem:s29+$0x40];
	vm10 =	vgt.f32 v2, $0.0e+00;
	v40 =	vadd.f32 v38, v36;
	v5 =	vadd.f32 v15, v5  }
0x13d: {  	v31 =	vld [tilespmem:s0+$0x2D40];
	v50 =	vand.u32 $0x7FFFFFFF, v49;
	v47 =	vsub.f32 v57, v4;
	v4 =	vsub.f32 v4, v30  }
0x13e: {  	v33 =	vld [tilespmem:s0+$0x2D41];
	v52 =	vand.u32 $0x7FFFFFFF, v51;
	v44 =	vadd.f32 v42, v40;
	v5 =	vadd.f32 v5, v35  }
0x13f: {  	v55 =	vld [tilespmem:s28+$0x40];
	v41 =	vand.u32 $0x7FFFFFFF, v37;
	v9 =	vsub.f32 v58, v28;
	v62 =	vadd.f32 v3, v2  }
0x140: {  	v57 =	vld [tilespmem:s28+$0x41];
	v48 =	vand.u32 $0x7FFFFFFF, v47;
	v2 =	vadd.f32 v5, v41;
	v5 =	vadd.f32 v44, v46  }
0x141: {  	v22 =	vld [tilespmem:s30+$0x40];
	vm11 =	vgt.f32 v3, $0.0e+00;
	v3 =	vsub.f32 v54, v7;
	v15 =	vand.u32 $0x7FFFFFFF, v45  }
0x142: {  	v60 =	vld [tilespmem:s30+$0x2D41];
	v6 =	vand.u32 $0x7FFFFFFF, v6;
	v2 =	vadd.f32 v2, v15;
	v5 =	vadd.f32 v5, v48  }
0x143: {  	v63 =	vld [tilespmem:s28+$0x2D40];
	v4 =	vand.u32 $0x7FFFFFFF, v4;
	v17 =	vsub.f32 v18, v17;
	v3 =	vand.u32 $0x7FFFFFFF, v3  }
0x144: {  	v9 =	vand.u32 $0x7FFFFFFF, v9;
	v59 =	vld [tilespmem:s30+$0x2D40];
	v2 =	vadd.f32 v2, v3;
	v3 =	vadd.f32 v5, v50  }
0x145: {  	v54 =	vand.u32 $0x7FFFFFFF, v11;
	v7 =	vsub.f32 v13, v7;
	v30 =	vsub.f32 v55, v57  }
0x146: {  	v36 =	vsub.f32 v22, v16;
	vm0 =	vmand vm10, vm11;
	v29 =	vld [tilespmem:s28+$0x2D41];
	v3 =	vadd.f32 v3, v52  }
0x147: {  	v11 =	vsub.f32 v22, v55;
	v58 =	vand.u32 $0x7FFFFFFF, v17;
	v53 =	vnsel vm0, $0x0, v62  }
0x148: {  	v18 =	vld [tilespmem:s0+$0x40];
	v14 =	vmul.f32 s31, v62;
	v42 =	vsub.f32 v31, v33;
	v3 =	vadd.f32 v3, v54  }
0x149: {  	v56 =	vmul.f32 s31, v53;
	v34 =	vsub.f32 v59, v60;
	v13 =	vsub.f32 v59, v63  }
0x14a: {  	v7 =	vand.u32 $0x7FFFFFFF, v7;
	v0 =	vadd.f32 v14, v0;
	v3 =	vadd.f32 v3, v8  }
0x14b: {  	v20 =	vand.u32 $0x7FFFFFFF, v30;
	v1 =	vadd.f32 v56, v1;
	v37 =	vsub.f32 v63, v29;
	v5 =	vld [tilespmem:s30+$0x41]  }
0x14c: {  	v38 =	vand.u32 $0x7FFFFFFF, v36;
	v2 =	vadd.f32 v2, v12;
	v12 =	vld [tilespmem:s29+$0x41];
	v3 =	vadd.f32 v3, v9  }
0x14d: {  	v11 =	vand.u32 $0x7FFFFFFF, v11;
	v48 =	vsub.f32 v55, v18;
	v52 =	vsub.f32 v63, v31;
	v9 =	vld [tilespmem:s29+$0x2D40]  }
0x14e: {  	v45 =	vand.u32 $0x7FFFFFFF, v42;
	v2 =	vadd.f32 v2, v6;
	v3 =	vadd.f32 v3, v4;
	v4 =	vld [tilespmem:s29+$0x2D41]  }
0x14f: {  	v24 =	vand.u32 $0x7FFFFFFF, v34;
	v54 =	vsub.f32 v29, v33;
	v6 =	vsub.f32 v60, v29  }
0x150: {  	v41 =	vand.u32 $0x7FFFFFFF, v37;
	v61 =	vsub.f32 v22, v5;
	v8 =	vld [tilespmem:s0+$0x41];
	v2 =	vadd.f32 v2, v58  }
0x151: {  	v53 =	vand.u32 $0x7FFFFFFF, v52;
	v62 =	vsub.f32 v16, v12;
	v40 =	vsub.f32 v5, v12  }
0x152: {  	v55 =	vand.u32 $0x7FFFFFFF, v54;
	v5 =	vsub.f32 v5, v57;
	v2 =	vadd.f32 v2, v7  }
0x153: {  	v7 =	vand.u32 $0x7FFFFFFF, v61;
	v15 =	vand.u32 $0x7FFFFFFF, v62;
	v35 =	vsub.f32 v9, v4  }
0x154: {  	v6 =	vand.u32 $0x7FFFFFFF, v6;
	v16 =	vsub.f32 v16, v18;
	v7 =	vadd.f32 v15, v7  }
0x155: {  	v22 =	vld [tilespmem:s30+$0x50];
	v32 =	vsub.f32 v18, v8;
	v28 =	vadd.f32 v3, v2;
	v25 =	vand.u32 $0x7FFFFFFF, v35  }
0x156: {  	v58 =	vld [tilespmem:s28+$0x50];
	v44 =	vand.u32 $0x7FFFFFFF, v40;
	v7 =	vadd.f32 v20, v7;
	v39 =	vadd.f32 v25, v24  }
0x157: {  	vm13 =	vgt.f32 v3, $0.0e+00;
	v3 =	vsub.f32 v57, v8;
	v15 =	vand.u32 $0x7FFFFFFF, v32  }
0x158: {  	v30 =	vld [tilespmem:s28+$0x2D50];
	v5 =	vand.u32 $0x7FFFFFFF, v5;
	v7 =	vadd.f32 v15, v7;
	v43 =	vadd.f32 v41, v39  }
0x159: {  	v63 =	vld [tilespmem:s30+$0x2D51];
	v61 =	vand.u32 $0x7FFFFFFF, v16;
	v8 =	vsub.f32 v12, v8;
	v46 =	vsub.f32 v59, v9  }
0x15a: {  	v62 =	vld [tilespmem:s30+$0x2D50];
	v57 =	vand.u32 $0x7FFFFFFF, v13;
	v7 =	vadd.f32 v7, v38;
	v47 =	vadd.f32 v45, v43  }
0x15b: {  	v13 =	vsub.f32 v22, v58;
	v49 =	vand.u32 $0x7FFFFFFF, v46;
	v50 =	vsub.f32 v60, v4  }
0x15c: {  	vm12 =	vgt.f32 v2, $0.0e+00;
	v2 =	vadd.f32 v7, v44;
	v7 =	vadd.f32 v47, v49  }
0x15d: {  	v17 =	vld [tilespmem:s29+$0x50];
	vm0 =	vmand vm12, vm13;
	v15 =	vand.u32 $0x7FFFFFFF, v48;
	v51 =	vand.u32 $0x7FFFFFFF, v50  }
0x15e: {  	v32 =	vld [tilespmem:s28+$0x2D51];
	v3 =	vand.u32 $0x7FFFFFFF, v3;
	v2 =	vadd.f32 v2, v15;
	v7 =	vadd.f32 v7, v51  }
0x15f: {  	v36 =	vld [tilespmem:s0+$0x2D51];
	v56 =	vnsel vm0, $0x0, v28;
	v37 =	vsub.f32 v62, v63;
	v12 =	vsub.f32 v62, v30  }
0x160: {  	v14 =	vmul.f32 s31, v28;
	v60 =	vld [tilespmem:s28+$0x51];
	v2 =	vadd.f32 v2, v3;
	v3 =	vadd.f32 v7, v53  }
0x161: {  	v34 =	vld [tilespmem:s0+$0x2D50];
	v59 =	vmul.f32 s31, v56;
	v9 =	vsub.f32 v9, v31;
	v4 =	vsub.f32 v4, v33  }
0x162: {  	v18 =	vld [tilespmem:s0+$0x50];
	v8 =	vand.u32 $0x7FFFFFFF, v8;
	v0 =	vadd.f32 v14, v0;
	v3 =	vadd.f32 v3, v55  }
0x163: {  	v13 =	vand.u32 $0x7FFFFFFF, v13;
	v1 =	vadd.f32 v59, v1;
	v40 =	vsub.f32 v30, v32  }
0x164: {  	v9 =	vand.u32 $0x7FFFFFFF, v9;
	v2 =	vadd.f32 v2, v11;
	v11 =	vld [tilespmem:s29+$0x51];
	v3 =	vadd.f32 v3, v57  }
0x165: {  	v4 =	vand.u32 $0x7FFFFFFF, v4;
	v33 =	vsub.f32 v58, v60;
	v39 =	vsub.f32 v22, v17;
	v7 =	vld [tilespmem:s30+$0x51]  }
0x166: {  	v24 =	vand.u32 $0x7FFFFFFF, v37;
	v2 =	vadd.f32 v2, v5;
	v3 =	vadd.f32 v3, v6  }
0x167: {  	v44 =	vand.u32 $0x7FFFFFFF, v40;
	v45 =	vsub.f32 v34, v36;
	v51 =	vsub.f32 v58, v18  }
0x168: {  	v20 =	vand.u32 $0x7FFFFFFF, v33;
	v2 =	vadd.f32 v2, v61;
	v61 =	vld [tilespmem:s28+$0x60];
	v3 =	vadd.f32 v3, v9  }
0x169: {  	v41 =	vand.u32 $0x7FFFFFFF, v39;
	v5 =	vsub.f32 v63, v32;
	v29 =	vsub.f32 v17, v11;
	v9 =	vld [tilespmem:s29+$0x2D50]  }
0x16a: {  	v48 =	vand.u32 $0x7FFFFFFF, v45;
	v28 =	vsub.f32 v22, v7;
	v3 =	vadd.f32 v3, v4;
	v4 =	vld [tilespmem:s29+$0x2D51]  }
0x16b: {  	v5 =	vand.u32 $0x7FFFFFFF, v5;
	v17 =	vsub.f32 v17, v18;
	v2 =	vadd.f32 v2, v8;
	v6 =	vld [tilespmem:s0+$0x51]  }
0x16c: {  	v55 =	vsub.f32 v30, v34;
	v15 =	vand.u32 $0x7FFFFFFF, v29;
	v29 =	vld [tilespmem:s30+$0x2D61];
	v8 =	vand.u32 $0x7FFFFFFF, v28  }
0x16d: {  	v27 =	vand.u32 $0x7FFFFFFF, v17;
	v57 =	vsub.f32 v32, v36;
	v22 =	vld [tilespmem:s30+$0x60];
	v8 =	vadd.f32 v15, v8  }
0x16e: {  	vm14 =	vgt.f32 v2, $0.0e+00;
	v43 =	vsub.f32 v7, v11;
	v7 =	vsub.f32 v7, v60;
	v28 =	vld [tilespmem:s30+$0x2D60]  }
0x16f: {  	v56 =	vand.u32 $0x7FFFFFFF, v55;
	v8 =	vadd.f32 v20, v8;
	v38 =	vsub.f32 v9, v4  }
0x170: {  	v33 =	vld [tilespmem:s28+$0x2D60];
	v58 =	vand.u32 $0x7FFFFFFF, v57;
	v35 =	vsub.f32 v18, v6;
	v31 =	vadd.f32 v3, v2  }
0x171: {  	vm15 =	vgt.f32 v3, $0.0e+00;
	v3 =	vsub.f32 v60, v6;
	v25 =	vand.u32 $0x7FFFFFFF, v38  }
0x172: {  	v60 =	vand.u32 $0x7FFFFFFF, v12;
	v6 =	vsub.f32 v11, v6;
	v42 =	vadd.f32 v25, v24  }
0x173: {  	v39 =	vsub.f32 v28, v29;
	v12 =	vsub.f32 v22, v61;
	v15 =	vand.u32 $0x7FFFFFFF, v35  }
0x174: {  	v30 =	vld [tilespmem:s29+$0x2D60];
	v47 =	vand.u32 $0x7FFFFFFF, v43;
	v8 =	vadd.f32 v15, v8;
	v46 =	vadd.f32 v44, v42  }
0x175: {  	v11 =	vsub.f32 v28, v33;
	v49 =	vsub.f32 v62, v9;
	vm0 =	vmand vm14, vm15  }
0x176: {  	v15 =	vand.u32 $0x7FFFFFFF, v51;
	v8 =	vadd.f32 v8, v41;
	v50 =	vadd.f32 v48, v46  }
0x177: {  	v16 =	vld [tilespmem:s29+$0x60];
	v3 =	vand.u32 $0x7FFFFFFF, v3;
	v52 =	vand.u32 $0x7FFFFFFF, v49;
	v53 =	vsub.f32 v63, v4  }
0x178: {  	v18 =	vld [tilespmem:s0+$0x60];
	v14 =	vmul.f32 s31, v31;
	v2 =	vadd.f32 v8, v47;
	v8 =	vadd.f32 v50, v52  }
0x179: {  	v51 =	vsub.f32 v28, v30;
	v63 =	vld [tilespmem:s28+$0x61];
	v9 =	vsub.f32 v9, v34;
	v54 =	vand.u32 $0x7FFFFFFF, v53  }
0x17a: {  	v59 =	vnsel vm0, $0x0, v31;
	v34 =	vld [tilespmem:s28+$0x2D61];
	v2 =	vadd.f32 v2, v15;
	v8 =	vadd.f32 v8, v54  }
0x17b: {  	v62 =	vmul.f32 s31, v59;
	v4 =	vsub.f32 v4, v36;
	v36 =	vld [tilespmem:s0+$0x2D60];
	v0 =	vadd.f32 v14, v0  }
0x17c: {  	v7 =	vand.u32 $0x7FFFFFFF, v7;
	v38 =	vld [tilespmem:s0+$0x2D61];
	v2 =	vadd.f32 v2, v3;
	v3 =	vadd.f32 v8, v56  }
0x17d: {  	v6 =	vand.u32 $0x7FFFFFFF, v6;
	v41 =	vsub.f32 v22, v16;
	v1 =	vadd.f32 v62, v1  }
0x17e: {  	v12 =	vand.u32 $0x7FFFFFFF, v12;
	v53 =	vsub.f32 v61, v18;
	v3 =	vadd.f32 v3, v58  }
0x17f: {  	v9 =	vand.u32 $0x7FFFFFFF, v9;
	v35 =	vsub.f32 v61, v63;
	v2 =	vadd.f32 v2, v13;
	v13 =	vld [tilespmem:s29+$0x61]  }
0x180: {  	v4 =	vand.u32 $0x7FFFFFFF, v4;
	v42 =	vsub.f32 v33, v34;
	v8 =	vld [tilespmem:s30+$0x61];
	v3 =	vadd.f32 v3, v60  }
0x181: {  	v62 =	vand.u32 $0x7FFFFFFF, v11;
	v57 =	vsub.f32 v33, v36;
	v47 =	vsub.f32 v36, v38  }
0x182: {  	v24 =	vand.u32 $0x7FFFFFFF, v39;
	v2 =	vadd.f32 v2, v7;
	v3 =	vadd.f32 v3, v5  }
0x183: {  	v43 =	vand.u32 $0x7FFFFFFF, v41;
	v33 =	vld [tilespmem:s29+$0x2D70];
	v59 =	vsub.f32 v34, v38;
	v7 =	vsub.f32 v29, v34  }
0x184: {  	v20 =	vand.u32 $0x7FFFFFFF, v35;
	v34 =	vld [tilespmem:s29+$0x2D71];
	v2 =	vadd.f32 v2, v27;
	v3 =	vadd.f32 v3, v9  }
0x185: {  	v46 =	vand.u32 $0x7FFFFFFF, v42;
	v32 =	vsub.f32 v16, v13;
	v31 =	vsub.f32 v22, v8;
	v5 =	vld [tilespmem:s0+$0x61]  }
0x186: {  	v50 =	vand.u32 $0x7FFFFFFF, v47;
	v2 =	vadd.f32 v2, v6;
	v3 =	vadd.f32 v3, v4;
	v4 =	vld [tilespmem:s29+$0x2D61]  }
0x187: {  	v15 =	vand.u32 $0x7FFFFFFF, v32;
	v45 =	vsub.f32 v8, v13;
	v6 =	vand.u32 $0x7FFFFFFF, v31  }
0x188: {  	v54 =	vand.u32 $0x7FFFFFFF, v51;
	v16 =	vsub.f32 v16, v18;
	v6 =	vadd.f32 v15, v6  }
0x189: {  	v8 =	vsub.f32 v8, v63;
	v49 =	vand.u32 $0x7FFFFFFF, v45;
	v45 =	vsub.f32 v33, v34  }
0x18a: {  	v7 =	vand.u32 $0x7FFFFFFF, v7;
	v9 =	vsub.f32 v30, v36;
	v6 =	vadd.f32 v20, v6  }
0x18b: {  	vm4 =	vgt.f32 v2, $0.0e+00;
	v37 =	vsub.f32 v18, v5;
	v40 =	vsub.f32 v30, v4  }
0x18c: {  	v39 =	vld [tilespmem:s28+$0x2D71];
	v14 =	vadd.f32 v3, v2;
	vm5 =	vgt.f32 v3, $0.0e+00;
	v3 =	vsub.f32 v63, v5  }
0x18d: {  	v22 =	vld [tilespmem:s30+$0x70];
	v5 =	vsub.f32 v13, v5;
	v15 =	vand.u32 $0x7FFFFFFF, v37;
	v25 =	vand.u32 $0x7FFFFFFF, v40  }
0x18e: {  	v63 =	vld [tilespmem:s28+$0x70];
	vm0 =	vmand vm4, vm5;
	v6 =	vadd.f32 v15, v6;
	v44 =	vadd.f32 v25, v24  }
0x18f: {  	v37 =	vld [tilespmem:s28+$0x2D70];
	v61 =	vnsel vm0, $0x0, v14;
	v14 =	vmul.f32 s31, v14;
	v55 =	vsub.f32 v29, v4  }
0x190: {  	v31 =	vld [tilespmem:s30+$0x2D70];
	v28 =	vmul.f32 s31, v61;
	v4 =	vsub.f32 v4, v38;
	v48 =	vadd.f32 v46, v44  }
0x191: {  	v58 =	vand.u32 $0x7FFFFFFF, v57;
	v32 =	vld [tilespmem:s30+$0x2D71];
	v6 =	vadd.f32 v6, v43;
	v0 =	vadd.f32 v14, v0  }
0x192: {  	v60 =	vand.u32 $0x7FFFFFFF, v59;
	v29 =	vld [tilespmem:s28+$0x71];
	v1 =	vadd.f32 v28, v1;
	v52 =	vadd.f32 v50, v48  }
0x193: {  	v17 =	vld [tilespmem:s29+$0x70];
	v8 =	vand.u32 $0x7FFFFFFF, v8;
	v11 =	vsub.f32 v22, v63;
	v2 =	vadd.f32 v6, v49  }
0x194: {  	v15 =	vand.u32 $0x7FFFFFFF, v53;
	v47 =	vsub.f32 v37, v39;
	v6 =	vadd.f32 v52, v54  }
0x195: {  	v43 =	vld [tilespmem:s0+$0x2D71];
	v56 =	vand.u32 $0x7FFFFFFF, v55;
	v13 =	vsub.f32 v31, v37;
	v2 =	vadd.f32 v2, v15  }
0x196: {  	v41 =	vld [tilespmem:s0+$0x2D70];
	v3 =	vand.u32 $0x7FFFFFFF, v3;
	v44 =	vsub.f32 v31, v32;
	v6 =	vadd.f32 v6, v56  }
0x197: {  	v25 =	vand.u32 $0x7FFFFFFF, v45;
	v40 =	vsub.f32 v63, v29;
	v2 =	vadd.f32 v2, v3  }
0x198: {  	v46 =	vsub.f32 v22, v17;
	v24 =	vand.u32 $0x7FFFFFFF, v44;
	v3 =	vadd.f32 v6, v58  }
0x199: {  	v9 =	vand.u32 $0x7FFFFFFF, v9;
	v49 =	vadd.f32 v25, v24;
	v2 =	vadd.f32 v2, v12;
	v12 =	vld [tilespmem:s29+$0x71]  }
0x19a: {  	v51 =	vand.u32 $0x7FFFFFFF, v47;
	v24 =	vsub.f32 v39, v43;
	v6 =	vld [tilespmem:s30+$0x71];
	v3 =	vadd.f32 v3, v60  }
0x19b: {  	v18 =	vld [tilespmem:s0+$0x70];
	v5 =	vand.u32 $0x7FFFFFFF, v5;
	v52 =	vsub.f32 v41, v43;
	v53 =	vadd.f32 v51, v49  }
0x19c: {  	v30 =	vand.u32 $0x7FFFFFFF, v16;
	v2 =	vadd.f32 v2, v8;
	v3 =	vadd.f32 v3, v62  }
0x19d: {  	v4 =	vand.u32 $0x7FFFFFFF, v4;
	v56 =	vsub.f32 v31, v33;
	v8 =	vsub.f32 v32, v39  }
0x19e: {  	v11 =	vand.u32 $0x7FFFFFFF, v11;
	v2 =	vadd.f32 v2, v30;
	v3 =	vadd.f32 v3, v7;
	v7 =	vld [tilespmem:s0+$0x71]  }
0x19f: {  	v55 =	vand.u32 $0x7FFFFFFF, v52;
	v36 =	vsub.f32 v17, v12;
	v35 =	vsub.f32 v22, v6  }
0x1a0: {  	v27 =	vand.u32 $0x7FFFFFFF, v13;
	v57 =	vadd.f32 v55, v53;
	v58 =	vsub.f32 v63, v18  }
0x1a1: {  	v2 =	vadd.f32 v2, v5;
	v15 =	vand.u32 $0x7FFFFFFF, v36;
	v5 =	vand.u32 $0x7FFFFFFF, v35  }
0x1a2: {  	v28 =	vld [tilespmem:s28+$0x80];
	v20 =	vand.u32 $0x7FFFFFFF, v40;
	v17 =	vsub.f32 v17, v18;
	v5 =	vadd.f32 v15, v5  }
0x1a3: {  	v48 =	vand.u32 $0x7FFFFFFF, v46;
	v30 =	vld [tilespmem:s28+$0x81];
	v60 =	vsub.f32 v32, v34;
	v42 =	vsub.f32 v18, v7  }
0x1a4: {  	v25 =	vand.u32 $0x7FFFFFFF, v24;
	v62 =	vsub.f32 v37, v41;
	v5 =	vadd.f32 v20, v5  }
0x1a5: {  	v16 =	vld [tilespmem:s29+$0x80];
	v50 =	vsub.f32 v6, v12;
	v3 =	vadd.f32 v3, v9;
	v15 =	vand.u32 $0x7FFFFFFF, v42  }
0x1a6: {  	v40 =	vld [tilespmem:s28+$0x2D81];
	v59 =	vand.u32 $0x7FFFFFFF, v56;
	v6 =	vsub.f32 v6, v29;
	v5 =	vadd.f32 v15, v5  }
0x1a7: {  	v44 =	vld [tilespmem:s0+$0x2D81];
	v8 =	vand.u32 $0x7FFFFFFF, v8;
	v9 =	vsub.f32 v33, v41;
	v3 =	vadd.f32 v3, v4  }
0x1a8: {  	vm6 =	vgt.f32 v2, $0.0e+00;
	v22 =	vld [tilespmem:s30+$0x80];
	v41 =	vsub.f32 v28, v30;
	v5 =	vadd.f32 v5, v48  }
0x1a9: {  	v32 =	vld [tilespmem:s30+$0x2D80];
	v54 =	vand.u32 $0x7FFFFFFF, v50;
	v4 =	vsub.f32 v34, v43;
	v38 =	vadd.f32 v3, v2  }
0x1aa: {  	v61 =	vand.u32 $0x7FFFFFFF, v60;
	v33 =	vld [tilespmem:s30+$0x2D81];
	v2 =	vadd.f32 v5, v54;
	v5 =	vadd.f32 v57, v59  }
0x1ab: {  	v35 =	vld [tilespmem:s29+$0x2D81];
	vm7 =	vgt.f32 v3, $0.0e+00;
	v3 =	vsub.f32 v29, v7;
	v15 =	vand.u32 $0x7FFFFFFF, v58  }
0x1ac: {  	v63 =	vand.u32 $0x7FFFFFFF, v62;
	v34 =	vld [tilespmem:s29+$0x2D80];
	v2 =	vadd.f32 v2, v15;
	v5 =	vadd.f32 v5, v61  }
0x1ad: {  	v47 =	vsub.f32 v22, v16;
	vm0 =	vmand vm6, vm7;
	v42 =	vld [tilespmem:s0+$0x2D80];
	v3 =	vand.u32 $0x7FFFFFFF, v3  }
0x1ae: {  	v18 =	vld [tilespmem:s0+$0x80];
	v26 =	vnsel vm0, $0x0, v38;
	v2 =	vadd.f32 v2, v3;
	v3 =	vadd.f32 v5, v63  }
0x1af: {  	v7 =	vsub.f32 v12, v7;
	v45 =	vsub.f32 v32, v33;
	v29 =	vmul.f32 s31, v26;
	v5 =	vld [tilespmem:s30+$0x81]  }
0x1b0: {  	v31 =	vand.u32 $0x7FFFFFFF, v17;
	v2 =	vadd.f32 v2, v11;
	v3 =	vadd.f32 v3, v25;
	v11 =	vld [tilespmem:s29+$0x81]  }
0x1b1: {  	v14 =	vmul.f32 s31, v38;
	v38 =	vld [tilespmem:s28+$0x2D80];
	v46 =	vsub.f32 v34, v35;
	v1 =	vadd.f32 v29, v1  }
0x1b2: {  	v6 =	vand.u32 $0x7FFFFFFF, v6;
	v53 =	vsub.f32 v42, v44;
	v3 =	vadd.f32 v3, v27  }
0x1b3: {  	v9 =	vand.u32 $0x7FFFFFFF, v9;
	v57 =	vsub.f32 v32, v34;
	v2 =	vadd.f32 v2, v6  }
0x1b4: {  	v20 =	vand.u32 $0x7FFFFFFF, v41;
	v36 =	vsub.f32 v22, v5;
	v3 =	vadd.f32 v3, v8;
	v8 =	vld [tilespmem:s0+$0x81]  }
0x1b5: {  	v4 =	vand.u32 $0x7FFFFFFF, v4;
	v2 =	vadd.f32 v2, v31;
	v37 =	vsub.f32 v16, v11  }
0x1b6: {  	v7 =	vand.u32 $0x7FFFFFFF, v7;
	v59 =	vsub.f32 v28, v18;
	v48 =	vsub.f32 v38, v40  }
0x1b7: {  	v2 =	vadd.f32 v2, v7;
	v7 =	vand.u32 $0x7FFFFFFF, v36;
	v15 =	vand.u32 $0x7FFFFFFF, v37  }
0x1b8: {  	v24 =	vand.u32 $0x7FFFFFFF, v45;
	v12 =	vsub.f32 v32, v38;
	v7 =	vadd.f32 v15, v7  }
0x1b9: {  	v61 =	vsub.f32 v33, v35;
	v25 =	vand.u32 $0x7FFFFFFF, v46;
	v43 =	vsub.f32 v18, v8  }
0x1ba: {  	v49 =	vand.u32 $0x7FFFFFFF, v47;
	v50 =	vadd.f32 v25, v24;
	v7 =	vadd.f32 v20, v7  }
0x1bb: {  	v52 =	vand.u32 $0x7FFFFFFF, v48;
	v3 =	vadd.f32 v3, v9;
	v15 =	vand.u32 $0x7FFFFFFF, v43  }
0x1bc: {  	v56 =	vand.u32 $0x7FFFFFFF, v53;
	v54 =	vadd.f32 v52, v50;
	v7 =	vadd.f32 v15, v7  }
0x1bd: {  	v60 =	vand.u32 $0x7FFFFFFF, v57;
	v51 =	vsub.f32 v5, v11;
	v3 =	vadd.f32 v3, v4  }
0x1be: {  	v62 =	vand.u32 $0x7FFFFFFF, v61;
	v58 =	vadd.f32 v56, v54;
	v7 =	vadd.f32 v7, v49  }
0x1bf: {  	v63 =	vsub.f32 v38, v42;
	v55 =	vand.u32 $0x7FFFFFFF, v51;
	v39 =	vadd.f32 v3, v2  }
0x1c0: {  	vm8 =	vgt.f32 v2, $0.0e+00;
	v2 =	vadd.f32 v7, v55;
	v7 =	vadd.f32 v58, v60  }
0x1c1: {  	v17 =	vld [tilespmem:s29+$0x90];
	vm9 =	vgt.f32 v3, $0.0e+00;
	v3 =	vsub.f32 v30, v8;
	v15 =	vand.u32 $0x7FFFFFFF, v59  }
0x1c2: {  	v29 =	vld [tilespmem:s28+$0x90];
	v24 =	vand.u32 $0x7FFFFFFF, v63;
	v2 =	vadd.f32 v2, v15;
	v7 =	vadd.f32 v7, v62  }
0x1c3: {  	v38 =	vld [tilespmem:s28+$0x2D90];
	v25 =	vsub.f32 v40, v44;
	v6 =	vsub.f32 v33, v40;
	v3 =	vand.u32 $0x7FFFFFFF, v3  }
0x1c4: {  	v33 =	vld [tilespmem:s30+$0x2D90];
	v2 =	vadd.f32 v2, v3;
	v3 =	vadd.f32 v7, v24  }
0x1c5: {  	v40 =	vld [tilespmem:s28+$0x2D91];
	v26 =	vand.u32 $0x7FFFFFFF, v25  }
0x1c6: {  	v13 =	vsub.f32 v22, v28;
	v22 =	vld [tilespmem:s30+$0x90];
	v3 =	vadd.f32 v3, v26  }
0x1c7: {  	v28 =	vand.u32 $0x7FFFFFFF, v12;
	v31 =	vld [tilespmem:s28+$0x91];
	v5 =	vsub.f32 v5, v30  }
0x1c8: {  	v13 =	vand.u32 $0x7FFFFFFF, v13;
	v9 =	vsub.f32 v34, v42;
	v34 =	vld [tilespmem:s30+$0x2D91];
	v3 =	vadd.f32 v3, v28  }
0x1c9: {  	v0 =	vadd.f32 v14, v0;
	v6 =	vand.u32 $0x7FFFFFFF, v6;
	v16 =	vsub.f32 v16, v18;
	v42 =	vld [tilespmem:s0+$0x2D90]  }
0x1ca: {  	v5 =	vand.u32 $0x7FFFFFFF, v5;
	v4 =	vsub.f32 v35, v44;
	v35 =	vld [tilespmem:s29+$0x2D90];
	v3 =	vadd.f32 v3, v6  }
0x1cb: {  	v48 =	vsub.f32 v38, v40;
	v9 =	vand.u32 $0x7FFFFFFF, v9;
	v47 =	vsub.f32 v22, v17;
	v7 =	vld [tilespmem:s30+$0x91]  }
0x1cc: {  	v32 =	vand.u32 $0x7FFFFFFF, v16;
	v2 =	vadd.f32 v2, v13;
	v13 =	vld [tilespmem:s29+$0x91];
	v3 =	vadd.f32 v3, v9  }
0x1cd: {  	v44 =	vld [tilespmem:s0+$0x2D91];
	v12 =	vsub.f32 v22, v29;
	v41 =	vsub.f32 v29, v31;
	v4 =	vand.u32 $0x7FFFFFFF, v4  }
0x1ce: {  	v52 =	vand.u32 $0x7FFFFFFF, v48;
	v2 =	vadd.f32 v2, v5;
	v3 =	vadd.f32 v3, v4;
	v4 =	vld [tilespmem:s29+$0x2D91]  }
0x1cf: {  	v18 =	vld [tilespmem:s0+$0x90];
	v8 =	vsub.f32 v11, v8;
	v11 =	vsub.f32 v33, v38;
	vm0 =	vmand vm8, vm9  }
0x1d0: {  	v20 =	vand.u32 $0x7FFFFFFF, v41;
	v45 =	vsub.f32 v33, v34;
	v6 =	vld [tilespmem:s0+$0x91];
	v2 =	vadd.f32 v2, v32  }
0x1d1: {  	v8 =	vand.u32 $0x7FFFFFFF, v8;
	v36 =	vsub.f32 v22, v7;
	v37 =	vsub.f32 v17, v13  }
0x1d2: {  	v63 =	vsub.f32 v38, v42;
	v27 =	vnsel vm0, $0x0, v39;
	v2 =	vadd.f32 v2, v8  }
0x1d3: {  	v8 =	vand.u32 $0x7FFFFFFF, v36;
	v15 =	vand.u32 $0x7FFFFFFF, v37;
	v46 =	vsub.f32 v35, v4  }
0x1d4: {  	v14 =	vmul.f32 s31, v39;
	v53 =	vsub.f32 v42, v44;
	v8 =	vadd.f32 v15, v8  }
0x1d5: {  	v24 =	vand.u32 $0x7FFFFFFF, v45;
	v43 =	vsub.f32 v18, v6;
	v25 =	vand.u32 $0x7FFFFFFF, v46  }
0x1d6: {  	v30 =	vmul.f32 s31, v27;
	v8 =	vadd.f32 v20, v8;
	v50 =	vadd.f32 v25, v24  }
0x1d7: {  	v57 =	vsub.f32 v33, v35;
	v51 =	vsub.f32 v7, v13;
	v15 =	vand.u32 $0x7FFFFFFF, v43  }
0x1d8: {  	v49 =	vand.u32 $0x7FFFFFFF, v47;
	v8 =	vadd.f32 v15, v8;
	v54 =	vadd.f32 v52, v50  }
0x1d9: {  	v59 =	vsub.f32 v29, v18;
	v56 =	vand.u32 $0x7FFFFFFF, v53;
	v60 =	vand.u32 $0x7FFFFFFF, v57  }
0x1da: {  	v55 =	vand.u32 $0x7FFFFFFF, v51;
	v8 =	vadd.f32 v8, v49;
	v58 =	vadd.f32 v56, v54  }
0x1db: {  	vm10 =	vgt.f32 v2, $0.0e+00;
	v39 =	vadd.f32 v3, v2;
	v61 =	vsub.f32 v34, v4  }
0x1dc: {  	vm11 =	vgt.f32 v3, $0.0e+00;
	v2 =	vadd.f32 v8, v55;
	v8 =	vadd.f32 v58, v60  }
0x1dd: {  	v41 =	vld [tilespmem:s28+$0x2DA0];
	v3 =	vsub.f32 v31, v6;
	v15 =	vand.u32 $0x7FFFFFFF, v59;
	v62 =	vand.u32 $0x7FFFFFFF, v61  }
0x1de: {  	v27 =	vand.u32 $0x7FFFFFFF, v63;
	v22 =	vld [tilespmem:s30+$0xA0];
	v2 =	vadd.f32 v2, v15;
	v8 =	vadd.f32 v8, v62  }
0x1df: {  	v28 =	vsub.f32 v40, v44;
	v5 =	vsub.f32 v34, v40;
	v32 =	vld [tilespmem:s28+$0xA0];
	v3 =	vand.u32 $0x7FFFFFFF, v3  }
0x1e0: {  	v12 =	vand.u32 $0x7FFFFFFF, v12;
	v36 =	vld [tilespmem:s30+$0x2DA0];
	v2 =	vadd.f32 v2, v3;
	v3 =	vadd.f32 v8, v27  }
0x1e1: {  	v0 =	vadd.f32 v14, v0;
	v1 =	vadd.f32 v30, v1;
	v29 =	vand.u32 $0x7FFFFFFF, v28;
	v37 =	vld [tilespmem:s30+$0x2DA1]  }
0x1e2: {  	v16 =	vld [tilespmem:s29+$0xA0];
	v5 =	vand.u32 $0x7FFFFFFF, v5;
	v7 =	vsub.f32 v7, v31;
	v3 =	vadd.f32 v3, v29  }
0x1e3: {  	v38 =	vld [tilespmem:s29+$0x2DA0];
	v17 =	vsub.f32 v17, v18;
	v9 =	vsub.f32 v35, v42;
	v31 =	vand.u32 $0x7FFFFFFF, v11  }
0x1e4: {  	v42 =	vld [tilespmem:s28+$0x2DA1];
	v7 =	vand.u32 $0x7FFFFFFF, v7;
	v6 =	vsub.f32 v13, v6;
	v3 =	vadd.f32 v3, v31  }
0x1e5: {  	v9 =	vand.u32 $0x7FFFFFFF, v9;
	v18 =	vld [tilespmem:s0+$0xA0];
	v11 =	vsub.f32 v22, v32;
	v13 =	vsub.f32 v36, v41  }
0x1e6: {  	vm0 =	vmand vm10, vm11;
	v47 =	vsub.f32 v36, v37;
	v34 =	vld [tilespmem:s28+$0xA1];
	v3 =	vadd.f32 v3, v5  }
0x1e7: {  	v14 =	vmul.f32 s31, v39;
	v4 =	vsub.f32 v4, v44;
	v2 =	vadd.f32 v2, v12;
	v12 =	vld [tilespmem:s29+$0xA1]  }
0x1e8: {  	v30 =	vnsel vm0, $0x0, v39;
	v59 =	vsub.f32 v36, v38;
	v8 =	vld [tilespmem:s30+$0xA1];
	v3 =	vadd.f32 v3, v9  }
0x1e9: {  	v33 =	vmul.f32 s31, v30;
	v44 =	vld [tilespmem:s0+$0x2DA0];
	v0 =	vadd.f32 v14, v0;
	v4 =	vand.u32 $0x7FFFFFFF, v4  }
0x1ea: {  	v6 =	vand.u32 $0x7FFFFFFF, v6;
	v2 =	vadd.f32 v2, v7;
	v3 =	vadd.f32 v3, v4;
	v4 =	vld [tilespmem:s29+$0x2DA1]  }
0x1eb: {  	v35 =	vand.u32 $0x7FFFFFFF, v17;
	v49 =	vsub.f32 v22, v16;
	v1 =	vadd.f32 v33, v1;
	v46 =	vld [tilespmem:s0+$0x2DA1]  }
0x1ec: {  	v11 =	vand.u32 $0x7FFFFFFF, v11;
	v61 =	vsub.f32 v32, v18;
	v2 =	vadd.f32 v2, v35;
	v5 =	vld [tilespmem:s0+$0xA1]  }
0x1ed: {  	v24 =	vand.u32 $0x7FFFFFFF, v47;
	v40 =	vsub.f32 v16, v12;
	v39 =	vsub.f32 v22, v8  }
0x1ee: {  	v51 =	vand.u32 $0x7FFFFFFF, v49;
	v43 =	vsub.f32 v32, v34;
	v2 =	vadd.f32 v2, v6  }
0x1ef: {  	v15 =	vand.u32 $0x7FFFFFFF, v40;
	v6 =	vand.u32 $0x7FFFFFFF, v39;
	v48 =	vsub.f32 v38, v4  }
0x1f0: {  	v50 =	vsub.f32 v41, v42;
	v20 =	vand.u32 $0x7FFFFFFF, v43;
	v6 =	vadd.f32 v15, v6  }
0x1f1: {  	v55 =	vsub.f32 v44, v46;
	v45 =	vsub.f32 v18, v5;
	v25 =	vand.u32 $0x7FFFFFFF, v48  }
0x1f2: {  	v54 =	vand.u32 $0x7FFFFFFF, v50;
	v6 =	vadd.f32 v20, v6;
	v52 =	vadd.f32 v25, v24  }
0x1f3: {  	v7 =	vsub.f32 v37, v42;
	v29 =	vsub.f32 v41, v44;
	v15 =	vand.u32 $0x7FFFFFFF, v45  }
0x1f4: {  	v58 =	vand.u32 $0x7FFFFFFF, v55;
	v6 =	vadd.f32 v15, v6;
	v56 =	vadd.f32 v54, v52  }
0x1f5: {  	v62 =	vand.u32 $0x7FFFFFFF, v59;
	v31 =	vsub.f32 v42, v46;
	v53 =	vsub.f32 v8, v12  }
0x1f6: {  	vm12 =	vgt.f32 v2, $0.0e+00;
	v6 =	vadd.f32 v6, v51;
	v60 =	vadd.f32 v58, v56  }
0x1f7: {  	v35 =	vld [tilespmem:s28+$0xB0];
	v57 =	vand.u32 $0x7FFFFFFF, v53;
	v14 =	vadd.f32 v3, v2;
	v63 =	vsub.f32 v37, v4  }
0x1f8: {  	v40 =	vld [tilespmem:s30+$0x2DB1];
	vm13 =	vgt.f32 v3, $0.0e+00;
	v2 =	vadd.f32 v6, v57;
	v6 =	vadd.f32 v60, v62  }
0x1f9: {  	v22 =	vld [tilespmem:s30+$0xB0];
	v3 =	vsub.f32 v34, v5;
	v15 =	vand.u32 $0x7FFFFFFF, v61;
	v28 =	vand.u32 $0x7FFFFFFF, v63  }
0x1fa: {  	v30 =	vand.u32 $0x7FFFFFFF, v29;
	v39 =	vld [tilespmem:s30+$0x2DB0];
	v2 =	vadd.f32 v2, v15;
	v6 =	vadd.f32 v6, v28  }
0x1fb: {  	v17 =	vld [tilespmem:s29+$0xB0];
	v8 =	vsub.f32 v8, v34;
	v9 =	vsub.f32 v38, v44;
	v3 =	vand.u32 $0x7FFFFFFF, v3  }
0x1fc: {  	v7 =	vand.u32 $0x7FFFFFFF, v7;
	v44 =	vld [tilespmem:s28+$0x2DB0];
	v2 =	vadd.f32 v2, v3;
	v3 =	vadd.f32 v6, v30  }
0x1fd: {  	v47 =	vld [tilespmem:s0+$0x2DB0];
	v16 =	vsub.f32 v16, v18;
	v32 =	vand.u32 $0x7FFFFFFF, v31;
	v8 =	vand.u32 $0x7FFFFFFF, v8  }
0x1fe: {  	v49 =	vld [tilespmem:s0+$0x2DB1];
	v34 =	vand.u32 $0x7FFFFFFF, v13;
	v5 =	vsub.f32 v12, v5;
	v3 =	vadd.f32 v3, v32  }
0x1ff: {  	v50 =	vsub.f32 v39, v40;
	v13 =	vsub.f32 v22, v35;
	vm0 =	vmand vm12, vm13;
	v45 =	vld [tilespmem:s28+$0x2DB1]  }
0x200: {  	v33 =	vnsel vm0, $0x0, v14;
	v14 =	vmul.f32 s31, v14;
	v37 =	vld [tilespmem:s28+$0xB1];
	v3 =	vadd.f32 v3, v34  }
0x201: {  	v41 =	vld [tilespmem:s29+$0x2DB0];
	v12 =	vsub.f32 v39, v44;
	v36 =	vmul.f32 s31, v33;
	v4 =	vsub.f32 v4, v46  }
0x202: {  	v9 =	vand.u32 $0x7FFFFFFF, v9;
	v18 =	vld [tilespmem:s0+$0xB0];
	v0 =	vadd.f32 v14, v0;
	v3 =	vadd.f32 v3, v7  }
0x203: {  	v5 =	vand.u32 $0x7FFFFFFF, v5;
	v1 =	vadd.f32 v36, v1;
	v2 =	vadd.f32 v2, v11;
	v11 =	vld [tilespmem:s29+$0xB1]  }
0x204: {  	v13 =	vand.u32 $0x7FFFFFFF, v13;
	v53 =	vsub.f32 v44, v45;
	v6 =	vld [tilespmem:s30+$0xB1];
	v3 =	vadd.f32 v3, v9  }
0x205: {  	v4 =	vand.u32 $0x7FFFFFFF, v4;
	v46 =	vsub.f32 v35, v37;
	v52 =	vsub.f32 v22, v17  }
0x206: {  	v38 =	vand.u32 $0x7FFFFFFF, v16;
	v2 =	vadd.f32 v2, v8;
	v3 =	vadd.f32 v3, v4;
	v4 =	vld [tilespmem:s29+$0x2DB1]  }
0x207: {  	v24 =	vand.u32 $0x7FFFFFFF, v50;
	v58 =	vsub.f32 v47, v49;
	v62 =	vsub.f32 v39, v41  }
0x208: {  	v57 =	vand.u32 $0x7FFFFFFF, v53;
	v28 =	vsub.f32 v35, v18;
	v2 =	vadd.f32 v2, v38;
	v7 =	vld [tilespmem:s0+$0xB1]  }
0x209: {  	v20 =	vand.u32 $0x7FFFFFFF, v46;
	v43 =	vsub.f32 v17, v11;
	v42 =	vsub.f32 v22, v6  }
0x20a: {  	v54 =	vand.u32 $0x7FFFFFFF, v52;
	v8 =	vsub.f32 v40, v45;
	v2 =	vadd.f32 v2, v5  }
0x20b: {  	v15 =	vand.u32 $0x7FFFFFFF, v43;
	v5 =	vand.u32 $0x7FFFFFFF, v42;
	v51 =	vsub.f32 v41, v4  }
0x20c: {  	v61 =	vand.u32 $0x7FFFFFFF, v58;
	v17 =	vsub.f32 v17, v18;
	v5 =	vadd.f32 v15, v5  }
0x20d: {  	v32 =	vsub.f32 v44, v47;
	v48 =	vsub.f32 v18, v7;
	v25 =	vand.u32 $0x7FFFFFFF, v51  }
0x20e: {  	v29 =	vand.u32 $0x7FFFFFFF, v62;
	v5 =	vadd.f32 v20, v5;
	v55 =	vadd.f32 v25, v24  }
0x20f: {  	v34 =	vsub.f32 v45, v49;
	v56 =	vsub.f32 v6, v11;
	v15 =	vand.u32 $0x7FFFFFFF, v48  }
0x210: {  	v8 =	vand.u32 $0x7FFFFFFF, v8;
	v5 =	vadd.f32 v15, v5;
	v59 =	vadd.f32 v57, v55  }
0x211: {  	vm14 =	vgt.f32 v2, $0.0e+00;
	v6 =	vsub.f32 v6, v37;
	v9 =	vsub.f32 v41, v47  }
0x212: {  	v38 =	vld [tilespmem:s28+$0xC0];
	v33 =	vand.u32 $0x7FFFFFFF, v32;
	v5 =	vadd.f32 v5, v54;
	v63 =	vadd.f32 v61, v59  }
0x213: {  	v43 =	vld [tilespmem:s30+$0x2DC1];
	v60 =	vand.u32 $0x7FFFFFFF, v56;
	v14 =	vadd.f32 v3, v2;
	v30 =	vsub.f32 v40, v4  }
0x214: {  	v42 =	vld [tilespmem:s30+$0x2DC0];
	vm15 =	vgt.f32 v3, $0.0e+00;
	v2 =	vadd.f32 v5, v60;
	v5 =	vadd.f32 v63, v29  }
0x215: {  	v22 =	vld [tilespmem:s30+$0xC0];
	v3 =	vsub.f32 v37, v7;
	v15 =	vand.u32 $0x7FFFFFFF, v28;
	v31 =	vand.u32 $0x7FFFFFFF, v30  }
0x216: {  	v35 =	vand.u32 $0x7FFFFFFF, v34;
	v47 =	vld [tilespmem:s28+$0x2DC0];
	v2 =	vadd.f32 v2, v15;
	v5 =	vadd.f32 v5, v31  }
0x217: {  	v16 =	vld [tilespmem:s29+$0xC0];
	v6 =	vand.u32 $0x7FFFFFFF, v6;
	v9 =	vand.u32 $0x7FFFFFFF, v9;
	v3 =	vand.u32 $0x7FFFFFFF, v3  }
0x218: {  	v50 =	vld [tilespmem:s0+$0x2DC0];
	v37 =	vand.u32 $0x7FFFFFFF, v12;
	v2 =	vadd.f32 v2, v3;
	v3 =	vadd.f32 v5, v33  }
0x219: {  	v7 =	vsub.f32 v11, v7;
	v53 =	vsub.f32 v42, v43;
	vm0 =	vmand vm14, vm15;
	v48 =	vld [tilespmem:s28+$0x2DC1]  }
0x21a: {  	v12 =	vsub.f32 v22, v38;
	v36 =	vnsel vm0, $0x0, v14;
	v40 =	vld [tilespmem:s28+$0xC1];
	v3 =	vadd.f32 v3, v35  }
0x21b: {  	v52 =	vld [tilespmem:s0+$0x2DC1];
	v11 =	vsub.f32 v42, v47;
	v14 =	vmul.f32 s31, v14;
	v39 =	vmul.f32 s31, v36  }
0x21c: {  	v44 =	vld [tilespmem:s29+$0x2DC0];
	v7 =	vand.u32 $0x7FFFFFFF, v7;
	v4 =	vsub.f32 v4, v49;
	v3 =	vadd.f32 v3, v37  }
0x21d: {  	v12 =	vand.u32 $0x7FFFFFFF, v12;
	v0 =	vadd.f32 v14, v0;
	v1 =	vadd.f32 v39, v1  }
0x21e: {  	v18 =	vld [tilespmem:s0+$0xC0];
	v41 =	vand.u32 $0x7FFFFFFF, v17;
	v56 =	vsub.f32 v47, v48;
	v3 =	vadd.f32 v3, v8  }
0x21f: {  	v4 =	vand.u32 $0x7FFFFFFF, v4;
	v49 =	vsub.f32 v38, v40;
	v2 =	vadd.f32 v2, v13;
	v13 =	vld [tilespmem:s29+$0xC1]  }
0x220: {  	v24 =	vand.u32 $0x7FFFFFFF, v53;
	v55 =	vsub.f32 v22, v16;
	v5 =	vld [tilespmem:s30+$0xC1];
	v3 =	vadd.f32 v3, v9  }
0x221: {  	v60 =	vand.u32 $0x7FFFFFFF, v56;
	v61 =	vsub.f32 v50, v52;
	v29 =	vsub.f32 v42, v44  }
0x222: {  	v20 =	vand.u32 $0x7FFFFFFF, v49;
	v2 =	vadd.f32 v2, v6;
	v3 =	vadd.f32 v3, v4;
	v4 =	vld [tilespmem:s29+$0x2DC1]  }
0x223: {  	v57 =	vand.u32 $0x7FFFFFFF, v55;
	v31 =	vsub.f32 v38, v18;
	v6 =	vsub.f32 v43, v48  }
0x224: {  	v28 =	vand.u32 $0x7FFFFFFF, v61;
	v2 =	vadd.f32 v2, v41;
	v46 =	vsub.f32 v16, v13;
	v8 =	vld [tilespmem:s0+$0xC1]  }
0x225: {  	v32 =	vand.u32 $0x7FFFFFFF, v29;
	v16 =	vsub.f32 v16, v18;
	v45 =	vsub.f32 v22, v5  }
0x226: {  	v2 =	vadd.f32 v2, v7;
	v35 =	vsub.f32 v47, v50;
	v15 =	vand.u32 $0x7FFFFFFF, v46  }
0x227: {  	v37 =	vsub.f32 v48, v52;
	v7 =	vand.u32 $0x7FFFFFFF, v45;
	v54 =	vsub.f32 v44, v4  }
0x228: {  	v6 =	vand.u32 $0x7FFFFFFF, v6;
	v59 =	vsub.f32 v5, v13;
	v7 =	vadd.f32 v15, v7  }
0x229: {  	v46 =	vld [tilespmem:s30+$0x2DD1];
	v5 =	vsub.f32 v5, v40;
	v51 =	vsub.f32 v18, v8;
	v25 =	vand.u32 $0x7FFFFFFF, v54  }
0x22a: {  	vm4 =	vgt.f32 v2, $0.0e+00;
	v45 =	vld [tilespmem:s30+$0x2DD0];
	v7 =	vadd.f32 v20, v7;
	v58 =	vadd.f32 v25, v24  }
0x22b: {  	v9 =	vsub.f32 v44, v50;
	v14 =	vadd.f32 v3, v2;
	v15 =	vand.u32 $0x7FFFFFFF, v51  }
0x22c: {  	v36 =	vand.u32 $0x7FFFFFFF, v35;
	v7 =	vadd.f32 v15, v7;
	v62 =	vadd.f32 v60, v58  }
0x22d: {  	v17 =	vld [tilespmem:s29+$0xD0];
	vm5 =	vgt.f32 v3, $0.0e+00;
	v3 =	vsub.f32 v40, v8;
	v8 =	vsub.f32 v13, v8  }
0x22e: {  	v41 =	vld [tilespmem:s28+$0xD0];
	v38 =	vand.u32 $0x7FFFFFFF, v37;
	v7 =	vadd.f32 v7, v57;
	v30 =	vadd.f32 v28, v62  }
0x22f: {  	v47 =	vld [tilespmem:s29+$0x2DD0];
	v63 =	vand.u32 $0x7FFFFFFF, v59;
	v56 =	vsub.f32 v45, v46;
	v33 =	vsub.f32 v43, v4  }
0x230: {  	v22 =	vld [tilespmem:s30+$0xD0];
	v5 =	vand.u32 $0x7FFFFFFF, v5;
	v2 =	vadd.f32 v7, v63;
	v7 =	vadd.f32 v30, v32  }
0x231: {  	v48 =	vld [tilespmem:s29+$0x2DD1];
	vm0 =	vmand vm4, vm5;
	v15 =	vand.u32 $0x7FFFFFFF, v31;
	v34 =	vand.u32 $0x7FFFFFFF, v33  }
0x232: {  	v51 =	vld [tilespmem:s28+$0x2DD0];
	v39 =	vnsel vm0, $0x0, v14;
	v2 =	vadd.f32 v2, v15;
	v7 =	vadd.f32 v7, v34  }
0x233: {  	v3 =	vand.u32 $0x7FFFFFFF, v3;
	v42 =	vmul.f32 s31, v39;
	v43 =	vld [tilespmem:s28+$0xD1];
	v4 =	vsub.f32 v4, v52  }
0x234: {  	v14 =	vmul.f32 s31, v14;
	v52 =	vld [tilespmem:s28+$0x2DD1];
	v2 =	vadd.f32 v2, v3;
	v3 =	vadd.f32 v7, v36  }
0x235: {  	v40 =	vand.u32 $0x7FFFFFFF, v11;
	v11 =	vsub.f32 v22, v41;
	v1 =	vadd.f32 v42, v1;
	v42 =	vld [tilespmem:s30+$0xE0]  }
0x236: {  	v9 =	vand.u32 $0x7FFFFFFF, v9;
	v0 =	vadd.f32 v14, v0;
	v24 =	vld [tilespmem:s28+$0xE0];
	v3 =	vadd.f32 v3, v38  }
0x237: {  	v8 =	vand.u32 $0x7FFFFFFF, v8;
	v57 =	vsub.f32 v47, v48;
	v13 =	vsub.f32 v45, v51  }
0x238: {  	v18 =	vld [tilespmem:s0+$0xD0];
	v11 =	vand.u32 $0x7FFFFFFF, v11;
	v2 =	vadd.f32 v2, v12;
	v3 =	vadd.f32 v3, v40  }
0x239: {  	v44 =	vand.u32 $0x7FFFFFFF, v16;
	v53 =	vsub.f32 v41, v43;
	v59 =	vsub.f32 v51, v52;
	v12 =	vld [tilespmem:s29+$0xD1]  }
0x23a: {  	v4 =	vand.u32 $0x7FFFFFFF, v4;
	v2 =	vadd.f32 v2, v5;
	v7 =	vld [tilespmem:s30+$0xD1];
	v3 =	vadd.f32 v3, v6  }
0x23b: {  	v54 =	vld [tilespmem:s0+$0x2DD0];
	v60 =	vsub.f32 v22, v17;
	v23 =	vand.u32 $0x7FFFFFFF, v13;
	v13 =	vsub.f32 v42, v24  }
0x23c: {  	v20 =	vand.u32 $0x7FFFFFFF, v57;
	v57 =	vld [tilespmem:s30+$0x2DE0];
	v2 =	vadd.f32 v2, v44;
	v3 =	vadd.f32 v3, v9  }
0x23d: {  	v61 =	vand.u32 $0x7FFFFFFF, v59;
	v59 =	vld [tilespmem:s30+$0x2DE1];
	v30 =	vsub.f32 v45, v47;
	v32 =	vsub.f32 v41, v18  }
0x23e: {  	v55 =	vand.u32 $0x7FFFFFFF, v53;
	v2 =	vadd.f32 v2, v8;
	v6 =	vld [tilespmem:s0+$0xD1];
	v3 =	vadd.f32 v3, v4  }
0x23f: {  	v63 =	vand.u32 $0x7FFFFFFF, v60;
	v45 =	vld [tilespmem:s29+$0xE0];
	v50 =	vsub.f32 v17, v12;
	v49 =	vsub.f32 v22, v7  }
0x240: {  	v34 =	vsub.f32 v46, v48;
	v14 =	vadd.f32 v3, v2;
	vm7 =	vgt.f32 v3, $0.0e+00;
	v3 =	vld [tilespmem:s0+$0x2DD1]  }
0x241: {  	v5 =	vsub.f32 v46, v52;
	v15 =	vand.u32 $0x7FFFFFFF, v50;
	v8 =	vand.u32 $0x7FFFFFFF, v49  }
0x242: {  	v37 =	vand.u32 $0x7FFFFFFF, v34;
	vm6 =	vgt.f32 v2, $0.0e+00;
	v2 =	vadd.f32 v15, v8  }
0x243: {  	v34 =	vsub.f32 v57, v59;
	v58 =	vsub.f32 v18, v6;
	v15 =	vand.u32 $0x7FFFFFFF, v56  }
0x244: {  	v25 =	vld [tilespmem:s28+$0xE1];
	v13 =	vand.u32 $0x7FFFFFFF, v13;
	v15 =	vadd.f32 v20, v15;
	v2 =	vadd.f32 v55, v2  }
0x245: {  	v60 =	vsub.f32 v42, v45;
	v8 =	vand.u32 $0x7FFFFFFF, v58;
	v62 =	vsub.f32 v54, v3  }
0x246: {  	v33 =	vand.u32 $0x7FFFFFFF, v30;
	v2 =	vadd.f32 v8, v2;
	v8 =	vadd.f32 v61, v15  }
0x247: {  	v38 =	vsub.f32 v51, v54;
	v28 =	vsub.f32 v7, v12;
	v29 =	vand.u32 $0x7FFFFFFF, v62  }
0x248: {  	v35 =	vand.u32 $0x7FFFFFFF, v32;
	v2 =	vadd.f32 v2, v63;
	v8 =	vadd.f32 v29, v8  }
0x249: {  	v26 =	vld [tilespmem:s0+$0xE0];
	v51 =	vsub.f32 v24, v25;
	v7 =	vsub.f32 v7, v43;
	v31 =	vand.u32 $0x7FFFFFFF, v28  }
0x24a: {  	v27 =	vld [tilespmem:s0+$0xE1];
	v5 =	vand.u32 $0x7FFFFFFF, v5;
	v2 =	vadd.f32 v2, v31;
	v8 =	vadd.f32 v8, v33  }
0x24b: {  	v40 =	vand.u32 $0x7FFFFFFF, v38;
	v9 =	vsub.f32 v47, v54;
	v36 =	vsub.f32 v43, v6  }
0x24c: {  	v7 =	vand.u32 $0x7FFFFFFF, v7;
	v2 =	vadd.f32 v2, v35;
	v8 =	vadd.f32 v8, v37  }
0x24d: {  	v6 =	vsub.f32 v12, v6;
	v39 =	vand.u32 $0x7FFFFFFF, v36;
	v41 =	vsub.f32 v52, v3  }
0x24e: {  	v46 =	vand.u32 $0x7FFFFFFF, v9;
	v43 =	vld [tilespmem:s30+$0xE1];
	v2 =	vadd.f32 v2, v39;
	v8 =	vadd.f32 v8, v40  }
0x24f: {  	v12 =	vsub.f32 v45, v26;
	v56 =	vsub.f32 v26, v27;
	v44 =	vand.u32 $0x7FFFFFFF, v41  }
0x250: {  	vm0 =	vmand vm6, vm7;
	v2 =	vadd.f32 v2, v11;
	v11 =	vld [tilespmem:s29+$0xE1];
	v8 =	vadd.f32 v8, v44  }
0x251: {  	v20 =	vsub.f32 v17, v18;
	v6 =	vand.u32 $0x7FFFFFFF, v6;
	v52 =	vnsel vm0, $0x0, v14  }
0x252: {  	v9 =	vld [tilespmem:s29+$0x2DE0];
	v14 =	vmul.f32 s31, v14;
	v2 =	vadd.f32 v2, v7;
	v7 =	vadd.f32 v8, v23  }
0x253: {  	v16 =	vand.u32 $0x7FFFFFFF, v20;
	v47 =	vsub.f32 v42, v43;
	v3 =	vsub.f32 v48, v3;
	v63 =	vld [tilespmem:s28+$0x2DE0]  }
0x254: {  	v54 =	vmul.f32 s31, v52;
	v14 =	vadd.f32 v14, v0;
	v29 =	vld [tilespmem:s28+$0x2DE1];
	v5 =	vadd.f32 v7, v5  }
0x255: {  	v32 =	vld [tilespmem:s0+$0x2DE0];
	v49 =	vand.u32 $0x7FFFFFFF, v47;
	v2 =	vadd.f32 v2, v16;
	v48 =	vsub.f32 v45, v11  }
0x256: {  	v3 =	vand.u32 $0x7FFFFFFF, v3;
	v1 =	vadd.f32 v54, v1;
	v33 =	vld [tilespmem:s0+$0x2DE1];
	v5 =	vadd.f32 v5, v46  }
0x257: {  	v31 =	vsub.f32 v24, v26;
	v2 =	vadd.f32 v2, v6;
	v50 =	vand.u32 $0x7FFFFFFF, v48  }
0x258: {  	v18 =	vand.u32 $0x7FFFFFFF, v34;
	v53 =	vadd.f32 v50, v49;
	v3 =	vadd.f32 v5, v3  }
0x259: {  	v55 =	vand.u32 $0x7FFFFFFF, v51;
	v36 =	vsub.f32 v63, v29;
	v40 =	vsub.f32 v57, v9  }
0x25a: {  	vm8 =	vgt.f32 v2, $0.0e+00;
	v58 =	vadd.f32 v3, v2;
	v2 =	vadd.f32 v55, v53  }
0x25b: {  	v37 =	vsub.f32 v32, v33;
	vm9 =	vgt.f32 v3, $0.0e+00;
	v3 =	vand.u32 $0x7FFFFFFF, v56  }
0x25c: {  	v52 =	vsub.f32 v29, v33;
	vm0 =	vmand vm8, vm9;
	v2 =	vadd.f32 v3, v2;
	v3 =	vld [tilespmem:s29+$0x2DE1]  }
0x25d: {  	v10 =	vld [tilespmem:s30+$0xF1];
	v62 =	vsub.f32 v43, v11;
	v7 =	vand.u32 $0x7FFFFFFF, v60;
	v61 =	vnsel vm0, $0x0, v58  }
0x25e: {  	v38 =	vld [tilespmem:s30+$0xF0];
	v8 =	vsub.f32 v43, v25;
	v28 =	vmul.f32 s31, v61;
	v2 =	vadd.f32 v2, v7  }
0x25f: {  	v47 =	vld [tilespmem:s0+$0xF0];
	v16 =	vsub.f32 v57, v63;
	v4 =	vsub.f32 v11, v27;
	v30 =	vand.u32 $0x7FFFFFFF, v62  }
0x260: {  	v12 =	vand.u32 $0x7FFFFFFF, v12;
	v44 =	vld [tilespmem:s28+$0xF1];
	v0 =	vadd.f32 v28, v1;
	v1 =	vadd.f32 v2, v30  }
0x261: {  	v43 =	vld [tilespmem:s28+$0xF0];
	v46 =	vsub.f32 v63, v32;
	v2 =	vand.u32 $0x7FFFFFFF, v31;
	v35 =	vsub.f32 v9, v3  }
0x262: {  	v41 =	vand.u32 $0x7FFFFFFF, v40;
	v48 =	vld [tilespmem:s0+$0xF1];
	v1 =	vadd.f32 v1, v2;
	v2 =	vsub.f32 v25, v27  }
0x263: {  	v39 =	vand.u32 $0x7FFFFFFF, v37;
	v50 =	vsub.f32 v38, v10;
	v5 =	vsub.f32 v59, v29;
	v56 =	vld [tilespmem:s30+$0x2DF0]  }
0x264: {  	v17 =	vmul.f32 s31, v58;
	v58 =	vld [tilespmem:s30+$0x2DF1];
	v19 =	vand.u32 $0x7FFFFFFF, v35;
	v2 =	vand.u32 $0x7FFFFFFF, v2  }
0x265: {  	v8 =	vand.u32 $0x7FFFFFFF, v8;
	v61 =	vld [tilespmem:s29+$0x2DF0];
	v18 =	vadd.f32 v19, v18;
	v1 =	vadd.f32 v1, v2  }
0x266: {  	v22 =	vsub.f32 v38, v43;
	v53 =	vsub.f32 v43, v44;
	v19 =	vld [tilespmem:s29+$0xF0];
	v2 =	vand.u32 $0x7FFFFFFF, v36  }
0x267: {  	v16 =	vand.u32 $0x7FFFFFFF, v16;
	v2 =	vadd.f32 v2, v18;
	v1 =	vadd.f32 v1, v13;
	v13 =	vld [tilespmem:s29+$0xF1]  }
0x268: {  	v4 =	vand.u32 $0x7FFFFFFF, v4;
	v63 =	vld [tilespmem:s28+$0x2DF0];
	v55 =	vsub.f32 v47, v48;
	v30 =	vsub.f32 v43, v47  }
0x269: {  	v49 =	vand.u32 $0x7FFFFFFF, v46;
	v28 =	vld [tilespmem:s28+$0x2DF1];
	v42 =	vsub.f32 v59, v3;
	v2 =	vadd.f32 v39, v2  }
0x26a: {  	v15 =	vand.u32 $0x7FFFFFFF, v50;
	v9 =	vsub.f32 v9, v32;
	v3 =	vsub.f32 v3, v33  }
0x26b: {  	v5 =	vand.u32 $0x7FFFFFFF, v5;
	v33 =	vsub.f32 v56, v58;
	v2 =	vadd.f32 v2, v41  }
0x26c: {  	v6 =	vld [tilespmem:s0+$0x2DF1];
	v40 =	vsub.f32 v56, v61;
	v45 =	vand.u32 $0x7FFFFFFF, v42;
	v51 =	vsub.f32 v19, v13  }
0x26d: {  	v22 =	vand.u32 $0x7FFFFFFF, v22;
	v31 =	vld [tilespmem:s0+$0x2DF0];
	v35 =	vsub.f32 v44, v48;
	v2 =	vadd.f32 v2, v45  }
0x26e: {  	v36 =	vsub.f32 v63, v28;
	v8 =	vadd.f32 v1, v8;
	v18 =	vand.u32 $0x7FFFFFFF, v51  }
0x26f: {  	v54 =	vand.u32 $0x7FFFFFFF, v53;
	v2 =	vadd.f32 v2, v49;
	v15 =	vadd.f32 v18, v15  }
0x270: {  	v1 =	vadd.f32 v17, v14;
	v8 =	vadd.f32 v8, v12;
	v12 =	vand.u32 $0x7FFFFFFF, v52  }
0x271: {  	v59 =	vand.u32 $0x7FFFFFFF, v55;
	v2 =	vadd.f32 v2, v12;
	v57 =	vadd.f32 v54, v15;
	v15 =	vld [tilespmem:s29+$0x2DF1]  }
0x272: {  	v32 =	vand.u32 $0x7FFFFFFF, v30;
	v60 =	vsub.f32 v38, v19;
	v38 =	vsub.f32 v31, v6  }
0x273: {  	v27 =	vand.u32 $0x7FFFFFFF, v9;
	v2 =	vadd.f32 v2, v16;
	v7 =	vadd.f32 v59, v57  }
0x274: {  	v17 =	vsub.f32 v19, v47;
	v62 =	vsub.f32 v10, v13;
	v16 =	vand.u32 $0x7FFFFFFF, v60  }
0x275: {  	v3 =	vand.u32 $0x7FFFFFFF, v3;
	v5 =	vadd.f32 v2, v5;
	v7 =	vadd.f32 v7, v16  }
0x276: {  	v20 =	vld [tilespmem:s0+$0x101];
	v29 =	vand.u32 $0x7FFFFFFF, v62;
	v2 =	vadd.f32 v8, v4;
	v34 =	vsub.f32 v61, v15  }
0x277: {  	v9 =	vand.u32 $0x7FFFFFFF, v33;
	v14 =	vld [tilespmem:s0+$0x100];
	v4 =	vadd.f32 v5, v27;
	v5 =	vadd.f32 v7, v29  }
0x278: {  	v47 =	vsub.f32 v28, v6;
	v10 =	vsub.f32 v10, v44;
	v21 =	vand.u32 $0x7FFFFFFF, v34  }
0x279: {  	v24 =	vld [tilespmem:s30+$0x2E00];
	v37 =	vand.u32 $0x7FFFFFFF, v36;
	v5 =	vadd.f32 v5, v32;
	v9 =	vadd.f32 v21, v9  }
0x27a: {  	v19 =	vld [tilespmem:s29+$0x100];
	v11 =	vsub.f32 v13, v48;
	v44 =	vsub.f32 v63, v31;
	v7 =	vand.u32 $0x7FFFFFFF, v35  }
0x27b: {  	v41 =	vand.u32 $0x7FFFFFFF, v40;
	v12 =	vld [tilespmem:s30+$0x2E01];
	v5 =	vadd.f32 v5, v7;
	v7 =	vadd.f32 v37, v9  }
0x27c: {  	v39 =	vand.u32 $0x7FFFFFFF, v38;
	v48 =	vsub.f32 v56, v63;
	v60 =	vld [tilespmem:s28+$0x2E01];
	v57 =	vsub.f32 v14, v20  }
0x27d: {  	v17 =	vand.u32 $0x7FFFFFFF, v17;
	v21 =	vld [tilespmem:s30+$0x100];
	v5 =	vadd.f32 v5, v22;
	v7 =	vadd.f32 v39, v7  }
0x27e: {  	v10 =	vand.u32 $0x7FFFFFFF, v10;
	v8 =	vsub.f32 v58, v28;
	v42 =	vsub.f32 v58, v15;
	v9 =	vld [tilespmem:s30+$0x101]  }
0x27f: {  	v45 =	vand.u32 $0x7FFFFFFF, v11;
	v5 =	vadd.f32 v5, v10;
	v7 =	vadd.f32 v7, v41;
	v10 =	vld [tilespmem:s29+$0x101]  }
0x280: {  	v11 =	vld [tilespmem:s28+$0x101];
	v16 =	vsub.f32 v61, v31;
	v6 =	vsub.f32 v15, v6;
	v43 =	vand.u32 $0x7FFFFFFF, v42  }
0x281: {  	v46 =	vand.u32 $0x7FFFFFFF, v44;
	v5 =	vadd.f32 v5, v17;
	v17 =	vld [tilespmem:s28+$0x100];
	v7 =	vadd.f32 v7, v43  }
0x282: {  	v54 =	vand.u32 $0x7FFFFFFF, v8;
	v8 =	vsub.f32 v12, v60;
	v3 =	vadd.f32 v4, v3  }
0x283: {  	v25 =	vld [tilespmem:s29+$0x2E00];
	v4 =	vadd.f32 v5, v45;
	v5 =	vadd.f32 v7, v46  }
0x284: {  	v13 =	vand.u32 $0x7FFFFFFF, v47;
	v58 =	vld [tilespmem:s28+$0x2E00];
	v49 =	vsub.f32 v21, v9;
	v50 =	vsub.f32 v19, v10  }
0x285: {  	v34 =	vsub.f32 v24, v12;
	v5 =	vadd.f32 v5, v13;
	v13 =	vld [tilespmem:s29+$0x2E01]  }
0x286: {  	v51 =	vand.u32 $0x7FFFFFFF, v49;
	v52 =	vand.u32 $0x7FFFFFFF, v50;
	v53 =	vsub.f32 v17, v11  }
0x287: {  	vm10 =	vgt.f32 v2, $0.0e+00;
	v2 =	vadd.f32 v3, v2;
	v55 =	vadd.f32 v52, v51  }
0x288: {  	v63 =	vld [tilespmem:s0+$0x2E00];
	vm11 =	vgt.f32 v3, $0.0e+00;
	v3 =	vsub.f32 v19, v14;
	v56 =	vand.u32 $0x7FFFFFFF, v53  }
0x289: {  	v61 =	vand.u32 $0x7FFFFFFF, v57;
	v32 =	vld [tilespmem:s0+$0x2E01];
	v28 =	vsub.f32 v58, v60;
	v59 =	vadd.f32 v56, v55  }
0x28a: {  	v62 =	vsub.f32 v21, v19;
	v7 =	vand.u32 $0x7FFFFFFF, v48;
	v27 =	vsub.f32 v25, v13  }
0x28b: {  	v22 =	vand.u32 $0x7FFFFFFF, v34;
	v5 =	vadd.f32 v5, v7;
	v7 =	vadd.f32 v61, v59  }
0x28c: {  	v33 =	vand.u32 $0x7FFFFFFF, v62;
	v35 =	vsub.f32 v9, v10;
	v27 =	vand.u32 $0x7FFFFFFF, v27  }
0x28d: {  	v7 =	vadd.f32 v7, v33;
	v22 =	vadd.f32 v27, v22  }
0x28e: {  	v37 =	vand.u32 $0x7FFFFFFF, v28;
	v38 =	vsub.f32 v63, v32;
	v18 =	vand.u32 $0x7FFFFFFF, v35  }
0x28f: {  	v16 =	vand.u32 $0x7FFFFFFF, v16;
	v7 =	vadd.f32 v7, v18;
	v18 =	vadd.f32 v37, v22  }
0x290: {  	v47 =	vsub.f32 v58, v63;
	v41 =	vsub.f32 v24, v25;
	v40 =	vand.u32 $0x7FFFFFFF, v38  }
0x291: {  	v6 =	vand.u32 $0x7FFFFFFF, v6;
	v36 =	vsub.f32 v17, v14;
	v42 =	vadd.f32 v40, v18  }
0x292: {  	v39 =	vsub.f32 v11, v20;
	v44 =	vand.u32 $0x7FFFFFFF, v41;
	v45 =	vsub.f32 v12, v13  }
0x293: {  	v9 =	vsub.f32 v9, v11;
	v27 =	vand.u32 $0x7FFFFFFF, v36;
	v15 =	vadd.f32 v42, v44  }
0x294: {  	v17 =	vsub.f32 v21, v17;
	v46 =	vand.u32 $0x7FFFFFFF, v45;
	v7 =	vadd.f32 v7, v27  }
0x295: {  	v43 =	vand.u32 $0x7FFFFFFF, v39;
	v5 =	vadd.f32 v5, v54;
	v11 =	vadd.f32 v15, v46  }
0x296: {  	v49 =	vand.u32 $0x7FFFFFFF, v47;
	v50 =	vsub.f32 v60, v32;
	v7 =	vadd.f32 v7, v43  }
0x297: {  	v48 =	vand.u32 $0x7FFFFFFF, v17;
	v5 =	vadd.f32 v5, v16;
	v51 =	vadd.f32 v11, v49  }
0x298: {  	v52 =	vsub.f32 v24, v58;
	v53 =	vand.u32 $0x7FFFFFFF, v50;
	v7 =	vadd.f32 v7, v48  }
0x299: {  	v9 =	vand.u32 $0x7FFFFFFF, v9;
	v5 =	vadd.f32 v5, v6;
	v6 =	vadd.f32 v51, v53  }
0x29a: {  	v8 =	vand.u32 $0x7FFFFFFF, v8;
	v7 =	vadd.f32 v7, v9;
	v9 =	vand.u32 $0x7FFFFFFF, v52  }
0x29b: {  	vm0 =	vmand vm10, vm11;
	v3 =	vand.u32 $0x7FFFFFFF, v3;
	v6 =	vadd.f32 v6, v9  }
0x29c: {  	vm12 =	vgt.f32 v4, $0.0e+00;
	v54 =	vsub.f32 v10, v20;
	v55 =	vsub.f32 v25, v63  }
0x29d: {  	v56 =	vnsel vm0, $0x0, v2;
	v2 =	vmul.f32 s31, v2;
	v6 =	vadd.f32 v6, v8  }
0x29e: {  	v57 =	vsub.f32 v13, v32;
	v59 =	vand.u32 $0x7FFFFFFF, v55;
	v58 =	vadd.f32 v5, v4  }
0x29f: {  	v10 =	vmul.f32 s31, v56;
	v3 =	vadd.f32 v7, v3;
	v4 =	vadd.f32 v6, v59  }
0x2a0: {  	v60 =	vand.u32 $0x7FFFFFFF, v54;
	v61 =	vand.u32 $0x7FFFFFFF, v57;
	vm13 =	vgt.f32 v5, $0.0e+00  }
0x2a1: {  	vm0 =	vmand vm12, vm13;
	v3 =	vadd.f32 v3, v60;
	v4 =	vadd.f32 v4, v61  }
0x2a2: {  	v1 =	vadd.f32 v2, v1;
	v62 =	vnsel vm0, $0x0, v58;
	v2 =	vmul.f32 s31, v58  }
0x2a3: {  	p1 =	sne.s32 s25, $0x1A;
	vm14 =	vgt.f32 v3, $0.0e+00;
	v6 =	vadd.f32 v4, v3;
	vm15 =	vgt.f32 v4, $0.0e+00  }
.Ltmp1:
0x2a4: {  	v0 =	vadd.f32 v10, v0;
	v63 =	vmul.f32 s31, v62;
	vm0 =	vmand vm14, vm15;
	(pc) =	sbr.rel @p1 .LBB2_4-.Ltmp1, $3  }
0x2a5: {  	v2 =	vadd.f32 v2, v1;
	v3 =	vnsel vm0, $0x0, v6  }
0x2a6: {  	v0 =	vadd.f32 v63, v0;
	v1 =	vmul.f32 s31, v3;
	v3 =	vmul.f32 s31, v6;
	_ =	sdelay $0x1  }
0x2a7: {  	s25 =	sadd.s32 $0x1, s25;
	v1 =	vadd.f32 v1, v0;
	v0 =	vadd.f32 v3, v2  }
0x2a8: {  	_ = 	snop  }
0x2a9: {  	v1 =	vmul.f32 $2.165063470e-01, v1  }
0x2aa: {  	s24 =	sadd.s32 $0x1, s24;
	v0 =	vmul.f32 $2.165063470e-01, v0  }
0x2ab: {  	p1 =	sne.s32 s24, s12;
	[tilespmem:$0x5A00] =	vst v1  }
.Ltmp2:
0x2ac: {  	[tilespmem:$0x5A10] =	vst v0;
	(pc) =	sbr.rel @p1 .LBB2_1-.Ltmp2, $4  }
0x2ad: {  	[hbm4b:s11+s2] =	stream.linear.scatter [tilespmem:s22], [sflag:$0x3], $0x20, $0x38;
	[tilespmem:$0x5A20] =	vst v63  }
0x2ae: {  	_ =	swait.ge [sflag:s23], $0x20  }
0x2af: {  	[sflag:s23] =	ssyncset.done $0x0  }
0x2b0: {  	[sflag:s23] =	ssyncadd.s32 $0xFFFFFFE0  }
0x2b1: {  	_ =	sfence.sel $0x180000  }
0x2b2: {  	[bflag:$0x0] =	sbarrier.arrive $0xFFFF  }
0x2b3: {  	_ =	strace $0x90000047  }
0x2b4: {  	[bflag:$0x2] =	sbarrier.arrive $0xFFFF  }
0x2b5: {  	p0 =	sne.s32 s1, $0x0;
	s0 =	rddreg [dreg:$0x1]  }
0x2b6: {  	s0 =	sadd.s32 @!p0 $0x100000, s0  }
0x2b7: {  	[sflag:s0] =	ssyncadd.tile.s32 @!p0 $0x1;
	_ =	shalt  }
.Lfunc_end2:
_tile_overlayer_lowered:
.L_overlay_start_2:
0x2b8: {  	(tag) =	ssettag $0x2  }
0x2b9: {  	s0 =	rddreg [dreg:$0x0];
	s2 =	stileid.u32  }
0x2ba: {  	s1 =	rddreg [dreg:$0x1];
	p0 =	sne.s32 s2, $0x0  }
0x2bb: {  	s3 =	rddreg [dreg:$0x2];
	[bflag:$0x3] =	sbarrier.arrive $0xFFFF;
	s2 =	simm.s32 @!p0 $0x1C03  }
0x2bc: {  	[timem:s3], [sflag:s2] =	dma.local @!p0 [hbm:s0], s1  }
0x2bd: {  	s0 =	simm.s32 @!p0 $0x3  }
0x2be: {  	_ =	swait.ge @!p0 [sflag:s0], s1  }
0x2bf: {  	s1 =	ssub.s32 @!p0 $0x0, s1;
	[sflag:s0] =	ssyncset.done @!p0 $0x0  }
0x2c0: {  	[sflag:s0] =	ssyncadd.s32 @!p0 s1  }
0x2c1: {  	[bflag:$0x3] =	sbarrier.arrive $0xFFFF  }
0x2c2: {  	_ =	shalt  }

</sc_bundles>
